<compile_context>
chip_gen: v7x
topology: tpu7x:2x2x1
jax: 0.10.2.dev20260603
libtpu: 0.0.44.dev20260713+nightly
codegen_flags: <defaults>
</compile_context>

<pallas_src>
import jax
import jax.numpy as jnp
from jax import lax
from jax.experimental import pallas as pl
from jax.experimental.pallas import tpu as pltpu
from jax.experimental.pallas import tpu_sc as plsc

N = 10000
E = 160000
IN = 256
OUT = 256
HALF = 128

NC = 2
NS = 16
EPT = E // NS
CH = 80
NCHUNK = EPT // CH
NPT = 640
NPAD = NS * NPT
LAST_NPT = 400
ROWCH = 80

RB = 1000
GRID = N // RB


def _tc1_body(x_ref, wext_ref, h0_ref, h1_ref, sd_ref):
    he = jnp.dot(x_ref[...], wext_ref[...], preferred_element_type=jnp.float32)
    h0_ref[...] = he[:, :HALF]
    h1_ref[...] = he[:, HALF:OUT]
    sd_ref[...] = he[:, OUT:]


def _tc1(x, wext):
    return pl.pallas_call(
        _tc1_body,
        grid=(GRID,),
        in_specs=[
            pl.BlockSpec((RB, IN), lambda i: (i, 0)),
            pl.BlockSpec((IN, OUT + HALF), lambda i: (0, 0)),
        ],
        out_specs=[
            pl.BlockSpec((RB, HALF), lambda i: (i, 0)),
            pl.BlockSpec((RB, HALF), lambda i: (i, 0)),
            pl.BlockSpec((RB, HALF), lambda i: (i, 0)),
        ],
        out_shape=[
            jax.ShapeDtypeStruct((N, HALF), jnp.float32),
            jax.ShapeDtypeStruct((N, HALF), jnp.float32),
            jax.ShapeDtypeStruct((N, HALF), jnp.float32),
        ],
    )(x, wext)


def _sc_body(h0, h1, s_hbm, d_hbm, src_hbm, dst2_hbm,
             o0, o1, den_hbm,
             src_f, dst2, sval_a, sval_b, dval_a, dval_b, w_a, w_b,
             rows_a, rows_b, zvec,
             sh_s, sh_d, sh_den, sh_out,
             sem_a, sem_b, ssem_a, ssem_b, scsem_a, scsem_b,
             dnsem_a, dnsem_b):
    c = lax.axis_index("c")
    t = lax.axis_index("s")

    pltpu.sync_copy(src_hbm.at[pl.ds(t * EPT, EPT)], src_f)
    pltpu.sync_copy(dst2_hbm.at[t], dst2)

    node_base = t * NPT
    nq = jnp.where(t == NS - 1, LAST_NPT // ROWCH, NPT // ROWCH)

    pltpu.sync_copy(s_hbm.at[pl.ds(node_base, NPT)],
                    sh_s.at[pl.ds(node_base, NPT)])
    pltpu.sync_copy(d_hbm.at[pl.ds(node_base, NPT)],
                    sh_d.at[pl.ds(node_base, NPT)])

    zeros16 = jnp.zeros((16,), jnp.float32)

    def _zero_zvec(i, carry):
        zvec[pl.ds(i * 16, 16)] = zeros16
        return carry

    lax.fori_loop(0, NPT // 16, _zero_zvec, 0)

    def _zero_rows(i, carry):
        for k in range(HALF // 16):
            rows_a[i, pl.ds(k * 16, 16)] = zeros16
        return carry

    lax.fori_loop(0, CH, _zero_rows, 0)

    pltpu.sync_copy(zvec, sh_den.at[pl.ds(node_base, NPT)])

    def _zero_out(q, carry):
        pltpu.sync_copy(rows_a,
                        sh_out.at[pl.ds(node_base + q * ROWCH, ROWCH)])
        return carry

    lax.fori_loop(0, nq, _zero_out, 0)

    plsc.subcore_barrier()

    def _process(h_hbm):
        pltpu.async_copy(h_hbm.at[src_f.at[pl.ds(0, CH)]], rows_a, sem_a)
        pltpu.async_copy(sh_s.at[src_f.at[pl.ds(0, CH)]], sval_a, scsem_a)
        pltpu.async_copy(sh_d.at[dst2.at[0]], dval_a, scsem_a)

        def _outer(p, carry):
            for b in range(2):
                j = p * 2 + b
                buf, sem, ssem = ((rows_a, sem_a, ssem_a) if b == 0
                                  else (rows_b, sem_b, ssem_b))
                sv, dv, wb, scsem, dnsem = (
                    (sval_a, dval_a, w_a, scsem_a, dnsem_a) if b == 0
                    else (sval_b, dval_b, w_b, scsem_b, dnsem_b))
                nbuf, nsem = (rows_b, sem_b) if b == 0 else (rows_a, sem_a)
                nsv, ndv, nscsem = ((sval_b, dval_b, scsem_b) if b == 0
                                    else (sval_a, dval_a, scsem_a))
                psem = ssem_b if b == 0 else ssem_a

                @pl.when(j < NCHUNK)
                def _():
                    sidx = src_f.at[pl.ds(j * CH, CH)]
                    didx = dst2.at[j]

                    @pl.when(j + 1 < NCHUNK)
                    def _():
                        nidx = src_f.at[pl.ds((j + 1) * CH, CH)]
                        pltpu.async_copy(sh_s.at[nidx], nsv, nscsem)
                        pltpu.async_copy(sh_d.at[dst2.at[j + 1]], ndv,
                                         nscsem)

                    @pl.when(j >= 2)
                    def _():
                        pltpu.make_async_copy(wb, sh_den.at[dst2.at[j - 2]],
                                              dnsem).wait()

                    pltpu.make_async_copy(sh_s.at[sidx], sv, scsem).wait()
                    pltpu.make_async_copy(sh_d.at[didx], dv, scsem).wait()
                    for k in range(CH // 16):
                        sl = pl.ds(k * 16, 16)
                        e = sv[sl] + dv[sl]
                        e = jnp.where(e > 0, e, e * 0.2)
                        wb[sl] = jnp.exp(e)
                    pltpu.async_copy(wb, sh_den.at[didx], dnsem, add=True)

                    @pl.when(j >= 1)
                    def _():
                        pidx = dst2.at[j - 1]
                        pltpu.make_async_copy(nbuf, sh_out.at[pidx],
                                              psem).wait()

                    @pl.when(j + 1 < NCHUNK)
                    def _():
                        nidx = src_f.at[pl.ds((j + 1) * CH, CH)]
                        pltpu.async_copy(h_hbm.at[nidx], nbuf, nsem)

                    pltpu.make_async_copy(h_hbm.at[sidx], buf, sem).wait()

                    def _scale(i8, carry2):
                        for r in range(8):
                            i = i8 * 8 + r
                            wv = plsc.load_gather(
                                wb, [jnp.full((16,), i, jnp.int32)])
                            for k in range(HALF // 16):
                                sl = pl.ds(k * 16, 16)
                                buf[i, sl] = buf[i, sl] * wv
                        return carry2

                    lax.fori_loop(0, CH // 8, _scale, 0)

                    pltpu.async_copy(buf, sh_out.at[didx], ssem, add=True)
            return carry

        lax.fori_loop(0, (NCHUNK + 1) // 2, _outer, 0)
        pltpu.make_async_copy(rows_a, sh_out.at[dst2.at[NCHUNK - 1]],
                              ssem_a).wait()
        pltpu.make_async_copy(w_b, sh_den.at[dst2.at[NCHUNK - 2]],
                              dnsem_b).wait()
        pltpu.make_async_copy(w_a, sh_den.at[dst2.at[NCHUNK - 1]],
                              dnsem_a).wait()

    @pl.when(c == 0)
    def _():
        _process(h0)

    @pl.when(c == 1)
    def _():
        _process(h1)

    plsc.subcore_barrier()

    @pl.when(c == 0)
    def _():
        pltpu.sync_copy(sh_den.at[pl.ds(node_base, NPT)],
                        den_hbm.at[pl.ds(node_base, NPT)])

    def _drain(o_hbm):
        @pl.when(t < NS - 1)
        def _():
            pltpu.sync_copy(sh_out.at[pl.ds(node_base, NPT)],
                            o_hbm.at[pl.ds(node_base, NPT)])

        @pl.when(t == NS - 1)
        def _():
            pltpu.sync_copy(sh_out.at[pl.ds((NS - 1) * NPT, LAST_NPT)],
                            o_hbm.at[pl.ds((NS - 1) * NPT, LAST_NPT)])

    @pl.when(c == 0)
    def _():
        _drain(o0)

    @pl.when(c == 1)
    def _():
        _drain(o1)


def _sc_gat(h0, h1, s, d, src, dst2):
    mesh = plsc.VectorSubcoreMesh(core_axis_name="c", subcore_axis_name="s",
                                  num_cores=NC, num_subcores=NS)
    f = pl.kernel(
        _sc_body,
        out_type=[
            jax.ShapeDtypeStruct((N, HALF), jnp.float32),
            jax.ShapeDtypeStruct((N, HALF), jnp.float32),
            jax.ShapeDtypeStruct((NPAD,), jnp.float32),
        ],
        mesh=mesh,
        compiler_params=pltpu.CompilerParams(needs_layout_passes=False),
        scratch_types=[
            pltpu.VMEM((EPT,), jnp.int32),
            pltpu.VMEM((NCHUNK, CH), jnp.int32),
            pltpu.VMEM((CH,), jnp.float32),
            pltpu.VMEM((CH,), jnp.float32),
            pltpu.VMEM((CH,), jnp.float32),
            pltpu.VMEM((CH,), jnp.float32),
            pltpu.VMEM((CH,), jnp.float32),
            pltpu.VMEM((CH,), jnp.float32),
            pltpu.VMEM((CH, HALF), jnp.float32),
            pltpu.VMEM((CH, HALF), jnp.float32),
            pltpu.VMEM((NPT,), jnp.float32),
            pltpu.VMEM_SHARED((NPAD,), jnp.float32),
            pltpu.VMEM_SHARED((NPAD,), jnp.float32),
            pltpu.VMEM_SHARED((NPAD,), jnp.float32),
            pltpu.VMEM_SHARED((N, HALF), jnp.float32),
            pltpu.SemaphoreType.DMA,
            pltpu.SemaphoreType.DMA,
            pltpu.SemaphoreType.DMA,
            pltpu.SemaphoreType.DMA,
            pltpu.SemaphoreType.DMA,
            pltpu.SemaphoreType.DMA,
            pltpu.SemaphoreType.DMA,
            pltpu.SemaphoreType.DMA,
        ],
    )
    return f(h0, h1, s, d, src, dst2)


def _tc2_body(o0_ref, o1_ref, den_ref, bg_ref, w1_ref, b1_ref, w2_ref,
              b2_ref, y_ref):
    recip = 1.0 / jnp.maximum(den_ref[...], 1e-30)
    g = jnp.concatenate([o0_ref[...], o1_ref[...]], axis=1)
    g = g * recip + bg_ref[...]
    g = jnp.where(g > 0, g, jnp.exp(g) - 1.0)
    z = jnp.dot(g, w1_ref[...], preferred_element_type=jnp.float32)
    z = jnp.maximum(z + b1_ref[...], 0.0)
    y = jnp.dot(z, w2_ref[...], preferred_element_type=jnp.float32)
    y_ref[...] = y[:, :8] + b2_ref[...]


def _tc2(o0, o1, den, bg, w1p, b1p, w2p, b2p):
    return pl.pallas_call(
        _tc2_body,
        grid=(GRID,),
        in_specs=[
            pl.BlockSpec((RB, HALF), lambda i: (i, 0)),
            pl.BlockSpec((RB, HALF), lambda i: (i, 0)),
            pl.BlockSpec((RB, 1), lambda i: (i, 0)),
            pl.BlockSpec((1, OUT), lambda i: (0, 0)),
            pl.BlockSpec((OUT, HALF), lambda i: (0, 0)),
            pl.BlockSpec((1, HALF), lambda i: (0, 0)),
            pl.BlockSpec((HALF, HALF), lambda i: (0, 0)),
            pl.BlockSpec((1, 8), lambda i: (0, 0)),
        ],
        out_specs=pl.BlockSpec((RB, 8), lambda i: (i, 0)),
        out_shape=jax.ShapeDtypeStruct((N, 8), jnp.float32),
    )(o0, o1, den, bg, w1p, b1p, w2p, b2p)


@jax.jit
def kernel(x, edge_index, W_gat, a_src, a_dst, b_gat, W1, b1, W2, b2):
    src = edge_index[0]
    dst = edge_index[1]

    wext = jnp.concatenate(
        [W_gat, (W_gat @ a_src)[:, None], (W_gat @ a_dst)[:, None],
         jnp.zeros((IN, HALF - 2), jnp.float32)], axis=1)
    h1cols = W1.shape[1]
    w1p = jnp.pad(W1, ((0, 0), (0, HALF - h1cols)))
    b1p = jnp.pad(b1, (0, HALF - h1cols))[None, :]
    w2p = jnp.pad(W2, ((0, HALF - h1cols), (0, HALF - W2.shape[1])))
    b2p = jnp.pad(b2, (0, 8 - W2.shape[1]))[None, :]
    bg = b_gat[None, :]

    h0, h1, sd = _tc1(x, wext)
    s = jnp.pad(sd[:, 0], (0, NPAD - N))
    d = jnp.pad(sd[:, 1], (0, NPAD - N))
    dst2 = dst.reshape(NS, NCHUNK, CH)

    o0, o1, den = _sc_gat(h0, h1, s, d, src, dst2)

    y = _tc2(o0, o1, den[:N, None], bg, w1p, b1p, w2p, b2p)
    return y[:, :W2.shape[1]]

# --- scband reference (transcript-rebuilt; emitter-appended) ---
"""Pipeline reference for scband-gat-47167330845185 (READ-ONLY COPY).

The authoritative reference and input builder live on the scoring server;
editing this copy changes nothing except your own understanding.
"""

import jax, jax.numpy as jnp
import numpy as np

N = 10000
E = 160000
IN = 256
OUT = 256
H1 = 10
H2 = 3


def setup_inputs(seed: int = 0) -> dict:
    key = jax.random.key(seed)
    ks = jax.random.split(key, 12)
    x = jax.random.normal(ks[0], (N, IN), dtype=jnp.float32)
    edge_index = jax.random.randint(ks[1], (2, E), 0, N, dtype=jnp.int32)
    W_gat = jax.random.normal(ks[2], (IN, OUT), dtype=jnp.float32) * 0.05
    a_src = jax.random.normal(ks[3], (OUT,), dtype=jnp.float32) * 0.05
    a_dst = jax.random.normal(ks[4], (OUT,), dtype=jnp.float32) * 0.05
    b_gat = jnp.zeros((OUT,), dtype=jnp.float32)
    W1 = jax.random.normal(ks[5], (OUT, H1), dtype=jnp.float32) * 0.05
    b1 = jnp.zeros((H1,), dtype=jnp.float32)
    W2 = jax.random.normal(ks[6], (H1, H2), dtype=jnp.float32) * 0.05
    b2 = jnp.zeros((H2,), dtype=jnp.float32)
    return {"x": x, "edge_index": edge_index, "W_gat": W_gat, "a_src": a_src,
            "a_dst": a_dst, "b_gat": b_gat, "W1": W1, "b1": b1, "W2": W2, "b2": b2}


def _gatconv(x, edge_index, W, a_s, a_d, b):
    # GATConv, heads=1, concat=False (PyG semantics), eval mode (no dropout)
    src = edge_index[0]
    dst = edge_index[1]
    h = x @ W                              # [N, OUT] node transform
    s = h @ a_s                            # [N] source attention scores
    d = h @ a_d                            # [N] dest attention scores
    e = jax.nn.leaky_relu(s[src] + d[dst], negative_slope=0.2)   # [E]
    # softmax over incoming edges of each dst node
    emax = jax.ops.segment_max(e, dst, num_segments=N)           # [N]
    emax = jnp.where(jnp.isfinite(emax), emax, 0.0)
    ee = jnp.exp(e - emax[dst])
    denom = jax.ops.segment_sum(ee, dst, num_segments=N)
    alpha = ee / (denom[dst] + 1e-16)                            # [E]
    out = jax.ops.segment_sum(alpha[:, None] * h[src], dst, num_segments=N)
    return out + b


def reference(x, edge_index, W_gat, a_src, a_dst, b_gat, W1, b1, W2, b2):
    # eval mode: dropouts are identity
    h = jax.nn.elu(_gatconv(x, edge_index, W_gat, a_src, a_dst, b_gat))
    h = jax.nn.relu(h @ W1 + b1)
    y = h @ W2 + b2
    return y

if __name__ == "__main__":
    import jax
    _d = setup_inputs()
    print(jax.jit(kernel)(*tuple(_d.values())))

</pallas_src>

<mosaic_0001>
#map = affine_map<(d0, d1) -> (0, 0)>
#map1 = affine_map<(d0, d1) -> (0)>
#map2 = affine_map<(d0, d1) -> (0, 0, 0)>
module attributes {stable_mosaic.version = 14 : i64} {
  func.func @_sc_body(%arg0: i32, %arg1: i32, %arg2: memref<10000x128xf32, #tpu.memory_space<hbm>>, %arg3: memref<10000x128xf32, #tpu.memory_space<hbm>>, %arg4: memref<10240xf32, #tpu.memory_space<hbm>>, %arg5: memref<10240xf32, #tpu.memory_space<hbm>>, %arg6: memref<160000xi32, #tpu.memory_space<hbm>>, %arg7: memref<16x125x80xi32, #tpu.memory_space<hbm>>, %arg8: memref<10000x128xf32, #tpu.memory_space<hbm>>, %arg9: memref<10000x128xf32, #tpu.memory_space<hbm>>, %arg10: memref<10240xf32, #tpu.memory_space<hbm>>, %arg11: memref<10000xi32, #tpu.memory_space<vmem>>, %arg12: memref<125x80xi32, #tpu.memory_space<vmem>>, %arg13: memref<80xf32, #tpu.memory_space<vmem>>, %arg14: memref<80xf32, #tpu.memory_space<vmem>>, %arg15: memref<80xf32, #tpu.memory_space<vmem>>, %arg16: memref<80xf32, #tpu.memory_space<vmem>>, %arg17: memref<80xf32, #tpu.memory_space<vmem>>, %arg18: memref<80xf32, #tpu.memory_space<vmem>>, %arg19: memref<80x128xf32, #tpu.memory_space<vmem>>, %arg20: memref<80x128xf32, #tpu.memory_space<vmem>>, %arg21: memref<640xf32, #tpu.memory_space<vmem>>, %arg22: memref<10240xf32, #tpu.memory_space<vmem_shared>>, %arg23: memref<10240xf32, #tpu.memory_space<vmem_shared>>, %arg24: memref<10240xf32, #tpu.memory_space<vmem_shared>>, %arg25: memref<10000x128xf32, #tpu.memory_space<vmem_shared>>, %arg26: memref<!tpu.dma_semaphore, #tpu.memory_space<semaphore_mem>>, %arg27: memref<!tpu.dma_semaphore, #tpu.memory_space<semaphore_mem>>, %arg28: memref<!tpu.dma_semaphore, #tpu.memory_space<semaphore_mem>>, %arg29: memref<!tpu.dma_semaphore, #tpu.memory_space<semaphore_mem>>, %arg30: memref<!tpu.dma_semaphore, #tpu.memory_space<semaphore_mem>>, %arg31: memref<!tpu.dma_semaphore, #tpu.memory_space<semaphore_mem>>, %arg32: memref<!tpu.dma_semaphore, #tpu.memory_space<semaphore_mem>>, %arg33: memref<!tpu.dma_semaphore, #tpu.memory_space<semaphore_mem>>) attributes {dimension_semantics = [#tpu.dimension_semantics<core_parallel>, #tpu.dimension_semantics<subcore_parallel>], iteration_bounds = array<i64: 2, 16>, scalar_prefetch = 0 : i64, scratch_operands = 23 : i64, tpu.core_type = #tpu.core_type<sc_vector_subcore>, window_params = [{transform_indices = #map}, {transform_indices = #map}, {transform_indices = #map1}, {transform_indices = #map1}, {transform_indices = #map1}, {transform_indices = #map2}, {transform_indices = #map}, {transform_indices = #map}, {transform_indices = #map1}]} {
    %mul3A = arith.constant 10000 : i32
    %mul3A_0 = arith.muli %arg1, %mul3A : i32
    "tpu.region"() ({
      %run_scoped3A = tpu.sem_alloc : memref<!tpu.dma_semaphore, #tpu.memory_space<semaphore_mem>>
      %dma_start3A = tpu.memref_slice %arg6[%mul3A_0] : memref<160000xi32, #tpu.memory_space<hbm>> -> memref<10000xi32, #tpu.memory_space<hbm>>
      %dma_start3A_50 = tpu.memref_slice %arg6[%mul3A_0] : memref<160000xi32, #tpu.memory_space<hbm>> -> memref<10000xi32, #tpu.memory_space<hbm>>
      tpu.enqueue_dma source(%dma_start3A_50 : memref<10000xi32, #tpu.memory_space<hbm>>) target(%arg11 : memref<10000xi32, #tpu.memory_space<vmem>>) target_semaphore(%run_scoped3A : memref<!tpu.dma_semaphore, #tpu.memory_space<semaphore_mem>>)
      %dma_wait3A = tpu.memref_slice %arg6[%mul3A_0] : memref<160000xi32, #tpu.memory_space<hbm>> -> memref<10000xi32, #tpu.memory_space<hbm>>
      %dma_wait3A_51 = tpu.memref_slice %arg6[%mul3A_0] : memref<160000xi32, #tpu.memory_space<hbm>> -> memref<10000xi32, #tpu.memory_space<hbm>>
      tpu.wait_dma2 semaphore(%run_scoped3A : memref<!tpu.dma_semaphore, #tpu.memory_space<semaphore_mem>>) src(%dma_wait3A_51 : memref<10000xi32, #tpu.memory_space<hbm>>) dst(%arg11 : memref<10000xi32, #tpu.memory_space<vmem>>)
      tpu.yield
    }) : () -> ()
    "tpu.region"() ({
      %run_scoped3A = tpu.sem_alloc : memref<!tpu.dma_semaphore, #tpu.memory_space<semaphore_mem>>
      %dma_start3A = arith.constant 0 : i32
      %dma_start3A_50 = arith.constant 0 : i32
      %dma_start3A_51 = tpu.memref_slice %arg7[%arg1, %dma_start3A, %dma_start3A_50] : memref<16x125x80xi32, #tpu.memory_space<hbm>> -> memref<1x125x80xi32, #tpu.memory_space<hbm>>
      %dma_start3A_52 = tpu.memref_squeeze %dma_start3A_51 : memref<1x125x80xi32, #tpu.memory_space<hbm>> -> memref<125x80xi32, #tpu.memory_space<hbm>>
      %dma_start3A_53 = arith.constant 0 : i32
      %dma_start3A_54 = arith.constant 0 : i32
      %dma_start3A_55 = tpu.memref_slice %arg7[%arg1, %dma_start3A_53, %dma_start3A_54] : memref<16x125x80xi32, #tpu.memory_space<hbm>> -> memref<1x125x80xi32, #tpu.memory_space<hbm>>
      %dma_start3A_56 = tpu.memref_squeeze %dma_start3A_55 : memref<1x125x80xi32, #tpu.memory_space<hbm>> -> memref<125x80xi32, #tpu.memory_space<hbm>>
      tpu.enqueue_dma source(%dma_start3A_56 : memref<125x80xi32, #tpu.memory_space<hbm>>) target(%arg12 : memref<125x80xi32, #tpu.memory_space<vmem>>) target_semaphore(%run_scoped3A : memref<!tpu.dma_semaphore, #tpu.memory_space<semaphore_mem>>)
      %dma_wait3A = arith.constant 0 : i32
      %dma_wait3A_57 = arith.constant 0 : i32
      %dma_wait3A_58 = tpu.memref_slice %arg7[%arg1, %dma_wait3A, %dma_wait3A_57] : memref<16x125x80xi32, #tpu.memory_space<hbm>> -> memref<1x125x80xi32, #tpu.memory_space<hbm>>
      %dma_wait3A_59 = tpu.memref_squeeze %dma_wait3A_58 : memref<1x125x80xi32, #tpu.memory_space<hbm>> -> memref<125x80xi32, #tpu.memory_space<hbm>>
      %dma_wait3A_60 = arith.constant 0 : i32
      %dma_wait3A_61 = arith.constant 0 : i32
      %dma_wait3A_62 = tpu.memref_slice %arg7[%arg1, %dma_wait3A_60, %dma_wait3A_61] : memref<16x125x80xi32, #tpu.memory_space<hbm>> -> memref<1x125x80xi32, #tpu.memory_space<hbm>>
      %dma_wait3A_63 = tpu.memref_squeeze %dma_wait3A_62 : memref<1x125x80xi32, #tpu.memory_space<hbm>> -> memref<125x80xi32, #tpu.memory_space<hbm>>
      tpu.wait_dma2 semaphore(%run_scoped3A : memref<!tpu.dma_semaphore, #tpu.memory_space<semaphore_mem>>) src(%dma_wait3A_63 : memref<125x80xi32, #tpu.memory_space<hbm>>) dst(%arg12 : memref<125x80xi32, #tpu.memory_space<vmem>>)
      tpu.yield
    }) : () -> ()
    %mul3A_1 = arith.constant 640 : i32
    %mul3A_2 = arith.muli %arg1, %mul3A_1 : i32
    %eq3A = arith.constant 15 : i32
    %eq3A_3 = arith.cmpi eq, %arg1, %eq3A : i32
    %jit3A = arith.constant 5 : i32
    %jit3A_4 = arith.constant 8 : i32
    %select_n3A = arith.select %eq3A_3, %jit3A, %jit3A_4 : i32
    "tpu.region"() ({
      %run_scoped3A = tpu.sem_alloc : memref<!tpu.dma_semaphore, #tpu.memory_space<semaphore_mem>>
      %dma_start3A = tpu.memref_slice %arg22[%mul3A_2] : memref<10240xf32, #tpu.memory_space<vmem_shared>> -> memref<640xf32, #tpu.memory_space<vmem_shared>>
      %dma_start3A_50 = tpu.memref_slice %arg4[%mul3A_2] : memref<10240xf32, #tpu.memory_space<hbm>> -> memref<640xf32, #tpu.memory_space<hbm>>
      tpu.enqueue_dma source(%dma_start3A_50 : memref<640xf32, #tpu.memory_space<hbm>>) target(%dma_start3A : memref<640xf32, #tpu.memory_space<vmem_shared>>) target_semaphore(%run_scoped3A : memref<!tpu.dma_semaphore, #tpu.memory_space<semaphore_mem>>)
      %dma_wait3A = tpu.memref_slice %arg22[%mul3A_2] : memref<10240xf32, #tpu.memory_space<vmem_shared>> -> memref<640xf32, #tpu.memory_space<vmem_shared>>
      %dma_wait3A_51 = tpu.memref_slice %arg4[%mul3A_2] : memref<10240xf32, #tpu.memory_space<hbm>> -> memref<640xf32, #tpu.memory_space<hbm>>
      tpu.wait_dma2 semaphore(%run_scoped3A : memref<!tpu.dma_semaphore, #tpu.memory_space<semaphore_mem>>) src(%dma_wait3A_51 : memref<640xf32, #tpu.memory_space<hbm>>) dst(%dma_wait3A : memref<640xf32, #tpu.memory_space<vmem_shared>>)
      tpu.yield
    }) : () -> ()
    "tpu.region"() ({
      %run_scoped3A = tpu.sem_alloc : memref<!tpu.dma_semaphore, #tpu.memory_space<semaphore_mem>>
      %dma_start3A = tpu.memref_slice %arg23[%mul3A_2] : memref<10240xf32, #tpu.memory_space<vmem_shared>> -> memref<640xf32, #tpu.memory_space<vmem_shared>>
      %dma_start3A_50 = tpu.memref_slice %arg5[%mul3A_2] : memref<10240xf32, #tpu.memory_space<hbm>> -> memref<640xf32, #tpu.memory_space<hbm>>
      tpu.enqueue_dma source(%dma_start3A_50 : memref<640xf32, #tpu.memory_space<hbm>>) target(%dma_start3A : memref<640xf32, #tpu.memory_space<vmem_shared>>) target_semaphore(%run_scoped3A : memref<!tpu.dma_semaphore, #tpu.memory_space<semaphore_mem>>)
      %dma_wait3A = tpu.memref_slice %arg23[%mul3A_2] : memref<10240xf32, #tpu.memory_space<vmem_shared>> -> memref<640xf32, #tpu.memory_space<vmem_shared>>
      %dma_wait3A_51 = tpu.memref_slice %arg5[%mul3A_2] : memref<10240xf32, #tpu.memory_space<hbm>> -> memref<640xf32, #tpu.memory_space<hbm>>
      tpu.wait_dma2 semaphore(%run_scoped3A : memref<!tpu.dma_semaphore, #tpu.memory_space<semaphore_mem>>) src(%dma_wait3A_51 : memref<640xf32, #tpu.memory_space<hbm>>) dst(%dma_wait3A : memref<640xf32, #tpu.memory_space<vmem_shared>>)
      tpu.yield
    }) : () -> ()
    %broadcast_in_dim3A = arith.constant 0.000000e+00 : f32
    %broadcast_in_dim3A_5 = vector.broadcast %broadcast_in_dim3A : f32 to vector<16xf32>
    %scan3A = arith.constant 0 : i32
    %scan3A_6 = arith.constant 0 : i32
    %scan3A_7 = arith.constant 40 : i32
    %scan3A_8 = arith.addi %scan3A_6, %scan3A_7 : i32
    %scan3A_9 = arith.constant 1 : i32
    scf.for %scan3A_50 = %scan3A_6 to %scan3A_8 step %scan3A_9  : i32 {
      %mul3A_51 = arith.constant 16 : i32
      %mul3A_52 = arith.muli %scan3A_50, %mul3A_51 : i32
      %swap3A = arith.index_cast %mul3A_52 : i32 to index
      %swap3A_53 = tpu.vector_load %arg21[%swap3A] {strides = array<i32>} : memref<640xf32, #tpu.memory_space<vmem>>, vector<16xf32>,
      tpu.vector_store %arg21[%swap3A], %broadcast_in_dim3A_5 {strides = array<i32>} : memref<640xf32, #tpu.memory_space<vmem>>, vector<16xf32>,
    }
    %scan3A_10 = arith.constant 40 : i32
    %scan3A_11 = arith.constant 0 : i32
    %scan3A_12 = arith.constant 0 : i32
    %scan3A_13 = arith.constant 80 : i32
    %scan3A_14 = arith.addi %scan3A_12, %scan3A_13 : i32
    %scan3A_15 = arith.constant 1 : i32
    scf.for %scan3A_50 = %scan3A_12 to %scan3A_14 step %scan3A_15  : i32 {
      %swap3A = arith.index_cast %scan3A_50 : i32 to index
      %swap3A_51 = arith.constant 0 : index
      %swap3A_52 = tpu.vector_load %arg19[%swap3A, %swap3A_51] {strides = array<i32>} : memref<80x128xf32, #tpu.memory_space<vmem>>, vector<16xf32>,
      tpu.vector_store %arg19[%swap3A, %swap3A_51], %broadcast_in_dim3A_5 {strides = array<i32>} : memref<80x128xf32, #tpu.memory_space<vmem>>, vector<16xf32>,
      %swap3A_53 = arith.index_cast %scan3A_50 : i32 to index
      %swap3A_54 = arith.constant 16 : index
      %swap3A_55 = tpu.vector_load %arg19[%swap3A_53, %swap3A_54] {strides = array<i32>} : memref<80x128xf32, #tpu.memory_space<vmem>>, vector<16xf32>,
      tpu.vector_store %arg19[%swap3A_53, %swap3A_54], %broadcast_in_dim3A_5 {strides = array<i32>} : memref<80x128xf32, #tpu.memory_space<vmem>>, vector<16xf32>,
      %swap3A_56 = arith.index_cast %scan3A_50 : i32 to index
      %swap3A_57 = arith.constant 32 : index
      %swap3A_58 = tpu.vector_load %arg19[%swap3A_56, %swap3A_57] {strides = array<i32>} : memref<80x128xf32, #tpu.memory_space<vmem>>, vector<16xf32>,
      tpu.vector_store %arg19[%swap3A_56, %swap3A_57], %broadcast_in_dim3A_5 {strides = array<i32>} : memref<80x128xf32, #tpu.memory_space<vmem>>, vector<16xf32>,
      %swap3A_59 = arith.index_cast %scan3A_50 : i32 to index
      %swap3A_60 = arith.constant 48 : index
      %swap3A_61 = tpu.vector_load %arg19[%swap3A_59, %swap3A_60] {strides = array<i32>} : memref<80x128xf32, #tpu.memory_space<vmem>>, vector<16xf32>,
      tpu.vector_store %arg19[%swap3A_59, %swap3A_60], %broadcast_in_dim3A_5 {strides = array<i32>} : memref<80x128xf32, #tpu.memory_space<vmem>>, vector<16xf32>,
      %swap3A_62 = arith.index_cast %scan3A_50 : i32 to index
      %swap3A_63 = arith.constant 64 : index
      %swap3A_64 = tpu.vector_load %arg19[%swap3A_62, %swap3A_63] {strides = array<i32>} : memref<80x128xf32, #tpu.memory_space<vmem>>, vector<16xf32>,
      tpu.vector_store %arg19[%swap3A_62, %swap3A_63], %broadcast_in_dim3A_5 {strides = array<i32>} : memref<80x128xf32, #tpu.memory_space<vmem>>, vector<16xf32>,
      %swap3A_65 = arith.index_cast %scan3A_50 : i32 to index
      %swap3A_66 = arith.constant 80 : index
      %swap3A_67 = tpu.vector_load %arg19[%swap3A_65, %swap3A_66] {strides = array<i32>} : memref<80x128xf32, #tpu.memory_space<vmem>>, vector<16xf32>,
      tpu.vector_store %arg19[%swap3A_65, %swap3A_66], %broadcast_in_dim3A_5 {strides = array<i32>} : memref<80x128xf32, #tpu.memory_space<vmem>>, vector<16xf32>,
      %swap3A_68 = arith.index_cast %scan3A_50 : i32 to index
      %swap3A_69 = arith.constant 96 : index
      %swap3A_70 = tpu.vector_load %arg19[%swap3A_68, %swap3A_69] {strides = array<i32>} : memref<80x128xf32, #tpu.memory_space<vmem>>, vector<16xf32>,
      tpu.vector_store %arg19[%swap3A_68, %swap3A_69], %broadcast_in_dim3A_5 {strides = array<i32>} : memref<80x128xf32, #tpu.memory_space<vmem>>, vector<16xf32>,
      %swap3A_71 = arith.index_cast %scan3A_50 : i32 to index
      %swap3A_72 = arith.constant 112 : index
      %swap3A_73 = tpu.vector_load %arg19[%swap3A_71, %swap3A_72] {strides = array<i32>} : memref<80x128xf32, #tpu.memory_space<vmem>>, vector<16xf32>,
      tpu.vector_store %arg19[%swap3A_71, %swap3A_72], %broadcast_in_dim3A_5 {strides = array<i32>} : memref<80x128xf32, #tpu.memory_space<vmem>>, vector<16xf32>,
    }
    %scan3A_16 = arith.constant 80 : i32
    "tpu.region"() ({
      %run_scoped3A = tpu.sem_alloc : memref<!tpu.dma_semaphore, #tpu.memory_space<semaphore_mem>>
      %dma_start3A = tpu.memref_slice %arg24[%mul3A_2] : memref<10240xf32, #tpu.memory_space<vmem_shared>> -> memref<640xf32, #tpu.memory_space<vmem_shared>>
      %dma_start3A_50 = tpu.memref_slice %arg24[%mul3A_2] : memref<10240xf32, #tpu.memory_space<vmem_shared>> -> memref<640xf32, #tpu.memory_space<vmem_shared>>
      tpu.enqueue_dma source(%arg21 : memref<640xf32, #tpu.memory_space<vmem>>) target(%dma_start3A_50 : memref<640xf32, #tpu.memory_space<vmem_shared>>) target_semaphore(%run_scoped3A : memref<!tpu.dma_semaphore, #tpu.memory_space<semaphore_mem>>)
      %dma_wait3A = tpu.memref_slice %arg24[%mul3A_2] : memref<10240xf32, #tpu.memory_space<vmem_shared>> -> memref<640xf32, #tpu.memory_space<vmem_shared>>
      %dma_wait3A_51 = tpu.memref_slice %arg24[%mul3A_2] : memref<10240xf32, #tpu.memory_space<vmem_shared>> -> memref<640xf32, #tpu.memory_space<vmem_shared>>
      tpu.wait_dma2 semaphore(%run_scoped3A : memref<!tpu.dma_semaphore, #tpu.memory_space<semaphore_mem>>) src(%arg21 : memref<640xf32, #tpu.memory_space<vmem>>) dst(%dma_wait3A_51 : memref<640xf32, #tpu.memory_space<vmem_shared>>)
      tpu.yield
    }) : () -> ()
    %while3A = arith.constant 0 : i32
    %while3A_17 = arith.constant 0 : i32
    %while3A_18 = arith.subi %select_n3A, %while3A_17 : i32
    %while3A_19 = arith.addi %while3A_17, %while3A_18 : i32
    %while3A_20 = arith.constant 1 : i32
    %while3A_21 = arith.divsi %while3A_18, %while3A_20 : i32
    %while3A_22 = arith.muli %while3A_21, %while3A_20 : i32
    %while3A_23 = arith.addi %while3A_17, %while3A_22 : i32
    %while3A_24 = arith.constant 1 : i32
    scf.for %while3A_50 = %while3A_17 to %while3A_23 step %while3A_24  : i32 {
      %mul3A_51 = arith.constant 80 : i32
      %mul3A_52 = arith.muli %while3A_50, %mul3A_51 : i32
      %add3A = arith.addi %mul3A_2, %mul3A_52 : i32
      "tpu.region"() ({
        %run_scoped3A = tpu.sem_alloc : memref<!tpu.dma_semaphore, #tpu.memory_space<semaphore_mem>>
        %dma_start3A = arith.constant 0 : i32
        %dma_start3A_53 = tpu.memref_slice %arg25[%add3A, %dma_start3A] : memref<10000x128xf32, #tpu.memory_space<vmem_shared>> -> memref<80x128xf32, #tpu.memory_space<vmem_shared>>
        %dma_start3A_54 = arith.constant 0 : i32
        %dma_start3A_55 = tpu.memref_slice %arg25[%add3A, %dma_start3A_54] : memref<10000x128xf32, #tpu.memory_space<vmem_shared>> -> memref<80x128xf32, #tpu.memory_space<vmem_shared>>
        tpu.enqueue_dma source(%arg19 : memref<80x128xf32, #tpu.memory_space<vmem>>) target(%dma_start3A_55 : memref<80x128xf32, #tpu.memory_space<vmem_shared>>) target_semaphore(%run_scoped3A : memref<!tpu.dma_semaphore, #tpu.memory_space<semaphore_mem>>)
        %dma_wait3A = arith.constant 0 : i32
        %dma_wait3A_56 = tpu.memref_slice %arg25[%add3A, %dma_wait3A] : memref<10000x128xf32, #tpu.memory_space<vmem_shared>> -> memref<80x128xf32, #tpu.memory_space<vmem_shared>>
        %dma_wait3A_57 = arith.constant 0 : i32
        %dma_wait3A_58 = tpu.memref_slice %arg25[%add3A, %dma_wait3A_57] : memref<10000x128xf32, #tpu.memory_space<vmem_shared>> -> memref<80x128xf32, #tpu.memory_space<vmem_shared>>
        tpu.wait_dma2 semaphore(%run_scoped3A : memref<!tpu.dma_semaphore, #tpu.memory_space<semaphore_mem>>) src(%arg19 : memref<80x128xf32, #tpu.memory_space<vmem>>) dst(%dma_wait3A_58 : memref<80x128xf32, #tpu.memory_space<vmem_shared>>)
        tpu.yield
      }) : () -> ()
    }
    %while3A_25 = arith.constant 1 : i32
    scf.for %while3A_50 = %while3A_23 to %while3A_19 step %while3A_25  : i32 {
      %mul3A_51 = arith.constant 80 : i32
      %mul3A_52 = arith.muli %while3A_50, %mul3A_51 : i32
      %add3A = arith.addi %mul3A_2, %mul3A_52 : i32
      "tpu.region"() ({
        %run_scoped3A = tpu.sem_alloc : memref<!tpu.dma_semaphore, #tpu.memory_space<semaphore_mem>>
        %dma_start3A = arith.constant 0 : i32
        %dma_start3A_53 = tpu.memref_slice %arg25[%add3A, %dma_start3A] : memref<10000x128xf32, #tpu.memory_space<vmem_shared>> -> memref<80x128xf32, #tpu.memory_space<vmem_shared>>
        %dma_start3A_54 = arith.constant 0 : i32
        %dma_start3A_55 = tpu.memref_slice %arg25[%add3A, %dma_start3A_54] : memref<10000x128xf32, #tpu.memory_space<vmem_shared>> -> memref<80x128xf32, #tpu.memory_space<vmem_shared>>
        tpu.enqueue_dma source(%arg19 : memref<80x128xf32, #tpu.memory_space<vmem>>) target(%dma_start3A_55 : memref<80x128xf32, #tpu.memory_space<vmem_shared>>) target_semaphore(%run_scoped3A : memref<!tpu.dma_semaphore, #tpu.memory_space<semaphore_mem>>)
        %dma_wait3A = arith.constant 0 : i32
        %dma_wait3A_56 = tpu.memref_slice %arg25[%add3A, %dma_wait3A] : memref<10000x128xf32, #tpu.memory_space<vmem_shared>> -> memref<80x128xf32, #tpu.memory_space<vmem_shared>>
        %dma_wait3A_57 = arith.constant 0 : i32
        %dma_wait3A_58 = tpu.memref_slice %arg25[%add3A, %dma_wait3A_57] : memref<10000x128xf32, #tpu.memory_space<vmem_shared>> -> memref<80x128xf32, #tpu.memory_space<vmem_shared>>
        tpu.wait_dma2 semaphore(%run_scoped3A : memref<!tpu.dma_semaphore, #tpu.memory_space<semaphore_mem>>) src(%arg19 : memref<80x128xf32, #tpu.memory_space<vmem>>) dst(%dma_wait3A_58 : memref<80x128xf32, #tpu.memory_space<vmem_shared>>)
        tpu.yield
      }) : () -> ()
    }
    %barrier3A = arith.constant 0 : index
    tpu.barrier barrier_id(%barrier3A)
    %eq3A_26 = arith.constant 0 : i32
    %eq3A_27 = arith.cmpi eq, %arg0, %eq3A_26 : i32
    %convert_element_type3A = arith.extui %eq3A_27 : i1 to i32
    %cond3A = arith.constant 0 : i32
    %cond3A_28 = arith.cmpi ne, %convert_element_type3A, %cond3A : i32
    scf.if %cond3A_28 {
      %dma_start3A = arith.constant 0 : i32
      %dma_start3A_50 = tpu.memref_slice %arg11[%dma_start3A] : memref<10000xi32, #tpu.memory_space<vmem>> -> memref<80xi32, #tpu.memory_space<vmem>>
      %dma_start3A_51 = arith.constant 0 : i32
      %dma_start3A_52 = arith.constant 0 : i32
      %dma_start3A_53 = tpu.memref_slice %arg2[%dma_start3A_51, %dma_start3A_52] : memref<10000x128xf32, #tpu.memory_space<hbm>> -> memref<10000x128xf32, #tpu.memory_space<hbm>>
      tpu.enqueue_indirect_dma source(%dma_start3A_53 : memref<10000x128xf32, #tpu.memory_space<hbm>>) target(%arg19 : memref<80x128xf32, #tpu.memory_space<vmem>>) offsets(%dma_start3A_50 : memref<80xi32, #tpu.memory_space<vmem>>) semaphore(%arg26 : memref<!tpu.dma_semaphore, #tpu.memory_space<semaphore_mem>>)
      %dma_start3A_54 = arith.constant 0 : i32
      %dma_start3A_55 = tpu.memref_slice %arg11[%dma_start3A_54] : memref<10000xi32, #tpu.memory_space<vmem>> -> memref<80xi32, #tpu.memory_space<vmem>>
      %dma_start3A_56 = arith.constant 0 : i32
      %dma_start3A_57 = tpu.memref_slice %arg22[%dma_start3A_56] : memref<10240xf32, #tpu.memory_space<vmem_shared>> -> memref<10240xf32, #tpu.memory_space<vmem_shared>>
      tpu.enqueue_indirect_dma source(%dma_start3A_57 : memref<10240xf32, #tpu.memory_space<vmem_shared>>) target(%arg13 : memref<80xf32, #tpu.memory_space<vmem>>) offsets(%dma_start3A_55 : memref<80xi32, #tpu.memory_space<vmem>>) semaphore(%arg30 : memref<!tpu.dma_semaphore, #tpu.memory_space<semaphore_mem>>)
      %dma_start3A_58 = arith.constant 0 : i32
      %dma_start3A_59 = arith.constant 0 : i32
      %dma_start3A_60 = tpu.memref_slice %arg12[%dma_start3A_58, %dma_start3A_59] : memref<125x80xi32, #tpu.memory_space<vmem>> -> memref<1x80xi32, #tpu.memory_space<vmem>>
      %dma_start3A_61 = tpu.memref_squeeze %dma_start3A_60 : memref<1x80xi32, #tpu.memory_space<vmem>> -> memref<80xi32, #tpu.memory_space<vmem>>
      %dma_start3A_62 = arith.constant 0 : i32
      %dma_start3A_63 = tpu.memref_slice %arg23[%dma_start3A_62] : memref<10240xf32, #tpu.memory_space<vmem_shared>> -> memref<10240xf32, #tpu.memory_space<vmem_shared>>
      tpu.enqueue_indirect_dma source(%dma_start3A_63 : memref<10240xf32, #tpu.memory_space<vmem_shared>>) target(%arg15 : memref<80xf32, #tpu.memory_space<vmem>>) offsets(%dma_start3A_61 : memref<80xi32, #tpu.memory_space<vmem>>) semaphore(%arg30 : memref<!tpu.dma_semaphore, #tpu.memory_space<semaphore_mem>>)
      %scan3A_64 = arith.constant 0 : i32
      %scan3A_65 = arith.constant 0 : i32
      %scan3A_66 = arith.constant 63 : i32
      %scan3A_67 = arith.addi %scan3A_65, %scan3A_66 : i32
      %scan3A_68 = arith.constant 1 : i32
      scf.for %scan3A_88 = %scan3A_65 to %scan3A_67 step %scan3A_68  : i32 {
        %mul3A_89 = arith.constant 2 : i32
        %mul3A_90 = arith.muli %scan3A_88, %mul3A_89 : i32
        %add3A = arith.constant 0 : i32
        %add3A_91 = arith.addi %mul3A_90, %add3A : i32
        %lt3A = arith.constant 125 : i32
        %lt3A_92 = arith.cmpi slt, %add3A_91, %lt3A : i32
        %convert_element_type3A_93 = arith.extui %lt3A_92 : i1 to i32
        %cond3A_94 = arith.constant 0 : i32
        %cond3A_95 = arith.cmpi ne, %convert_element_type3A_93, %cond3A_94 : i32
        scf.if %cond3A_95 {
          %mul3A_105 = arith.constant 80 : i32
          %mul3A_106 = arith.muli %add3A_91, %mul3A_105 : i32
          %add3A_107 = arith.constant 1 : i32
          %add3A_108 = arith.addi %add3A_91, %add3A_107 : i32
          %lt3A_109 = arith.constant 125 : i32
          %lt3A_110 = arith.cmpi slt, %add3A_108, %lt3A_109 : i32
          %convert_element_type3A_111 = arith.extui %lt3A_110 : i1 to i32
          %cond3A_112 = arith.constant 0 : i32
          %cond3A_113 = arith.cmpi ne, %convert_element_type3A_111, %cond3A_112 : i32
          scf.if %cond3A_113 {
            %add3A_230 = arith.constant 1 : i32
            %add3A_231 = arith.addi %add3A_91, %add3A_230 : i32
            %mul3A_232 = arith.constant 80 : i32
            %mul3A_233 = arith.muli %add3A_231, %mul3A_232 : i32
            %dma_start3A_234 = tpu.memref_slice %arg11[%mul3A_233] : memref<10000xi32, #tpu.memory_space<vmem>> -> memref<80xi32, #tpu.memory_space<vmem>>
            %dma_start3A_235 = arith.constant 0 : i32
            %dma_start3A_236 = tpu.memref_slice %arg22[%dma_start3A_235] : memref<10240xf32, #tpu.memory_space<vmem_shared>> -> memref<10240xf32, #tpu.memory_space<vmem_shared>>
            tpu.enqueue_indirect_dma source(%dma_start3A_236 : memref<10240xf32, #tpu.memory_space<vmem_shared>>) target(%arg14 : memref<80xf32, #tpu.memory_space<vmem>>) offsets(%dma_start3A_234 : memref<80xi32, #tpu.memory_space<vmem>>) semaphore(%arg31 : memref<!tpu.dma_semaphore, #tpu.memory_space<semaphore_mem>>)
            %add3A_237 = arith.constant 1 : i32
            %add3A_238 = arith.addi %add3A_91, %add3A_237 : i32
            %dma_start3A_239 = arith.constant 0 : i32
            %dma_start3A_240 = tpu.memref_slice %arg12[%add3A_238, %dma_start3A_239] : memref<125x80xi32, #tpu.memory_space<vmem>> -> memref<1x80xi32, #tpu.memory_space<vmem>>
            %dma_start3A_241 = tpu.memref_squeeze %dma_start3A_240 : memref<1x80xi32, #tpu.memory_space<vmem>> -> memref<80xi32, #tpu.memory_space<vmem>>
            %dma_start3A_242 = arith.constant 0 : i32
            %dma_start3A_243 = tpu.memref_slice %arg23[%dma_start3A_242] : memref<10240xf32, #tpu.memory_space<vmem_shared>> -> memref<10240xf32, #tpu.memory_space<vmem_shared>>
            tpu.enqueue_indirect_dma source(%dma_start3A_243 : memref<10240xf32, #tpu.memory_space<vmem_shared>>) target(%arg16 : memref<80xf32, #tpu.memory_space<vmem>>) offsets(%dma_start3A_241 : memref<80xi32, #tpu.memory_space<vmem>>) semaphore(%arg31 : memref<!tpu.dma_semaphore, #tpu.memory_space<semaphore_mem>>)
          } else {
          }
          %ge3A = arith.constant 2 : i32
          %ge3A_114 = arith.cmpi sge, %add3A_91, %ge3A : i32
          %convert_element_type3A_115 = arith.extui %ge3A_114 : i1 to i32
          %cond3A_116 = arith.constant 0 : i32
          %cond3A_117 = arith.cmpi ne, %convert_element_type3A_115, %cond3A_116 : i32
          scf.if %cond3A_117 {
            %sub3A = arith.constant 2 : i32
            %sub3A_230 = arith.subi %add3A_91, %sub3A : i32
            %dma_wait3A_231 = arith.constant 0 : i32
            %dma_wait3A_232 = tpu.memref_slice %arg12[%sub3A_230, %dma_wait3A_231] : memref<125x80xi32, #tpu.memory_space<vmem>> -> memref<1x80xi32, #tpu.memory_space<vmem>>
            %dma_wait3A_233 = tpu.memref_squeeze %dma_wait3A_232 : memref<1x80xi32, #tpu.memory_space<vmem>> -> memref<80xi32, #tpu.memory_space<vmem>>
            %dma_wait3A_234 = arith.constant 0 : i32
            %dma_wait3A_235 = tpu.memref_slice %arg24[%dma_wait3A_234] : memref<10240xf32, #tpu.memory_space<vmem_shared>> -> memref<10240xf32, #tpu.memory_space<vmem_shared>>
            tpu.wait_indirect_dma semaphore(%arg32 : memref<!tpu.dma_semaphore, #tpu.memory_space<semaphore_mem>>) src(%arg17 : memref<80xf32, #tpu.memory_space<vmem>>) dst(%dma_wait3A_235 : memref<10240xf32, #tpu.memory_space<vmem_shared>>)
          } else {
          }
          %dma_wait3A_118 = tpu.memref_slice %arg11[%mul3A_106] : memref<10000xi32, #tpu.memory_space<vmem>> -> memref<80xi32, #tpu.memory_space<vmem>>
          %dma_wait3A_119 = arith.constant 0 : i32
          %dma_wait3A_120 = tpu.memref_slice %arg22[%dma_wait3A_119] : memref<10240xf32, #tpu.memory_space<vmem_shared>> -> memref<10240xf32, #tpu.memory_space<vmem_shared>>
          tpu.wait_indirect_dma semaphore(%arg30 : memref<!tpu.dma_semaphore, #tpu.memory_space<semaphore_mem>>) src(%dma_wait3A_120 : memref<10240xf32, #tpu.memory_space<vmem_shared>>) dst(%arg13 : memref<80xf32, #tpu.memory_space<vmem>>)
          %dma_wait3A_121 = arith.constant 0 : i32
          %dma_wait3A_122 = tpu.memref_slice %arg12[%add3A_91, %dma_wait3A_121] : memref<125x80xi32, #tpu.memory_space<vmem>> -> memref<1x80xi32, #tpu.memory_space<vmem>>
          %dma_wait3A_123 = tpu.memref_squeeze %dma_wait3A_122 : memref<1x80xi32, #tpu.memory_space<vmem>> -> memref<80xi32, #tpu.memory_space<vmem>>
          %dma_wait3A_124 = arith.constant 0 : i32
          %dma_wait3A_125 = tpu.memref_slice %arg23[%dma_wait3A_124] : memref<10240xf32, #tpu.memory_space<vmem_shared>> -> memref<10240xf32, #tpu.memory_space<vmem_shared>>
          tpu.wait_indirect_dma semaphore(%arg30 : memref<!tpu.dma_semaphore, #tpu.memory_space<semaphore_mem>>) src(%dma_wait3A_125 : memref<10240xf32, #tpu.memory_space<vmem_shared>>) dst(%arg15 : memref<80xf32, #tpu.memory_space<vmem>>)
          %get3A = arith.constant 0 : index
          %get3A_126 = tpu.vector_load %arg13[%get3A] {strides = array<i32>} : memref<80xf32, #tpu.memory_space<vmem>>, vector<16xf32>,
          %get3A_127 = arith.constant 0 : index
          %get3A_128 = tpu.vector_load %arg15[%get3A_127] {strides = array<i32>} : memref<80xf32, #tpu.memory_space<vmem>>, vector<16xf32>,
          %add3A_129 = arith.addf %get3A_126, %get3A_128 : vector<16xf32>
          %gt3A = arith.constant 0.000000e+00 : f32
          %gt3A_130 = vector.broadcast %gt3A : f32 to vector<16xf32>
          %gt3A_131 = arith.cmpf ogt, %add3A_129, %gt3A_130 : vector<16xf32>
          %mul3A_132 = arith.constant 2.000000e-01 : f32
          %mul3A_133 = vector.broadcast %mul3A_132 : f32 to vector<16xf32>
          %mul3A_134 = arith.mulf %add3A_129, %mul3A_133 : vector<16xf32>
          %select_n3A_135 = arith.select %gt3A_131, %add3A_129, %mul3A_134 : vector<16xi1>, vector<16xf32>
          %exp3A = math.exp %select_n3A_135 : vector<16xf32>
          %swap3A = arith.constant 0 : index
          %swap3A_136 = tpu.vector_load %arg17[%swap3A] {strides = array<i32>} : memref<80xf32, #tpu.memory_space<vmem>>, vector<16xf32>,
          tpu.vector_store %arg17[%swap3A], %exp3A {strides = array<i32>} : memref<80xf32, #tpu.memory_space<vmem>>, vector<16xf32>,
          %get3A_137 = arith.constant 16 : index
          %get3A_138 = tpu.vector_load %arg13[%get3A_137] {strides = array<i32>} : memref<80xf32, #tpu.memory_space<vmem>>, vector<16xf32>,
          %get3A_139 = arith.constant 16 : index
          %get3A_140 = tpu.vector_load %arg15[%get3A_139] {strides = array<i32>} : memref<80xf32, #tpu.memory_space<vmem>>, vector<16xf32>,
          %add3A_141 = arith.addf %get3A_138, %get3A_140 : vector<16xf32>
          %gt3A_142 = arith.constant 0.000000e+00 : f32
          %gt3A_143 = vector.broadcast %gt3A_142 : f32 to vector<16xf32>
          %gt3A_144 = arith.cmpf ogt, %add3A_141, %gt3A_143 : vector<16xf32>
          %mul3A_145 = arith.constant 2.000000e-01 : f32
          %mul3A_146 = vector.broadcast %mul3A_145 : f32 to vector<16xf32>
          %mul3A_147 = arith.mulf %add3A_141, %mul3A_146 : vector<16xf32>
          %select_n3A_148 = arith.select %gt3A_144, %add3A_141, %mul3A_147 : vector<16xi1>, vector<16xf32>
          %exp3A_149 = math.exp %select_n3A_148 : vector<16xf32>
          %swap3A_150 = arith.constant 16 : index
          %swap3A_151 = tpu.vector_load %arg17[%swap3A_150] {strides = array<i32>} : memref<80xf32, #tpu.memory_space<vmem>>, vector<16xf32>,
          tpu.vector_store %arg17[%swap3A_150], %exp3A_149 {strides = array<i32>} : memref<80xf32, #tpu.memory_space<vmem>>, vector<16xf32>,
          %get3A_152 = arith.constant 32 : index
          %get3A_153 = tpu.vector_load %arg13[%get3A_152] {strides = array<i32>} : memref<80xf32, #tpu.memory_space<vmem>>, vector<16xf32>,
          %get3A_154 = arith.constant 32 : index
          %get3A_155 = tpu.vector_load %arg15[%get3A_154] {strides = array<i32>} : memref<80xf32, #tpu.memory_space<vmem>>, vector<16xf32>,
          %add3A_156 = arith.addf %get3A_153, %get3A_155 : vector<16xf32>
          %gt3A_157 = arith.constant 0.000000e+00 : f32
          %gt3A_158 = vector.broadcast %gt3A_157 : f32 to vector<16xf32>
          %gt3A_159 = arith.cmpf ogt, %add3A_156, %gt3A_158 : vector<16xf32>
          %mul3A_160 = arith.constant 2.000000e-01 : f32
          %mul3A_161 = vector.broadcast %mul3A_160 : f32 to vector<16xf32>
          %mul3A_162 = arith.mulf %add3A_156, %mul3A_161 : vector<16xf32>
          %select_n3A_163 = arith.select %gt3A_159, %add3A_156, %mul3A_162 : vector<16xi1>, vector<16xf32>
          %exp3A_164 = math.exp %select_n3A_163 : vector<16xf32>
          %swap3A_165 = arith.constant 32 : index
          %swap3A_166 = tpu.vector_load %arg17[%swap3A_165] {strides = array<i32>} : memref<80xf32, #tpu.memory_space<vmem>>, vector<16xf32>,
          tpu.vector_store %arg17[%swap3A_165], %exp3A_164 {strides = array<i32>} : memref<80xf32, #tpu.memory_space<vmem>>, vector<16xf32>,
          %get3A_167 = arith.constant 48 : index
          %get3A_168 = tpu.vector_load %arg13[%get3A_167] {strides = array<i32>} : memref<80xf32, #tpu.memory_space<vmem>>, vector<16xf32>,
          %get3A_169 = arith.constant 48 : index
          %get3A_170 = tpu.vector_load %arg15[%get3A_169] {strides = array<i32>} : memref<80xf32, #tpu.memory_space<vmem>>, vector<16xf32>,
          %add3A_171 = arith.addf %get3A_168, %get3A_170 : vector<16xf32>
          %gt3A_172 = arith.constant 0.000000e+00 : f32
          %gt3A_173 = vector.broadcast %gt3A_172 : f32 to vector<16xf32>
          %gt3A_174 = arith.cmpf ogt, %add3A_171, %gt3A_173 : vector<16xf32>
          %mul3A_175 = arith.constant 2.000000e-01 : f32
          %mul3A_176 = vector.broadcast %mul3A_175 : f32 to vector<16xf32>
          %mul3A_177 = arith.mulf %add3A_171, %mul3A_176 : vector<16xf32>
          %select_n3A_178 = arith.select %gt3A_174, %add3A_171, %mul3A_177 : vector<16xi1>, vector<16xf32>
          %exp3A_179 = math.exp %select_n3A_178 : vector<16xf32>
          %swap3A_180 = arith.constant 48 : index
          %swap3A_181 = tpu.vector_load %arg17[%swap3A_180] {strides = array<i32>} : memref<80xf32, #tpu.memory_space<vmem>>, vector<16xf32>,
          tpu.vector_store %arg17[%swap3A_180], %exp3A_179 {strides = array<i32>} : memref<80xf32, #tpu.memory_space<vmem>>, vector<16xf32>,
          %get3A_182 = arith.constant 64 : index
          %get3A_183 = tpu.vector_load %arg13[%get3A_182] {strides = array<i32>} : memref<80xf32, #tpu.memory_space<vmem>>, vector<16xf32>,
          %get3A_184 = arith.constant 64 : index
          %get3A_185 = tpu.vector_load %arg15[%get3A_184] {strides = array<i32>} : memref<80xf32, #tpu.memory_space<vmem>>, vector<16xf32>,
          %add3A_186 = arith.addf %get3A_183, %get3A_185 : vector<16xf32>
          %gt3A_187 = arith.constant 0.000000e+00 : f32
          %gt3A_188 = vector.broadcast %gt3A_187 : f32 to vector<16xf32>
          %gt3A_189 = arith.cmpf ogt, %add3A_186, %gt3A_188 : vector<16xf32>
          %mul3A_190 = arith.constant 2.000000e-01 : f32
          %mul3A_191 = vector.broadcast %mul3A_190 : f32 to vector<16xf32>
          %mul3A_192 = arith.mulf %add3A_186, %mul3A_191 : vector<16xf32>
          %select_n3A_193 = arith.select %gt3A_189, %add3A_186, %mul3A_192 : vector<16xi1>, vector<16xf32>
          %exp3A_194 = math.exp %select_n3A_193 : vector<16xf32>
          %swap3A_195 = arith.constant 64 : index
          %swap3A_196 = tpu.vector_load %arg17[%swap3A_195] {strides = array<i32>} : memref<80xf32, #tpu.memory_space<vmem>>, vector<16xf32>,
          tpu.vector_store %arg17[%swap3A_195], %exp3A_194 {strides = array<i32>} : memref<80xf32, #tpu.memory_space<vmem>>, vector<16xf32>,
          %dma_start3A_197 = arith.constant 0 : i32
          %dma_start3A_198 = tpu.memref_slice %arg12[%add3A_91, %dma_start3A_197] : memref<125x80xi32, #tpu.memory_space<vmem>> -> memref<1x80xi32, #tpu.memory_space<vmem>>
          %dma_start3A_199 = tpu.memref_squeeze %dma_start3A_198 : memref<1x80xi32, #tpu.memory_space<vmem>> -> memref<80xi32, #tpu.memory_space<vmem>>
          %dma_start3A_200 = arith.constant 0 : i32
          %dma_start3A_201 = tpu.memref_slice %arg24[%dma_start3A_200] : memref<10240xf32, #tpu.memory_space<vmem_shared>> -> memref<10240xf32, #tpu.memory_space<vmem_shared>>
          tpu.enqueue_indirect_dma source(%arg17 : memref<80xf32, #tpu.memory_space<vmem>>) target(%dma_start3A_201 : memref<10240xf32, #tpu.memory_space<vmem_shared>>) offsets(%dma_start3A_199 : memref<80xi32, #tpu.memory_space<vmem>>) semaphore(%arg32 : memref<!tpu.dma_semaphore, #tpu.memory_space<semaphore_mem>>) {add = true}
          %ge3A_202 = arith.constant 1 : i32
          %ge3A_203 = arith.cmpi sge, %add3A_91, %ge3A_202 : i32
          %convert_element_type3A_204 = arith.extui %ge3A_203 : i1 to i32
          %cond3A_205 = arith.constant 0 : i32
          %cond3A_206 = arith.cmpi ne, %convert_element_type3A_204, %cond3A_205 : i32
          scf.if %cond3A_206 {
            %sub3A = arith.constant 1 : i32
            %sub3A_230 = arith.subi %add3A_91, %sub3A : i32
            %dma_wait3A_231 = arith.constant 0 : i32
            %dma_wait3A_232 = tpu.memref_slice %arg12[%sub3A_230, %dma_wait3A_231] : memref<125x80xi32, #tpu.memory_space<vmem>> -> memref<1x80xi32, #tpu.memory_space<vmem>>
            %dma_wait3A_233 = tpu.memref_squeeze %dma_wait3A_232 : memref<1x80xi32, #tpu.memory_space<vmem>> -> memref<80xi32, #tpu.memory_space<vmem>>
            %dma_wait3A_234 = arith.constant 0 : i32
            %dma_wait3A_235 = arith.constant 0 : i32
            %dma_wait3A_236 = tpu.memref_slice %arg25[%dma_wait3A_234, %dma_wait3A_235] : memref<10000x128xf32, #tpu.memory_space<vmem_shared>> -> memref<10000x128xf32, #tpu.memory_space<vmem_shared>>
            tpu.wait_indirect_dma semaphore(%arg29 : memref<!tpu.dma_semaphore, #tpu.memory_space<semaphore_mem>>) src(%arg20 : memref<80x128xf32, #tpu.memory_space<vmem>>) dst(%dma_wait3A_236 : memref<10000x128xf32, #tpu.memory_space<vmem_shared>>)
          } else {
          }
          %add3A_207 = arith.constant 1 : i32
          %add3A_208 = arith.addi %add3A_91, %add3A_207 : i32
          %lt3A_209 = arith.constant 125 : i32
          %lt3A_210 = arith.cmpi slt, %add3A_208, %lt3A_209 : i32
          %convert_element_type3A_211 = arith.extui %lt3A_210 : i1 to i32
          %cond3A_212 = arith.constant 0 : i32
          %cond3A_213 = arith.cmpi ne, %convert_element_type3A_211, %cond3A_212 : i32
          scf.if %cond3A_213 {
            %add3A_230 = arith.constant 1 : i32
            %add3A_231 = arith.addi %add3A_91, %add3A_230 : i32
            %mul3A_232 = arith.constant 80 : i32
            %mul3A_233 = arith.muli %add3A_231, %mul3A_232 : i32
            %dma_start3A_234 = tpu.memref_slice %arg11[%mul3A_233] : memref<10000xi32, #tpu.memory_space<vmem>> -> memref<80xi32, #tpu.memory_space<vmem>>
            %dma_start3A_235 = arith.constant 0 : i32
            %dma_start3A_236 = arith.constant 0 : i32
            %dma_start3A_237 = tpu.memref_slice %arg2[%dma_start3A_235, %dma_start3A_236] : memref<10000x128xf32, #tpu.memory_space<hbm>> -> memref<10000x128xf32, #tpu.memory_space<hbm>>
            tpu.enqueue_indirect_dma source(%dma_start3A_237 : memref<10000x128xf32, #tpu.memory_space<hbm>>) target(%arg20 : memref<80x128xf32, #tpu.memory_space<vmem>>) offsets(%dma_start3A_234 : memref<80xi32, #tpu.memory_space<vmem>>) semaphore(%arg27 : memref<!tpu.dma_semaphore, #tpu.memory_space<semaphore_mem>>)
          } else {
          }
          %dma_wait3A_214 = tpu.memref_slice %arg11[%mul3A_106] : memref<10000xi32, #tpu.memory_space<vmem>> -> memref<80xi32, #tpu.memory_space<vmem>>
          %dma_wait3A_215 = arith.constant 0 : i32
          %dma_wait3A_216 = arith.constant 0 : i32
          %dma_wait3A_217 = tpu.memref_slice %arg2[%dma_wait3A_215, %dma_wait3A_216] : memref<10000x128xf32, #tpu.memory_space<hbm>> -> memref<10000x128xf32, #tpu.memory_space<hbm>>
          tpu.wait_indirect_dma semaphore(%arg26 : memref<!tpu.dma_semaphore, #tpu.memory_space<semaphore_mem>>) src(%dma_wait3A_217 : memref<10000x128xf32, #tpu.memory_space<hbm>>) dst(%arg19 : memref<80x128xf32, #tpu.memory_space<vmem>>)
          %scan3A_218 = arith.constant 0 : i32
          %scan3A_219 = arith.constant 0 : i32
          %scan3A_220 = arith.constant 10 : i32
          %scan3A_221 = arith.addi %scan3A_219, %scan3A_220 : i32
          %scan3A_222 = arith.constant 1 : i32
          scf.for %scan3A_230 = %scan3A_219 to %scan3A_221 step %scan3A_222  : i32 {
            %mul3A_231 = arith.constant 8 : i32
            %mul3A_232 = arith.muli %scan3A_230, %mul3A_231 : i32
            %add3A_233 = arith.constant 0 : i32
            %add3A_234 = arith.addi %mul3A_232, %add3A_233 : i32
            %broadcast_in_dim3A_235 = vector.broadcast %add3A_234 : i32 to vector<16xi32>
            %gather3A = tpu.vector_load_idx %arg17[%broadcast_in_dim3A_235] : memref<80xf32, #tpu.memory_space<vmem>>[vector<16xi32>], vector<16xf32>,
            %get3A_236 = arith.index_cast %add3A_234 : i32 to index
            %get3A_237 = arith.constant 0 : index
            %get3A_238 = tpu.vector_load %arg19[%get3A_236, %get3A_237] {strides = array<i32>} : memref<80x128xf32, #tpu.memory_space<vmem>>, vector<16xf32>,
            %mul3A_239 = arith.mulf %get3A_238, %gather3A : vector<16xf32>
            %swap3A_240 = arith.index_cast %add3A_234 : i32 to index
            %swap3A_241 = arith.constant 0 : index
            %swap3A_242 = tpu.vector_load %arg19[%swap3A_240, %swap3A_241] {strides = array<i32>} : memref<80x128xf32, #tpu.memory_space<vmem>>, vector<16xf32>,
            tpu.vector_store %arg19[%swap3A_240, %swap3A_241], %mul3A_239 {strides = array<i32>} : memref<80x128xf32, #tpu.memory_space<vmem>>, vector<16xf32>,
            %get3A_243 = arith.index_cast %add3A_234 : i32 to index
            %get3A_244 = arith.constant 16 : index
            %get3A_245 = tpu.vector_load %arg19[%get3A_243, %get3A_244] {strides = array<i32>} : memref<80x128xf32, #tpu.memory_space<vmem>>, vector<16xf32>,
            %mul3A_246 = arith.mulf %get3A_245, %gather3A : vector<16xf32>
            %swap3A_247 = arith.index_cast %add3A_234 : i32 to index
            %swap3A_248 = arith.constant 16 : index
            %swap3A_249 = tpu.vector_load %arg19[%swap3A_247, %swap3A_248] {strides = array<i32>} : memref<80x128xf32, #tpu.memory_space<vmem>>, vector<16xf32>,
            tpu.vector_store %arg19[%swap3A_247, %swap3A_248], %mul3A_246 {strides = array<i32>} : memref<80x128xf32, #tpu.memory_space<vmem>>, vector<16xf32>,
            %get3A_250 = arith.index_cast %add3A_234 : i32 to index
            %get3A_251 = arith.constant 32 : index
            %get3A_252 = tpu.vector_load %arg19[%get3A_250, %get3A_251] {strides = array<i32>} : memref<80x128xf32, #tpu.memory_space<vmem>>, vector<16xf32>,
            %mul3A_253 = arith.mulf %get3A_252, %gather3A : vector<16xf32>
            %swap3A_254 = arith.index_cast %add3A_234 : i32 to index
            %swap3A_255 = arith.constant 32 : index
            %swap3A_256 = tpu.vector_load %arg19[%swap3A_254, %swap3A_255] {strides = array<i32>} : memref<80x128xf32, #tpu.memory_space<vmem>>, vector<16xf32>,
            tpu.vector_store %arg19[%swap3A_254, %swap3A_255], %mul3A_253 {strides = array<i32>} : memref<80x128xf32, #tpu.memory_space<vmem>>, vector<16xf32>,
            %get3A_257 = arith.index_cast %add3A_234 : i32 to index
            %get3A_258 = arith.constant 48 : index
            %get3A_259 = tpu.vector_load %arg19[%get3A_257, %get3A_258] {strides = array<i32>} : memref<80x128xf32, #tpu.memory_space<vmem>>, vector<16xf32>,
            %mul3A_260 = arith.mulf %get3A_259, %gather3A : vector<16xf32>
            %swap3A_261 = arith.index_cast %add3A_234 : i32 to index
            %swap3A_262 = arith.constant 48 : index
            %swap3A_263 = tpu.vector_load %arg19[%swap3A_261, %swap3A_262] {strides = array<i32>} : memref<80x128xf32, #tpu.memory_space<vmem>>, vector<16xf32>,
            tpu.vector_store %arg19[%swap3A_261, %swap3A_262], %mul3A_260 {strides = array<i32>} : memref<80x128xf32, #tpu.memory_space<vmem>>, vector<16xf32>,
            %get3A_264 = arith.index_cast %add3A_234 : i32 to index
            %get3A_265 = arith.constant 64 : index
            %get3A_266 = tpu.vector_load %arg19[%get3A_264, %get3A_265] {strides = array<i32>} : memref<80x128xf32, #tpu.memory_space<vmem>>, vector<16xf32>,
            %mul3A_267 = arith.mulf %get3A_266, %gather3A : vector<16xf32>
            %swap3A_268 = arith.index_cast %add3A_234 : i32 to index
            %swap3A_269 = arith.constant 64 : index
            %swap3A_270 = tpu.vector_load %arg19[%swap3A_268, %swap3A_269] {strides = array<i32>} : memref<80x128xf32, #tpu.memory_space<vmem>>, vector<16xf32>,
            tpu.vector_store %arg19[%swap3A_268, %swap3A_269], %mul3A_267 {strides = array<i32>} : memref<80x128xf32, #tpu.memory_space<vmem>>, vector<16xf32>,
            %get3A_271 = arith.index_cast %add3A_234 : i32 to index
            %get3A_272 = arith.constant 80 : index
            %get3A_273 = tpu.vector_load %arg19[%get3A_271, %get3A_272] {strides = array<i32>} : memref<80x128xf32, #tpu.memory_space<vmem>>, vector<16xf32>,
            %mul3A_274 = arith.mulf %get3A_273, %gather3A : vector<16xf32>
            %swap3A_275 = arith.index_cast %add3A_234 : i32 to index
            %swap3A_276 = arith.constant 80 : index
            %swap3A_277 = tpu.vector_load %arg19[%swap3A_275, %swap3A_276] {strides = array<i32>} : memref<80x128xf32, #tpu.memory_space<vmem>>, vector<16xf32>,
            tpu.vector_store %arg19[%swap3A_275, %swap3A_276], %mul3A_274 {strides = array<i32>} : memref<80x128xf32, #tpu.memory_space<vmem>>, vector<16xf32>,
            %get3A_278 = arith.index_cast %add3A_234 : i32 to index
            %get3A_279 = arith.constant 96 : index
            %get3A_280 = tpu.vector_load %arg19[%get3A_278, %get3A_279] {strides = array<i32>} : memref<80x128xf32, #tpu.memory_space<vmem>>, vector<16xf32>,
            %mul3A_281 = arith.mulf %get3A_280, %gather3A : vector<16xf32>
            %swap3A_282 = arith.index_cast %add3A_234 : i32 to index
            %swap3A_283 = arith.constant 96 : index
            %swap3A_284 = tpu.vector_load %arg19[%swap3A_282, %swap3A_283] {strides = array<i32>} : memref<80x128xf32, #tpu.memory_space<vmem>>, vector<16xf32>,
            tpu.vector_store %arg19[%swap3A_282, %swap3A_283], %mul3A_281 {strides = array<i32>} : memref<80x128xf32, #tpu.memory_space<vmem>>, vector<16xf32>,
            %get3A_285 = arith.index_cast %add3A_234 : i32 to index
            %get3A_286 = arith.constant 112 : index
            %get3A_287 = tpu.vector_load %arg19[%get3A_285, %get3A_286] {strides = array<i32>} : memref<80x128xf32, #tpu.memory_space<vmem>>, vector<16xf32>,
            %mul3A_288 = arith.mulf %get3A_287, %gather3A : vector<16xf32>
            %swap3A_289 = arith.index_cast %add3A_234 : i32 to index
            %swap3A_290 = arith.constant 112 : index
            %swap3A_291 = tpu.vector_load %arg19[%swap3A_289, %swap3A_290] {strides = array<i32>} : memref<80x128xf32, #tpu.memory_space<vmem>>, vector<16xf32>,
            tpu.vector_store %arg19[%swap3A_289, %swap3A_290], %mul3A_288 {strides = array<i32>} : memref<80x128xf32, #tpu.memory_space<vmem>>, vector<16xf32>,
            %mul3A_292 = arith.constant 8 : i32
            %mul3A_293 = arith.muli %scan3A_230, %mul3A_292 : i32
            %add3A_294 = arith.constant 1 : i32
            %add3A_295 = arith.addi %mul3A_293, %add3A_294 : i32
            %broadcast_in_dim3A_296 = vector.broadcast %add3A_295 : i32 to vector<16xi32>
            %gather3A_297 = tpu.vector_load_idx %arg17[%broadcast_in_dim3A_296] : memref<80xf32, #tpu.memory_space<vmem>>[vector<16xi32>], vector<16xf32>,
            %get3A_298 = arith.index_cast %add3A_295 : i32 to index
            %get3A_299 = arith.constant 0 : index
            %get3A_300 = tpu.vector_load %arg19[%get3A_298, %get3A_299] {strides = array<i32>} : memref<80x128xf32, #tpu.memory_space<vmem>>, vector<16xf32>,
            %mul3A_301 = arith.mulf %get3A_300, %gather3A_297 : vector<16xf32>
            %swap3A_302 = arith.index_cast %add3A_295 : i32 to index
            %swap3A_303 = arith.constant 0 : index
            %swap3A_304 = tpu.vector_load %arg19[%swap3A_302, %swap3A_303] {strides = array<i32>} : memref<80x128xf32, #tpu.memory_space<vmem>>, vector<16xf32>,
            tpu.vector_store %arg19[%swap3A_302, %swap3A_303], %mul3A_301 {strides = array<i32>} : memref<80x128xf32, #tpu.memory_space<vmem>>, vector<16xf32>,
            %get3A_305 = arith.index_cast %add3A_295 : i32 to index
            %get3A_306 = arith.constant 16 : index
            %get3A_307 = tpu.vector_load %arg19[%get3A_305, %get3A_306] {strides = array<i32>} : memref<80x128xf32, #tpu.memory_space<vmem>>, vector<16xf32>,
            %mul3A_308 = arith.mulf %get3A_307, %gather3A_297 : vector<16xf32>
            %swap3A_309 = arith.index_cast %add3A_295 : i32 to index
            %swap3A_310 = arith.constant 16 : index
            %swap3A_311 = tpu.vector_load %arg19[%swap3A_309, %swap3A_310] {strides = array<i32>} : memref<80x128xf32, #tpu.memory_space<vmem>>, vector<16xf32>,
            tpu.vector_store %arg19[%swap3A_309, %swap3A_310], %mul3A_308 {strides = array<i32>} : memref<80x128xf32, #tpu.memory_space<vmem>>, vector<16xf32>,
            %get3A_312 = arith.index_cast %add3A_295 : i32 to index
            %get3A_313 = arith.constant 32 : index
            %get3A_314 = tpu.vector_load %arg19[%get3A_312, %get3A_313] {strides = array<i32>} : memref<80x128xf32, #tpu.memory_space<vmem>>, vector<16xf32>,
            %mul3A_315 = arith.mulf %get3A_314, %gather3A_297 : vector<16xf32>
            %swap3A_316 = arith.index_cast %add3A_295 : i32 to index
            %swap3A_317 = arith.constant 32 : index
            %swap3A_318 = tpu.vector_load %arg19[%swap3A_316, %swap3A_317] {strides = array<i32>} : memref<80x128xf32, #tpu.memory_space<vmem>>, vector<16xf32>,
            tpu.vector_store %arg19[%swap3A_316, %swap3A_317], %mul3A_315 {strides = array<i32>} : memref<80x128xf32, #tpu.memory_space<vmem>>, vector<16xf32>,
            %get3A_319 = arith.index_cast %add3A_295 : i32 to index
            %get3A_320 = arith.constant 48 : index
            %get3A_321 = tpu.vector_load %arg19[%get3A_319, %get3A_320] {strides = array<i32>} : memref<80x128xf32, #tpu.memory_space<vmem>>, vector<16xf32>,
            %mul3A_322 = arith.mulf %get3A_321, %gather3A_297 : vector<16xf32>
            %swap3A_323 = arith.index_cast %add3A_295 : i32 to index
            %swap3A_324 = arith.constant 48 : index
            %swap3A_325 = tpu.vector_load %arg19[%swap3A_323, %swap3A_324] {strides = array<i32>} : memref<80x128xf32, #tpu.memory_space<vmem>>, vector<16xf32>,
            tpu.vector_store %arg19[%swap3A_323, %swap3A_324], %mul3A_322 {strides = array<i32>} : memref<80x128xf32, #tpu.memory_space<vmem>>, vector<16xf32>,
            %get3A_326 = arith.index_cast %add3A_295 : i32 to index
            %get3A_327 = arith.constant 64 : index
            %get3A_328 = tpu.vector_load %arg19[%get3A_326, %get3A_327] {strides = array<i32>} : memref<80x128xf32, #tpu.memory_space<vmem>>, vector<16xf32>,
            %mul3A_329 = arith.mulf %get3A_328, %gather3A_297 : vector<16xf32>
            %swap3A_330 = arith.index_cast %add3A_295 : i32 to index
            %swap3A_331 = arith.constant 64 : index
            %swap3A_332 = tpu.vector_load %arg19[%swap3A_330, %swap3A_331] {strides = array<i32>} : memref<80x128xf32, #tpu.memory_space<vmem>>, vector<16xf32>,
            tpu.vector_store %arg19[%swap3A_330, %swap3A_331], %mul3A_329 {strides = array<i32>} : memref<80x128xf32, #tpu.memory_space<vmem>>, vector<16xf32>,
            %get3A_333 = arith.index_cast %add3A_295 : i32 to index
            %get3A_334 = arith.constant 80 : index
            %get3A_335 = tpu.vector_load %arg19[%get3A_333, %get3A_334] {strides = array<i32>} : memref<80x128xf32, #tpu.memory_space<vmem>>, vector<16xf32>,
            %mul3A_336 = arith.mulf %get3A_335, %gather3A_297 : vector<16xf32>
            %swap3A_337 = arith.index_cast %add3A_295 : i32 to index
            %swap3A_338 = arith.constant 80 : index
            %swap3A_339 = tpu.vector_load %arg19[%swap3A_337, %swap3A_338] {strides = array<i32>} : memref<80x128xf32, #tpu.memory_space<vmem>>, vector<16xf32>,
            tpu.vector_store %arg19[%swap3A_337, %swap3A_338], %mul3A_336 {strides = array<i32>} : memref<80x128xf32, #tpu.memory_space<vmem>>, vector<16xf32>,
            %get3A_340 = arith.index_cast %add3A_295 : i32 to index
            %get3A_341 = arith.constant 96 : index
            %get3A_342 = tpu.vector_load %arg19[%get3A_340, %get3A_341] {strides = array<i32>} : memref<80x128xf32, #tpu.memory_space<vmem>>, vector<16xf32>,
            %mul3A_343 = arith.mulf %get3A_342, %gather3A_297 : vector<16xf32>
            %swap3A_344 = arith.index_cast %add3A_295 : i32 to index
            %swap3A_345 = arith.constant 96 : index
            %swap3A_346 = tpu.vector_load %arg19[%swap3A_344, %swap3A_345] {strides = array<i32>} : memref<80x128xf32, #tpu.memory_space<vmem>>, vector<16xf32>,
            tpu.vector_store %arg19[%swap3A_344, %swap3A_345], %mul3A_343 {strides = array<i32>} : memref<80x128xf32, #tpu.memory_space<vmem>>, vector<16xf32>,
            %get3A_347 = arith.index_cast %add3A_295 : i32 to index
            %get3A_348 = arith.constant 112 : index
            %get3A_349 = tpu.vector_load %arg19[%get3A_347, %get3A_348] {strides = array<i32>} : memref<80x128xf32, #tpu.memory_space<vmem>>, vector<16xf32>,
            %mul3A_350 = arith.mulf %get3A_349, %gather3A_297 : vector<16xf32>
            %swap3A_351 = arith.index_cast %add3A_295 : i32 to index
            %swap3A_352 = arith.constant 112 : index
            %swap3A_353 = tpu.vector_load %arg19[%swap3A_351, %swap3A_352] {strides = array<i32>} : memref<80x128xf32, #tpu.memory_space<vmem>>, vector<16xf32>,
            tpu.vector_store %arg19[%swap3A_351, %swap3A_352], %mul3A_350 {strides = array<i32>} : memref<80x128xf32, #tpu.memory_space<vmem>>, vector<16xf32>,
            %mul3A_354 = arith.constant 8 : i32
            %mul3A_355 = arith.muli %scan3A_230, %mul3A_354 : i32
            %add3A_356 = arith.constant 2 : i32
            %add3A_357 = arith.addi %mul3A_355, %add3A_356 : i32
            %broadcast_in_dim3A_358 = vector.broadcast %add3A_357 : i32 to vector<16xi32>
            %gather3A_359 = tpu.vector_load_idx %arg17[%broadcast_in_dim3A_358] : memref<80xf32, #tpu.memory_space<vmem>>[vector<16xi32>], vector<16xf32>,
            %get3A_360 = arith.index_cast %add3A_357 : i32 to index
            %get3A_361 = arith.constant 0 : index
            %get3A_362 = tpu.vector_load %arg19[%get3A_360, %get3A_361] {strides = array<i32>} : memref<80x128xf32, #tpu.memory_space<vmem>>, vector<16xf32>,
            %mul3A_363 = arith.mulf %get3A_362, %gather3A_359 : vector<16xf32>
            %swap3A_364 = arith.index_cast %add3A_357 : i32 to index
            %swap3A_365 = arith.constant 0 : index
            %swap3A_366 = tpu.vector_load %arg19[%swap3A_364, %swap3A_365] {strides = array<i32>} : memref<80x128xf32, #tpu.memory_space<vmem>>, vector<16xf32>,
            tpu.vector_store %arg19[%swap3A_364, %swap3A_365], %mul3A_363 {strides = array<i32>} : memref<80x128xf32, #tpu.memory_space<vmem>>, vector<16xf32>,
            %get3A_367 = arith.index_cast %add3A_357 : i32 to index
            %get3A_368 = arith.constant 16 : index
            %get3A_369 = tpu.vector_load %arg19[%get3A_367, %get3A_368] {strides = array<i32>} : memref<80x128xf32, #tpu.memory_space<vmem>>, vector<16xf32>,
            %mul3A_370 = arith.mulf %get3A_369, %gather3A_359 : vector<16xf32>
            %swap3A_371 = arith.index_cast %add3A_357 : i32 to index
            %swap3A_372 = arith.constant 16 : index
            %swap3A_373 = tpu.vector_load %arg19[%swap3A_371, %swap3A_372] {strides = array<i32>} : memref<80x128xf32, #tpu.memory_space<vmem>>, vector<16xf32>,
            tpu.vector_store %arg19[%swap3A_371, %swap3A_372], %mul3A_370 {strides = array<i32>} : memref<80x128xf32, #tpu.memory_space<vmem>>, vector<16xf32>,
            %get3A_374 = arith.index_cast %add3A_357 : i32 to index
            %get3A_375 = arith.constant 32 : index
            %get3A_376 = tpu.vector_load %arg19[%get3A_374, %get3A_375] {strides = array<i32>} : memref<80x128xf32, #tpu.memory_space<vmem>>, vector<16xf32>,
            %mul3A_377 = arith.mulf %get3A_376, %gather3A_359 : vector<16xf32>
            %swap3A_378 = arith.index_cast %add3A_357 : i32 to index
            %swap3A_379 = arith.constant 32 : index
            %swap3A_380 = tpu.vector_load %arg19[%swap3A_378, %swap3A_379] {strides = array<i32>} : memref<80x128xf32, #tpu.memory_space<vmem>>, vector<16xf32>,
            tpu.vector_store %arg19[%swap3A_378, %swap3A_379], %mul3A_377 {strides = array<i32>} : memref<80x128xf32, #tpu.memory_space<vmem>>, vector<16xf32>,
            %get3A_381 = arith.index_cast %add3A_357 : i32 to index
            %get3A_382 = arith.constant 48 : index
            %get3A_383 = tpu.vector_load %arg19[%get3A_381, %get3A_382] {strides = array<i32>} : memref<80x128xf32, #tpu.memory_space<vmem>>, vector<16xf32>,
            %mul3A_384 = arith.mulf %get3A_383, %gather3A_359 : vector<16xf32>
            %swap3A_385 = arith.index_cast %add3A_357 : i32 to index
            %swap3A_386 = arith.constant 48 : index
            %swap3A_387 = tpu.vector_load %arg19[%swap3A_385, %swap3A_386] {strides = array<i32>} : memref<80x128xf32, #tpu.memory_space<vmem>>, vector<16xf32>,
            tpu.vector_store %arg19[%swap3A_385, %swap3A_386], %mul3A_384 {strides = array<i32>} : memref<80x128xf32, #tpu.memory_space<vmem>>, vector<16xf32>,
            %get3A_388 = arith.index_cast %add3A_357 : i32 to index
            %get3A_389 = arith.constant 64 : index
            %get3A_390 = tpu.vector_load %arg19[%get3A_388, %get3A_389] {strides = array<i32>} : memref<80x128xf32, #tpu.memory_space<vmem>>, vector<16xf32>,
            %mul3A_391 = arith.mulf %get3A_390, %gather3A_359 : vector<16xf32>
            %swap3A_392 = arith.index_cast %add3A_357 : i32 to index
            %swap3A_393 = arith.constant 64 : index
            %swap3A_394 = tpu.vector_load %arg19[%swap3A_392, %swap3A_393] {strides = array<i32>} : memref<80x128xf32, #tpu.memory_space<vmem>>, vector<16xf32>,
            tpu.vector_store %arg19[%swap3A_392, %swap3A_393], %mul3A_391 {strides = array<i32>} : memref<80x128xf32, #tpu.memory_space<vmem>>, vector<16xf32>,
            %get3A_395 = arith.index_cast %add3A_357 : i32 to index
            %get3A_396 = arith.constant 80 : index
            %get3A_397 = tpu.vector_load %arg19[%get3A_395, %get3A_396] {strides = array<i32>} : memref<80x128xf32, #tpu.memory_space<vmem>>, vector<16xf32>,
            %mul3A_398 = arith.mulf %get3A_397, %gather3A_359 : vector<16xf32>
            %swap3A_399 = arith.index_cast %add3A_357 : i32 to index
            %swap3A_400 = arith.constant 80 : index
            %swap3A_401 = tpu.vector_load %arg19[%swap3A_399, %swap3A_400] {strides = array<i32>} : memref<80x128xf32, #tpu.memory_space<vmem>>, vector<16xf32>,
            tpu.vector_store %arg19[%swap3A_399, %swap3A_400], %mul3A_398 {strides = array<i32>} : memref<80x128xf32, #tpu.memory_space<vmem>>, vector<16xf32>,
            %get3A_402 = arith.index_cast %add3A_357 : i32 to index
            %get3A_403 = arith.constant 96 : index
            %get3A_404 = tpu.vector_load %arg19[%get3A_402, %get3A_403] {strides = array<i32>} : memref<80x128xf32, #tpu.memory_space<vmem>>, vector<16xf32>,
            %mul3A_405 = arith.mulf %get3A_404, %gather3A_359 : vector<16xf32>
            %swap3A_406 = arith.index_cast %add3A_357 : i32 to index
            %swap3A_407 = arith.constant 96 : index
            %swap3A_408 = tpu.vector_load %arg19[%swap3A_406, %swap3A_407] {strides = array<i32>} : memref<80x128xf32, #tpu.memory_space<vmem>>, vector<16xf32>,
            tpu.vector_store %arg19[%swap3A_406, %swap3A_407], %mul3A_405 {strides = array<i32>} : memref<80x128xf32, #tpu.memory_space<vmem>>, vector<16xf32>,
            %get3A_409 = arith.index_cast %add3A_357 : i32 to index
            %get3A_410 = arith.constant 112 : index
            %get3A_411 = tpu.vector_load %arg19[%get3A_409, %get3A_410] {strides = array<i32>} : memref<80x128xf32, #tpu.memory_space<vmem>>, vector<16xf32>,
            %mul3A_412 = arith.mulf %get3A_411, %gather3A_359 : vector<16xf32>
            %swap3A_413 = arith.index_cast %add3A_357 : i32 to index
            %swap3A_414 = arith.constant 112 : index
            %swap3A_415 = tpu.vector_load %arg19[%swap3A_413, %swap3A_414] {strides = array<i32>} : memref<80x128xf32, #tpu.memory_space<vmem>>, vector<16xf32>,
            tpu.vector_store %arg19[%swap3A_413, %swap3A_414], %mul3A_412 {strides = array<i32>} : memref<80x128xf32, #tpu.memory_space<vmem>>, vector<16xf32>,
            %mul3A_416 = arith.constant 8 : i32
            %mul3A_417 = arith.muli %scan3A_230, %mul3A_416 : i32
            %add3A_418 = arith.constant 3 : i32
            %add3A_419 = arith.addi %mul3A_417, %add3A_418 : i32
            %broadcast_in_dim3A_420 = vector.broadcast %add3A_419 : i32 to vector<16xi32>
            %gather3A_421 = tpu.vector_load_idx %arg17[%broadcast_in_dim3A_420] : memref<80xf32, #tpu.memory_space<vmem>>[vector<16xi32>], vector<16xf32>,
            %get3A_422 = arith.index_cast %add3A_419 : i32 to index
            %get3A_423 = arith.constant 0 : index
            %get3A_424 = tpu.vector_load %arg19[%get3A_422, %get3A_423] {strides = array<i32>} : memref<80x128xf32, #tpu.memory_space<vmem>>, vector<16xf32>,
            %mul3A_425 = arith.mulf %get3A_424, %gather3A_421 : vector<16xf32>
            %swap3A_426 = arith.index_cast %add3A_419 : i32 to index
            %swap3A_427 = arith.constant 0 : index
            %swap3A_428 = tpu.vector_load %arg19[%swap3A_426, %swap3A_427] {strides = array<i32>} : memref<80x128xf32, #tpu.memory_space<vmem>>, vector<16xf32>,
            tpu.vector_store %arg19[%swap3A_426, %swap3A_427], %mul3A_425 {strides = array<i32>} : memref<80x128xf32, #tpu.memory_space<vmem>>, vector<16xf32>,
            %get3A_429 = arith.index_cast %add3A_419 : i32 to index
            %get3A_430 = arith.constant 16 : index
            %get3A_431 = tpu.vector_load %arg19[%get3A_429, %get3A_430] {strides = array<i32>} : memref<80x128xf32, #tpu.memory_space<vmem>>, vector<16xf32>,
            %mul3A_432 = arith.mulf %get3A_431, %gather3A_421 : vector<16xf32>
            %swap3A_433 = arith.index_cast %add3A_419 : i32 to index
            %swap3A_434 = arith.constant 16 : index
            %swap3A_435 = tpu.vector_load %arg19[%swap3A_433, %swap3A_434] {strides = array<i32>} : memref<80x128xf32, #tpu.memory_space<vmem>>, vector<16xf32>,
            tpu.vector_store %arg19[%swap3A_433, %swap3A_434], %mul3A_432 {strides = array<i32>} : memref<80x128xf32, #tpu.memory_space<vmem>>, vector<16xf32>,
            %get3A_436 = arith.index_cast %add3A_419 : i32 to index
            %get3A_437 = arith.constant 32 : index
            %get3A_438 = tpu.vector_load %arg19[%get3A_436, %get3A_437] {strides = array<i32>} : memref<80x128xf32, #tpu.memory_space<vmem>>, vector<16xf32>,
            %mul3A_439 = arith.mulf %get3A_438, %gather3A_421 : vector<16xf32>
            %swap3A_440 = arith.index_cast %add3A_419 : i32 to index
            %swap3A_441 = arith.constant 32 : index
            %swap3A_442 = tpu.vector_load %arg19[%swap3A_440, %swap3A_441] {strides = array<i32>} : memref<80x128xf32, #tpu.memory_space<vmem>>, vector<16xf32>,
            tpu.vector_store %arg19[%swap3A_440, %swap3A_441], %mul3A_439 {strides = array<i32>} : memref<80x128xf32, #tpu.memory_space<vmem>>, vector<16xf32>,
            %get3A_443 = arith.index_cast %add3A_419 : i32 to index
            %get3A_444 = arith.constant 48 : index
            %get3A_445 = tpu.vector_load %arg19[%get3A_443, %get3A_444] {strides = array<i32>} : memref<80x128xf32, #tpu.memory_space<vmem>>, vector<16xf32>,
            %mul3A_446 = arith.mulf %get3A_445, %gather3A_421 : vector<16xf32>
            %swap3A_447 = arith.index_cast %add3A_419 : i32 to index
            %swap3A_448 = arith.constant 48 : index
            %swap3A_449 = tpu.vector_load %arg19[%swap3A_447, %swap3A_448] {strides = array<i32>} : memref<80x128xf32, #tpu.memory_space<vmem>>, vector<16xf32>,
            tpu.vector_store %arg19[%swap3A_447, %swap3A_448], %mul3A_446 {strides = array<i32>} : memref<80x128xf32, #tpu.memory_space<vmem>>, vector<16xf32>,
            %get3A_450 = arith.index_cast %add3A_419 : i32 to index
            %get3A_451 = arith.constant 64 : index
            %get3A_452 = tpu.vector_load %arg19[%get3A_450, %get3A_451] {strides = array<i32>} : memref<80x128xf32, #tpu.memory_space<vmem>>, vector<16xf32>,
            %mul3A_453 = arith.mulf %get3A_452, %gather3A_421 : vector<16xf32>
            %swap3A_454 = arith.index_cast %add3A_419 : i32 to index
            %swap3A_455 = arith.constant 64 : index
            %swap3A_456 = tpu.vector_load %arg19[%swap3A_454, %swap3A_455] {strides = array<i32>} : memref<80x128xf32, #tpu.memory_space<vmem>>, vector<16xf32>,
            tpu.vector_store %arg19[%swap3A_454, %swap3A_455], %mul3A_453 {strides = array<i32>} : memref<80x128xf32, #tpu.memory_space<vmem>>, vector<16xf32>,
            %get3A_457 = arith.index_cast %add3A_419 : i32 to index
            %get3A_458 = arith.constant 80 : index
            %get3A_459 = tpu.vector_load %arg19[%get3A_457, %get3A_458] {strides = array<i32>} : memref<80x128xf32, #tpu.memory_space<vmem>>, vector<16xf32>,
            %mul3A_460 = arith.mulf %get3A_459, %gather3A_421 : vector<16xf32>
            %swap3A_461 = arith.index_cast %add3A_419 : i32 to index
            %swap3A_462 = arith.constant 80 : index
            %swap3A_463 = tpu.vector_load %arg19[%swap3A_461, %swap3A_462] {strides = array<i32>} : memref<80x128xf32, #tpu.memory_space<vmem>>, vector<16xf32>,
            tpu.vector_store %arg19[%swap3A_461, %swap3A_462], %mul3A_460 {strides = array<i32>} : memref<80x128xf32, #tpu.memory_space<vmem>>, vector<16xf32>,
            %get3A_464 = arith.index_cast %add3A_419 : i32 to index
            %get3A_465 = arith.constant 96 : index
            %get3A_466 = tpu.vector_load %arg19[%get3A_464, %get3A_465] {strides = array<i32>} : memref<80x128xf32, #tpu.memory_space<vmem>>, vector<16xf32>,
            %mul3A_467 = arith.mulf %get3A_466, %gather3A_421 : vector<16xf32>
            %swap3A_468 = arith.index_cast %add3A_419 : i32 to index
            %swap3A_469 = arith.constant 96 : index
            %swap3A_470 = tpu.vector_load %arg19[%swap3A_468, %swap3A_469] {strides = array<i32>} : memref<80x128xf32, #tpu.memory_space<vmem>>, vector<16xf32>,
            tpu.vector_store %arg19[%swap3A_468, %swap3A_469], %mul3A_467 {strides = array<i32>} : memref<80x128xf32, #tpu.memory_space<vmem>>, vector<16xf32>,
            %get3A_471 = arith.index_cast %add3A_419 : i32 to index
            %get3A_472 = arith.constant 112 : index
            %get3A_473 = tpu.vector_load %arg19[%get3A_471, %get3A_472] {strides = array<i32>} : memref<80x128xf32, #tpu.memory_space<vmem>>, vector<16xf32>,
            %mul3A_474 = arith.mulf %get3A_473, %gather3A_421 : vector<16xf32>
            %swap3A_475 = arith.index_cast %add3A_419 : i32 to index
            %swap3A_476 = arith.constant 112 : index
            %swap3A_477 = tpu.vector_load %arg19[%swap3A_475, %swap3A_476] {strides = array<i32>} : memref<80x128xf32, #tpu.memory_space<vmem>>, vector<16xf32>,
            tpu.vector_store %arg19[%swap3A_475, %swap3A_476], %mul3A_474 {strides = array<i32>} : memref<80x128xf32, #tpu.memory_space<vmem>>, vector<16xf32>,
            %mul3A_478 = arith.constant 8 : i32
            %mul3A_479 = arith.muli %scan3A_230, %mul3A_478 : i32
            %add3A_480 = arith.constant 4 : i32
            %add3A_481 = arith.addi %mul3A_479, %add3A_480 : i32
            %broadcast_in_dim3A_482 = vector.broadcast %add3A_481 : i32 to vector<16xi32>
            %gather3A_483 = tpu.vector_load_idx %arg17[%broadcast_in_dim3A_482] : memref<80xf32, #tpu.memory_space<vmem>>[vector<16xi32>], vector<16xf32>,
            %get3A_484 = arith.index_cast %add3A_481 : i32 to index
            %get3A_485 = arith.constant 0 : index
            %get3A_486 = tpu.vector_load %arg19[%get3A_484, %get3A_485] {strides = array<i32>} : memref<80x128xf32, #tpu.memory_space<vmem>>, vector<16xf32>,
            %mul3A_487 = arith.mulf %get3A_486, %gather3A_483 : vector<16xf32>
            %swap3A_488 = arith.index_cast %add3A_481 : i32 to index
            %swap3A_489 = arith.constant 0 : index
            %swap3A_490 = tpu.vector_load %arg19[%swap3A_488, %swap3A_489] {strides = array<i32>} : memref<80x128xf32, #tpu.memory_space<vmem>>, vector<16xf32>,
            tpu.vector_store %arg19[%swap3A_488, %swap3A_489], %mul3A_487 {strides = array<i32>} : memref<80x128xf32, #tpu.memory_space<vmem>>, vector<16xf32>,
            %get3A_491 = arith.index_cast %add3A_481 : i32 to index
            %get3A_492 = arith.constant 16 : index
            %get3A_493 = tpu.vector_load %arg19[%get3A_491, %get3A_492] {strides = array<i32>} : memref<80x128xf32, #tpu.memory_space<vmem>>, vector<16xf32>,
            %mul3A_494 = arith.mulf %get3A_493, %gather3A_483 : vector<16xf32>
            %swap3A_495 = arith.index_cast %add3A_481 : i32 to index
            %swap3A_496 = arith.constant 16 : index
            %swap3A_497 = tpu.vector_load %arg19[%swap3A_495, %swap3A_496] {strides = array<i32>} : memref<80x128xf32, #tpu.memory_space<vmem>>, vector<16xf32>,
            tpu.vector_store %arg19[%swap3A_495, %swap3A_496], %mul3A_494 {strides = array<i32>} : memref<80x128xf32, #tpu.memory_space<vmem>>, vector<16xf32>,
            %get3A_498 = arith.index_cast %add3A_481 : i32 to index
            %get3A_499 = arith.constant 32 : index
            %get3A_500 = tpu.vector_load %arg19[%get3A_498, %get3A_499] {strides = array<i32>} : memref<80x128xf32, #tpu.memory_space<vmem>>, vector<16xf32>,
            %mul3A_501 = arith.mulf %get3A_500, %gather3A_483 : vector<16xf32>
            %swap3A_502 = arith.index_cast %add3A_481 : i32 to index
            %swap3A_503 = arith.constant 32 : index
            %swap3A_504 = tpu.vector_load %arg19[%swap3A_502, %swap3A_503] {strides = array<i32>} : memref<80x128xf32, #tpu.memory_space<vmem>>, vector<16xf32>,
            tpu.vector_store %arg19[%swap3A_502, %swap3A_503], %mul3A_501 {strides = array<i32>} : memref<80x128xf32, #tpu.memory_space<vmem>>, vector<16xf32>,
            %get3A_505 = arith.index_cast %add3A_481 : i32 to index
            %get3A_506 = arith.constant 48 : index
            %get3A_507 = tpu.vector_load %arg19[%get3A_505, %get3A_506] {strides = array<i32>} : memref<80x128xf32, #tpu.memory_space<vmem>>, vector<16xf32>,
            %mul3A_508 = arith.mulf %get3A_507, %gather3A_483 : vector<16xf32>
            %swap3A_509 = arith.index_cast %add3A_481 : i32 to index
            %swap3A_510 = arith.constant 48 : index
            %swap3A_511 = tpu.vector_load %arg19[%swap3A_509, %swap3A_510] {strides = array<i32>} : memref<80x128xf32, #tpu.memory_space<vmem>>, vector<16xf32>,
            tpu.vector_store %arg19[%swap3A_509, %swap3A_510], %mul3A_508 {strides = array<i32>} : memref<80x128xf32, #tpu.memory_space<vmem>>, vector<16xf32>,
            %get3A_512 = arith.index_cast %add3A_481 : i32 to index
            %get3A_513 = arith.constant 64 : index
            %get3A_514 = tpu.vector_load %arg19[%get3A_512, %get3A_513] {strides = array<i32>} : memref<80x128xf32, #tpu.memory_space<vmem>>, vector<16xf32>,
            %mul3A_515 = arith.mulf %get3A_514, %gather3A_483 : vector<16xf32>
            %swap3A_516 = arith.index_cast %add3A_481 : i32 to index
            %swap3A_517 = arith.constant 64 : index
            %swap3A_518 = tpu.vector_load %arg19[%swap3A_516, %swap3A_517] {strides = array<i32>} : memref<80x128xf32, #tpu.memory_space<vmem>>, vector<16xf32>,
            tpu.vector_store %arg19[%swap3A_516, %swap3A_517], %mul3A_515 {strides = array<i32>} : memref<80x128xf32, #tpu.memory_space<vmem>>, vector<16xf32>,
            %get3A_519 = arith.index_cast %add3A_481 : i32 to index
            %get3A_520 = arith.constant 80 : index
            %get3A_521 = tpu.vector_load %arg19[%get3A_519, %get3A_520] {strides = array<i32>} : memref<80x128xf32, #tpu.memory_space<vmem>>, vector<16xf32>,
            %mul3A_522 = arith.mulf %get3A_521, %gather3A_483 : vector<16xf32>
            %swap3A_523 = arith.index_cast %add3A_481 : i32 to index
            %swap3A_524 = arith.constant 80 : index
            %swap3A_525 = tpu.vector_load %arg19[%swap3A_523, %swap3A_524] {strides = array<i32>} : memref<80x128xf32, #tpu.memory_space<vmem>>, vector<16xf32>,
            tpu.vector_store %arg19[%swap3A_523, %swap3A_524], %mul3A_522 {strides = array<i32>} : memref<80x128xf32, #tpu.memory_space<vmem>>, vector<16xf32>,
            %get3A_526 = arith.index_cast %add3A_481 : i32 to index
            %get3A_527 = arith.constant 96 : index
            %get3A_528 = tpu.vector_load %arg19[%get3A_526, %get3A_527] {strides = array<i32>} : memref<80x128xf32, #tpu.memory_space<vmem>>, vector<16xf32>,
            %mul3A_529 = arith.mulf %get3A_528, %gather3A_483 : vector<16xf32>
            %swap3A_530 = arith.index_cast %add3A_481 : i32 to index
            %swap3A_531 = arith.constant 96 : index
            %swap3A_532 = tpu.vector_load %arg19[%swap3A_530, %swap3A_531] {strides = array<i32>} : memref<80x128xf32, #tpu.memory_space<vmem>>, vector<16xf32>,
            tpu.vector_store %arg19[%swap3A_530, %swap3A_531], %mul3A_529 {strides = array<i32>} : memref<80x128xf32, #tpu.memory_space<vmem>>, vector<16xf32>,
            %get3A_533 = arith.index_cast %add3A_481 : i32 to index
            %get3A_534 = arith.constant 112 : index
            %get3A_535 = tpu.vector_load %arg19[%get3A_533, %get3A_534] {strides = array<i32>} : memref<80x128xf32, #tpu.memory_space<vmem>>, vector<16xf32>,
            %mul3A_536 = arith.mulf %get3A_535, %gather3A_483 : vector<16xf32>
            %swap3A_537 = arith.index_cast %add3A_481 : i32 to index
            %swap3A_538 = arith.constant 112 : index
            %swap3A_539 = tpu.vector_load %arg19[%swap3A_537, %swap3A_538] {strides = array<i32>} : memref<80x128xf32, #tpu.memory_space<vmem>>, vector<16xf32>,
            tpu.vector_store %arg19[%swap3A_537, %swap3A_538], %mul3A_536 {strides = array<i32>} : memref<80x128xf32, #tpu.memory_space<vmem>>, vector<16xf32>,
            %mul3A_540 = arith.constant 8 : i32
            %mul3A_541 = arith.muli %scan3A_230, %mul3A_540 : i32
            %add3A_542 = arith.constant 5 : i32
            %add3A_543 = arith.addi %mul3A_541, %add3A_542 : i32
            %broadcast_in_dim3A_544 = vector.broadcast %add3A_543 : i32 to vector<16xi32>
            %gather3A_545 = tpu.vector_load_idx %arg17[%broadcast_in_dim3A_544] : memref<80xf32, #tpu.memory_space<vmem>>[vector<16xi32>], vector<16xf32>,
            %get3A_546 = arith.index_cast %add3A_543 : i32 to index
            %get3A_547 = arith.constant 0 : index
            %get3A_548 = tpu.vector_load %arg19[%get3A_546, %get3A_547] {strides = array<i32>} : memref<80x128xf32, #tpu.memory_space<vmem>>, vector<16xf32>,
            %mul3A_549 = arith.mulf %get3A_548, %gather3A_545 : vector<16xf32>
            %swap3A_550 = arith.index_cast %add3A_543 : i32 to index
            %swap3A_551 = arith.constant 0 : index
            %swap3A_552 = tpu.vector_load %arg19[%swap3A_550, %swap3A_551] {strides = array<i32>} : memref<80x128xf32, #tpu.memory_space<vmem>>, vector<16xf32>,
            tpu.vector_store %arg19[%swap3A_550, %swap3A_551], %mul3A_549 {strides = array<i32>} : memref<80x128xf32, #tpu.memory_space<vmem>>, vector<16xf32>,
            %get3A_553 = arith.index_cast %add3A_543 : i32 to index
            %get3A_554 = arith.constant 16 : index
            %get3A_555 = tpu.vector_load %arg19[%get3A_553, %get3A_554] {strides = array<i32>} : memref<80x128xf32, #tpu.memory_space<vmem>>, vector<16xf32>,
            %mul3A_556 = arith.mulf %get3A_555, %gather3A_545 : vector<16xf32>
            %swap3A_557 = arith.index_cast %add3A_543 : i32 to index
            %swap3A_558 = arith.constant 16 : index
            %swap3A_559 = tpu.vector_load %arg19[%swap3A_557, %swap3A_558] {strides = array<i32>} : memref<80x128xf32, #tpu.memory_space<vmem>>, vector<16xf32>,
            tpu.vector_store %arg19[%swap3A_557, %swap3A_558], %mul3A_556 {strides = array<i32>} : memref<80x128xf32, #tpu.memory_space<vmem>>, vector<16xf32>,
            %get3A_560 = arith.index_cast %add3A_543 : i32 to index
            %get3A_561 = arith.constant 32 : index
            %get3A_562 = tpu.vector_load %arg19[%get3A_560, %get3A_561] {strides = array<i32>} : memref<80x128xf32, #tpu.memory_space<vmem>>, vector<16xf32>,
            %mul3A_563 = arith.mulf %get3A_562, %gather3A_545 : vector<16xf32>
            %swap3A_564 = arith.index_cast %add3A_543 : i32 to index
            %swap3A_565 = arith.constant 32 : index
            %swap3A_566 = tpu.vector_load %arg19[%swap3A_564, %swap3A_565] {strides = array<i32>} : memref<80x128xf32, #tpu.memory_space<vmem>>, vector<16xf32>,
            tpu.vector_store %arg19[%swap3A_564, %swap3A_565], %mul3A_563 {strides = array<i32>} : memref<80x128xf32, #tpu.memory_space<vmem>>, vector<16xf32>,
            %get3A_567 = arith.index_cast %add3A_543 : i32 to index
            %get3A_568 = arith.constant 48 : index
            %get3A_569 = tpu.vector_load %arg19[%get3A_567, %get3A_568] {strides = array<i32>} : memref<80x128xf32, #tpu.memory_space<vmem>>, vector<16xf32>,
            %mul3A_570 = arith.mulf %get3A_569, %gather3A_545 : vector<16xf32>
            %swap3A_571 = arith.index_cast %add3A_543 : i32 to index
            %swap3A_572 = arith.constant 48 : index
            %swap3A_573 = tpu.vector_load %arg19[%swap3A_571, %swap3A_572] {strides = array<i32>} : memref<80x128xf32, #tpu.memory_space<vmem>>, vector<16xf32>,
            tpu.vector_store %arg19[%swap3A_571, %swap3A_572], %mul3A_570 {strides = array<i32>} : memref<80x128xf32, #tpu.memory_space<vmem>>, vector<16xf32>,
            %get3A_574 = arith.index_cast %add3A_543 : i32 to index
            %get3A_575 = arith.constant 64 : index
            %get3A_576 = tpu.vector_load %arg19[%get3A_574, %get3A_575] {strides = array<i32>} : memref<80x128xf32, #tpu.memory_space<vmem>>, vector<16xf32>,
            %mul3A_577 = arith.mulf %get3A_576, %gather3A_545 : vector<16xf32>
            %swap3A_578 = arith.index_cast %add3A_543 : i32 to index
            %swap3A_579 = arith.constant 64 : index
            %swap3A_580 = tpu.vector_load %arg19[%swap3A_578, %swap3A_579] {strides = array<i32>} : memref<80x128xf32, #tpu.memory_space<vmem>>, vector<16xf32>,
            tpu.vector_store %arg19[%swap3A_578, %swap3A_579], %mul3A_577 {strides = array<i32>} : memref<80x128xf32, #tpu.memory_space<vmem>>, vector<16xf32>,
            %get3A_581 = arith.index_cast %add3A_543 : i32 to index
            %get3A_582 = arith.constant 80 : index
            %get3A_583 = tpu.vector_load %arg19[%get3A_581, %get3A_582] {strides = array<i32>} : memref<80x128xf32, #tpu.memory_space<vmem>>, vector<16xf32>,
            %mul3A_584 = arith.mulf %get3A_583, %gather3A_545 : vector<16xf32>
            %swap3A_585 = arith.index_cast %add3A_543 : i32 to index
            %swap3A_586 = arith.constant 80 : index
            %swap3A_587 = tpu.vector_load %arg19[%swap3A_585, %swap3A_586] {strides = array<i32>} : memref<80x128xf32, #tpu.memory_space<vmem>>, vector<16xf32>,
            tpu.vector_store %arg19[%swap3A_585, %swap3A_586], %mul3A_584 {strides = array<i32>} : memref<80x128xf32, #tpu.memory_space<vmem>>, vector<16xf32>,
            %get3A_588 = arith.index_cast %add3A_543 : i32 to index
            %get3A_589 = arith.constant 96 : index
            %get3A_590 = tpu.vector_load %arg19[%get3A_588, %get3A_589] {strides = array<i32>} : memref<80x128xf32, #tpu.memory_space<vmem>>, vector<16xf32>,
            %mul3A_591 = arith.mulf %get3A_590, %gather3A_545 : vector<16xf32>
            %swap3A_592 = arith.index_cast %add3A_543 : i32 to index
            %swap3A_593 = arith.constant 96 : index
            %swap3A_594 = tpu.vector_load %arg19[%swap3A_592, %swap3A_593] {strides = array<i32>} : memref<80x128xf32, #tpu.memory_space<vmem>>, vector<16xf32>,
            tpu.vector_store %arg19[%swap3A_592, %swap3A_593], %mul3A_591 {strides = array<i32>} : memref<80x128xf32, #tpu.memory_space<vmem>>, vector<16xf32>,
            %get3A_595 = arith.index_cast %add3A_543 : i32 to index
            %get3A_596 = arith.constant 112 : index
            %get3A_597 = tpu.vector_load %arg19[%get3A_595, %get3A_596] {strides = array<i32>} : memref<80x128xf32, #tpu.memory_space<vmem>>, vector<16xf32>,
            %mul3A_598 = arith.mulf %get3A_597, %gather3A_545 : vector<16xf32>
            %swap3A_599 = arith.index_cast %add3A_543 : i32 to index
            %swap3A_600 = arith.constant 112 : index
            %swap3A_601 = tpu.vector_load %arg19[%swap3A_599, %swap3A_600] {strides = array<i32>} : memref<80x128xf32, #tpu.memory_space<vmem>>, vector<16xf32>,
            tpu.vector_store %arg19[%swap3A_599, %swap3A_600], %mul3A_598 {strides = array<i32>} : memref<80x128xf32, #tpu.memory_space<vmem>>, vector<16xf32>,
            %mul3A_602 = arith.constant 8 : i32
            %mul3A_603 = arith.muli %scan3A_230, %mul3A_602 : i32
            %add3A_604 = arith.constant 6 : i32
            %add3A_605 = arith.addi %mul3A_603, %add3A_604 : i32
            %broadcast_in_dim3A_606 = vector.broadcast %add3A_605 : i32 to vector<16xi32>
            %gather3A_607 = tpu.vector_load_idx %arg17[%broadcast_in_dim3A_606] : memref<80xf32, #tpu.memory_space<vmem>>[vector<16xi32>], vector<16xf32>,
            %get3A_608 = arith.index_cast %add3A_605 : i32 to index
            %get3A_609 = arith.constant 0 : index
            %get3A_610 = tpu.vector_load %arg19[%get3A_608, %get3A_609] {strides = array<i32>} : memref<80x128xf32, #tpu.memory_space<vmem>>, vector<16xf32>,
            %mul3A_611 = arith.mulf %get3A_610, %gather3A_607 : vector<16xf32>
            %swap3A_612 = arith.index_cast %add3A_605 : i32 to index
            %swap3A_613 = arith.constant 0 : index
            %swap3A_614 = tpu.vector_load %arg19[%swap3A_612, %swap3A_613] {strides = array<i32>} : memref<80x128xf32, #tpu.memory_space<vmem>>, vector<16xf32>,
            tpu.vector_store %arg19[%swap3A_612, %swap3A_613], %mul3A_611 {strides = array<i32>} : memref<80x128xf32, #tpu.memory_space<vmem>>, vector<16xf32>,
            %get3A_615 = arith.index_cast %add3A_605 : i32 to index
            %get3A_616 = arith.constant 16 : index
            %get3A_617 = tpu.vector_load %arg19[%get3A_615, %get3A_616] {strides = array<i32>} : memref<80x128xf32, #tpu.memory_space<vmem>>, vector<16xf32>,
            %mul3A_618 = arith.mulf %get3A_617, %gather3A_607 : vector<16xf32>
            %swap3A_619 = arith.index_cast %add3A_605 : i32 to index
            %swap3A_620 = arith.constant 16 : index
            %swap3A_621 = tpu.vector_load %arg19[%swap3A_619, %swap3A_620] {strides = array<i32>} : memref<80x128xf32, #tpu.memory_space<vmem>>, vector<16xf32>,
            tpu.vector_store %arg19[%swap3A_619, %swap3A_620], %mul3A_618 {strides = array<i32>} : memref<80x128xf32, #tpu.memory_space<vmem>>, vector<16xf32>,
            %get3A_622 = arith.index_cast %add3A_605 : i32 to index
            %get3A_623 = arith.constant 32 : index
            %get3A_624 = tpu.vector_load %arg19[%get3A_622, %get3A_623] {strides = array<i32>} : memref<80x128xf32, #tpu.memory_space<vmem>>, vector<16xf32>,
            %mul3A_625 = arith.mulf %get3A_624, %gather3A_607 : vector<16xf32>
            %swap3A_626 = arith.index_cast %add3A_605 : i32 to index
            %swap3A_627 = arith.constant 32 : index
            %swap3A_628 = tpu.vector_load %arg19[%swap3A_626, %swap3A_627] {strides = array<i32>} : memref<80x128xf32, #tpu.memory_space<vmem>>, vector<16xf32>,
            tpu.vector_store %arg19[%swap3A_626, %swap3A_627], %mul3A_625 {strides = array<i32>} : memref<80x128xf32, #tpu.memory_space<vmem>>, vector<16xf32>,
            %get3A_629 = arith.index_cast %add3A_605 : i32 to index
            %get3A_630 = arith.constant 48 : index
            %get3A_631 = tpu.vector_load %arg19[%get3A_629, %get3A_630] {strides = array<i32>} : memref<80x128xf32, #tpu.memory_space<vmem>>, vector<16xf32>,
            %mul3A_632 = arith.mulf %get3A_631, %gather3A_607 : vector<16xf32>
            %swap3A_633 = arith.index_cast %add3A_605 : i32 to index
            %swap3A_634 = arith.constant 48 : index
            %swap3A_635 = tpu.vector_load %arg19[%swap3A_633, %swap3A_634] {strides = array<i32>} : memref<80x128xf32, #tpu.memory_space<vmem>>, vector<16xf32>,
            tpu.vector_store %arg19[%swap3A_633, %swap3A_634], %mul3A_632 {strides = array<i32>} : memref<80x128xf32, #tpu.memory_space<vmem>>, vector<16xf32>,
            %get3A_636 = arith.index_cast %add3A_605 : i32 to index
            %get3A_637 = arith.constant 64 : index
            %get3A_638 = tpu.vector_load %arg19[%get3A_636, %get3A_637] {strides = array<i32>} : memref<80x128xf32, #tpu.memory_space<vmem>>, vector<16xf32>,
            %mul3A_639 = arith.mulf %get3A_638, %gather3A_607 : vector<16xf32>
            %swap3A_640 = arith.index_cast %add3A_605 : i32 to index
            %swap3A_641 = arith.constant 64 : index
            %swap3A_642 = tpu.vector_load %arg19[%swap3A_640, %swap3A_641] {strides = array<i32>} : memref<80x128xf32, #tpu.memory_space<vmem>>, vector<16xf32>,
            tpu.vector_store %arg19[%swap3A_640, %swap3A_641], %mul3A_639 {strides = array<i32>} : memref<80x128xf32, #tpu.memory_space<vmem>>, vector<16xf32>,
            %get3A_643 = arith.index_cast %add3A_605 : i32 to index
            %get3A_644 = arith.constant 80 : index
            %get3A_645 = tpu.vector_load %arg19[%get3A_643, %get3A_644] {strides = array<i32>} : memref<80x128xf32, #tpu.memory_space<vmem>>, vector<16xf32>,
            %mul3A_646 = arith.mulf %get3A_645, %gather3A_607 : vector<16xf32>
            %swap3A_647 = arith.index_cast %add3A_605 : i32 to index
            %swap3A_648 = arith.constant 80 : index
            %swap3A_649 = tpu.vector_load %arg19[%swap3A_647, %swap3A_648] {strides = array<i32>} : memref<80x128xf32, #tpu.memory_space<vmem>>, vector<16xf32>,
            tpu.vector_store %arg19[%swap3A_647, %swap3A_648], %mul3A_646 {strides = array<i32>} : memref<80x128xf32, #tpu.memory_space<vmem>>, vector<16xf32>,
            %get3A_650 = arith.index_cast %add3A_605 : i32 to index
            %get3A_651 = arith.constant 96 : index
            %get3A_652 = tpu.vector_load %arg19[%get3A_650, %get3A_651] {strides = array<i32>} : memref<80x128xf32, #tpu.memory_space<vmem>>, vector<16xf32>,
            %mul3A_653 = arith.mulf %get3A_652, %gather3A_607 : vector<16xf32>
            %swap3A_654 = arith.index_cast %add3A_605 : i32 to index
            %swap3A_655 = arith.constant 96 : index
            %swap3A_656 = tpu.vector_load %arg19[%swap3A_654, %swap3A_655] {strides = array<i32>} : memref<80x128xf32, #tpu.memory_space<vmem>>, vector<16xf32>,
            tpu.vector_store %arg19[%swap3A_654, %swap3A_655], %mul3A_653 {strides = array<i32>} : memref<80x128xf32, #tpu.memory_space<vmem>>, vector<16xf32>,
            %get3A_657 = arith.index_cast %add3A_605 : i32 to index
            %get3A_658 = arith.constant 112 : index
            %get3A_659 = tpu.vector_load %arg19[%get3A_657, %get3A_658] {strides = array<i32>} : memref<80x128xf32, #tpu.memory_space<vmem>>, vector<16xf32>,
            %mul3A_660 = arith.mulf %get3A_659, %gather3A_607 : vector<16xf32>
            %swap3A_661 = arith.index_cast %add3A_605 : i32 to index
            %swap3A_662 = arith.constant 112 : index
            %swap3A_663 = tpu.vector_load %arg19[%swap3A_661, %swap3A_662] {strides = array<i32>} : memref<80x128xf32, #tpu.memory_space<vmem>>, vector<16xf32>,
            tpu.vector_store %arg19[%swap3A_661, %swap3A_662], %mul3A_660 {strides = array<i32>} : memref<80x128xf32, #tpu.memory_space<vmem>>, vector<16xf32>,
            %mul3A_664 = arith.constant 8 : i32
            %mul3A_665 = arith.muli %scan3A_230, %mul3A_664 : i32
            %add3A_666 = arith.constant 7 : i32
            %add3A_667 = arith.addi %mul3A_665, %add3A_666 : i32
            %broadcast_in_dim3A_668 = vector.broadcast %add3A_667 : i32 to vector<16xi32>
            %gather3A_669 = tpu.vector_load_idx %arg17[%broadcast_in_dim3A_668] : memref<80xf32, #tpu.memory_space<vmem>>[vector<16xi32>], vector<16xf32>,
            %get3A_670 = arith.index_cast %add3A_667 : i32 to index
            %get3A_671 = arith.constant 0 : index
            %get3A_672 = tpu.vector_load %arg19[%get3A_670, %get3A_671] {strides = array<i32>} : memref<80x128xf32, #tpu.memory_space<vmem>>, vector<16xf32>,
            %mul3A_673 = arith.mulf %get3A_672, %gather3A_669 : vector<16xf32>
            %swap3A_674 = arith.index_cast %add3A_667 : i32 to index
            %swap3A_675 = arith.constant 0 : index
            %swap3A_676 = tpu.vector_load %arg19[%swap3A_674, %swap3A_675] {strides = array<i32>} : memref<80x128xf32, #tpu.memory_space<vmem>>, vector<16xf32>,
            tpu.vector_store %arg19[%swap3A_674, %swap3A_675], %mul3A_673 {strides = array<i32>} : memref<80x128xf32, #tpu.memory_space<vmem>>, vector<16xf32>,
            %get3A_677 = arith.index_cast %add3A_667 : i32 to index
            %get3A_678 = arith.constant 16 : index
            %get3A_679 = tpu.vector_load %arg19[%get3A_677, %get3A_678] {strides = array<i32>} : memref<80x128xf32, #tpu.memory_space<vmem>>, vector<16xf32>,
            %mul3A_680 = arith.mulf %get3A_679, %gather3A_669 : vector<16xf32>
            %swap3A_681 = arith.index_cast %add3A_667 : i32 to index
            %swap3A_682 = arith.constant 16 : index
            %swap3A_683 = tpu.vector_load %arg19[%swap3A_681, %swap3A_682] {strides = array<i32>} : memref<80x128xf32, #tpu.memory_space<vmem>>, vector<16xf32>,
            tpu.vector_store %arg19[%swap3A_681, %swap3A_682], %mul3A_680 {strides = array<i32>} : memref<80x128xf32, #tpu.memory_space<vmem>>, vector<16xf32>,
            %get3A_684 = arith.index_cast %add3A_667 : i32 to index
            %get3A_685 = arith.constant 32 : index
            %get3A_686 = tpu.vector_load %arg19[%get3A_684, %get3A_685] {strides = array<i32>} : memref<80x128xf32, #tpu.memory_space<vmem>>, vector<16xf32>,
            %mul3A_687 = arith.mulf %get3A_686, %gather3A_669 : vector<16xf32>
            %swap3A_688 = arith.index_cast %add3A_667 : i32 to index
            %swap3A_689 = arith.constant 32 : index
            %swap3A_690 = tpu.vector_load %arg19[%swap3A_688, %swap3A_689] {strides = array<i32>} : memref<80x128xf32, #tpu.memory_space<vmem>>, vector<16xf32>,
            tpu.vector_store %arg19[%swap3A_688, %swap3A_689], %mul3A_687 {strides = array<i32>} : memref<80x128xf32, #tpu.memory_space<vmem>>, vector<16xf32>,
            %get3A_691 = arith.index_cast %add3A_667 : i32 to index
            %get3A_692 = arith.constant 48 : index
            %get3A_693 = tpu.vector_load %arg19[%get3A_691, %get3A_692] {strides = array<i32>} : memref<80x128xf32, #tpu.memory_space<vmem>>, vector<16xf32>,
            %mul3A_694 = arith.mulf %get3A_693, %gather3A_669 : vector<16xf32>
            %swap3A_695 = arith.index_cast %add3A_667 : i32 to index
            %swap3A_696 = arith.constant 48 : index
            %swap3A_697 = tpu.vector_load %arg19[%swap3A_695, %swap3A_696] {strides = array<i32>} : memref<80x128xf32, #tpu.memory_space<vmem>>, vector<16xf32>,
            tpu.vector_store %arg19[%swap3A_695, %swap3A_696], %mul3A_694 {strides = array<i32>} : memref<80x128xf32, #tpu.memory_space<vmem>>, vector<16xf32>,
            %get3A_698 = arith.index_cast %add3A_667 : i32 to index
            %get3A_699 = arith.constant 64 : index
            %get3A_700 = tpu.vector_load %arg19[%get3A_698, %get3A_699] {strides = array<i32>} : memref<80x128xf32, #tpu.memory_space<vmem>>, vector<16xf32>,
            %mul3A_701 = arith.mulf %get3A_700, %gather3A_669 : vector<16xf32>
            %swap3A_702 = arith.index_cast %add3A_667 : i32 to index
            %swap3A_703 = arith.constant 64 : index
            %swap3A_704 = tpu.vector_load %arg19[%swap3A_702, %swap3A_703] {strides = array<i32>} : memref<80x128xf32, #tpu.memory_space<vmem>>, vector<16xf32>,
            tpu.vector_store %arg19[%swap3A_702, %swap3A_703], %mul3A_701 {strides = array<i32>} : memref<80x128xf32, #tpu.memory_space<vmem>>, vector<16xf32>,
            %get3A_705 = arith.index_cast %add3A_667 : i32 to index
            %get3A_706 = arith.constant 80 : index
            %get3A_707 = tpu.vector_load %arg19[%get3A_705, %get3A_706] {strides = array<i32>} : memref<80x128xf32, #tpu.memory_space<vmem>>, vector<16xf32>,
            %mul3A_708 = arith.mulf %get3A_707, %gather3A_669 : vector<16xf32>
            %swap3A_709 = arith.index_cast %add3A_667 : i32 to index
            %swap3A_710 = arith.constant 80 : index
            %swap3A_711 = tpu.vector_load %arg19[%swap3A_709, %swap3A_710] {strides = array<i32>} : memref<80x128xf32, #tpu.memory_space<vmem>>, vector<16xf32>,
            tpu.vector_store %arg19[%swap3A_709, %swap3A_710], %mul3A_708 {strides = array<i32>} : memref<80x128xf32, #tpu.memory_space<vmem>>, vector<16xf32>,
            %get3A_712 = arith.index_cast %add3A_667 : i32 to index
            %get3A_713 = arith.constant 96 : index
            %get3A_714 = tpu.vector_load %arg19[%get3A_712, %get3A_713] {strides = array<i32>} : memref<80x128xf32, #tpu.memory_space<vmem>>, vector<16xf32>,
            %mul3A_715 = arith.mulf %get3A_714, %gather3A_669 : vector<16xf32>
            %swap3A_716 = arith.index_cast %add3A_667 : i32 to index
            %swap3A_717 = arith.constant 96 : index
            %swap3A_718 = tpu.vector_load %arg19[%swap3A_716, %swap3A_717] {strides = array<i32>} : memref<80x128xf32, #tpu.memory_space<vmem>>, vector<16xf32>,
            tpu.vector_store %arg19[%swap3A_716, %swap3A_717], %mul3A_715 {strides = array<i32>} : memref<80x128xf32, #tpu.memory_space<vmem>>, vector<16xf32>,
            %get3A_719 = arith.index_cast %add3A_667 : i32 to index
            %get3A_720 = arith.constant 112 : index
            %get3A_721 = tpu.vector_load %arg19[%get3A_719, %get3A_720] {strides = array<i32>} : memref<80x128xf32, #tpu.memory_space<vmem>>, vector<16xf32>,
            %mul3A_722 = arith.mulf %get3A_721, %gather3A_669 : vector<16xf32>
            %swap3A_723 = arith.index_cast %add3A_667 : i32 to index
            %swap3A_724 = arith.constant 112 : index
            %swap3A_725 = tpu.vector_load %arg19[%swap3A_723, %swap3A_724] {strides = array<i32>} : memref<80x128xf32, #tpu.memory_space<vmem>>, vector<16xf32>,
            tpu.vector_store %arg19[%swap3A_723, %swap3A_724], %mul3A_722 {strides = array<i32>} : memref<80x128xf32, #tpu.memory_space<vmem>>, vector<16xf32>,
          }
          %scan3A_223 = arith.constant 10 : i32
          %dma_start3A_224 = arith.constant 0 : i32
          %dma_start3A_225 = tpu.memref_slice %arg12[%add3A_91, %dma_start3A_224] : memref<125x80xi32, #tpu.memory_space<vmem>> -> memref<1x80xi32, #tpu.memory_space<vmem>>
          %dma_start3A_226 = tpu.memref_squeeze %dma_start3A_225 : memref<1x80xi32, #tpu.memory_space<vmem>> -> memref<80xi32, #tpu.memory_space<vmem>>
          %dma_start3A_227 = arith.constant 0 : i32
          %dma_start3A_228 = arith.constant 0 : i32
          %dma_start3A_229 = tpu.memref_slice %arg25[%dma_start3A_227, %dma_start3A_228] : memref<10000x128xf32, #tpu.memory_space<vmem_shared>> -> memref<10000x128xf32, #tpu.memory_space<vmem_shared>>
          tpu.enqueue_indirect_dma source(%arg19 : memref<80x128xf32, #tpu.memory_space<vmem>>) target(%dma_start3A_229 : memref<10000x128xf32, #tpu.memory_space<vmem_shared>>) offsets(%dma_start3A_226 : memref<80xi32, #tpu.memory_space<vmem>>) semaphore(%arg28 : memref<!tpu.dma_semaphore, #tpu.memory_space<semaphore_mem>>) {add = true}
        } else {
        }
        %mul3A_96 = arith.constant 2 : i32
        %mul3A_97 = arith.muli %scan3A_88, %mul3A_96 : i32
        %add3A_98 = arith.constant 1 : i32
        %add3A_99 = arith.addi %mul3A_97, %add3A_98 : i32
        %lt3A_100 = arith.constant 125 : i32
        %lt3A_101 = arith.cmpi slt, %add3A_99, %lt3A_100 : i32
        %convert_element_type3A_102 = arith.extui %lt3A_101 : i1 to i32
        %cond3A_103 = arith.constant 0 : i32
        %cond3A_104 = arith.cmpi ne, %convert_element_type3A_102, %cond3A_103 : i32
        scf.if %cond3A_104 {
          %mul3A_105 = arith.constant 80 : i32
          %mul3A_106 = arith.muli %add3A_99, %mul3A_105 : i32
          %add3A_107 = arith.constant 1 : i32
          %add3A_108 = arith.addi %add3A_99, %add3A_107 : i32
          %lt3A_109 = arith.constant 125 : i32
          %lt3A_110 = arith.cmpi slt, %add3A_108, %lt3A_109 : i32
          %convert_element_type3A_111 = arith.extui %lt3A_110 : i1 to i32
          %cond3A_112 = arith.constant 0 : i32
          %cond3A_113 = arith.cmpi ne, %convert_element_type3A_111, %cond3A_112 : i32
          scf.if %cond3A_113 {
            %add3A_230 = arith.constant 1 : i32
            %add3A_231 = arith.addi %add3A_99, %add3A_230 : i32
            %mul3A_232 = arith.constant 80 : i32
            %mul3A_233 = arith.muli %add3A_231, %mul3A_232 : i32
            %dma_start3A_234 = tpu.memref_slice %arg11[%mul3A_233] : memref<10000xi32, #tpu.memory_space<vmem>> -> memref<80xi32, #tpu.memory_space<vmem>>
            %dma_start3A_235 = arith.constant 0 : i32
            %dma_start3A_236 = tpu.memref_slice %arg22[%dma_start3A_235] : memref<10240xf32, #tpu.memory_space<vmem_shared>> -> memref<10240xf32, #tpu.memory_space<vmem_shared>>
            tpu.enqueue_indirect_dma source(%dma_start3A_236 : memref<10240xf32, #tpu.memory_space<vmem_shared>>) target(%arg13 : memref<80xf32, #tpu.memory_space<vmem>>) offsets(%dma_start3A_234 : memref<80xi32, #tpu.memory_space<vmem>>) semaphore(%arg30 : memref<!tpu.dma_semaphore, #tpu.memory_space<semaphore_mem>>)
            %add3A_237 = arith.constant 1 : i32
            %add3A_238 = arith.addi %add3A_99, %add3A_237 : i32
            %dma_start3A_239 = arith.constant 0 : i32
            %dma_start3A_240 = tpu.memref_slice %arg12[%add3A_238, %dma_start3A_239] : memref<125x80xi32, #tpu.memory_space<vmem>> -> memref<1x80xi32, #tpu.memory_space<vmem>>
            %dma_start3A_241 = tpu.memref_squeeze %dma_start3A_240 : memref<1x80xi32, #tpu.memory_space<vmem>> -> memref<80xi32, #tpu.memory_space<vmem>>
            %dma_start3A_242 = arith.constant 0 : i32
            %dma_start3A_243 = tpu.memref_slice %arg23[%dma_start3A_242] : memref<10240xf32, #tpu.memory_space<vmem_shared>> -> memref<10240xf32, #tpu.memory_space<vmem_shared>>
            tpu.enqueue_indirect_dma source(%dma_start3A_243 : memref<10240xf32, #tpu.memory_space<vmem_shared>>) target(%arg15 : memref<80xf32, #tpu.memory_space<vmem>>) offsets(%dma_start3A_241 : memref<80xi32, #tpu.memory_space<vmem>>) semaphore(%arg30 : memref<!tpu.dma_semaphore, #tpu.memory_space<semaphore_mem>>)
          } else {
          }
          %ge3A = arith.constant 2 : i32
          %ge3A_114 = arith.cmpi sge, %add3A_99, %ge3A : i32
          %convert_element_type3A_115 = arith.extui %ge3A_114 : i1 to i32
          %cond3A_116 = arith.constant 0 : i32
          %cond3A_117 = arith.cmpi ne, %convert_element_type3A_115, %cond3A_116 : i32
          scf.if %cond3A_117 {
            %sub3A = arith.constant 2 : i32
            %sub3A_230 = arith.subi %add3A_99, %sub3A : i32
            %dma_wait3A_231 = arith.constant 0 : i32
            %dma_wait3A_232 = tpu.memref_slice %arg12[%sub3A_230, %dma_wait3A_231] : memref<125x80xi32, #tpu.memory_space<vmem>> -> memref<1x80xi32, #tpu.memory_space<vmem>>
            %dma_wait3A_233 = tpu.memref_squeeze %dma_wait3A_232 : memref<1x80xi32, #tpu.memory_space<vmem>> -> memref<80xi32, #tpu.memory_space<vmem>>
            %dma_wait3A_234 = arith.constant 0 : i32
            %dma_wait3A_235 = tpu.memref_slice %arg24[%dma_wait3A_234] : memref<10240xf32, #tpu.memory_space<vmem_shared>> -> memref<10240xf32, #tpu.memory_space<vmem_shared>>
            tpu.wait_indirect_dma semaphore(%arg33 : memref<!tpu.dma_semaphore, #tpu.memory_space<semaphore_mem>>) src(%arg18 : memref<80xf32, #tpu.memory_space<vmem>>) dst(%dma_wait3A_235 : memref<10240xf32, #tpu.memory_space<vmem_shared>>)
          } else {
          }
          %dma_wait3A_118 = tpu.memref_slice %arg11[%mul3A_106] : memref<10000xi32, #tpu.memory_space<vmem>> -> memref<80xi32, #tpu.memory_space<vmem>>
          %dma_wait3A_119 = arith.constant 0 : i32
          %dma_wait3A_120 = tpu.memref_slice %arg22[%dma_wait3A_119] : memref<10240xf32, #tpu.memory_space<vmem_shared>> -> memref<10240xf32, #tpu.memory_space<vmem_shared>>
          tpu.wait_indirect_dma semaphore(%arg31 : memref<!tpu.dma_semaphore, #tpu.memory_space<semaphore_mem>>) src(%dma_wait3A_120 : memref<10240xf32, #tpu.memory_space<vmem_shared>>) dst(%arg14 : memref<80xf32, #tpu.memory_space<vmem>>)
          %dma_wait3A_121 = arith.constant 0 : i32
          %dma_wait3A_122 = tpu.memref_slice %arg12[%add3A_99, %dma_wait3A_121] : memref<125x80xi32, #tpu.memory_space<vmem>> -> memref<1x80xi32, #tpu.memory_space<vmem>>
          %dma_wait3A_123 = tpu.memref_squeeze %dma_wait3A_122 : memref<1x80xi32, #tpu.memory_space<vmem>> -> memref<80xi32, #tpu.memory_space<vmem>>
          %dma_wait3A_124 = arith.constant 0 : i32
          %dma_wait3A_125 = tpu.memref_slice %arg23[%dma_wait3A_124] : memref<10240xf32, #tpu.memory_space<vmem_shared>> -> memref<10240xf32, #tpu.memory_space<vmem_shared>>
          tpu.wait_indirect_dma semaphore(%arg31 : memref<!tpu.dma_semaphore, #tpu.memory_space<semaphore_mem>>) src(%dma_wait3A_125 : memref<10240xf32, #tpu.memory_space<vmem_shared>>) dst(%arg16 : memref<80xf32, #tpu.memory_space<vmem>>)
          %get3A = arith.constant 0 : index
          %get3A_126 = tpu.vector_load %arg14[%get3A] {strides = array<i32>} : memref<80xf32, #tpu.memory_space<vmem>>, vector<16xf32>,
          %get3A_127 = arith.constant 0 : index
          %get3A_128 = tpu.vector_load %arg16[%get3A_127] {strides = array<i32>} : memref<80xf32, #tpu.memory_space<vmem>>, vector<16xf32>,
          %add3A_129 = arith.addf %get3A_126, %get3A_128 : vector<16xf32>
          %gt3A = arith.constant 0.000000e+00 : f32
          %gt3A_130 = vector.broadcast %gt3A : f32 to vector<16xf32>
          %gt3A_131 = arith.cmpf ogt, %add3A_129, %gt3A_130 : vector<16xf32>
          %mul3A_132 = arith.constant 2.000000e-01 : f32
          %mul3A_133 = vector.broadcast %mul3A_132 : f32 to vector<16xf32>
          %mul3A_134 = arith.mulf %add3A_129, %mul3A_133 : vector<16xf32>
          %select_n3A_135 = arith.select %gt3A_131, %add3A_129, %mul3A_134 : vector<16xi1>, vector<16xf32>
          %exp3A = math.exp %select_n3A_135 : vector<16xf32>
          %swap3A = arith.constant 0 : index
          %swap3A_136 = tpu.vector_load %arg18[%swap3A] {strides = array<i32>} : memref<80xf32, #tpu.memory_space<vmem>>, vector<16xf32>,
          tpu.vector_store %arg18[%swap3A], %exp3A {strides = array<i32>} : memref<80xf32, #tpu.memory_space<vmem>>, vector<16xf32>,
          %get3A_137 = arith.constant 16 : index
          %get3A_138 = tpu.vector_load %arg14[%get3A_137] {strides = array<i32>} : memref<80xf32, #tpu.memory_space<vmem>>, vector<16xf32>,
          %get3A_139 = arith.constant 16 : index
          %get3A_140 = tpu.vector_load %arg16[%get3A_139] {strides = array<i32>} : memref<80xf32, #tpu.memory_space<vmem>>, vector<16xf32>,
          %add3A_141 = arith.addf %get3A_138, %get3A_140 : vector<16xf32>
          %gt3A_142 = arith.constant 0.000000e+00 : f32
          %gt3A_143 = vector.broadcast %gt3A_142 : f32 to vector<16xf32>
          %gt3A_144 = arith.cmpf ogt, %add3A_141, %gt3A_143 : vector<16xf32>
          %mul3A_145 = arith.constant 2.000000e-01 : f32
          %mul3A_146 = vector.broadcast %mul3A_145 : f32 to vector<16xf32>
          %mul3A_147 = arith.mulf %add3A_141, %mul3A_146 : vector<16xf32>
          %select_n3A_148 = arith.select %gt3A_144, %add3A_141, %mul3A_147 : vector<16xi1>, vector<16xf32>
          %exp3A_149 = math.exp %select_n3A_148 : vector<16xf32>
          %swap3A_150 = arith.constant 16 : index
          %swap3A_151 = tpu.vector_load %arg18[%swap3A_150] {strides = array<i32>} : memref<80xf32, #tpu.memory_space<vmem>>, vector<16xf32>,
          tpu.vector_store %arg18[%swap3A_150], %exp3A_149 {strides = array<i32>} : memref<80xf32, #tpu.memory_space<vmem>>, vector<16xf32>,
          %get3A_152 = arith.constant 32 : index
          %get3A_153 = tpu.vector_load %arg14[%get3A_152] {strides = array<i32>} : memref<80xf32, #tpu.memory_space<vmem>>, vector<16xf32>,
          %get3A_154 = arith.constant 32 : index
          %get3A_155 = tpu.vector_load %arg16[%get3A_154] {strides = array<i32>} : memref<80xf32, #tpu.memory_space<vmem>>, vector<16xf32>,
          %add3A_156 = arith.addf %get3A_153, %get3A_155 : vector<16xf32>
          %gt3A_157 = arith.constant 0.000000e+00 : f32
          %gt3A_158 = vector.broadcast %gt3A_157 : f32 to vector<16xf32>
          %gt3A_159 = arith.cmpf ogt, %add3A_156, %gt3A_158 : vector<16xf32>
          %mul3A_160 = arith.constant 2.000000e-01 : f32
          %mul3A_161 = vector.broadcast %mul3A_160 : f32 to vector<16xf32>
          %mul3A_162 = arith.mulf %add3A_156, %mul3A_161 : vector<16xf32>
          %select_n3A_163 = arith.select %gt3A_159, %add3A_156, %mul3A_162 : vector<16xi1>, vector<16xf32>
          %exp3A_164 = math.exp %select_n3A_163 : vector<16xf32>
          %swap3A_165 = arith.constant 32 : index
          %swap3A_166 = tpu.vector_load %arg18[%swap3A_165] {strides = array<i32>} : memref<80xf32, #tpu.memory_space<vmem>>, vector<16xf32>,
          tpu.vector_store %arg18[%swap3A_165], %exp3A_164 {strides = array<i32>} : memref<80xf32, #tpu.memory_space<vmem>>, vector<16xf32>,
          %get3A_167 = arith.constant 48 : index
          %get3A_168 = tpu.vector_load %arg14[%get3A_167] {strides = array<i32>} : memref<80xf32, #tpu.memory_space<vmem>>, vector<16xf32>,
          %get3A_169 = arith.constant 48 : index
          %get3A_170 = tpu.vector_load %arg16[%get3A_169] {strides = array<i32>} : memref<80xf32, #tpu.memory_space<vmem>>, vector<16xf32>,
          %add3A_171 = arith.addf %get3A_168, %get3A_170 : vector<16xf32>
          %gt3A_172 = arith.constant 0.000000e+00 : f32
          %gt3A_173 = vector.broadcast %gt3A_172 : f32 to vector<16xf32>
          %gt3A_174 = arith.cmpf ogt, %add3A_171, %gt3A_173 : vector<16xf32>
          %mul3A_175 = arith.constant 2.000000e-01 : f32
          %mul3A_176 = vector.broadcast %mul3A_175 : f32 to vector<16xf32>
          %mul3A_177 = arith.mulf %add3A_171, %mul3A_176 : vector<16xf32>
          %select_n3A_178 = arith.select %gt3A_174, %add3A_171, %mul3A_177 : vector<16xi1>, vector<16xf32>
          %exp3A_179 = math.exp %select_n3A_178 : vector<16xf32>
          %swap3A_180 = arith.constant 48 : index
          %swap3A_181 = tpu.vector_load %arg18[%swap3A_180] {strides = array<i32>} : memref<80xf32, #tpu.memory_space<vmem>>, vector<16xf32>,
          tpu.vector_store %arg18[%swap3A_180], %exp3A_179 {strides = array<i32>} : memref<80xf32, #tpu.memory_space<vmem>>, vector<16xf32>,
          %get3A_182 = arith.constant 64 : index
          %get3A_183 = tpu.vector_load %arg14[%get3A_182] {strides = array<i32>} : memref<80xf32, #tpu.memory_space<vmem>>, vector<16xf32>,
          %get3A_184 = arith.constant 64 : index
          %get3A_185 = tpu.vector_load %arg16[%get3A_184] {strides = array<i32>} : memref<80xf32, #tpu.memory_space<vmem>>, vector<16xf32>,
          %add3A_186 = arith.addf %get3A_183, %get3A_185 : vector<16xf32>
          %gt3A_187 = arith.constant 0.000000e+00 : f32
          %gt3A_188 = vector.broadcast %gt3A_187 : f32 to vector<16xf32>
          %gt3A_189 = arith.cmpf ogt, %add3A_186, %gt3A_188 : vector<16xf32>
          %mul3A_190 = arith.constant 2.000000e-01 : f32
          %mul3A_191 = vector.broadcast %mul3A_190 : f32 to vector<16xf32>
          %mul3A_192 = arith.mulf %add3A_186, %mul3A_191 : vector<16xf32>
          %select_n3A_193 = arith.select %gt3A_189, %add3A_186, %mul3A_192 : vector<16xi1>, vector<16xf32>
          %exp3A_194 = math.exp %select_n3A_193 : vector<16xf32>
          %swap3A_195 = arith.constant 64 : index
          %swap3A_196 = tpu.vector_load %arg18[%swap3A_195] {strides = array<i32>} : memref<80xf32, #tpu.memory_space<vmem>>, vector<16xf32>,
          tpu.vector_store %arg18[%swap3A_195], %exp3A_194 {strides = array<i32>} : memref<80xf32, #tpu.memory_space<vmem>>, vector<16xf32>,
          %dma_start3A_197 = arith.constant 0 : i32
          %dma_start3A_198 = tpu.memref_slice %arg12[%add3A_99, %dma_start3A_197] : memref<125x80xi32, #tpu.memory_space<vmem>> -> memref<1x80xi32, #tpu.memory_space<vmem>>
          %dma_start3A_199 = tpu.memref_squeeze %dma_start3A_198 : memref<1x80xi32, #tpu.memory_space<vmem>> -> memref<80xi32, #tpu.memory_space<vmem>>
          %dma_start3A_200 = arith.constant 0 : i32
          %dma_start3A_201 = tpu.memref_slice %arg24[%dma_start3A_200] : memref<10240xf32, #tpu.memory_space<vmem_shared>> -> memref<10240xf32, #tpu.memory_space<vmem_shared>>
          tpu.enqueue_indirect_dma source(%arg18 : memref<80xf32, #tpu.memory_space<vmem>>) target(%dma_start3A_201 : memref<10240xf32, #tpu.memory_space<vmem_shared>>) offsets(%dma_start3A_199 : memref<80xi32, #tpu.memory_space<vmem>>) semaphore(%arg33 : memref<!tpu.dma_semaphore, #tpu.memory_space<semaphore_mem>>) {add = true}
          %ge3A_202 = arith.constant 1 : i32
          %ge3A_203 = arith.cmpi sge, %add3A_99, %ge3A_202 : i32
          %convert_element_type3A_204 = arith.extui %ge3A_203 : i1 to i32
          %cond3A_205 = arith.constant 0 : i32
          %cond3A_206 = arith.cmpi ne, %convert_element_type3A_204, %cond3A_205 : i32
          scf.if %cond3A_206 {
            %sub3A = arith.constant 1 : i32
            %sub3A_230 = arith.subi %add3A_99, %sub3A : i32
            %dma_wait3A_231 = arith.constant 0 : i32
            %dma_wait3A_232 = tpu.memref_slice %arg12[%sub3A_230, %dma_wait3A_231] : memref<125x80xi32, #tpu.memory_space<vmem>> -> memref<1x80xi32, #tpu.memory_space<vmem>>
            %dma_wait3A_233 = tpu.memref_squeeze %dma_wait3A_232 : memref<1x80xi32, #tpu.memory_space<vmem>> -> memref<80xi32, #tpu.memory_space<vmem>>
            %dma_wait3A_234 = arith.constant 0 : i32
            %dma_wait3A_235 = arith.constant 0 : i32
            %dma_wait3A_236 = tpu.memref_slice %arg25[%dma_wait3A_234, %dma_wait3A_235] : memref<10000x128xf32, #tpu.memory_space<vmem_shared>> -> memref<10000x128xf32, #tpu.memory_space<vmem_shared>>
            tpu.wait_indirect_dma semaphore(%arg28 : memref<!tpu.dma_semaphore, #tpu.memory_space<semaphore_mem>>) src(%arg19 : memref<80x128xf32, #tpu.memory_space<vmem>>) dst(%dma_wait3A_236 : memref<10000x128xf32, #tpu.memory_space<vmem_shared>>)
          } else {
          }
          %add3A_207 = arith.constant 1 : i32
          %add3A_208 = arith.addi %add3A_99, %add3A_207 : i32
          %lt3A_209 = arith.constant 125 : i32
          %lt3A_210 = arith.cmpi slt, %add3A_208, %lt3A_209 : i32
          %convert_element_type3A_211 = arith.extui %lt3A_210 : i1 to i32
          %cond3A_212 = arith.constant 0 : i32
          %cond3A_213 = arith.cmpi ne, %convert_element_type3A_211, %cond3A_212 : i32
          scf.if %cond3A_213 {
            %add3A_230 = arith.constant 1 : i32
            %add3A_231 = arith.addi %add3A_99, %add3A_230 : i32
            %mul3A_232 = arith.constant 80 : i32
            %mul3A_233 = arith.muli %add3A_231, %mul3A_232 : i32
            %dma_start3A_234 = tpu.memref_slice %arg11[%mul3A_233] : memref<10000xi32, #tpu.memory_space<vmem>> -> memref<80xi32, #tpu.memory_space<vmem>>
            %dma_start3A_235 = arith.constant 0 : i32
            %dma_start3A_236 = arith.constant 0 : i32
            %dma_start3A_237 = tpu.memref_slice %arg2[%dma_start3A_235, %dma_start3A_236] : memref<10000x128xf32, #tpu.memory_space<hbm>> -> memref<10000x128xf32, #tpu.memory_space<hbm>>
            tpu.enqueue_indirect_dma source(%dma_start3A_237 : memref<10000x128xf32, #tpu.memory_space<hbm>>) target(%arg19 : memref<80x128xf32, #tpu.memory_space<vmem>>) offsets(%dma_start3A_234 : memref<80xi32, #tpu.memory_space<vmem>>) semaphore(%arg26 : memref<!tpu.dma_semaphore, #tpu.memory_space<semaphore_mem>>)
          } else {
          }
          %dma_wait3A_214 = tpu.memref_slice %arg11[%mul3A_106] : memref<10000xi32, #tpu.memory_space<vmem>> -> memref<80xi32, #tpu.memory_space<vmem>>
          %dma_wait3A_215 = arith.constant 0 : i32
          %dma_wait3A_216 = arith.constant 0 : i32
          %dma_wait3A_217 = tpu.memref_slice %arg2[%dma_wait3A_215, %dma_wait3A_216] : memref<10000x128xf32, #tpu.memory_space<hbm>> -> memref<10000x128xf32, #tpu.memory_space<hbm>>
          tpu.wait_indirect_dma semaphore(%arg27 : memref<!tpu.dma_semaphore, #tpu.memory_space<semaphore_mem>>) src(%dma_wait3A_217 : memref<10000x128xf32, #tpu.memory_space<hbm>>) dst(%arg20 : memref<80x128xf32, #tpu.memory_space<vmem>>)
          %scan3A_218 = arith.constant 0 : i32
          %scan3A_219 = arith.constant 0 : i32
          %scan3A_220 = arith.constant 10 : i32
          %scan3A_221 = arith.addi %scan3A_219, %scan3A_220 : i32
          %scan3A_222 = arith.constant 1 : i32
          scf.for %scan3A_230 = %scan3A_219 to %scan3A_221 step %scan3A_222  : i32 {
            %mul3A_231 = arith.constant 8 : i32
            %mul3A_232 = arith.muli %scan3A_230, %mul3A_231 : i32
            %add3A_233 = arith.constant 0 : i32
            %add3A_234 = arith.addi %mul3A_232, %add3A_233 : i32
            %broadcast_in_dim3A_235 = vector.broadcast %add3A_234 : i32 to vector<16xi32>
            %gather3A = tpu.vector_load_idx %arg18[%broadcast_in_dim3A_235] : memref<80xf32, #tpu.memory_space<vmem>>[vector<16xi32>], vector<16xf32>,
            %get3A_236 = arith.index_cast %add3A_234 : i32 to index
            %get3A_237 = arith.constant 0 : index
            %get3A_238 = tpu.vector_load %arg20[%get3A_236, %get3A_237] {strides = array<i32>} : memref<80x128xf32, #tpu.memory_space<vmem>>, vector<16xf32>,
            %mul3A_239 = arith.mulf %get3A_238, %gather3A : vector<16xf32>
            %swap3A_240 = arith.index_cast %add3A_234 : i32 to index
            %swap3A_241 = arith.constant 0 : index
            %swap3A_242 = tpu.vector_load %arg20[%swap3A_240, %swap3A_241] {strides = array<i32>} : memref<80x128xf32, #tpu.memory_space<vmem>>, vector<16xf32>,
            tpu.vector_store %arg20[%swap3A_240, %swap3A_241], %mul3A_239 {strides = array<i32>} : memref<80x128xf32, #tpu.memory_space<vmem>>, vector<16xf32>,
            %get3A_243 = arith.index_cast %add3A_234 : i32 to index
            %get3A_244 = arith.constant 16 : index
            %get3A_245 = tpu.vector_load %arg20[%get3A_243, %get3A_244] {strides = array<i32>} : memref<80x128xf32, #tpu.memory_space<vmem>>, vector<16xf32>,
            %mul3A_246 = arith.mulf %get3A_245, %gather3A : vector<16xf32>
            %swap3A_247 = arith.index_cast %add3A_234 : i32 to index
            %swap3A_248 = arith.constant 16 : index
            %swap3A_249 = tpu.vector_load %arg20[%swap3A_247, %swap3A_248] {strides = array<i32>} : memref<80x128xf32, #tpu.memory_space<vmem>>, vector<16xf32>,
            tpu.vector_store %arg20[%swap3A_247, %swap3A_248], %mul3A_246 {strides = array<i32>} : memref<80x128xf32, #tpu.memory_space<vmem>>, vector<16xf32>,
            %get3A_250 = arith.index_cast %add3A_234 : i32 to index
            %get3A_251 = arith.constant 32 : index
            %get3A_252 = tpu.vector_load %arg20[%get3A_250, %get3A_251] {strides = array<i32>} : memref<80x128xf32, #tpu.memory_space<vmem>>, vector<16xf32>,
            %mul3A_253 = arith.mulf %get3A_252, %gather3A : vector<16xf32>
            %swap3A_254 = arith.index_cast %add3A_234 : i32 to index
            %swap3A_255 = arith.constant 32 : index
            %swap3A_256 = tpu.vector_load %arg20[%swap3A_254, %swap3A_255] {strides = array<i32>} : memref<80x128xf32, #tpu.memory_space<vmem>>, vector<16xf32>,
            tpu.vector_store %arg20[%swap3A_254, %swap3A_255], %mul3A_253 {strides = array<i32>} : memref<80x128xf32, #tpu.memory_space<vmem>>, vector<16xf32>,
            %get3A_257 = arith.index_cast %add3A_234 : i32 to index
            %get3A_258 = arith.constant 48 : index
            %get3A_259 = tpu.vector_load %arg20[%get3A_257, %get3A_258] {strides = array<i32>} : memref<80x128xf32, #tpu.memory_space<vmem>>, vector<16xf32>,
            %mul3A_260 = arith.mulf %get3A_259, %gather3A : vector<16xf32>
            %swap3A_261 = arith.index_cast %add3A_234 : i32 to index
            %swap3A_262 = arith.constant 48 : index
            %swap3A_263 = tpu.vector_load %arg20[%swap3A_261, %swap3A_262] {strides = array<i32>} : memref<80x128xf32, #tpu.memory_space<vmem>>, vector<16xf32>,
            tpu.vector_store %arg20[%swap3A_261, %swap3A_262], %mul3A_260 {strides = array<i32>} : memref<80x128xf32, #tpu.memory_space<vmem>>, vector<16xf32>,
            %get3A_264 = arith.index_cast %add3A_234 : i32 to index
            %get3A_265 = arith.constant 64 : index
            %get3A_266 = tpu.vector_load %arg20[%get3A_264, %get3A_265] {strides = array<i32>} : memref<80x128xf32, #tpu.memory_space<vmem>>, vector<16xf32>,
            %mul3A_267 = arith.mulf %get3A_266, %gather3A : vector<16xf32>
            %swap3A_268 = arith.index_cast %add3A_234 : i32 to index
            %swap3A_269 = arith.constant 64 : index
            %swap3A_270 = tpu.vector_load %arg20[%swap3A_268, %swap3A_269] {strides = array<i32>} : memref<80x128xf32, #tpu.memory_space<vmem>>, vector<16xf32>,
            tpu.vector_store %arg20[%swap3A_268, %swap3A_269], %mul3A_267 {strides = array<i32>} : memref<80x128xf32, #tpu.memory_space<vmem>>, vector<16xf32>,
            %get3A_271 = arith.index_cast %add3A_234 : i32 to index
            %get3A_272 = arith.constant 80 : index
            %get3A_273 = tpu.vector_load %arg20[%get3A_271, %get3A_272] {strides = array<i32>} : memref<80x128xf32, #tpu.memory_space<vmem>>, vector<16xf32>,
            %mul3A_274 = arith.mulf %get3A_273, %gather3A : vector<16xf32>
            %swap3A_275 = arith.index_cast %add3A_234 : i32 to index
            %swap3A_276 = arith.constant 80 : index
            %swap3A_277 = tpu.vector_load %arg20[%swap3A_275, %swap3A_276] {strides = array<i32>} : memref<80x128xf32, #tpu.memory_space<vmem>>, vector<16xf32>,
            tpu.vector_store %arg20[%swap3A_275, %swap3A_276], %mul3A_274 {strides = array<i32>} : memref<80x128xf32, #tpu.memory_space<vmem>>, vector<16xf32>,
            %get3A_278 = arith.index_cast %add3A_234 : i32 to index
            %get3A_279 = arith.constant 96 : index
            %get3A_280 = tpu.vector_load %arg20[%get3A_278, %get3A_279] {strides = array<i32>} : memref<80x128xf32, #tpu.memory_space<vmem>>, vector<16xf32>,
            %mul3A_281 = arith.mulf %get3A_280, %gather3A : vector<16xf32>
            %swap3A_282 = arith.index_cast %add3A_234 : i32 to index
            %swap3A_283 = arith.constant 96 : index
            %swap3A_284 = tpu.vector_load %arg20[%swap3A_282, %swap3A_283] {strides = array<i32>} : memref<80x128xf32, #tpu.memory_space<vmem>>, vector<16xf32>,
            tpu.vector_store %arg20[%swap3A_282, %swap3A_283], %mul3A_281 {strides = array<i32>} : memref<80x128xf32, #tpu.memory_space<vmem>>, vector<16xf32>,
            %get3A_285 = arith.index_cast %add3A_234 : i32 to index
            %get3A_286 = arith.constant 112 : index
            %get3A_287 = tpu.vector_load %arg20[%get3A_285, %get3A_286] {strides = array<i32>} : memref<80x128xf32, #tpu.memory_space<vmem>>, vector<16xf32>,
            %mul3A_288 = arith.mulf %get3A_287, %gather3A : vector<16xf32>
            %swap3A_289 = arith.index_cast %add3A_234 : i32 to index
            %swap3A_290 = arith.constant 112 : index
            %swap3A_291 = tpu.vector_load %arg20[%swap3A_289, %swap3A_290] {strides = array<i32>} : memref<80x128xf32, #tpu.memory_space<vmem>>, vector<16xf32>,
            tpu.vector_store %arg20[%swap3A_289, %swap3A_290], %mul3A_288 {strides = array<i32>} : memref<80x128xf32, #tpu.memory_space<vmem>>, vector<16xf32>,
            %mul3A_292 = arith.constant 8 : i32
            %mul3A_293 = arith.muli %scan3A_230, %mul3A_292 : i32
            %add3A_294 = arith.constant 1 : i32
            %add3A_295 = arith.addi %mul3A_293, %add3A_294 : i32
            %broadcast_in_dim3A_296 = vector.broadcast %add3A_295 : i32 to vector<16xi32>
            %gather3A_297 = tpu.vector_load_idx %arg18[%broadcast_in_dim3A_296] : memref<80xf32, #tpu.memory_space<vmem>>[vector<16xi32>], vector<16xf32>,
            %get3A_298 = arith.index_cast %add3A_295 : i32 to index
            %get3A_299 = arith.constant 0 : index
            %get3A_300 = tpu.vector_load %arg20[%get3A_298, %get3A_299] {strides = array<i32>} : memref<80x128xf32, #tpu.memory_space<vmem>>, vector<16xf32>,
            %mul3A_301 = arith.mulf %get3A_300, %gather3A_297 : vector<16xf32>
            %swap3A_302 = arith.index_cast %add3A_295 : i32 to index
            %swap3A_303 = arith.constant 0 : index
            %swap3A_304 = tpu.vector_load %arg20[%swap3A_302, %swap3A_303] {strides = array<i32>} : memref<80x128xf32, #tpu.memory_space<vmem>>, vector<16xf32>,
            tpu.vector_store %arg20[%swap3A_302, %swap3A_303], %mul3A_301 {strides = array<i32>} : memref<80x128xf32, #tpu.memory_space<vmem>>, vector<16xf32>,
            %get3A_305 = arith.index_cast %add3A_295 : i32 to index
            %get3A_306 = arith.constant 16 : index
            %get3A_307 = tpu.vector_load %arg20[%get3A_305, %get3A_306] {strides = array<i32>} : memref<80x128xf32, #tpu.memory_space<vmem>>, vector<16xf32>,
            %mul3A_308 = arith.mulf %get3A_307, %gather3A_297 : vector<16xf32>
            %swap3A_309 = arith.index_cast %add3A_295 : i32 to index
            %swap3A_310 = arith.constant 16 : index
            %swap3A_311 = tpu.vector_load %arg20[%swap3A_309, %swap3A_310] {strides = array<i32>} : memref<80x128xf32, #tpu.memory_space<vmem>>, vector<16xf32>,
            tpu.vector_store %arg20[%swap3A_309, %swap3A_310], %mul3A_308 {strides = array<i32>} : memref<80x128xf32, #tpu.memory_space<vmem>>, vector<16xf32>,
            %get3A_312 = arith.index_cast %add3A_295 : i32 to index
            %get3A_313 = arith.constant 32 : index
            %get3A_314 = tpu.vector_load %arg20[%get3A_312, %get3A_313] {strides = array<i32>} : memref<80x128xf32, #tpu.memory_space<vmem>>, vector<16xf32>,
            %mul3A_315 = arith.mulf %get3A_314, %gather3A_297 : vector<16xf32>
            %swap3A_316 = arith.index_cast %add3A_295 : i32 to index
            %swap3A_317 = arith.constant 32 : index
            %swap3A_318 = tpu.vector_load %arg20[%swap3A_316, %swap3A_317] {strides = array<i32>} : memref<80x128xf32, #tpu.memory_space<vmem>>, vector<16xf32>,
            tpu.vector_store %arg20[%swap3A_316, %swap3A_317], %mul3A_315 {strides = array<i32>} : memref<80x128xf32, #tpu.memory_space<vmem>>, vector<16xf32>,
            %get3A_319 = arith.index_cast %add3A_295 : i32 to index
            %get3A_320 = arith.constant 48 : index
            %get3A_321 = tpu.vector_load %arg20[%get3A_319, %get3A_320] {strides = array<i32>} : memref<80x128xf32, #tpu.memory_space<vmem>>, vector<16xf32>,
            %mul3A_322 = arith.mulf %get3A_321, %gather3A_297 : vector<16xf32>
            %swap3A_323 = arith.index_cast %add3A_295 : i32 to index
            %swap3A_324 = arith.constant 48 : index
            %swap3A_325 = tpu.vector_load %arg20[%swap3A_323, %swap3A_324] {strides = array<i32>} : memref<80x128xf32, #tpu.memory_space<vmem>>, vector<16xf32>,
            tpu.vector_store %arg20[%swap3A_323, %swap3A_324], %mul3A_322 {strides = array<i32>} : memref<80x128xf32, #tpu.memory_space<vmem>>, vector<16xf32>,
            %get3A_326 = arith.index_cast %add3A_295 : i32 to index
            %get3A_327 = arith.constant 64 : index
            %get3A_328 = tpu.vector_load %arg20[%get3A_326, %get3A_327] {strides = array<i32>} : memref<80x128xf32, #tpu.memory_space<vmem>>, vector<16xf32>,
            %mul3A_329 = arith.mulf %get3A_328, %gather3A_297 : vector<16xf32>
            %swap3A_330 = arith.index_cast %add3A_295 : i32 to index
            %swap3A_331 = arith.constant 64 : index
            %swap3A_332 = tpu.vector_load %arg20[%swap3A_330, %swap3A_331] {strides = array<i32>} : memref<80x128xf32, #tpu.memory_space<vmem>>, vector<16xf32>,
            tpu.vector_store %arg20[%swap3A_330, %swap3A_331], %mul3A_329 {strides = array<i32>} : memref<80x128xf32, #tpu.memory_space<vmem>>, vector<16xf32>,
            %get3A_333 = arith.index_cast %add3A_295 : i32 to index
            %get3A_334 = arith.constant 80 : index
            %get3A_335 = tpu.vector_load %arg20[%get3A_333, %get3A_334] {strides = array<i32>} : memref<80x128xf32, #tpu.memory_space<vmem>>, vector<16xf32>,
            %mul3A_336 = arith.mulf %get3A_335, %gather3A_297 : vector<16xf32>
            %swap3A_337 = arith.index_cast %add3A_295 : i32 to index
            %swap3A_338 = arith.constant 80 : index
            %swap3A_339 = tpu.vector_load %arg20[%swap3A_337, %swap3A_338] {strides = array<i32>} : memref<80x128xf32, #tpu.memory_space<vmem>>, vector<16xf32>,
            tpu.vector_store %arg20[%swap3A_337, %swap3A_338], %mul3A_336 {strides = array<i32>} : memref<80x128xf32, #tpu.memory_space<vmem>>, vector<16xf32>,
            %get3A_340 = arith.index_cast %add3A_295 : i32 to index
            %get3A_341 = arith.constant 96 : index
            %get3A_342 = tpu.vector_load %arg20[%get3A_340, %get3A_341] {strides = array<i32>} : memref<80x128xf32, #tpu.memory_space<vmem>>, vector<16xf32>,
            %mul3A_343 = arith.mulf %get3A_342, %gather3A_297 : vector<16xf32>
            %swap3A_344 = arith.index_cast %add3A_295 : i32 to index
            %swap3A_345 = arith.constant 96 : index
            %swap3A_346 = tpu.vector_load %arg20[%swap3A_344, %swap3A_345] {strides = array<i32>} : memref<80x128xf32, #tpu.memory_space<vmem>>, vector<16xf32>,
            tpu.vector_store %arg20[%swap3A_344, %swap3A_345], %mul3A_343 {strides = array<i32>} : memref<80x128xf32, #tpu.memory_space<vmem>>, vector<16xf32>,
            %get3A_347 = arith.index_cast %add3A_295 : i32 to index
            %get3A_348 = arith.constant 112 : index
            %get3A_349 = tpu.vector_load %arg20[%get3A_347, %get3A_348] {strides = array<i32>} : memref<80x128xf32, #tpu.memory_space<vmem>>, vector<16xf32>,
            %mul3A_350 = arith.mulf %get3A_349, %gather3A_297 : vector<16xf32>
            %swap3A_351 = arith.index_cast %add3A_295 : i32 to index
            %swap3A_352 = arith.constant 112 : index
            %swap3A_353 = tpu.vector_load %arg20[%swap3A_351, %swap3A_352] {strides = array<i32>} : memref<80x128xf32, #tpu.memory_space<vmem>>, vector<16xf32>,
            tpu.vector_store %arg20[%swap3A_351, %swap3A_352], %mul3A_350 {strides = array<i32>} : memref<80x128xf32, #tpu.memory_space<vmem>>, vector<16xf32>,
            %mul3A_354 = arith.constant 8 : i32
            %mul3A_355 = arith.muli %scan3A_230, %mul3A_354 : i32
            %add3A_356 = arith.constant 2 : i32
            %add3A_357 = arith.addi %mul3A_355, %add3A_356 : i32
            %broadcast_in_dim3A_358 = vector.broadcast %add3A_357 : i32 to vector<16xi32>
            %gather3A_359 = tpu.vector_load_idx %arg18[%broadcast_in_dim3A_358] : memref<80xf32, #tpu.memory_space<vmem>>[vector<16xi32>], vector<16xf32>,
            %get3A_360 = arith.index_cast %add3A_357 : i32 to index
            %get3A_361 = arith.constant 0 : index
            %get3A_362 = tpu.vector_load %arg20[%get3A_360, %get3A_361] {strides = array<i32>} : memref<80x128xf32, #tpu.memory_space<vmem>>, vector<16xf32>,
            %mul3A_363 = arith.mulf %get3A_362, %gather3A_359 : vector<16xf32>
            %swap3A_364 = arith.index_cast %add3A_357 : i32 to index
            %swap3A_365 = arith.constant 0 : index
            %swap3A_366 = tpu.vector_load %arg20[%swap3A_364, %swap3A_365] {strides = array<i32>} : memref<80x128xf32, #tpu.memory_space<vmem>>, vector<16xf32>,
            tpu.vector_store %arg20[%swap3A_364, %swap3A_365], %mul3A_363 {strides = array<i32>} : memref<80x128xf32, #tpu.memory_space<vmem>>, vector<16xf32>,
            %get3A_367 = arith.index_cast %add3A_357 : i32 to index
            %get3A_368 = arith.constant 16 : index
            %get3A_369 = tpu.vector_load %arg20[%get3A_367, %get3A_368] {strides = array<i32>} : memref<80x128xf32, #tpu.memory_space<vmem>>, vector<16xf32>,
            %mul3A_370 = arith.mulf %get3A_369, %gather3A_359 : vector<16xf32>
            %swap3A_371 = arith.index_cast %add3A_357 : i32 to index
            %swap3A_372 = arith.constant 16 : index
            %swap3A_373 = tpu.vector_load %arg20[%swap3A_371, %swap3A_372] {strides = array<i32>} : memref<80x128xf32, #tpu.memory_space<vmem>>, vector<16xf32>,
            tpu.vector_store %arg20[%swap3A_371, %swap3A_372], %mul3A_370 {strides = array<i32>} : memref<80x128xf32, #tpu.memory_space<vmem>>, vector<16xf32>,
            %get3A_374 = arith.index_cast %add3A_357 : i32 to index
            %get3A_375 = arith.constant 32 : index
            %get3A_376 = tpu.vector_load %arg20[%get3A_374, %get3A_375] {strides = array<i32>} : memref<80x128xf32, #tpu.memory_space<vmem>>, vector<16xf32>,
            %mul3A_377 = arith.mulf %get3A_376, %gather3A_359 : vector<16xf32>
            %swap3A_378 = arith.index_cast %add3A_357 : i32 to index
            %swap3A_379 = arith.constant 32 : index
            %swap3A_380 = tpu.vector_load %arg20[%swap3A_378, %swap3A_379] {strides = array<i32>} : memref<80x128xf32, #tpu.memory_space<vmem>>, vector<16xf32>,
            tpu.vector_store %arg20[%swap3A_378, %swap3A_379], %mul3A_377 {strides = array<i32>} : memref<80x128xf32, #tpu.memory_space<vmem>>, vector<16xf32>,
            %get3A_381 = arith.index_cast %add3A_357 : i32 to index
            %get3A_382 = arith.constant 48 : index
            %get3A_383 = tpu.vector_load %arg20[%get3A_381, %get3A_382] {strides = array<i32>} : memref<80x128xf32, #tpu.memory_space<vmem>>, vector<16xf32>,
            %mul3A_384 = arith.mulf %get3A_383, %gather3A_359 : vector<16xf32>
            %swap3A_385 = arith.index_cast %add3A_357 : i32 to index
            %swap3A_386 = arith.constant 48 : index
            %swap3A_387 = tpu.vector_load %arg20[%swap3A_385, %swap3A_386] {strides = array<i32>} : memref<80x128xf32, #tpu.memory_space<vmem>>, vector<16xf32>,
            tpu.vector_store %arg20[%swap3A_385, %swap3A_386], %mul3A_384 {strides = array<i32>} : memref<80x128xf32, #tpu.memory_space<vmem>>, vector<16xf32>,
            %get3A_388 = arith.index_cast %add3A_357 : i32 to index
            %get3A_389 = arith.constant 64 : index
            %get3A_390 = tpu.vector_load %arg20[%get3A_388, %get3A_389] {strides = array<i32>} : memref<80x128xf32, #tpu.memory_space<vmem>>, vector<16xf32>,
            %mul3A_391 = arith.mulf %get3A_390, %gather3A_359 : vector<16xf32>
            %swap3A_392 = arith.index_cast %add3A_357 : i32 to index
            %swap3A_393 = arith.constant 64 : index
            %swap3A_394 = tpu.vector_load %arg20[%swap3A_392, %swap3A_393] {strides = array<i32>} : memref<80x128xf32, #tpu.memory_space<vmem>>, vector<16xf32>,
            tpu.vector_store %arg20[%swap3A_392, %swap3A_393], %mul3A_391 {strides = array<i32>} : memref<80x128xf32, #tpu.memory_space<vmem>>, vector<16xf32>,
            %get3A_395 = arith.index_cast %add3A_357 : i32 to index
            %get3A_396 = arith.constant 80 : index
            %get3A_397 = tpu.vector_load %arg20[%get3A_395, %get3A_396] {strides = array<i32>} : memref<80x128xf32, #tpu.memory_space<vmem>>, vector<16xf32>,
            %mul3A_398 = arith.mulf %get3A_397, %gather3A_359 : vector<16xf32>
            %swap3A_399 = arith.index_cast %add3A_357 : i32 to index
            %swap3A_400 = arith.constant 80 : index
            %swap3A_401 = tpu.vector_load %arg20[%swap3A_399, %swap3A_400] {strides = array<i32>} : memref<80x128xf32, #tpu.memory_space<vmem>>, vector<16xf32>,
            tpu.vector_store %arg20[%swap3A_399, %swap3A_400], %mul3A_398 {strides = array<i32>} : memref<80x128xf32, #tpu.memory_space<vmem>>, vector<16xf32>,
            %get3A_402 = arith.index_cast %add3A_357 : i32 to index
            %get3A_403 = arith.constant 96 : index
            %get3A_404 = tpu.vector_load %arg20[%get3A_402, %get3A_403] {strides = array<i32>} : memref<80x128xf32, #tpu.memory_space<vmem>>, vector<16xf32>,
            %mul3A_405 = arith.mulf %get3A_404, %gather3A_359 : vector<16xf32>
            %swap3A_406 = arith.index_cast %add3A_357 : i32 to index
            %swap3A_407 = arith.constant 96 : index
            %swap3A_408 = tpu.vector_load %arg20[%swap3A_406, %swap3A_407] {strides = array<i32>} : memref<80x128xf32, #tpu.memory_space<vmem>>, vector<16xf32>,
            tpu.vector_store %arg20[%swap3A_406, %swap3A_407], %mul3A_405 {strides = array<i32>} : memref<80x128xf32, #tpu.memory_space<vmem>>, vector<16xf32>,
            %get3A_409 = arith.index_cast %add3A_357 : i32 to index
            %get3A_410 = arith.constant 112 : index
            %get3A_411 = tpu.vector_load %arg20[%get3A_409, %get3A_410] {strides = array<i32>} : memref<80x128xf32, #tpu.memory_space<vmem>>, vector<16xf32>,
            %mul3A_412 = arith.mulf %get3A_411, %gather3A_359 : vector<16xf32>
            %swap3A_413 = arith.index_cast %add3A_357 : i32 to index
            %swap3A_414 = arith.constant 112 : index
            %swap3A_415 = tpu.vector_load %arg20[%swap3A_413, %swap3A_414] {strides = array<i32>} : memref<80x128xf32, #tpu.memory_space<vmem>>, vector<16xf32>,
            tpu.vector_store %arg20[%swap3A_413, %swap3A_414], %mul3A_412 {strides = array<i32>} : memref<80x128xf32, #tpu.memory_space<vmem>>, vector<16xf32>,
            %mul3A_416 = arith.constant 8 : i32
            %mul3A_417 = arith.muli %scan3A_230, %mul3A_416 : i32
            %add3A_418 = arith.constant 3 : i32
            %add3A_419 = arith.addi %mul3A_417, %add3A_418 : i32
            %broadcast_in_dim3A_420 = vector.broadcast %add3A_419 : i32 to vector<16xi32>
            %gather3A_421 = tpu.vector_load_idx %arg18[%broadcast_in_dim3A_420] : memref<80xf32, #tpu.memory_space<vmem>>[vector<16xi32>], vector<16xf32>,
            %get3A_422 = arith.index_cast %add3A_419 : i32 to index
            %get3A_423 = arith.constant 0 : index
            %get3A_424 = tpu.vector_load %arg20[%get3A_422, %get3A_423] {strides = array<i32>} : memref<80x128xf32, #tpu.memory_space<vmem>>, vector<16xf32>,
            %mul3A_425 = arith.mulf %get3A_424, %gather3A_421 : vector<16xf32>
            %swap3A_426 = arith.index_cast %add3A_419 : i32 to index
            %swap3A_427 = arith.constant 0 : index
            %swap3A_428 = tpu.vector_load %arg20[%swap3A_426, %swap3A_427] {strides = array<i32>} : memref<80x128xf32, #tpu.memory_space<vmem>>, vector<16xf32>,
            tpu.vector_store %arg20[%swap3A_426, %swap3A_427], %mul3A_425 {strides = array<i32>} : memref<80x128xf32, #tpu.memory_space<vmem>>, vector<16xf32>,
            %get3A_429 = arith.index_cast %add3A_419 : i32 to index
            %get3A_430 = arith.constant 16 : index
            %get3A_431 = tpu.vector_load %arg20[%get3A_429, %get3A_430] {strides = array<i32>} : memref<80x128xf32, #tpu.memory_space<vmem>>, vector<16xf32>,
            %mul3A_432 = arith.mulf %get3A_431, %gather3A_421 : vector<16xf32>
            %swap3A_433 = arith.index_cast %add3A_419 : i32 to index
            %swap3A_434 = arith.constant 16 : index
            %swap3A_435 = tpu.vector_load %arg20[%swap3A_433, %swap3A_434] {strides = array<i32>} : memref<80x128xf32, #tpu.memory_space<vmem>>, vector<16xf32>,
            tpu.vector_store %arg20[%swap3A_433, %swap3A_434], %mul3A_432 {strides = array<i32>} : memref<80x128xf32, #tpu.memory_space<vmem>>, vector<16xf32>,
            %get3A_436 = arith.index_cast %add3A_419 : i32 to index
            %get3A_437 = arith.constant 32 : index
            %get3A_438 = tpu.vector_load %arg20[%get3A_436, %get3A_437] {strides = array<i32>} : memref<80x128xf32, #tpu.memory_space<vmem>>, vector<16xf32>,
            %mul3A_439 = arith.mulf %get3A_438, %gather3A_421 : vector<16xf32>
            %swap3A_440 = arith.index_cast %add3A_419 : i32 to index
            %swap3A_441 = arith.constant 32 : index
            %swap3A_442 = tpu.vector_load %arg20[%swap3A_440, %swap3A_441] {strides = array<i32>} : memref<80x128xf32, #tpu.memory_space<vmem>>, vector<16xf32>,
            tpu.vector_store %arg20[%swap3A_440, %swap3A_441], %mul3A_439 {strides = array<i32>} : memref<80x128xf32, #tpu.memory_space<vmem>>, vector<16xf32>,
            %get3A_443 = arith.index_cast %add3A_419 : i32 to index
            %get3A_444 = arith.constant 48 : index
            %get3A_445 = tpu.vector_load %arg20[%get3A_443, %get3A_444] {strides = array<i32>} : memref<80x128xf32, #tpu.memory_space<vmem>>, vector<16xf32>,
            %mul3A_446 = arith.mulf %get3A_445, %gather3A_421 : vector<16xf32>
            %swap3A_447 = arith.index_cast %add3A_419 : i32 to index
            %swap3A_448 = arith.constant 48 : index
            %swap3A_449 = tpu.vector_load %arg20[%swap3A_447, %swap3A_448] {strides = array<i32>} : memref<80x128xf32, #tpu.memory_space<vmem>>, vector<16xf32>,
            tpu.vector_store %arg20[%swap3A_447, %swap3A_448], %mul3A_446 {strides = array<i32>} : memref<80x128xf32, #tpu.memory_space<vmem>>, vector<16xf32>,
            %get3A_450 = arith.index_cast %add3A_419 : i32 to index
            %get3A_451 = arith.constant 64 : index
            %get3A_452 = tpu.vector_load %arg20[%get3A_450, %get3A_451] {strides = array<i32>} : memref<80x128xf32, #tpu.memory_space<vmem>>, vector<16xf32>,
            %mul3A_453 = arith.mulf %get3A_452, %gather3A_421 : vector<16xf32>
            %swap3A_454 = arith.index_cast %add3A_419 : i32 to index
            %swap3A_455 = arith.constant 64 : index
            %swap3A_456 = tpu.vector_load %arg20[%swap3A_454, %swap3A_455] {strides = array<i32>} : memref<80x128xf32, #tpu.memory_space<vmem>>, vector<16xf32>,
            tpu.vector_store %arg20[%swap3A_454, %swap3A_455], %mul3A_453 {strides = array<i32>} : memref<80x128xf32, #tpu.memory_space<vmem>>, vector<16xf32>,
            %get3A_457 = arith.index_cast %add3A_419 : i32 to index
            %get3A_458 = arith.constant 80 : index
            %get3A_459 = tpu.vector_load %arg20[%get3A_457, %get3A_458] {strides = array<i32>} : memref<80x128xf32, #tpu.memory_space<vmem>>, vector<16xf32>,
            %mul3A_460 = arith.mulf %get3A_459, %gather3A_421 : vector<16xf32>
            %swap3A_461 = arith.index_cast %add3A_419 : i32 to index
            %swap3A_462 = arith.constant 80 : index
            %swap3A_463 = tpu.vector_load %arg20[%swap3A_461, %swap3A_462] {strides = array<i32>} : memref<80x128xf32, #tpu.memory_space<vmem>>, vector<16xf32>,
            tpu.vector_store %arg20[%swap3A_461, %swap3A_462], %mul3A_460 {strides = array<i32>} : memref<80x128xf32, #tpu.memory_space<vmem>>, vector<16xf32>,
            %get3A_464 = arith.index_cast %add3A_419 : i32 to index
            %get3A_465 = arith.constant 96 : index
            %get3A_466 = tpu.vector_load %arg20[%get3A_464, %get3A_465] {strides = array<i32>} : memref<80x128xf32, #tpu.memory_space<vmem>>, vector<16xf32>,
            %mul3A_467 = arith.mulf %get3A_466, %gather3A_421 : vector<16xf32>
            %swap3A_468 = arith.index_cast %add3A_419 : i32 to index
            %swap3A_469 = arith.constant 96 : index
            %swap3A_470 = tpu.vector_load %arg20[%swap3A_468, %swap3A_469] {strides = array<i32>} : memref<80x128xf32, #tpu.memory_space<vmem>>, vector<16xf32>,
            tpu.vector_store %arg20[%swap3A_468, %swap3A_469], %mul3A_467 {strides = array<i32>} : memref<80x128xf32, #tpu.memory_space<vmem>>, vector<16xf32>,
            %get3A_471 = arith.index_cast %add3A_419 : i32 to index
            %get3A_472 = arith.constant 112 : index
            %get3A_473 = tpu.vector_load %arg20[%get3A_471, %get3A_472] {strides = array<i32>} : memref<80x128xf32, #tpu.memory_space<vmem>>, vector<16xf32>,
            %mul3A_474 = arith.mulf %get3A_473, %gather3A_421 : vector<16xf32>
            %swap3A_475 = arith.index_cast %add3A_419 : i32 to index
            %swap3A_476 = arith.constant 112 : index
            %swap3A_477 = tpu.vector_load %arg20[%swap3A_475, %swap3A_476] {strides = array<i32>} : memref<80x128xf32, #tpu.memory_space<vmem>>, vector<16xf32>,
            tpu.vector_store %arg20[%swap3A_475, %swap3A_476], %mul3A_474 {strides = array<i32>} : memref<80x128xf32, #tpu.memory_space<vmem>>, vector<16xf32>,
            %mul3A_478 = arith.constant 8 : i32
            %mul3A_479 = arith.muli %scan3A_230, %mul3A_478 : i32
            %add3A_480 = arith.constant 4 : i32
            %add3A_481 = arith.addi %mul3A_479, %add3A_480 : i32
            %broadcast_in_dim3A_482 = vector.broadcast %add3A_481 : i32 to vector<16xi32>
            %gather3A_483 = tpu.vector_load_idx %arg18[%broadcast_in_dim3A_482] : memref<80xf32, #tpu.memory_space<vmem>>[vector<16xi32>], vector<16xf32>,
            %get3A_484 = arith.index_cast %add3A_481 : i32 to index
            %get3A_485 = arith.constant 0 : index
            %get3A_486 = tpu.vector_load %arg20[%get3A_484, %get3A_485] {strides = array<i32>} : memref<80x128xf32, #tpu.memory_space<vmem>>, vector<16xf32>,
            %mul3A_487 = arith.mulf %get3A_486, %gather3A_483 : vector<16xf32>
            %swap3A_488 = arith.index_cast %add3A_481 : i32 to index
            %swap3A_489 = arith.constant 0 : index
            %swap3A_490 = tpu.vector_load %arg20[%swap3A_488, %swap3A_489] {strides = array<i32>} : memref<80x128xf32, #tpu.memory_space<vmem>>, vector<16xf32>,
            tpu.vector_store %arg20[%swap3A_488, %swap3A_489], %mul3A_487 {strides = array<i32>} : memref<80x128xf32, #tpu.memory_space<vmem>>, vector<16xf32>,
            %get3A_491 = arith.index_cast %add3A_481 : i32 to index
            %get3A_492 = arith.constant 16 : index
            %get3A_493 = tpu.vector_load %arg20[%get3A_491, %get3A_492] {strides = array<i32>} : memref<80x128xf32, #tpu.memory_space<vmem>>, vector<16xf32>,
            %mul3A_494 = arith.mulf %get3A_493, %gather3A_483 : vector<16xf32>
            %swap3A_495 = arith.index_cast %add3A_481 : i32 to index
            %swap3A_496 = arith.constant 16 : index
            %swap3A_497 = tpu.vector_load %arg20[%swap3A_495, %swap3A_496] {strides = array<i32>} : memref<80x128xf32, #tpu.memory_space<vmem>>, vector<16xf32>,
            tpu.vector_store %arg20[%swap3A_495, %swap3A_496], %mul3A_494 {strides = array<i32>} : memref<80x128xf32, #tpu.memory_space<vmem>>, vector<16xf32>,
            %get3A_498 = arith.index_cast %add3A_481 : i32 to index
            %get3A_499 = arith.constant 32 : index
            %get3A_500 = tpu.vector_load %arg20[%get3A_498, %get3A_499] {strides = array<i32>} : memref<80x128xf32, #tpu.memory_space<vmem>>, vector<16xf32>,
            %mul3A_501 = arith.mulf %get3A_500, %gather3A_483 : vector<16xf32>
            %swap3A_502 = arith.index_cast %add3A_481 : i32 to index
            %swap3A_503 = arith.constant 32 : index
            %swap3A_504 = tpu.vector_load %arg20[%swap3A_502, %swap3A_503] {strides = array<i32>} : memref<80x128xf32, #tpu.memory_space<vmem>>, vector<16xf32>,
            tpu.vector_store %arg20[%swap3A_502, %swap3A_503], %mul3A_501 {strides = array<i32>} : memref<80x128xf32, #tpu.memory_space<vmem>>, vector<16xf32>,
            %get3A_505 = arith.index_cast %add3A_481 : i32 to index
            %get3A_506 = arith.constant 48 : index
            %get3A_507 = tpu.vector_load %arg20[%get3A_505, %get3A_506] {strides = array<i32>} : memref<80x128xf32, #tpu.memory_space<vmem>>, vector<16xf32>,
            %mul3A_508 = arith.mulf %get3A_507, %gather3A_483 : vector<16xf32>
            %swap3A_509 = arith.index_cast %add3A_481 : i32 to index
            %swap3A_510 = arith.constant 48 : index
            %swap3A_511 = tpu.vector_load %arg20[%swap3A_509, %swap3A_510] {strides = array<i32>} : memref<80x128xf32, #tpu.memory_space<vmem>>, vector<16xf32>,
            tpu.vector_store %arg20[%swap3A_509, %swap3A_510], %mul3A_508 {strides = array<i32>} : memref<80x128xf32, #tpu.memory_space<vmem>>, vector<16xf32>,
            %get3A_512 = arith.index_cast %add3A_481 : i32 to index
            %get3A_513 = arith.constant 64 : index
            %get3A_514 = tpu.vector_load %arg20[%get3A_512, %get3A_513] {strides = array<i32>} : memref<80x128xf32, #tpu.memory_space<vmem>>, vector<16xf32>,
            %mul3A_515 = arith.mulf %get3A_514, %gather3A_483 : vector<16xf32>
            %swap3A_516 = arith.index_cast %add3A_481 : i32 to index
            %swap3A_517 = arith.constant 64 : index
            %swap3A_518 = tpu.vector_load %arg20[%swap3A_516, %swap3A_517] {strides = array<i32>} : memref<80x128xf32, #tpu.memory_space<vmem>>, vector<16xf32>,
            tpu.vector_store %arg20[%swap3A_516, %swap3A_517], %mul3A_515 {strides = array<i32>} : memref<80x128xf32, #tpu.memory_space<vmem>>, vector<16xf32>,
            %get3A_519 = arith.index_cast %add3A_481 : i32 to index
            %get3A_520 = arith.constant 80 : index
            %get3A_521 = tpu.vector_load %arg20[%get3A_519, %get3A_520] {strides = array<i32>} : memref<80x128xf32, #tpu.memory_space<vmem>>, vector<16xf32>,
            %mul3A_522 = arith.mulf %get3A_521, %gather3A_483 : vector<16xf32>
            %swap3A_523 = arith.index_cast %add3A_481 : i32 to index
            %swap3A_524 = arith.constant 80 : index
            %swap3A_525 = tpu.vector_load %arg20[%swap3A_523, %swap3A_524] {strides = array<i32>} : memref<80x128xf32, #tpu.memory_space<vmem>>, vector<16xf32>,
            tpu.vector_store %arg20[%swap3A_523, %swap3A_524], %mul3A_522 {strides = array<i32>} : memref<80x128xf32, #tpu.memory_space<vmem>>, vector<16xf32>,
            %get3A_526 = arith.index_cast %add3A_481 : i32 to index
            %get3A_527 = arith.constant 96 : index
            %get3A_528 = tpu.vector_load %arg20[%get3A_526, %get3A_527] {strides = array<i32>} : memref<80x128xf32, #tpu.memory_space<vmem>>, vector<16xf32>,
            %mul3A_529 = arith.mulf %get3A_528, %gather3A_483 : vector<16xf32>
            %swap3A_530 = arith.index_cast %add3A_481 : i32 to index
            %swap3A_531 = arith.constant 96 : index
            %swap3A_532 = tpu.vector_load %arg20[%swap3A_530, %swap3A_531] {strides = array<i32>} : memref<80x128xf32, #tpu.memory_space<vmem>>, vector<16xf32>,
            tpu.vector_store %arg20[%swap3A_530, %swap3A_531], %mul3A_529 {strides = array<i32>} : memref<80x128xf32, #tpu.memory_space<vmem>>, vector<16xf32>,
            %get3A_533 = arith.index_cast %add3A_481 : i32 to index
            %get3A_534 = arith.constant 112 : index
            %get3A_535 = tpu.vector_load %arg20[%get3A_533, %get3A_534] {strides = array<i32>} : memref<80x128xf32, #tpu.memory_space<vmem>>, vector<16xf32>,
            %mul3A_536 = arith.mulf %get3A_535, %gather3A_483 : vector<16xf32>
            %swap3A_537 = arith.index_cast %add3A_481 : i32 to index
            %swap3A_538 = arith.constant 112 : index
            %swap3A_539 = tpu.vector_load %arg20[%swap3A_537, %swap3A_538] {strides = array<i32>} : memref<80x128xf32, #tpu.memory_space<vmem>>, vector<16xf32>,
            tpu.vector_store %arg20[%swap3A_537, %swap3A_538], %mul3A_536 {strides = array<i32>} : memref<80x128xf32, #tpu.memory_space<vmem>>, vector<16xf32>,
            %mul3A_540 = arith.constant 8 : i32
            %mul3A_541 = arith.muli %scan3A_230, %mul3A_540 : i32
            %add3A_542 = arith.constant 5 : i32
            %add3A_543 = arith.addi %mul3A_541, %add3A_542 : i32
            %broadcast_in_dim3A_544 = vector.broadcast %add3A_543 : i32 to vector<16xi32>
            %gather3A_545 = tpu.vector_load_idx %arg18[%broadcast_in_dim3A_544] : memref<80xf32, #tpu.memory_space<vmem>>[vector<16xi32>], vector<16xf32>,
            %get3A_546 = arith.index_cast %add3A_543 : i32 to index
            %get3A_547 = arith.constant 0 : index
            %get3A_548 = tpu.vector_load %arg20[%get3A_546, %get3A_547] {strides = array<i32>} : memref<80x128xf32, #tpu.memory_space<vmem>>, vector<16xf32>,
            %mul3A_549 = arith.mulf %get3A_548, %gather3A_545 : vector<16xf32>
            %swap3A_550 = arith.index_cast %add3A_543 : i32 to index
            %swap3A_551 = arith.constant 0 : index
            %swap3A_552 = tpu.vector_load %arg20[%swap3A_550, %swap3A_551] {strides = array<i32>} : memref<80x128xf32, #tpu.memory_space<vmem>>, vector<16xf32>,
            tpu.vector_store %arg20[%swap3A_550, %swap3A_551], %mul3A_549 {strides = array<i32>} : memref<80x128xf32, #tpu.memory_space<vmem>>, vector<16xf32>,
            %get3A_553 = arith.index_cast %add3A_543 : i32 to index
            %get3A_554 = arith.constant 16 : index
            %get3A_555 = tpu.vector_load %arg20[%get3A_553, %get3A_554] {strides = array<i32>} : memref<80x128xf32, #tpu.memory_space<vmem>>, vector<16xf32>,
            %mul3A_556 = arith.mulf %get3A_555, %gather3A_545 : vector<16xf32>
            %swap3A_557 = arith.index_cast %add3A_543 : i32 to index
            %swap3A_558 = arith.constant 16 : index
            %swap3A_559 = tpu.vector_load %arg20[%swap3A_557, %swap3A_558] {strides = array<i32>} : memref<80x128xf32, #tpu.memory_space<vmem>>, vector<16xf32>,
            tpu.vector_store %arg20[%swap3A_557, %swap3A_558], %mul3A_556 {strides = array<i32>} : memref<80x128xf32, #tpu.memory_space<vmem>>, vector<16xf32>,
            %get3A_560 = arith.index_cast %add3A_543 : i32 to index
            %get3A_561 = arith.constant 32 : index
            %get3A_562 = tpu.vector_load %arg20[%get3A_560, %get3A_561] {strides = array<i32>} : memref<80x128xf32, #tpu.memory_space<vmem>>, vector<16xf32>,
            %mul3A_563 = arith.mulf %get3A_562, %gather3A_545 : vector<16xf32>
            %swap3A_564 = arith.index_cast %add3A_543 : i32 to index
            %swap3A_565 = arith.constant 32 : index
            %swap3A_566 = tpu.vector_load %arg20[%swap3A_564, %swap3A_565] {strides = array<i32>} : memref<80x128xf32, #tpu.memory_space<vmem>>, vector<16xf32>,
            tpu.vector_store %arg20[%swap3A_564, %swap3A_565], %mul3A_563 {strides = array<i32>} : memref<80x128xf32, #tpu.memory_space<vmem>>, vector<16xf32>,
            %get3A_567 = arith.index_cast %add3A_543 : i32 to index
            %get3A_568 = arith.constant 48 : index
            %get3A_569 = tpu.vector_load %arg20[%get3A_567, %get3A_568] {strides = array<i32>} : memref<80x128xf32, #tpu.memory_space<vmem>>, vector<16xf32>,
            %mul3A_570 = arith.mulf %get3A_569, %gather3A_545 : vector<16xf32>
            %swap3A_571 = arith.index_cast %add3A_543 : i32 to index
            %swap3A_572 = arith.constant 48 : index
            %swap3A_573 = tpu.vector_load %arg20[%swap3A_571, %swap3A_572] {strides = array<i32>} : memref<80x128xf32, #tpu.memory_space<vmem>>, vector<16xf32>,
            tpu.vector_store %arg20[%swap3A_571, %swap3A_572], %mul3A_570 {strides = array<i32>} : memref<80x128xf32, #tpu.memory_space<vmem>>, vector<16xf32>,
            %get3A_574 = arith.index_cast %add3A_543 : i32 to index
            %get3A_575 = arith.constant 64 : index
            %get3A_576 = tpu.vector_load %arg20[%get3A_574, %get3A_575] {strides = array<i32>} : memref<80x128xf32, #tpu.memory_space<vmem>>, vector<16xf32>,
            %mul3A_577 = arith.mulf %get3A_576, %gather3A_545 : vector<16xf32>
            %swap3A_578 = arith.index_cast %add3A_543 : i32 to index
            %swap3A_579 = arith.constant 64 : index
            %swap3A_580 = tpu.vector_load %arg20[%swap3A_578, %swap3A_579] {strides = array<i32>} : memref<80x128xf32, #tpu.memory_space<vmem>>, vector<16xf32>,
            tpu.vector_store %arg20[%swap3A_578, %swap3A_579], %mul3A_577 {strides = array<i32>} : memref<80x128xf32, #tpu.memory_space<vmem>>, vector<16xf32>,
            %get3A_581 = arith.index_cast %add3A_543 : i32 to index
            %get3A_582 = arith.constant 80 : index
            %get3A_583 = tpu.vector_load %arg20[%get3A_581, %get3A_582] {strides = array<i32>} : memref<80x128xf32, #tpu.memory_space<vmem>>, vector<16xf32>,
            %mul3A_584 = arith.mulf %get3A_583, %gather3A_545 : vector<16xf32>
            %swap3A_585 = arith.index_cast %add3A_543 : i32 to index
            %swap3A_586 = arith.constant 80 : index
            %swap3A_587 = tpu.vector_load %arg20[%swap3A_585, %swap3A_586] {strides = array<i32>} : memref<80x128xf32, #tpu.memory_space<vmem>>, vector<16xf32>,
            tpu.vector_store %arg20[%swap3A_585, %swap3A_586], %mul3A_584 {strides = array<i32>} : memref<80x128xf32, #tpu.memory_space<vmem>>, vector<16xf32>,
            %get3A_588 = arith.index_cast %add3A_543 : i32 to index
            %get3A_589 = arith.constant 96 : index
            %get3A_590 = tpu.vector_load %arg20[%get3A_588, %get3A_589] {strides = array<i32>} : memref<80x128xf32, #tpu.memory_space<vmem>>, vector<16xf32>,
            %mul3A_591 = arith.mulf %get3A_590, %gather3A_545 : vector<16xf32>
            %swap3A_592 = arith.index_cast %add3A_543 : i32 to index
            %swap3A_593 = arith.constant 96 : index
            %swap3A_594 = tpu.vector_load %arg20[%swap3A_592, %swap3A_593] {strides = array<i32>} : memref<80x128xf32, #tpu.memory_space<vmem>>, vector<16xf32>,
            tpu.vector_store %arg20[%swap3A_592, %swap3A_593], %mul3A_591 {strides = array<i32>} : memref<80x128xf32, #tpu.memory_space<vmem>>, vector<16xf32>,
            %get3A_595 = arith.index_cast %add3A_543 : i32 to index
            %get3A_596 = arith.constant 112 : index
            %get3A_597 = tpu.vector_load %arg20[%get3A_595, %get3A_596] {strides = array<i32>} : memref<80x128xf32, #tpu.memory_space<vmem>>, vector<16xf32>,
            %mul3A_598 = arith.mulf %get3A_597, %gather3A_545 : vector<16xf32>
            %swap3A_599 = arith.index_cast %add3A_543 : i32 to index
            %swap3A_600 = arith.constant 112 : index
            %swap3A_601 = tpu.vector_load %arg20[%swap3A_599, %swap3A_600] {strides = array<i32>} : memref<80x128xf32, #tpu.memory_space<vmem>>, vector<16xf32>,
            tpu.vector_store %arg20[%swap3A_599, %swap3A_600], %mul3A_598 {strides = array<i32>} : memref<80x128xf32, #tpu.memory_space<vmem>>, vector<16xf32>,
            %mul3A_602 = arith.constant 8 : i32
            %mul3A_603 = arith.muli %scan3A_230, %mul3A_602 : i32
            %add3A_604 = arith.constant 6 : i32
            %add3A_605 = arith.addi %mul3A_603, %add3A_604 : i32
            %broadcast_in_dim3A_606 = vector.broadcast %add3A_605 : i32 to vector<16xi32>
            %gather3A_607 = tpu.vector_load_idx %arg18[%broadcast_in_dim3A_606] : memref<80xf32, #tpu.memory_space<vmem>>[vector<16xi32>], vector<16xf32>,
            %get3A_608 = arith.index_cast %add3A_605 : i32 to index
            %get3A_609 = arith.constant 0 : index
            %get3A_610 = tpu.vector_load %arg20[%get3A_608, %get3A_609] {strides = array<i32>} : memref<80x128xf32, #tpu.memory_space<vmem>>, vector<16xf32>,
            %mul3A_611 = arith.mulf %get3A_610, %gather3A_607 : vector<16xf32>
            %swap3A_612 = arith.index_cast %add3A_605 : i32 to index
            %swap3A_613 = arith.constant 0 : index
            %swap3A_614 = tpu.vector_load %arg20[%swap3A_612, %swap3A_613] {strides = array<i32>} : memref<80x128xf32, #tpu.memory_space<vmem>>, vector<16xf32>,
            tpu.vector_store %arg20[%swap3A_612, %swap3A_613], %mul3A_611 {strides = array<i32>} : memref<80x128xf32, #tpu.memory_space<vmem>>, vector<16xf32>,
            %get3A_615 = arith.index_cast %add3A_605 : i32 to index
            %get3A_616 = arith.constant 16 : index
            %get3A_617 = tpu.vector_load %arg20[%get3A_615, %get3A_616] {strides = array<i32>} : memref<80x128xf32, #tpu.memory_space<vmem>>, vector<16xf32>,
            %mul3A_618 = arith.mulf %get3A_617, %gather3A_607 : vector<16xf32>
            %swap3A_619 = arith.index_cast %add3A_605 : i32 to index
            %swap3A_620 = arith.constant 16 : index
            %swap3A_621 = tpu.vector_load %arg20[%swap3A_619, %swap3A_620] {strides = array<i32>} : memref<80x128xf32, #tpu.memory_space<vmem>>, vector<16xf32>,
            tpu.vector_store %arg20[%swap3A_619, %swap3A_620], %mul3A_618 {strides = array<i32>} : memref<80x128xf32, #tpu.memory_space<vmem>>, vector<16xf32>,
            %get3A_622 = arith.index_cast %add3A_605 : i32 to index
            %get3A_623 = arith.constant 32 : index
            %get3A_624 = tpu.vector_load %arg20[%get3A_622, %get3A_623] {strides = array<i32>} : memref<80x128xf32, #tpu.memory_space<vmem>>, vector<16xf32>,
            %mul3A_625 = arith.mulf %get3A_624, %gather3A_607 : vector<16xf32>
            %swap3A_626 = arith.index_cast %add3A_605 : i32 to index
            %swap3A_627 = arith.constant 32 : index
            %swap3A_628 = tpu.vector_load %arg20[%swap3A_626, %swap3A_627] {strides = array<i32>} : memref<80x128xf32, #tpu.memory_space<vmem>>, vector<16xf32>,
            tpu.vector_store %arg20[%swap3A_626, %swap3A_627], %mul3A_625 {strides = array<i32>} : memref<80x128xf32, #tpu.memory_space<vmem>>, vector<16xf32>,
            %get3A_629 = arith.index_cast %add3A_605 : i32 to index
            %get3A_630 = arith.constant 48 : index
            %get3A_631 = tpu.vector_load %arg20[%get3A_629, %get3A_630] {strides = array<i32>} : memref<80x128xf32, #tpu.memory_space<vmem>>, vector<16xf32>,
            %mul3A_632 = arith.mulf %get3A_631, %gather3A_607 : vector<16xf32>
            %swap3A_633 = arith.index_cast %add3A_605 : i32 to index
            %swap3A_634 = arith.constant 48 : index
            %swap3A_635 = tpu.vector_load %arg20[%swap3A_633, %swap3A_634] {strides = array<i32>} : memref<80x128xf32, #tpu.memory_space<vmem>>, vector<16xf32>,
            tpu.vector_store %arg20[%swap3A_633, %swap3A_634], %mul3A_632 {strides = array<i32>} : memref<80x128xf32, #tpu.memory_space<vmem>>, vector<16xf32>,
            %get3A_636 = arith.index_cast %add3A_605 : i32 to index
            %get3A_637 = arith.constant 64 : index
            %get3A_638 = tpu.vector_load %arg20[%get3A_636, %get3A_637] {strides = array<i32>} : memref<80x128xf32, #tpu.memory_space<vmem>>, vector<16xf32>,
            %mul3A_639 = arith.mulf %get3A_638, %gather3A_607 : vector<16xf32>
            %swap3A_640 = arith.index_cast %add3A_605 : i32 to index
            %swap3A_641 = arith.constant 64 : index
            %swap3A_642 = tpu.vector_load %arg20[%swap3A_640, %swap3A_641] {strides = array<i32>} : memref<80x128xf32, #tpu.memory_space<vmem>>, vector<16xf32>,
            tpu.vector_store %arg20[%swap3A_640, %swap3A_641], %mul3A_639 {strides = array<i32>} : memref<80x128xf32, #tpu.memory_space<vmem>>, vector<16xf32>,
            %get3A_643 = arith.index_cast %add3A_605 : i32 to index
            %get3A_644 = arith.constant 80 : index
            %get3A_645 = tpu.vector_load %arg20[%get3A_643, %get3A_644] {strides = array<i32>} : memref<80x128xf32, #tpu.memory_space<vmem>>, vector<16xf32>,
            %mul3A_646 = arith.mulf %get3A_645, %gather3A_607 : vector<16xf32>
            %swap3A_647 = arith.index_cast %add3A_605 : i32 to index
            %swap3A_648 = arith.constant 80 : index
            %swap3A_649 = tpu.vector_load %arg20[%swap3A_647, %swap3A_648] {strides = array<i32>} : memref<80x128xf32, #tpu.memory_space<vmem>>, vector<16xf32>,
            tpu.vector_store %arg20[%swap3A_647, %swap3A_648], %mul3A_646 {strides = array<i32>} : memref<80x128xf32, #tpu.memory_space<vmem>>, vector<16xf32>,
            %get3A_650 = arith.index_cast %add3A_605 : i32 to index
            %get3A_651 = arith.constant 96 : index
            %get3A_652 = tpu.vector_load %arg20[%get3A_650, %get3A_651] {strides = array<i32>} : memref<80x128xf32, #tpu.memory_space<vmem>>, vector<16xf32>,
            %mul3A_653 = arith.mulf %get3A_652, %gather3A_607 : vector<16xf32>
            %swap3A_654 = arith.index_cast %add3A_605 : i32 to index
            %swap3A_655 = arith.constant 96 : index
            %swap3A_656 = tpu.vector_load %arg20[%swap3A_654, %swap3A_655] {strides = array<i32>} : memref<80x128xf32, #tpu.memory_space<vmem>>, vector<16xf32>,
            tpu.vector_store %arg20[%swap3A_654, %swap3A_655], %mul3A_653 {strides = array<i32>} : memref<80x128xf32, #tpu.memory_space<vmem>>, vector<16xf32>,
            %get3A_657 = arith.index_cast %add3A_605 : i32 to index
            %get3A_658 = arith.constant 112 : index
            %get3A_659 = tpu.vector_load %arg20[%get3A_657, %get3A_658] {strides = array<i32>} : memref<80x128xf32, #tpu.memory_space<vmem>>, vector<16xf32>,
            %mul3A_660 = arith.mulf %get3A_659, %gather3A_607 : vector<16xf32>
            %swap3A_661 = arith.index_cast %add3A_605 : i32 to index
            %swap3A_662 = arith.constant 112 : index
            %swap3A_663 = tpu.vector_load %arg20[%swap3A_661, %swap3A_662] {strides = array<i32>} : memref<80x128xf32, #tpu.memory_space<vmem>>, vector<16xf32>,
            tpu.vector_store %arg20[%swap3A_661, %swap3A_662], %mul3A_660 {strides = array<i32>} : memref<80x128xf32, #tpu.memory_space<vmem>>, vector<16xf32>,
            %mul3A_664 = arith.constant 8 : i32
            %mul3A_665 = arith.muli %scan3A_230, %mul3A_664 : i32
            %add3A_666 = arith.constant 7 : i32
            %add3A_667 = arith.addi %mul3A_665, %add3A_666 : i32
            %broadcast_in_dim3A_668 = vector.broadcast %add3A_667 : i32 to vector<16xi32>
            %gather3A_669 = tpu.vector_load_idx %arg18[%broadcast_in_dim3A_668] : memref<80xf32, #tpu.memory_space<vmem>>[vector<16xi32>], vector<16xf32>,
            %get3A_670 = arith.index_cast %add3A_667 : i32 to index
            %get3A_671 = arith.constant 0 : index
            %get3A_672 = tpu.vector_load %arg20[%get3A_670, %get3A_671] {strides = array<i32>} : memref<80x128xf32, #tpu.memory_space<vmem>>, vector<16xf32>,
            %mul3A_673 = arith.mulf %get3A_672, %gather3A_669 : vector<16xf32>
            %swap3A_674 = arith.index_cast %add3A_667 : i32 to index
            %swap3A_675 = arith.constant 0 : index
            %swap3A_676 = tpu.vector_load %arg20[%swap3A_674, %swap3A_675] {strides = array<i32>} : memref<80x128xf32, #tpu.memory_space<vmem>>, vector<16xf32>,
            tpu.vector_store %arg20[%swap3A_674, %swap3A_675], %mul3A_673 {strides = array<i32>} : memref<80x128xf32, #tpu.memory_space<vmem>>, vector<16xf32>,
            %get3A_677 = arith.index_cast %add3A_667 : i32 to index
            %get3A_678 = arith.constant 16 : index
            %get3A_679 = tpu.vector_load %arg20[%get3A_677, %get3A_678] {strides = array<i32>} : memref<80x128xf32, #tpu.memory_space<vmem>>, vector<16xf32>,
            %mul3A_680 = arith.mulf %get3A_679, %gather3A_669 : vector<16xf32>
            %swap3A_681 = arith.index_cast %add3A_667 : i32 to index
            %swap3A_682 = arith.constant 16 : index
            %swap3A_683 = tpu.vector_load %arg20[%swap3A_681, %swap3A_682] {strides = array<i32>} : memref<80x128xf32, #tpu.memory_space<vmem>>, vector<16xf32>,
            tpu.vector_store %arg20[%swap3A_681, %swap3A_682], %mul3A_680 {strides = array<i32>} : memref<80x128xf32, #tpu.memory_space<vmem>>, vector<16xf32>,
            %get3A_684 = arith.index_cast %add3A_667 : i32 to index
            %get3A_685 = arith.constant 32 : index
            %get3A_686 = tpu.vector_load %arg20[%get3A_684, %get3A_685] {strides = array<i32>} : memref<80x128xf32, #tpu.memory_space<vmem>>, vector<16xf32>,
            %mul3A_687 = arith.mulf %get3A_686, %gather3A_669 : vector<16xf32>
            %swap3A_688 = arith.index_cast %add3A_667 : i32 to index
            %swap3A_689 = arith.constant 32 : index
            %swap3A_690 = tpu.vector_load %arg20[%swap3A_688, %swap3A_689] {strides = array<i32>} : memref<80x128xf32, #tpu.memory_space<vmem>>, vector<16xf32>,
            tpu.vector_store %arg20[%swap3A_688, %swap3A_689], %mul3A_687 {strides = array<i32>} : memref<80x128xf32, #tpu.memory_space<vmem>>, vector<16xf32>,
            %get3A_691 = arith.index_cast %add3A_667 : i32 to index
            %get3A_692 = arith.constant 48 : index
            %get3A_693 = tpu.vector_load %arg20[%get3A_691, %get3A_692] {strides = array<i32>} : memref<80x128xf32, #tpu.memory_space<vmem>>, vector<16xf32>,
            %mul3A_694 = arith.mulf %get3A_693, %gather3A_669 : vector<16xf32>
            %swap3A_695 = arith.index_cast %add3A_667 : i32 to index
            %swap3A_696 = arith.constant 48 : index
            %swap3A_697 = tpu.vector_load %arg20[%swap3A_695, %swap3A_696] {strides = array<i32>} : memref<80x128xf32, #tpu.memory_space<vmem>>, vector<16xf32>,
            tpu.vector_store %arg20[%swap3A_695, %swap3A_696], %mul3A_694 {strides = array<i32>} : memref<80x128xf32, #tpu.memory_space<vmem>>, vector<16xf32>,
            %get3A_698 = arith.index_cast %add3A_667 : i32 to index
            %get3A_699 = arith.constant 64 : index
            %get3A_700 = tpu.vector_load %arg20[%get3A_698, %get3A_699] {strides = array<i32>} : memref<80x128xf32, #tpu.memory_space<vmem>>, vector<16xf32>,
            %mul3A_701 = arith.mulf %get3A_700, %gather3A_669 : vector<16xf32>
            %swap3A_702 = arith.index_cast %add3A_667 : i32 to index
            %swap3A_703 = arith.constant 64 : index
            %swap3A_704 = tpu.vector_load %arg20[%swap3A_702, %swap3A_703] {strides = array<i32>} : memref<80x128xf32, #tpu.memory_space<vmem>>, vector<16xf32>,
            tpu.vector_store %arg20[%swap3A_702, %swap3A_703], %mul3A_701 {strides = array<i32>} : memref<80x128xf32, #tpu.memory_space<vmem>>, vector<16xf32>,
            %get3A_705 = arith.index_cast %add3A_667 : i32 to index
            %get3A_706 = arith.constant 80 : index
            %get3A_707 = tpu.vector_load %arg20[%get3A_705, %get3A_706] {strides = array<i32>} : memref<80x128xf32, #tpu.memory_space<vmem>>, vector<16xf32>,
            %mul3A_708 = arith.mulf %get3A_707, %gather3A_669 : vector<16xf32>
            %swap3A_709 = arith.index_cast %add3A_667 : i32 to index
            %swap3A_710 = arith.constant 80 : index
            %swap3A_711 = tpu.vector_load %arg20[%swap3A_709, %swap3A_710] {strides = array<i32>} : memref<80x128xf32, #tpu.memory_space<vmem>>, vector<16xf32>,
            tpu.vector_store %arg20[%swap3A_709, %swap3A_710], %mul3A_708 {strides = array<i32>} : memref<80x128xf32, #tpu.memory_space<vmem>>, vector<16xf32>,
            %get3A_712 = arith.index_cast %add3A_667 : i32 to index
            %get3A_713 = arith.constant 96 : index
            %get3A_714 = tpu.vector_load %arg20[%get3A_712, %get3A_713] {strides = array<i32>} : memref<80x128xf32, #tpu.memory_space<vmem>>, vector<16xf32>,
            %mul3A_715 = arith.mulf %get3A_714, %gather3A_669 : vector<16xf32>
            %swap3A_716 = arith.index_cast %add3A_667 : i32 to index
            %swap3A_717 = arith.constant 96 : index
            %swap3A_718 = tpu.vector_load %arg20[%swap3A_716, %swap3A_717] {strides = array<i32>} : memref<80x128xf32, #tpu.memory_space<vmem>>, vector<16xf32>,
            tpu.vector_store %arg20[%swap3A_716, %swap3A_717], %mul3A_715 {strides = array<i32>} : memref<80x128xf32, #tpu.memory_space<vmem>>, vector<16xf32>,
            %get3A_719 = arith.index_cast %add3A_667 : i32 to index
            %get3A_720 = arith.constant 112 : index
            %get3A_721 = tpu.vector_load %arg20[%get3A_719, %get3A_720] {strides = array<i32>} : memref<80x128xf32, #tpu.memory_space<vmem>>, vector<16xf32>,
            %mul3A_722 = arith.mulf %get3A_721, %gather3A_669 : vector<16xf32>
            %swap3A_723 = arith.index_cast %add3A_667 : i32 to index
            %swap3A_724 = arith.constant 112 : index
            %swap3A_725 = tpu.vector_load %arg20[%swap3A_723, %swap3A_724] {strides = array<i32>} : memref<80x128xf32, #tpu.memory_space<vmem>>, vector<16xf32>,
            tpu.vector_store %arg20[%swap3A_723, %swap3A_724], %mul3A_722 {strides = array<i32>} : memref<80x128xf32, #tpu.memory_space<vmem>>, vector<16xf32>,
          }
          %scan3A_223 = arith.constant 10 : i32
          %dma_start3A_224 = arith.constant 0 : i32
          %dma_start3A_225 = tpu.memref_slice %arg12[%add3A_99, %dma_start3A_224] : memref<125x80xi32, #tpu.memory_space<vmem>> -> memref<1x80xi32, #tpu.memory_space<vmem>>
          %dma_start3A_226 = tpu.memref_squeeze %dma_start3A_225 : memref<1x80xi32, #tpu.memory_space<vmem>> -> memref<80xi32, #tpu.memory_space<vmem>>
          %dma_start3A_227 = arith.constant 0 : i32
          %dma_start3A_228 = arith.constant 0 : i32
          %dma_start3A_229 = tpu.memref_slice %arg25[%dma_start3A_227, %dma_start3A_228] : memref<10000x128xf32, #tpu.memory_space<vmem_shared>> -> memref<10000x128xf32, #tpu.memory_space<vmem_shared>>
          tpu.enqueue_indirect_dma source(%arg20 : memref<80x128xf32, #tpu.memory_space<vmem>>) target(%dma_start3A_229 : memref<10000x128xf32, #tpu.memory_space<vmem_shared>>) offsets(%dma_start3A_226 : memref<80xi32, #tpu.memory_space<vmem>>) semaphore(%arg29 : memref<!tpu.dma_semaphore, #tpu.memory_space<semaphore_mem>>) {add = true}
        } else {
        }
      }
      %scan3A_69 = arith.constant 63 : i32
      %dma_wait3A = arith.constant 124 : i32
      %dma_wait3A_70 = arith.constant 0 : i32
      %dma_wait3A_71 = tpu.memref_slice %arg12[%dma_wait3A, %dma_wait3A_70] : memref<125x80xi32, #tpu.memory_space<vmem>> -> memref<1x80xi32, #tpu.memory_space<vmem>>
      %dma_wait3A_72 = tpu.memref_squeeze %dma_wait3A_71 : memref<1x80xi32, #tpu.memory_space<vmem>> -> memref<80xi32, #tpu.memory_space<vmem>>
      %dma_wait3A_73 = arith.constant 0 : i32
      %dma_wait3A_74 = arith.constant 0 : i32
      %dma_wait3A_75 = tpu.memref_slice %arg25[%dma_wait3A_73, %dma_wait3A_74] : memref<10000x128xf32, #tpu.memory_space<vmem_shared>> -> memref<10000x128xf32, #tpu.memory_space<vmem_shared>>
      tpu.wait_indirect_dma semaphore(%arg28 : memref<!tpu.dma_semaphore, #tpu.memory_space<semaphore_mem>>) src(%arg19 : memref<80x128xf32, #tpu.memory_space<vmem>>) dst(%dma_wait3A_75 : memref<10000x128xf32, #tpu.memory_space<vmem_shared>>)
      %dma_wait3A_76 = arith.constant 123 : i32
      %dma_wait3A_77 = arith.constant 0 : i32
      %dma_wait3A_78 = tpu.memref_slice %arg12[%dma_wait3A_76, %dma_wait3A_77] : memref<125x80xi32, #tpu.memory_space<vmem>> -> memref<1x80xi32, #tpu.memory_space<vmem>>
      %dma_wait3A_79 = tpu.memref_squeeze %dma_wait3A_78 : memref<1x80xi32, #tpu.memory_space<vmem>> -> memref<80xi32, #tpu.memory_space<vmem>>
      %dma_wait3A_80 = arith.constant 0 : i32
      %dma_wait3A_81 = tpu.memref_slice %arg24[%dma_wait3A_80] : memref<10240xf32, #tpu.memory_space<vmem_shared>> -> memref<10240xf32, #tpu.memory_space<vmem_shared>>
      tpu.wait_indirect_dma semaphore(%arg33 : memref<!tpu.dma_semaphore, #tpu.memory_space<semaphore_mem>>) src(%arg18 : memref<80xf32, #tpu.memory_space<vmem>>) dst(%dma_wait3A_81 : memref<10240xf32, #tpu.memory_space<vmem_shared>>)
      %dma_wait3A_82 = arith.constant 124 : i32
      %dma_wait3A_83 = arith.constant 0 : i32
      %dma_wait3A_84 = tpu.memref_slice %arg12[%dma_wait3A_82, %dma_wait3A_83] : memref<125x80xi32, #tpu.memory_space<vmem>> -> memref<1x80xi32, #tpu.memory_space<vmem>>
      %dma_wait3A_85 = tpu.memref_squeeze %dma_wait3A_84 : memref<1x80xi32, #tpu.memory_space<vmem>> -> memref<80xi32, #tpu.memory_space<vmem>>
      %dma_wait3A_86 = arith.constant 0 : i32
      %dma_wait3A_87 = tpu.memref_slice %arg24[%dma_wait3A_86] : memref<10240xf32, #tpu.memory_space<vmem_shared>> -> memref<10240xf32, #tpu.memory_space<vmem_shared>>
      tpu.wait_indirect_dma semaphore(%arg32 : memref<!tpu.dma_semaphore, #tpu.memory_space<semaphore_mem>>) src(%arg17 : memref<80xf32, #tpu.memory_space<vmem>>) dst(%dma_wait3A_87 : memref<10240xf32, #tpu.memory_space<vmem_shared>>)
    } else {
    }
    %eq3A_29 = arith.constant 1 : i32
    %eq3A_30 = arith.cmpi eq, %arg0, %eq3A_29 : i32
    %convert_element_type3A_31 = arith.extui %eq3A_30 : i1 to i32
    %cond3A_32 = arith.constant 0 : i32
    %cond3A_33 = arith.cmpi ne, %convert_element_type3A_31, %cond3A_32 : i32
    scf.if %cond3A_33 {
      %dma_start3A = arith.constant 0 : i32
      %dma_start3A_50 = tpu.memref_slice %arg11[%dma_start3A] : memref<10000xi32, #tpu.memory_space<vmem>> -> memref<80xi32, #tpu.memory_space<vmem>>
      %dma_start3A_51 = arith.constant 0 : i32
      %dma_start3A_52 = arith.constant 0 : i32
      %dma_start3A_53 = tpu.memref_slice %arg3[%dma_start3A_51, %dma_start3A_52] : memref<10000x128xf32, #tpu.memory_space<hbm>> -> memref<10000x128xf32, #tpu.memory_space<hbm>>
      tpu.enqueue_indirect_dma source(%dma_start3A_53 : memref<10000x128xf32, #tpu.memory_space<hbm>>) target(%arg19 : memref<80x128xf32, #tpu.memory_space<vmem>>) offsets(%dma_start3A_50 : memref<80xi32, #tpu.memory_space<vmem>>) semaphore(%arg26 : memref<!tpu.dma_semaphore, #tpu.memory_space<semaphore_mem>>)
      %dma_start3A_54 = arith.constant 0 : i32
      %dma_start3A_55 = tpu.memref_slice %arg11[%dma_start3A_54] : memref<10000xi32, #tpu.memory_space<vmem>> -> memref<80xi32, #tpu.memory_space<vmem>>
      %dma_start3A_56 = arith.constant 0 : i32
      %dma_start3A_57 = tpu.memref_slice %arg22[%dma_start3A_56] : memref<10240xf32, #tpu.memory_space<vmem_shared>> -> memref<10240xf32, #tpu.memory_space<vmem_shared>>
      tpu.enqueue_indirect_dma source(%dma_start3A_57 : memref<10240xf32, #tpu.memory_space<vmem_shared>>) target(%arg13 : memref<80xf32, #tpu.memory_space<vmem>>) offsets(%dma_start3A_55 : memref<80xi32, #tpu.memory_space<vmem>>) semaphore(%arg30 : memref<!tpu.dma_semaphore, #tpu.memory_space<semaphore_mem>>)
      %dma_start3A_58 = arith.constant 0 : i32
      %dma_start3A_59 = arith.constant 0 : i32
      %dma_start3A_60 = tpu.memref_slice %arg12[%dma_start3A_58, %dma_start3A_59] : memref<125x80xi32, #tpu.memory_space<vmem>> -> memref<1x80xi32, #tpu.memory_space<vmem>>
      %dma_start3A_61 = tpu.memref_squeeze %dma_start3A_60 : memref<1x80xi32, #tpu.memory_space<vmem>> -> memref<80xi32, #tpu.memory_space<vmem>>
      %dma_start3A_62 = arith.constant 0 : i32
      %dma_start3A_63 = tpu.memref_slice %arg23[%dma_start3A_62] : memref<10240xf32, #tpu.memory_space<vmem_shared>> -> memref<10240xf32, #tpu.memory_space<vmem_shared>>
      tpu.enqueue_indirect_dma source(%dma_start3A_63 : memref<10240xf32, #tpu.memory_space<vmem_shared>>) target(%arg15 : memref<80xf32, #tpu.memory_space<vmem>>) offsets(%dma_start3A_61 : memref<80xi32, #tpu.memory_space<vmem>>) semaphore(%arg30 : memref<!tpu.dma_semaphore, #tpu.memory_space<semaphore_mem>>)
      %scan3A_64 = arith.constant 0 : i32
      %scan3A_65 = arith.constant 0 : i32
      %scan3A_66 = arith.constant 63 : i32
      %scan3A_67 = arith.addi %scan3A_65, %scan3A_66 : i32
      %scan3A_68 = arith.constant 1 : i32
      scf.for %scan3A_88 = %scan3A_65 to %scan3A_67 step %scan3A_68  : i32 {
        %mul3A_89 = arith.constant 2 : i32
        %mul3A_90 = arith.muli %scan3A_88, %mul3A_89 : i32
        %add3A = arith.constant 0 : i32
        %add3A_91 = arith.addi %mul3A_90, %add3A : i32
        %lt3A = arith.constant 125 : i32
        %lt3A_92 = arith.cmpi slt, %add3A_91, %lt3A : i32
        %convert_element_type3A_93 = arith.extui %lt3A_92 : i1 to i32
        %cond3A_94 = arith.constant 0 : i32
        %cond3A_95 = arith.cmpi ne, %convert_element_type3A_93, %cond3A_94 : i32
        scf.if %cond3A_95 {
          %mul3A_105 = arith.constant 80 : i32
          %mul3A_106 = arith.muli %add3A_91, %mul3A_105 : i32
          %add3A_107 = arith.constant 1 : i32
          %add3A_108 = arith.addi %add3A_91, %add3A_107 : i32
          %lt3A_109 = arith.constant 125 : i32
          %lt3A_110 = arith.cmpi slt, %add3A_108, %lt3A_109 : i32
          %convert_element_type3A_111 = arith.extui %lt3A_110 : i1 to i32
          %cond3A_112 = arith.constant 0 : i32
          %cond3A_113 = arith.cmpi ne, %convert_element_type3A_111, %cond3A_112 : i32
          scf.if %cond3A_113 {
            %add3A_230 = arith.constant 1 : i32
            %add3A_231 = arith.addi %add3A_91, %add3A_230 : i32
            %mul3A_232 = arith.constant 80 : i32
            %mul3A_233 = arith.muli %add3A_231, %mul3A_232 : i32
            %dma_start3A_234 = tpu.memref_slice %arg11[%mul3A_233] : memref<10000xi32, #tpu.memory_space<vmem>> -> memref<80xi32, #tpu.memory_space<vmem>>
            %dma_start3A_235 = arith.constant 0 : i32
            %dma_start3A_236 = tpu.memref_slice %arg22[%dma_start3A_235] : memref<10240xf32, #tpu.memory_space<vmem_shared>> -> memref<10240xf32, #tpu.memory_space<vmem_shared>>
            tpu.enqueue_indirect_dma source(%dma_start3A_236 : memref<10240xf32, #tpu.memory_space<vmem_shared>>) target(%arg14 : memref<80xf32, #tpu.memory_space<vmem>>) offsets(%dma_start3A_234 : memref<80xi32, #tpu.memory_space<vmem>>) semaphore(%arg31 : memref<!tpu.dma_semaphore, #tpu.memory_space<semaphore_mem>>)
            %add3A_237 = arith.constant 1 : i32
            %add3A_238 = arith.addi %add3A_91, %add3A_237 : i32
            %dma_start3A_239 = arith.constant 0 : i32
            %dma_start3A_240 = tpu.memref_slice %arg12[%add3A_238, %dma_start3A_239] : memref<125x80xi32, #tpu.memory_space<vmem>> -> memref<1x80xi32, #tpu.memory_space<vmem>>
            %dma_start3A_241 = tpu.memref_squeeze %dma_start3A_240 : memref<1x80xi32, #tpu.memory_space<vmem>> -> memref<80xi32, #tpu.memory_space<vmem>>
            %dma_start3A_242 = arith.constant 0 : i32
            %dma_start3A_243 = tpu.memref_slice %arg23[%dma_start3A_242] : memref<10240xf32, #tpu.memory_space<vmem_shared>> -> memref<10240xf32, #tpu.memory_space<vmem_shared>>
            tpu.enqueue_indirect_dma source(%dma_start3A_243 : memref<10240xf32, #tpu.memory_space<vmem_shared>>) target(%arg16 : memref<80xf32, #tpu.memory_space<vmem>>) offsets(%dma_start3A_241 : memref<80xi32, #tpu.memory_space<vmem>>) semaphore(%arg31 : memref<!tpu.dma_semaphore, #tpu.memory_space<semaphore_mem>>)
          } else {
          }
          %ge3A = arith.constant 2 : i32
          %ge3A_114 = arith.cmpi sge, %add3A_91, %ge3A : i32
          %convert_element_type3A_115 = arith.extui %ge3A_114 : i1 to i32
          %cond3A_116 = arith.constant 0 : i32
          %cond3A_117 = arith.cmpi ne, %convert_element_type3A_115, %cond3A_116 : i32
          scf.if %cond3A_117 {
            %sub3A = arith.constant 2 : i32
            %sub3A_230 = arith.subi %add3A_91, %sub3A : i32
            %dma_wait3A_231 = arith.constant 0 : i32
            %dma_wait3A_232 = tpu.memref_slice %arg12[%sub3A_230, %dma_wait3A_231] : memref<125x80xi32, #tpu.memory_space<vmem>> -> memref<1x80xi32, #tpu.memory_space<vmem>>
            %dma_wait3A_233 = tpu.memref_squeeze %dma_wait3A_232 : memref<1x80xi32, #tpu.memory_space<vmem>> -> memref<80xi32, #tpu.memory_space<vmem>>
            %dma_wait3A_234 = arith.constant 0 : i32
            %dma_wait3A_235 = tpu.memref_slice %arg24[%dma_wait3A_234] : memref<10240xf32, #tpu.memory_space<vmem_shared>> -> memref<10240xf32, #tpu.memory_space<vmem_shared>>
            tpu.wait_indirect_dma semaphore(%arg32 : memref<!tpu.dma_semaphore, #tpu.memory_space<semaphore_mem>>) src(%arg17 : memref<80xf32, #tpu.memory_space<vmem>>) dst(%dma_wait3A_235 : memref<10240xf32, #tpu.memory_space<vmem_shared>>)
          } else {
          }
          %dma_wait3A_118 = tpu.memref_slice %arg11[%mul3A_106] : memref<10000xi32, #tpu.memory_space<vmem>> -> memref<80xi32, #tpu.memory_space<vmem>>
          %dma_wait3A_119 = arith.constant 0 : i32
          %dma_wait3A_120 = tpu.memref_slice %arg22[%dma_wait3A_119] : memref<10240xf32, #tpu.memory_space<vmem_shared>> -> memref<10240xf32, #tpu.memory_space<vmem_shared>>
          tpu.wait_indirect_dma semaphore(%arg30 : memref<!tpu.dma_semaphore, #tpu.memory_space<semaphore_mem>>) src(%dma_wait3A_120 : memref<10240xf32, #tpu.memory_space<vmem_shared>>) dst(%arg13 : memref<80xf32, #tpu.memory_space<vmem>>)
          %dma_wait3A_121 = arith.constant 0 : i32
          %dma_wait3A_122 = tpu.memref_slice %arg12[%add3A_91, %dma_wait3A_121] : memref<125x80xi32, #tpu.memory_space<vmem>> -> memref<1x80xi32, #tpu.memory_space<vmem>>
          %dma_wait3A_123 = tpu.memref_squeeze %dma_wait3A_122 : memref<1x80xi32, #tpu.memory_space<vmem>> -> memref<80xi32, #tpu.memory_space<vmem>>
          %dma_wait3A_124 = arith.constant 0 : i32
          %dma_wait3A_125 = tpu.memref_slice %arg23[%dma_wait3A_124] : memref<10240xf32, #tpu.memory_space<vmem_shared>> -> memref<10240xf32, #tpu.memory_space<vmem_shared>>
          tpu.wait_indirect_dma semaphore(%arg30 : memref<!tpu.dma_semaphore, #tpu.memory_space<semaphore_mem>>) src(%dma_wait3A_125 : memref<10240xf32, #tpu.memory_space<vmem_shared>>) dst(%arg15 : memref<80xf32, #tpu.memory_space<vmem>>)
          %get3A = arith.constant 0 : index
          %get3A_126 = tpu.vector_load %arg13[%get3A] {strides = array<i32>} : memref<80xf32, #tpu.memory_space<vmem>>, vector<16xf32>,
          %get3A_127 = arith.constant 0 : index
          %get3A_128 = tpu.vector_load %arg15[%get3A_127] {strides = array<i32>} : memref<80xf32, #tpu.memory_space<vmem>>, vector<16xf32>,
          %add3A_129 = arith.addf %get3A_126, %get3A_128 : vector<16xf32>
          %gt3A = arith.constant 0.000000e+00 : f32
          %gt3A_130 = vector.broadcast %gt3A : f32 to vector<16xf32>
          %gt3A_131 = arith.cmpf ogt, %add3A_129, %gt3A_130 : vector<16xf32>
          %mul3A_132 = arith.constant 2.000000e-01 : f32
          %mul3A_133 = vector.broadcast %mul3A_132 : f32 to vector<16xf32>
          %mul3A_134 = arith.mulf %add3A_129, %mul3A_133 : vector<16xf32>
          %select_n3A_135 = arith.select %gt3A_131, %add3A_129, %mul3A_134 : vector<16xi1>, vector<16xf32>
          %exp3A = math.exp %select_n3A_135 : vector<16xf32>
          %swap3A = arith.constant 0 : index
          %swap3A_136 = tpu.vector_load %arg17[%swap3A] {strides = array<i32>} : memref<80xf32, #tpu.memory_space<vmem>>, vector<16xf32>,
          tpu.vector_store %arg17[%swap3A], %exp3A {strides = array<i32>} : memref<80xf32, #tpu.memory_space<vmem>>, vector<16xf32>,
          %get3A_137 = arith.constant 16 : index
          %get3A_138 = tpu.vector_load %arg13[%get3A_137] {strides = array<i32>} : memref<80xf32, #tpu.memory_space<vmem>>, vector<16xf32>,
          %get3A_139 = arith.constant 16 : index
          %get3A_140 = tpu.vector_load %arg15[%get3A_139] {strides = array<i32>} : memref<80xf32, #tpu.memory_space<vmem>>, vector<16xf32>,
          %add3A_141 = arith.addf %get3A_138, %get3A_140 : vector<16xf32>
          %gt3A_142 = arith.constant 0.000000e+00 : f32
          %gt3A_143 = vector.broadcast %gt3A_142 : f32 to vector<16xf32>
          %gt3A_144 = arith.cmpf ogt, %add3A_141, %gt3A_143 : vector<16xf32>
          %mul3A_145 = arith.constant 2.000000e-01 : f32
          %mul3A_146 = vector.broadcast %mul3A_145 : f32 to vector<16xf32>
          %mul3A_147 = arith.mulf %add3A_141, %mul3A_146 : vector<16xf32>
          %select_n3A_148 = arith.select %gt3A_144, %add3A_141, %mul3A_147 : vector<16xi1>, vector<16xf32>
          %exp3A_149 = math.exp %select_n3A_148 : vector<16xf32>
          %swap3A_150 = arith.constant 16 : index
          %swap3A_151 = tpu.vector_load %arg17[%swap3A_150] {strides = array<i32>} : memref<80xf32, #tpu.memory_space<vmem>>, vector<16xf32>,
          tpu.vector_store %arg17[%swap3A_150], %exp3A_149 {strides = array<i32>} : memref<80xf32, #tpu.memory_space<vmem>>, vector<16xf32>,
          %get3A_152 = arith.constant 32 : index
          %get3A_153 = tpu.vector_load %arg13[%get3A_152] {strides = array<i32>} : memref<80xf32, #tpu.memory_space<vmem>>, vector<16xf32>,
          %get3A_154 = arith.constant 32 : index
          %get3A_155 = tpu.vector_load %arg15[%get3A_154] {strides = array<i32>} : memref<80xf32, #tpu.memory_space<vmem>>, vector<16xf32>,
          %add3A_156 = arith.addf %get3A_153, %get3A_155 : vector<16xf32>
          %gt3A_157 = arith.constant 0.000000e+00 : f32
          %gt3A_158 = vector.broadcast %gt3A_157 : f32 to vector<16xf32>
          %gt3A_159 = arith.cmpf ogt, %add3A_156, %gt3A_158 : vector<16xf32>
          %mul3A_160 = arith.constant 2.000000e-01 : f32
          %mul3A_161 = vector.broadcast %mul3A_160 : f32 to vector<16xf32>
          %mul3A_162 = arith.mulf %add3A_156, %mul3A_161 : vector<16xf32>
          %select_n3A_163 = arith.select %gt3A_159, %add3A_156, %mul3A_162 : vector<16xi1>, vector<16xf32>
          %exp3A_164 = math.exp %select_n3A_163 : vector<16xf32>
          %swap3A_165 = arith.constant 32 : index
          %swap3A_166 = tpu.vector_load %arg17[%swap3A_165] {strides = array<i32>} : memref<80xf32, #tpu.memory_space<vmem>>, vector<16xf32>,
          tpu.vector_store %arg17[%swap3A_165], %exp3A_164 {strides = array<i32>} : memref<80xf32, #tpu.memory_space<vmem>>, vector<16xf32>,
          %get3A_167 = arith.constant 48 : index
          %get3A_168 = tpu.vector_load %arg13[%get3A_167] {strides = array<i32>} : memref<80xf32, #tpu.memory_space<vmem>>, vector<16xf32>,
          %get3A_169 = arith.constant 48 : index
          %get3A_170 = tpu.vector_load %arg15[%get3A_169] {strides = array<i32>} : memref<80xf32, #tpu.memory_space<vmem>>, vector<16xf32>,
          %add3A_171 = arith.addf %get3A_168, %get3A_170 : vector<16xf32>
          %gt3A_172 = arith.constant 0.000000e+00 : f32
          %gt3A_173 = vector.broadcast %gt3A_172 : f32 to vector<16xf32>
          %gt3A_174 = arith.cmpf ogt, %add3A_171, %gt3A_173 : vector<16xf32>
          %mul3A_175 = arith.constant 2.000000e-01 : f32
          %mul3A_176 = vector.broadcast %mul3A_175 : f32 to vector<16xf32>
          %mul3A_177 = arith.mulf %add3A_171, %mul3A_176 : vector<16xf32>
          %select_n3A_178 = arith.select %gt3A_174, %add3A_171, %mul3A_177 : vector<16xi1>, vector<16xf32>
          %exp3A_179 = math.exp %select_n3A_178 : vector<16xf32>
          %swap3A_180 = arith.constant 48 : index
          %swap3A_181 = tpu.vector_load %arg17[%swap3A_180] {strides = array<i32>} : memref<80xf32, #tpu.memory_space<vmem>>, vector<16xf32>,
          tpu.vector_store %arg17[%swap3A_180], %exp3A_179 {strides = array<i32>} : memref<80xf32, #tpu.memory_space<vmem>>, vector<16xf32>,
          %get3A_182 = arith.constant 64 : index
          %get3A_183 = tpu.vector_load %arg13[%get3A_182] {strides = array<i32>} : memref<80xf32, #tpu.memory_space<vmem>>, vector<16xf32>,
          %get3A_184 = arith.constant 64 : index
          %get3A_185 = tpu.vector_load %arg15[%get3A_184] {strides = array<i32>} : memref<80xf32, #tpu.memory_space<vmem>>, vector<16xf32>,
          %add3A_186 = arith.addf %get3A_183, %get3A_185 : vector<16xf32>
          %gt3A_187 = arith.constant 0.000000e+00 : f32
          %gt3A_188 = vector.broadcast %gt3A_187 : f32 to vector<16xf32>
          %gt3A_189 = arith.cmpf ogt, %add3A_186, %gt3A_188 : vector<16xf32>
          %mul3A_190 = arith.constant 2.000000e-01 : f32
          %mul3A_191 = vector.broadcast %mul3A_190 : f32 to vector<16xf32>
          %mul3A_192 = arith.mulf %add3A_186, %mul3A_191 : vector<16xf32>
          %select_n3A_193 = arith.select %gt3A_189, %add3A_186, %mul3A_192 : vector<16xi1>, vector<16xf32>
          %exp3A_194 = math.exp %select_n3A_193 : vector<16xf32>
          %swap3A_195 = arith.constant 64 : index
          %swap3A_196 = tpu.vector_load %arg17[%swap3A_195] {strides = array<i32>} : memref<80xf32, #tpu.memory_space<vmem>>, vector<16xf32>,
          tpu.vector_store %arg17[%swap3A_195], %exp3A_194 {strides = array<i32>} : memref<80xf32, #tpu.memory_space<vmem>>, vector<16xf32>,
          %dma_start3A_197 = arith.constant 0 : i32
          %dma_start3A_198 = tpu.memref_slice %arg12[%add3A_91, %dma_start3A_197] : memref<125x80xi32, #tpu.memory_space<vmem>> -> memref<1x80xi32, #tpu.memory_space<vmem>>
          %dma_start3A_199 = tpu.memref_squeeze %dma_start3A_198 : memref<1x80xi32, #tpu.memory_space<vmem>> -> memref<80xi32, #tpu.memory_space<vmem>>
          %dma_start3A_200 = arith.constant 0 : i32
          %dma_start3A_201 = tpu.memref_slice %arg24[%dma_start3A_200] : memref<10240xf32, #tpu.memory_space<vmem_shared>> -> memref<10240xf32, #tpu.memory_space<vmem_shared>>
          tpu.enqueue_indirect_dma source(%arg17 : memref<80xf32, #tpu.memory_space<vmem>>) target(%dma_start3A_201 : memref<10240xf32, #tpu.memory_space<vmem_shared>>) offsets(%dma_start3A_199 : memref<80xi32, #tpu.memory_space<vmem>>) semaphore(%arg32 : memref<!tpu.dma_semaphore, #tpu.memory_space<semaphore_mem>>) {add = true}
          %ge3A_202 = arith.constant 1 : i32
          %ge3A_203 = arith.cmpi sge, %add3A_91, %ge3A_202 : i32
          %convert_element_type3A_204 = arith.extui %ge3A_203 : i1 to i32
          %cond3A_205 = arith.constant 0 : i32
          %cond3A_206 = arith.cmpi ne, %convert_element_type3A_204, %cond3A_205 : i32
          scf.if %cond3A_206 {
            %sub3A = arith.constant 1 : i32
            %sub3A_230 = arith.subi %add3A_91, %sub3A : i32
            %dma_wait3A_231 = arith.constant 0 : i32
            %dma_wait3A_232 = tpu.memref_slice %arg12[%sub3A_230, %dma_wait3A_231] : memref<125x80xi32, #tpu.memory_space<vmem>> -> memref<1x80xi32, #tpu.memory_space<vmem>>
            %dma_wait3A_233 = tpu.memref_squeeze %dma_wait3A_232 : memref<1x80xi32, #tpu.memory_space<vmem>> -> memref<80xi32, #tpu.memory_space<vmem>>
            %dma_wait3A_234 = arith.constant 0 : i32
            %dma_wait3A_235 = arith.constant 0 : i32
            %dma_wait3A_236 = tpu.memref_slice %arg25[%dma_wait3A_234, %dma_wait3A_235] : memref<10000x128xf32, #tpu.memory_space<vmem_shared>> -> memref<10000x128xf32, #tpu.memory_space<vmem_shared>>
            tpu.wait_indirect_dma semaphore(%arg29 : memref<!tpu.dma_semaphore, #tpu.memory_space<semaphore_mem>>) src(%arg20 : memref<80x128xf32, #tpu.memory_space<vmem>>) dst(%dma_wait3A_236 : memref<10000x128xf32, #tpu.memory_space<vmem_shared>>)
          } else {
          }
          %add3A_207 = arith.constant 1 : i32
          %add3A_208 = arith.addi %add3A_91, %add3A_207 : i32
          %lt3A_209 = arith.constant 125 : i32
          %lt3A_210 = arith.cmpi slt, %add3A_208, %lt3A_209 : i32
          %convert_element_type3A_211 = arith.extui %lt3A_210 : i1 to i32
          %cond3A_212 = arith.constant 0 : i32
          %cond3A_213 = arith.cmpi ne, %convert_element_type3A_211, %cond3A_212 : i32
          scf.if %cond3A_213 {
            %add3A_230 = arith.constant 1 : i32
            %add3A_231 = arith.addi %add3A_91, %add3A_230 : i32
            %mul3A_232 = arith.constant 80 : i32
            %mul3A_233 = arith.muli %add3A_231, %mul3A_232 : i32
            %dma_start3A_234 = tpu.memref_slice %arg11[%mul3A_233] : memref<10000xi32, #tpu.memory_space<vmem>> -> memref<80xi32, #tpu.memory_space<vmem>>
            %dma_start3A_235 = arith.constant 0 : i32
            %dma_start3A_236 = arith.constant 0 : i32
            %dma_start3A_237 = tpu.memref_slice %arg3[%dma_start3A_235, %dma_start3A_236] : memref<10000x128xf32, #tpu.memory_space<hbm>> -> memref<10000x128xf32, #tpu.memory_space<hbm>>
            tpu.enqueue_indirect_dma source(%dma_start3A_237 : memref<10000x128xf32, #tpu.memory_space<hbm>>) target(%arg20 : memref<80x128xf32, #tpu.memory_space<vmem>>) offsets(%dma_start3A_234 : memref<80xi32, #tpu.memory_space<vmem>>) semaphore(%arg27 : memref<!tpu.dma_semaphore, #tpu.memory_space<semaphore_mem>>)
          } else {
          }
          %dma_wait3A_214 = tpu.memref_slice %arg11[%mul3A_106] : memref<10000xi32, #tpu.memory_space<vmem>> -> memref<80xi32, #tpu.memory_space<vmem>>
          %dma_wait3A_215 = arith.constant 0 : i32
          %dma_wait3A_216 = arith.constant 0 : i32
          %dma_wait3A_217 = tpu.memref_slice %arg3[%dma_wait3A_215, %dma_wait3A_216] : memref<10000x128xf32, #tpu.memory_space<hbm>> -> memref<10000x128xf32, #tpu.memory_space<hbm>>
          tpu.wait_indirect_dma semaphore(%arg26 : memref<!tpu.dma_semaphore, #tpu.memory_space<semaphore_mem>>) src(%dma_wait3A_217 : memref<10000x128xf32, #tpu.memory_space<hbm>>) dst(%arg19 : memref<80x128xf32, #tpu.memory_space<vmem>>)
          %scan3A_218 = arith.constant 0 : i32
          %scan3A_219 = arith.constant 0 : i32
          %scan3A_220 = arith.constant 10 : i32
          %scan3A_221 = arith.addi %scan3A_219, %scan3A_220 : i32
          %scan3A_222 = arith.constant 1 : i32
          scf.for %scan3A_230 = %scan3A_219 to %scan3A_221 step %scan3A_222  : i32 {
            %mul3A_231 = arith.constant 8 : i32
            %mul3A_232 = arith.muli %scan3A_230, %mul3A_231 : i32
            %add3A_233 = arith.constant 0 : i32
            %add3A_234 = arith.addi %mul3A_232, %add3A_233 : i32
            %broadcast_in_dim3A_235 = vector.broadcast %add3A_234 : i32 to vector<16xi32>
            %gather3A = tpu.vector_load_idx %arg17[%broadcast_in_dim3A_235] : memref<80xf32, #tpu.memory_space<vmem>>[vector<16xi32>], vector<16xf32>,
            %get3A_236 = arith.index_cast %add3A_234 : i32 to index
            %get3A_237 = arith.constant 0 : index
            %get3A_238 = tpu.vector_load %arg19[%get3A_236, %get3A_237] {strides = array<i32>} : memref<80x128xf32, #tpu.memory_space<vmem>>, vector<16xf32>,
            %mul3A_239 = arith.mulf %get3A_238, %gather3A : vector<16xf32>
            %swap3A_240 = arith.index_cast %add3A_234 : i32 to index
            %swap3A_241 = arith.constant 0 : index
            %swap3A_242 = tpu.vector_load %arg19[%swap3A_240, %swap3A_241] {strides = array<i32>} : memref<80x128xf32, #tpu.memory_space<vmem>>, vector<16xf32>,
            tpu.vector_store %arg19[%swap3A_240, %swap3A_241], %mul3A_239 {strides = array<i32>} : memref<80x128xf32, #tpu.memory_space<vmem>>, vector<16xf32>,
            %get3A_243 = arith.index_cast %add3A_234 : i32 to index
            %get3A_244 = arith.constant 16 : index
            %get3A_245 = tpu.vector_load %arg19[%get3A_243, %get3A_244] {strides = array<i32>} : memref<80x128xf32, #tpu.memory_space<vmem>>, vector<16xf32>,
            %mul3A_246 = arith.mulf %get3A_245, %gather3A : vector<16xf32>
            %swap3A_247 = arith.index_cast %add3A_234 : i32 to index
            %swap3A_248 = arith.constant 16 : index
            %swap3A_249 = tpu.vector_load %arg19[%swap3A_247, %swap3A_248] {strides = array<i32>} : memref<80x128xf32, #tpu.memory_space<vmem>>, vector<16xf32>,
            tpu.vector_store %arg19[%swap3A_247, %swap3A_248], %mul3A_246 {strides = array<i32>} : memref<80x128xf32, #tpu.memory_space<vmem>>, vector<16xf32>,
            %get3A_250 = arith.index_cast %add3A_234 : i32 to index
            %get3A_251 = arith.constant 32 : index
            %get3A_252 = tpu.vector_load %arg19[%get3A_250, %get3A_251] {strides = array<i32>} : memref<80x128xf32, #tpu.memory_space<vmem>>, vector<16xf32>,
            %mul3A_253 = arith.mulf %get3A_252, %gather3A : vector<16xf32>
            %swap3A_254 = arith.index_cast %add3A_234 : i32 to index
            %swap3A_255 = arith.constant 32 : index
            %swap3A_256 = tpu.vector_load %arg19[%swap3A_254, %swap3A_255] {strides = array<i32>} : memref<80x128xf32, #tpu.memory_space<vmem>>, vector<16xf32>,
            tpu.vector_store %arg19[%swap3A_254, %swap3A_255], %mul3A_253 {strides = array<i32>} : memref<80x128xf32, #tpu.memory_space<vmem>>, vector<16xf32>,
            %get3A_257 = arith.index_cast %add3A_234 : i32 to index
            %get3A_258 = arith.constant 48 : index
            %get3A_259 = tpu.vector_load %arg19[%get3A_257, %get3A_258] {strides = array<i32>} : memref<80x128xf32, #tpu.memory_space<vmem>>, vector<16xf32>,
            %mul3A_260 = arith.mulf %get3A_259, %gather3A : vector<16xf32>
            %swap3A_261 = arith.index_cast %add3A_234 : i32 to index
            %swap3A_262 = arith.constant 48 : index
            %swap3A_263 = tpu.vector_load %arg19[%swap3A_261, %swap3A_262] {strides = array<i32>} : memref<80x128xf32, #tpu.memory_space<vmem>>, vector<16xf32>,
            tpu.vector_store %arg19[%swap3A_261, %swap3A_262], %mul3A_260 {strides = array<i32>} : memref<80x128xf32, #tpu.memory_space<vmem>>, vector<16xf32>,
            %get3A_264 = arith.index_cast %add3A_234 : i32 to index
            %get3A_265 = arith.constant 64 : index
            %get3A_266 = tpu.vector_load %arg19[%get3A_264, %get3A_265] {strides = array<i32>} : memref<80x128xf32, #tpu.memory_space<vmem>>, vector<16xf32>,
            %mul3A_267 = arith.mulf %get3A_266, %gather3A : vector<16xf32>
            %swap3A_268 = arith.index_cast %add3A_234 : i32 to index
            %swap3A_269 = arith.constant 64 : index
            %swap3A_270 = tpu.vector_load %arg19[%swap3A_268, %swap3A_269] {strides = array<i32>} : memref<80x128xf32, #tpu.memory_space<vmem>>, vector<16xf32>,
            tpu.vector_store %arg19[%swap3A_268, %swap3A_269], %mul3A_267 {strides = array<i32>} : memref<80x128xf32, #tpu.memory_space<vmem>>, vector<16xf32>,
            %get3A_271 = arith.index_cast %add3A_234 : i32 to index
            %get3A_272 = arith.constant 80 : index
            %get3A_273 = tpu.vector_load %arg19[%get3A_271, %get3A_272] {strides = array<i32>} : memref<80x128xf32, #tpu.memory_space<vmem>>, vector<16xf32>,
            %mul3A_274 = arith.mulf %get3A_273, %gather3A : vector<16xf32>
            %swap3A_275 = arith.index_cast %add3A_234 : i32 to index
            %swap3A_276 = arith.constant 80 : index
            %swap3A_277 = tpu.vector_load %arg19[%swap3A_275, %swap3A_276] {strides = array<i32>} : memref<80x128xf32, #tpu.memory_space<vmem>>, vector<16xf32>,
            tpu.vector_store %arg19[%swap3A_275, %swap3A_276], %mul3A_274 {strides = array<i32>} : memref<80x128xf32, #tpu.memory_space<vmem>>, vector<16xf32>,
            %get3A_278 = arith.index_cast %add3A_234 : i32 to index
            %get3A_279 = arith.constant 96 : index
            %get3A_280 = tpu.vector_load %arg19[%get3A_278, %get3A_279] {strides = array<i32>} : memref<80x128xf32, #tpu.memory_space<vmem>>, vector<16xf32>,
            %mul3A_281 = arith.mulf %get3A_280, %gather3A : vector<16xf32>
            %swap3A_282 = arith.index_cast %add3A_234 : i32 to index
            %swap3A_283 = arith.constant 96 : index
            %swap3A_284 = tpu.vector_load %arg19[%swap3A_282, %swap3A_283] {strides = array<i32>} : memref<80x128xf32, #tpu.memory_space<vmem>>, vector<16xf32>,
            tpu.vector_store %arg19[%swap3A_282, %swap3A_283], %mul3A_281 {strides = array<i32>} : memref<80x128xf32, #tpu.memory_space<vmem>>, vector<16xf32>,
            %get3A_285 = arith.index_cast %add3A_234 : i32 to index
            %get3A_286 = arith.constant 112 : index
            %get3A_287 = tpu.vector_load %arg19[%get3A_285, %get3A_286] {strides = array<i32>} : memref<80x128xf32, #tpu.memory_space<vmem>>, vector<16xf32>,
            %mul3A_288 = arith.mulf %get3A_287, %gather3A : vector<16xf32>
            %swap3A_289 = arith.index_cast %add3A_234 : i32 to index
            %swap3A_290 = arith.constant 112 : index
            %swap3A_291 = tpu.vector_load %arg19[%swap3A_289, %swap3A_290] {strides = array<i32>} : memref<80x128xf32, #tpu.memory_space<vmem>>, vector<16xf32>,
            tpu.vector_store %arg19[%swap3A_289, %swap3A_290], %mul3A_288 {strides = array<i32>} : memref<80x128xf32, #tpu.memory_space<vmem>>, vector<16xf32>,
            %mul3A_292 = arith.constant 8 : i32
            %mul3A_293 = arith.muli %scan3A_230, %mul3A_292 : i32
            %add3A_294 = arith.constant 1 : i32
            %add3A_295 = arith.addi %mul3A_293, %add3A_294 : i32
            %broadcast_in_dim3A_296 = vector.broadcast %add3A_295 : i32 to vector<16xi32>
            %gather3A_297 = tpu.vector_load_idx %arg17[%broadcast_in_dim3A_296] : memref<80xf32, #tpu.memory_space<vmem>>[vector<16xi32>], vector<16xf32>,
            %get3A_298 = arith.index_cast %add3A_295 : i32 to index
            %get3A_299 = arith.constant 0 : index
            %get3A_300 = tpu.vector_load %arg19[%get3A_298, %get3A_299] {strides = array<i32>} : memref<80x128xf32, #tpu.memory_space<vmem>>, vector<16xf32>,
            %mul3A_301 = arith.mulf %get3A_300, %gather3A_297 : vector<16xf32>
            %swap3A_302 = arith.index_cast %add3A_295 : i32 to index
            %swap3A_303 = arith.constant 0 : index
            %swap3A_304 = tpu.vector_load %arg19[%swap3A_302, %swap3A_303] {strides = array<i32>} : memref<80x128xf32, #tpu.memory_space<vmem>>, vector<16xf32>,
            tpu.vector_store %arg19[%swap3A_302, %swap3A_303], %mul3A_301 {strides = array<i32>} : memref<80x128xf32, #tpu.memory_space<vmem>>, vector<16xf32>,
            %get3A_305 = arith.index_cast %add3A_295 : i32 to index
            %get3A_306 = arith.constant 16 : index
            %get3A_307 = tpu.vector_load %arg19[%get3A_305, %get3A_306] {strides = array<i32>} : memref<80x128xf32, #tpu.memory_space<vmem>>, vector<16xf32>,
            %mul3A_308 = arith.mulf %get3A_307, %gather3A_297 : vector<16xf32>
            %swap3A_309 = arith.index_cast %add3A_295 : i32 to index
            %swap3A_310 = arith.constant 16 : index
            %swap3A_311 = tpu.vector_load %arg19[%swap3A_309, %swap3A_310] {strides = array<i32>} : memref<80x128xf32, #tpu.memory_space<vmem>>, vector<16xf32>,
            tpu.vector_store %arg19[%swap3A_309, %swap3A_310], %mul3A_308 {strides = array<i32>} : memref<80x128xf32, #tpu.memory_space<vmem>>, vector<16xf32>,
            %get3A_312 = arith.index_cast %add3A_295 : i32 to index
            %get3A_313 = arith.constant 32 : index
            %get3A_314 = tpu.vector_load %arg19[%get3A_312, %get3A_313] {strides = array<i32>} : memref<80x128xf32, #tpu.memory_space<vmem>>, vector<16xf32>,
            %mul3A_315 = arith.mulf %get3A_314, %gather3A_297 : vector<16xf32>
            %swap3A_316 = arith.index_cast %add3A_295 : i32 to index
            %swap3A_317 = arith.constant 32 : index
            %swap3A_318 = tpu.vector_load %arg19[%swap3A_316, %swap3A_317] {strides = array<i32>} : memref<80x128xf32, #tpu.memory_space<vmem>>, vector<16xf32>,
            tpu.vector_store %arg19[%swap3A_316, %swap3A_317], %mul3A_315 {strides = array<i32>} : memref<80x128xf32, #tpu.memory_space<vmem>>, vector<16xf32>,
            %get3A_319 = arith.index_cast %add3A_295 : i32 to index
            %get3A_320 = arith.constant 48 : index
            %get3A_321 = tpu.vector_load %arg19[%get3A_319, %get3A_320] {strides = array<i32>} : memref<80x128xf32, #tpu.memory_space<vmem>>, vector<16xf32>,
            %mul3A_322 = arith.mulf %get3A_321, %gather3A_297 : vector<16xf32>
            %swap3A_323 = arith.index_cast %add3A_295 : i32 to index
            %swap3A_324 = arith.constant 48 : index
            %swap3A_325 = tpu.vector_load %arg19[%swap3A_323, %swap3A_324] {strides = array<i32>} : memref<80x128xf32, #tpu.memory_space<vmem>>, vector<16xf32>,
            tpu.vector_store %arg19[%swap3A_323, %swap3A_324], %mul3A_322 {strides = array<i32>} : memref<80x128xf32, #tpu.memory_space<vmem>>, vector<16xf32>,
            %get3A_326 = arith.index_cast %add3A_295 : i32 to index
            %get3A_327 = arith.constant 64 : index
            %get3A_328 = tpu.vector_load %arg19[%get3A_326, %get3A_327] {strides = array<i32>} : memref<80x128xf32, #tpu.memory_space<vmem>>, vector<16xf32>,
            %mul3A_329 = arith.mulf %get3A_328, %gather3A_297 : vector<16xf32>
            %swap3A_330 = arith.index_cast %add3A_295 : i32 to index
            %swap3A_331 = arith.constant 64 : index
            %swap3A_332 = tpu.vector_load %arg19[%swap3A_330, %swap3A_331] {strides = array<i32>} : memref<80x128xf32, #tpu.memory_space<vmem>>, vector<16xf32>,
            tpu.vector_store %arg19[%swap3A_330, %swap3A_331], %mul3A_329 {strides = array<i32>} : memref<80x128xf32, #tpu.memory_space<vmem>>, vector<16xf32>,
            %get3A_333 = arith.index_cast %add3A_295 : i32 to index
            %get3A_334 = arith.constant 80 : index
            %get3A_335 = tpu.vector_load %arg19[%get3A_333, %get3A_334] {strides = array<i32>} : memref<80x128xf32, #tpu.memory_space<vmem>>, vector<16xf32>,
            %mul3A_336 = arith.mulf %get3A_335, %gather3A_297 : vector<16xf32>
            %swap3A_337 = arith.index_cast %add3A_295 : i32 to index
            %swap3A_338 = arith.constant 80 : index
            %swap3A_339 = tpu.vector_load %arg19[%swap3A_337, %swap3A_338] {strides = array<i32>} : memref<80x128xf32, #tpu.memory_space<vmem>>, vector<16xf32>,
            tpu.vector_store %arg19[%swap3A_337, %swap3A_338], %mul3A_336 {strides = array<i32>} : memref<80x128xf32, #tpu.memory_space<vmem>>, vector<16xf32>,
            %get3A_340 = arith.index_cast %add3A_295 : i32 to index
            %get3A_341 = arith.constant 96 : index
            %get3A_342 = tpu.vector_load %arg19[%get3A_340, %get3A_341] {strides = array<i32>} : memref<80x128xf32, #tpu.memory_space<vmem>>, vector<16xf32>,
            %mul3A_343 = arith.mulf %get3A_342, %gather3A_297 : vector<16xf32>
            %swap3A_344 = arith.index_cast %add3A_295 : i32 to index
            %swap3A_345 = arith.constant 96 : index
            %swap3A_346 = tpu.vector_load %arg19[%swap3A_344, %swap3A_345] {strides = array<i32>} : memref<80x128xf32, #tpu.memory_space<vmem>>, vector<16xf32>,
            tpu.vector_store %arg19[%swap3A_344, %swap3A_345], %mul3A_343 {strides = array<i32>} : memref<80x128xf32, #tpu.memory_space<vmem>>, vector<16xf32>,
            %get3A_347 = arith.index_cast %add3A_295 : i32 to index
            %get3A_348 = arith.constant 112 : index
            %get3A_349 = tpu.vector_load %arg19[%get3A_347, %get3A_348] {strides = array<i32>} : memref<80x128xf32, #tpu.memory_space<vmem>>, vector<16xf32>,
            %mul3A_350 = arith.mulf %get3A_349, %gather3A_297 : vector<16xf32>
            %swap3A_351 = arith.index_cast %add3A_295 : i32 to index
            %swap3A_352 = arith.constant 112 : index
            %swap3A_353 = tpu.vector_load %arg19[%swap3A_351, %swap3A_352] {strides = array<i32>} : memref<80x128xf32, #tpu.memory_space<vmem>>, vector<16xf32>,
            tpu.vector_store %arg19[%swap3A_351, %swap3A_352], %mul3A_350 {strides = array<i32>} : memref<80x128xf32, #tpu.memory_space<vmem>>, vector<16xf32>,
            %mul3A_354 = arith.constant 8 : i32
            %mul3A_355 = arith.muli %scan3A_230, %mul3A_354 : i32
            %add3A_356 = arith.constant 2 : i32
            %add3A_357 = arith.addi %mul3A_355, %add3A_356 : i32
            %broadcast_in_dim3A_358 = vector.broadcast %add3A_357 : i32 to vector<16xi32>
            %gather3A_359 = tpu.vector_load_idx %arg17[%broadcast_in_dim3A_358] : memref<80xf32, #tpu.memory_space<vmem>>[vector<16xi32>], vector<16xf32>,
            %get3A_360 = arith.index_cast %add3A_357 : i32 to index
            %get3A_361 = arith.constant 0 : index
            %get3A_362 = tpu.vector_load %arg19[%get3A_360, %get3A_361] {strides = array<i32>} : memref<80x128xf32, #tpu.memory_space<vmem>>, vector<16xf32>,
            %mul3A_363 = arith.mulf %get3A_362, %gather3A_359 : vector<16xf32>
            %swap3A_364 = arith.index_cast %add3A_357 : i32 to index
            %swap3A_365 = arith.constant 0 : index
            %swap3A_366 = tpu.vector_load %arg19[%swap3A_364, %swap3A_365] {strides = array<i32>} : memref<80x128xf32, #tpu.memory_space<vmem>>, vector<16xf32>,
            tpu.vector_store %arg19[%swap3A_364, %swap3A_365], %mul3A_363 {strides = array<i32>} : memref<80x128xf32, #tpu.memory_space<vmem>>, vector<16xf32>,
            %get3A_367 = arith.index_cast %add3A_357 : i32 to index
            %get3A_368 = arith.constant 16 : index
            %get3A_369 = tpu.vector_load %arg19[%get3A_367, %get3A_368] {strides = array<i32>} : memref<80x128xf32, #tpu.memory_space<vmem>>, vector<16xf32>,
            %mul3A_370 = arith.mulf %get3A_369, %gather3A_359 : vector<16xf32>
            %swap3A_371 = arith.index_cast %add3A_357 : i32 to index
            %swap3A_372 = arith.constant 16 : index
            %swap3A_373 = tpu.vector_load %arg19[%swap3A_371, %swap3A_372] {strides = array<i32>} : memref<80x128xf32, #tpu.memory_space<vmem>>, vector<16xf32>,
            tpu.vector_store %arg19[%swap3A_371, %swap3A_372], %mul3A_370 {strides = array<i32>} : memref<80x128xf32, #tpu.memory_space<vmem>>, vector<16xf32>,
            %get3A_374 = arith.index_cast %add3A_357 : i32 to index
            %get3A_375 = arith.constant 32 : index
            %get3A_376 = tpu.vector_load %arg19[%get3A_374, %get3A_375] {strides = array<i32>} : memref<80x128xf32, #tpu.memory_space<vmem>>, vector<16xf32>,
            %mul3A_377 = arith.mulf %get3A_376, %gather3A_359 : vector<16xf32>
            %swap3A_378 = arith.index_cast %add3A_357 : i32 to index
            %swap3A_379 = arith.constant 32 : index
            %swap3A_380 = tpu.vector_load %arg19[%swap3A_378, %swap3A_379] {strides = array<i32>} : memref<80x128xf32, #tpu.memory_space<vmem>>, vector<16xf32>,
            tpu.vector_store %arg19[%swap3A_378, %swap3A_379], %mul3A_377 {strides = array<i32>} : memref<80x128xf32, #tpu.memory_space<vmem>>, vector<16xf32>,
            %get3A_381 = arith.index_cast %add3A_357 : i32 to index
            %get3A_382 = arith.constant 48 : index
            %get3A_383 = tpu.vector_load %arg19[%get3A_381, %get3A_382] {strides = array<i32>} : memref<80x128xf32, #tpu.memory_space<vmem>>, vector<16xf32>,
            %mul3A_384 = arith.mulf %get3A_383, %gather3A_359 : vector<16xf32>
            %swap3A_385 = arith.index_cast %add3A_357 : i32 to index
            %swap3A_386 = arith.constant 48 : index
            %swap3A_387 = tpu.vector_load %arg19[%swap3A_385, %swap3A_386] {strides = array<i32>} : memref<80x128xf32, #tpu.memory_space<vmem>>, vector<16xf32>,
            tpu.vector_store %arg19[%swap3A_385, %swap3A_386], %mul3A_384 {strides = array<i32>} : memref<80x128xf32, #tpu.memory_space<vmem>>, vector<16xf32>,
            %get3A_388 = arith.index_cast %add3A_357 : i32 to index
            %get3A_389 = arith.constant 64 : index
            %get3A_390 = tpu.vector_load %arg19[%get3A_388, %get3A_389] {strides = array<i32>} : memref<80x128xf32, #tpu.memory_space<vmem>>, vector<16xf32>,
            %mul3A_391 = arith.mulf %get3A_390, %gather3A_359 : vector<16xf32>
            %swap3A_392 = arith.index_cast %add3A_357 : i32 to index
            %swap3A_393 = arith.constant 64 : index
            %swap3A_394 = tpu.vector_load %arg19[%swap3A_392, %swap3A_393] {strides = array<i32>} : memref<80x128xf32, #tpu.memory_space<vmem>>, vector<16xf32>,
            tpu.vector_store %arg19[%swap3A_392, %swap3A_393], %mul3A_391 {strides = array<i32>} : memref<80x128xf32, #tpu.memory_space<vmem>>, vector<16xf32>,
            %get3A_395 = arith.index_cast %add3A_357 : i32 to index
            %get3A_396 = arith.constant 80 : index
            %get3A_397 = tpu.vector_load %arg19[%get3A_395, %get3A_396] {strides = array<i32>} : memref<80x128xf32, #tpu.memory_space<vmem>>, vector<16xf32>,
            %mul3A_398 = arith.mulf %get3A_397, %gather3A_359 : vector<16xf32>
            %swap3A_399 = arith.index_cast %add3A_357 : i32 to index
            %swap3A_400 = arith.constant 80 : index
            %swap3A_401 = tpu.vector_load %arg19[%swap3A_399, %swap3A_400] {strides = array<i32>} : memref<80x128xf32, #tpu.memory_space<vmem>>, vector<16xf32>,
            tpu.vector_store %arg19[%swap3A_399, %swap3A_400], %mul3A_398 {strides = array<i32>} : memref<80x128xf32, #tpu.memory_space<vmem>>, vector<16xf32>,
            %get3A_402 = arith.index_cast %add3A_357 : i32 to index
            %get3A_403 = arith.constant 96 : index
            %get3A_404 = tpu.vector_load %arg19[%get3A_402, %get3A_403] {strides = array<i32>} : memref<80x128xf32, #tpu.memory_space<vmem>>, vector<16xf32>,
            %mul3A_405 = arith.mulf %get3A_404, %gather3A_359 : vector<16xf32>
            %swap3A_406 = arith.index_cast %add3A_357 : i32 to index
            %swap3A_407 = arith.constant 96 : index
            %swap3A_408 = tpu.vector_load %arg19[%swap3A_406, %swap3A_407] {strides = array<i32>} : memref<80x128xf32, #tpu.memory_space<vmem>>, vector<16xf32>,
            tpu.vector_store %arg19[%swap3A_406, %swap3A_407], %mul3A_405 {strides = array<i32>} : memref<80x128xf32, #tpu.memory_space<vmem>>, vector<16xf32>,
            %get3A_409 = arith.index_cast %add3A_357 : i32 to index
            %get3A_410 = arith.constant 112 : index
            %get3A_411 = tpu.vector_load %arg19[%get3A_409, %get3A_410] {strides = array<i32>} : memref<80x128xf32, #tpu.memory_space<vmem>>, vector<16xf32>,
            %mul3A_412 = arith.mulf %get3A_411, %gather3A_359 : vector<16xf32>
            %swap3A_413 = arith.index_cast %add3A_357 : i32 to index
            %swap3A_414 = arith.constant 112 : index
            %swap3A_415 = tpu.vector_load %arg19[%swap3A_413, %swap3A_414] {strides = array<i32>} : memref<80x128xf32, #tpu.memory_space<vmem>>, vector<16xf32>,
            tpu.vector_store %arg19[%swap3A_413, %swap3A_414], %mul3A_412 {strides = array<i32>} : memref<80x128xf32, #tpu.memory_space<vmem>>, vector<16xf32>,
            %mul3A_416 = arith.constant 8 : i32
            %mul3A_417 = arith.muli %scan3A_230, %mul3A_416 : i32
            %add3A_418 = arith.constant 3 : i32
            %add3A_419 = arith.addi %mul3A_417, %add3A_418 : i32
            %broadcast_in_dim3A_420 = vector.broadcast %add3A_419 : i32 to vector<16xi32>
            %gather3A_421 = tpu.vector_load_idx %arg17[%broadcast_in_dim3A_420] : memref<80xf32, #tpu.memory_space<vmem>>[vector<16xi32>], vector<16xf32>,
            %get3A_422 = arith.index_cast %add3A_419 : i32 to index
            %get3A_423 = arith.constant 0 : index
            %get3A_424 = tpu.vector_load %arg19[%get3A_422, %get3A_423] {strides = array<i32>} : memref<80x128xf32, #tpu.memory_space<vmem>>, vector<16xf32>,
            %mul3A_425 = arith.mulf %get3A_424, %gather3A_421 : vector<16xf32>
            %swap3A_426 = arith.index_cast %add3A_419 : i32 to index
            %swap3A_427 = arith.constant 0 : index
            %swap3A_428 = tpu.vector_load %arg19[%swap3A_426, %swap3A_427] {strides = array<i32>} : memref<80x128xf32, #tpu.memory_space<vmem>>, vector<16xf32>,
            tpu.vector_store %arg19[%swap3A_426, %swap3A_427], %mul3A_425 {strides = array<i32>} : memref<80x128xf32, #tpu.memory_space<vmem>>, vector<16xf32>,
            %get3A_429 = arith.index_cast %add3A_419 : i32 to index
            %get3A_430 = arith.constant 16 : index
            %get3A_431 = tpu.vector_load %arg19[%get3A_429, %get3A_430] {strides = array<i32>} : memref<80x128xf32, #tpu.memory_space<vmem>>, vector<16xf32>,
            %mul3A_432 = arith.mulf %get3A_431, %gather3A_421 : vector<16xf32>
            %swap3A_433 = arith.index_cast %add3A_419 : i32 to index
            %swap3A_434 = arith.constant 16 : index
            %swap3A_435 = tpu.vector_load %arg19[%swap3A_433, %swap3A_434] {strides = array<i32>} : memref<80x128xf32, #tpu.memory_space<vmem>>, vector<16xf32>,
            tpu.vector_store %arg19[%swap3A_433, %swap3A_434], %mul3A_432 {strides = array<i32>} : memref<80x128xf32, #tpu.memory_space<vmem>>, vector<16xf32>,
            %get3A_436 = arith.index_cast %add3A_419 : i32 to index
            %get3A_437 = arith.constant 32 : index
            %get3A_438 = tpu.vector_load %arg19[%get3A_436, %get3A_437] {strides = array<i32>} : memref<80x128xf32, #tpu.memory_space<vmem>>, vector<16xf32>,
            %mul3A_439 = arith.mulf %get3A_438, %gather3A_421 : vector<16xf32>
            %swap3A_440 = arith.index_cast %add3A_419 : i32 to index
            %swap3A_441 = arith.constant 32 : index
            %swap3A_442 = tpu.vector_load %arg19[%swap3A_440, %swap3A_441] {strides = array<i32>} : memref<80x128xf32, #tpu.memory_space<vmem>>, vector<16xf32>,
            tpu.vector_store %arg19[%swap3A_440, %swap3A_441], %mul3A_439 {strides = array<i32>} : memref<80x128xf32, #tpu.memory_space<vmem>>, vector<16xf32>,
            %get3A_443 = arith.index_cast %add3A_419 : i32 to index
            %get3A_444 = arith.constant 48 : index
            %get3A_445 = tpu.vector_load %arg19[%get3A_443, %get3A_444] {strides = array<i32>} : memref<80x128xf32, #tpu.memory_space<vmem>>, vector<16xf32>,
            %mul3A_446 = arith.mulf %get3A_445, %gather3A_421 : vector<16xf32>
            %swap3A_447 = arith.index_cast %add3A_419 : i32 to index
            %swap3A_448 = arith.constant 48 : index
            %swap3A_449 = tpu.vector_load %arg19[%swap3A_447, %swap3A_448] {strides = array<i32>} : memref<80x128xf32, #tpu.memory_space<vmem>>, vector<16xf32>,
            tpu.vector_store %arg19[%swap3A_447, %swap3A_448], %mul3A_446 {strides = array<i32>} : memref<80x128xf32, #tpu.memory_space<vmem>>, vector<16xf32>,
            %get3A_450 = arith.index_cast %add3A_419 : i32 to index
            %get3A_451 = arith.constant 64 : index
            %get3A_452 = tpu.vector_load %arg19[%get3A_450, %get3A_451] {strides = array<i32>} : memref<80x128xf32, #tpu.memory_space<vmem>>, vector<16xf32>,
            %mul3A_453 = arith.mulf %get3A_452, %gather3A_421 : vector<16xf32>
            %swap3A_454 = arith.index_cast %add3A_419 : i32 to index
            %swap3A_455 = arith.constant 64 : index
            %swap3A_456 = tpu.vector_load %arg19[%swap3A_454, %swap3A_455] {strides = array<i32>} : memref<80x128xf32, #tpu.memory_space<vmem>>, vector<16xf32>,
            tpu.vector_store %arg19[%swap3A_454, %swap3A_455], %mul3A_453 {strides = array<i32>} : memref<80x128xf32, #tpu.memory_space<vmem>>, vector<16xf32>,
            %get3A_457 = arith.index_cast %add3A_419 : i32 to index
            %get3A_458 = arith.constant 80 : index
            %get3A_459 = tpu.vector_load %arg19[%get3A_457, %get3A_458] {strides = array<i32>} : memref<80x128xf32, #tpu.memory_space<vmem>>, vector<16xf32>,
            %mul3A_460 = arith.mulf %get3A_459, %gather3A_421 : vector<16xf32>
            %swap3A_461 = arith.index_cast %add3A_419 : i32 to index
            %swap3A_462 = arith.constant 80 : index
            %swap3A_463 = tpu.vector_load %arg19[%swap3A_461, %swap3A_462] {strides = array<i32>} : memref<80x128xf32, #tpu.memory_space<vmem>>, vector<16xf32>,
            tpu.vector_store %arg19[%swap3A_461, %swap3A_462], %mul3A_460 {strides = array<i32>} : memref<80x128xf32, #tpu.memory_space<vmem>>, vector<16xf32>,
            %get3A_464 = arith.index_cast %add3A_419 : i32 to index
            %get3A_465 = arith.constant 96 : index
            %get3A_466 = tpu.vector_load %arg19[%get3A_464, %get3A_465] {strides = array<i32>} : memref<80x128xf32, #tpu.memory_space<vmem>>, vector<16xf32>,
            %mul3A_467 = arith.mulf %get3A_466, %gather3A_421 : vector<16xf32>
            %swap3A_468 = arith.index_cast %add3A_419 : i32 to index
            %swap3A_469 = arith.constant 96 : index
            %swap3A_470 = tpu.vector_load %arg19[%swap3A_468, %swap3A_469] {strides = array<i32>} : memref<80x128xf32, #tpu.memory_space<vmem>>, vector<16xf32>,
            tpu.vector_store %arg19[%swap3A_468, %swap3A_469], %mul3A_467 {strides = array<i32>} : memref<80x128xf32, #tpu.memory_space<vmem>>, vector<16xf32>,
            %get3A_471 = arith.index_cast %add3A_419 : i32 to index
            %get3A_472 = arith.constant 112 : index
            %get3A_473 = tpu.vector_load %arg19[%get3A_471, %get3A_472] {strides = array<i32>} : memref<80x128xf32, #tpu.memory_space<vmem>>, vector<16xf32>,
            %mul3A_474 = arith.mulf %get3A_473, %gather3A_421 : vector<16xf32>
            %swap3A_475 = arith.index_cast %add3A_419 : i32 to index
            %swap3A_476 = arith.constant 112 : index
            %swap3A_477 = tpu.vector_load %arg19[%swap3A_475, %swap3A_476] {strides = array<i32>} : memref<80x128xf32, #tpu.memory_space<vmem>>, vector<16xf32>,
            tpu.vector_store %arg19[%swap3A_475, %swap3A_476], %mul3A_474 {strides = array<i32>} : memref<80x128xf32, #tpu.memory_space<vmem>>, vector<16xf32>,
            %mul3A_478 = arith.constant 8 : i32
            %mul3A_479 = arith.muli %scan3A_230, %mul3A_478 : i32
            %add3A_480 = arith.constant 4 : i32
            %add3A_481 = arith.addi %mul3A_479, %add3A_480 : i32
            %broadcast_in_dim3A_482 = vector.broadcast %add3A_481 : i32 to vector<16xi32>
            %gather3A_483 = tpu.vector_load_idx %arg17[%broadcast_in_dim3A_482] : memref<80xf32, #tpu.memory_space<vmem>>[vector<16xi32>], vector<16xf32>,
            %get3A_484 = arith.index_cast %add3A_481 : i32 to index
            %get3A_485 = arith.constant 0 : index
            %get3A_486 = tpu.vector_load %arg19[%get3A_484, %get3A_485] {strides = array<i32>} : memref<80x128xf32, #tpu.memory_space<vmem>>, vector<16xf32>,
            %mul3A_487 = arith.mulf %get3A_486, %gather3A_483 : vector<16xf32>
            %swap3A_488 = arith.index_cast %add3A_481 : i32 to index
            %swap3A_489 = arith.constant 0 : index
            %swap3A_490 = tpu.vector_load %arg19[%swap3A_488, %swap3A_489] {strides = array<i32>} : memref<80x128xf32, #tpu.memory_space<vmem>>, vector<16xf32>,
            tpu.vector_store %arg19[%swap3A_488, %swap3A_489], %mul3A_487 {strides = array<i32>} : memref<80x128xf32, #tpu.memory_space<vmem>>, vector<16xf32>,
            %get3A_491 = arith.index_cast %add3A_481 : i32 to index
            %get3A_492 = arith.constant 16 : index
            %get3A_493 = tpu.vector_load %arg19[%get3A_491, %get3A_492] {strides = array<i32>} : memref<80x128xf32, #tpu.memory_space<vmem>>, vector<16xf32>,
            %mul3A_494 = arith.mulf %get3A_493, %gather3A_483 : vector<16xf32>
            %swap3A_495 = arith.index_cast %add3A_481 : i32 to index
            %swap3A_496 = arith.constant 16 : index
            %swap3A_497 = tpu.vector_load %arg19[%swap3A_495, %swap3A_496] {strides = array<i32>} : memref<80x128xf32, #tpu.memory_space<vmem>>, vector<16xf32>,
            tpu.vector_store %arg19[%swap3A_495, %swap3A_496], %mul3A_494 {strides = array<i32>} : memref<80x128xf32, #tpu.memory_space<vmem>>, vector<16xf32>,
            %get3A_498 = arith.index_cast %add3A_481 : i32 to index
            %get3A_499 = arith.constant 32 : index
            %get3A_500 = tpu.vector_load %arg19[%get3A_498, %get3A_499] {strides = array<i32>} : memref<80x128xf32, #tpu.memory_space<vmem>>, vector<16xf32>,
            %mul3A_501 = arith.mulf %get3A_500, %gather3A_483 : vector<16xf32>
            %swap3A_502 = arith.index_cast %add3A_481 : i32 to index
            %swap3A_503 = arith.constant 32 : index
            %swap3A_504 = tpu.vector_load %arg19[%swap3A_502, %swap3A_503] {strides = array<i32>} : memref<80x128xf32, #tpu.memory_space<vmem>>, vector<16xf32>,
            tpu.vector_store %arg19[%swap3A_502, %swap3A_503], %mul3A_501 {strides = array<i32>} : memref<80x128xf32, #tpu.memory_space<vmem>>, vector<16xf32>,
            %get3A_505 = arith.index_cast %add3A_481 : i32 to index
            %get3A_506 = arith.constant 48 : index
            %get3A_507 = tpu.vector_load %arg19[%get3A_505, %get3A_506] {strides = array<i32>} : memref<80x128xf32, #tpu.memory_space<vmem>>, vector<16xf32>,
            %mul3A_508 = arith.mulf %get3A_507, %gather3A_483 : vector<16xf32>
            %swap3A_509 = arith.index_cast %add3A_481 : i32 to index
            %swap3A_510 = arith.constant 48 : index
            %swap3A_511 = tpu.vector_load %arg19[%swap3A_509, %swap3A_510] {strides = array<i32>} : memref<80x128xf32, #tpu.memory_space<vmem>>, vector<16xf32>,
            tpu.vector_store %arg19[%swap3A_509, %swap3A_510], %mul3A_508 {strides = array<i32>} : memref<80x128xf32, #tpu.memory_space<vmem>>, vector<16xf32>,
            %get3A_512 = arith.index_cast %add3A_481 : i32 to index
            %get3A_513 = arith.constant 64 : index
            %get3A_514 = tpu.vector_load %arg19[%get3A_512, %get3A_513] {strides = array<i32>} : memref<80x128xf32, #tpu.memory_space<vmem>>, vector<16xf32>,
            %mul3A_515 = arith.mulf %get3A_514, %gather3A_483 : vector<16xf32>
            %swap3A_516 = arith.index_cast %add3A_481 : i32 to index
            %swap3A_517 = arith.constant 64 : index
            %swap3A_518 = tpu.vector_load %arg19[%swap3A_516, %swap3A_517] {strides = array<i32>} : memref<80x128xf32, #tpu.memory_space<vmem>>, vector<16xf32>,
            tpu.vector_store %arg19[%swap3A_516, %swap3A_517], %mul3A_515 {strides = array<i32>} : memref<80x128xf32, #tpu.memory_space<vmem>>, vector<16xf32>,
            %get3A_519 = arith.index_cast %add3A_481 : i32 to index
            %get3A_520 = arith.constant 80 : index
            %get3A_521 = tpu.vector_load %arg19[%get3A_519, %get3A_520] {strides = array<i32>} : memref<80x128xf32, #tpu.memory_space<vmem>>, vector<16xf32>,
            %mul3A_522 = arith.mulf %get3A_521, %gather3A_483 : vector<16xf32>
            %swap3A_523 = arith.index_cast %add3A_481 : i32 to index
            %swap3A_524 = arith.constant 80 : index
            %swap3A_525 = tpu.vector_load %arg19[%swap3A_523, %swap3A_524] {strides = array<i32>} : memref<80x128xf32, #tpu.memory_space<vmem>>, vector<16xf32>,
            tpu.vector_store %arg19[%swap3A_523, %swap3A_524], %mul3A_522 {strides = array<i32>} : memref<80x128xf32, #tpu.memory_space<vmem>>, vector<16xf32>,
            %get3A_526 = arith.index_cast %add3A_481 : i32 to index
            %get3A_527 = arith.constant 96 : index
            %get3A_528 = tpu.vector_load %arg19[%get3A_526, %get3A_527] {strides = array<i32>} : memref<80x128xf32, #tpu.memory_space<vmem>>, vector<16xf32>,
            %mul3A_529 = arith.mulf %get3A_528, %gather3A_483 : vector<16xf32>
            %swap3A_530 = arith.index_cast %add3A_481 : i32 to index
            %swap3A_531 = arith.constant 96 : index
            %swap3A_532 = tpu.vector_load %arg19[%swap3A_530, %swap3A_531] {strides = array<i32>} : memref<80x128xf32, #tpu.memory_space<vmem>>, vector<16xf32>,
            tpu.vector_store %arg19[%swap3A_530, %swap3A_531], %mul3A_529 {strides = array<i32>} : memref<80x128xf32, #tpu.memory_space<vmem>>, vector<16xf32>,
            %get3A_533 = arith.index_cast %add3A_481 : i32 to index
            %get3A_534 = arith.constant 112 : index
            %get3A_535 = tpu.vector_load %arg19[%get3A_533, %get3A_534] {strides = array<i32>} : memref<80x128xf32, #tpu.memory_space<vmem>>, vector<16xf32>,
            %mul3A_536 = arith.mulf %get3A_535, %gather3A_483 : vector<16xf32>
            %swap3A_537 = arith.index_cast %add3A_481 : i32 to index
            %swap3A_538 = arith.constant 112 : index
            %swap3A_539 = tpu.vector_load %arg19[%swap3A_537, %swap3A_538] {strides = array<i32>} : memref<80x128xf32, #tpu.memory_space<vmem>>, vector<16xf32>,
            tpu.vector_store %arg19[%swap3A_537, %swap3A_538], %mul3A_536 {strides = array<i32>} : memref<80x128xf32, #tpu.memory_space<vmem>>, vector<16xf32>,
            %mul3A_540 = arith.constant 8 : i32
            %mul3A_541 = arith.muli %scan3A_230, %mul3A_540 : i32
            %add3A_542 = arith.constant 5 : i32
            %add3A_543 = arith.addi %mul3A_541, %add3A_542 : i32
            %broadcast_in_dim3A_544 = vector.broadcast %add3A_543 : i32 to vector<16xi32>
            %gather3A_545 = tpu.vector_load_idx %arg17[%broadcast_in_dim3A_544] : memref<80xf32, #tpu.memory_space<vmem>>[vector<16xi32>], vector<16xf32>,
            %get3A_546 = arith.index_cast %add3A_543 : i32 to index
            %get3A_547 = arith.constant 0 : index
            %get3A_548 = tpu.vector_load %arg19[%get3A_546, %get3A_547] {strides = array<i32>} : memref<80x128xf32, #tpu.memory_space<vmem>>, vector<16xf32>,
            %mul3A_549 = arith.mulf %get3A_548, %gather3A_545 : vector<16xf32>
            %swap3A_550 = arith.index_cast %add3A_543 : i32 to index
            %swap3A_551 = arith.constant 0 : index
            %swap3A_552 = tpu.vector_load %arg19[%swap3A_550, %swap3A_551] {strides = array<i32>} : memref<80x128xf32, #tpu.memory_space<vmem>>, vector<16xf32>,
            tpu.vector_store %arg19[%swap3A_550, %swap3A_551], %mul3A_549 {strides = array<i32>} : memref<80x128xf32, #tpu.memory_space<vmem>>, vector<16xf32>,
            %get3A_553 = arith.index_cast %add3A_543 : i32 to index
            %get3A_554 = arith.constant 16 : index
            %get3A_555 = tpu.vector_load %arg19[%get3A_553, %get3A_554] {strides = array<i32>} : memref<80x128xf32, #tpu.memory_space<vmem>>, vector<16xf32>,
            %mul3A_556 = arith.mulf %get3A_555, %gather3A_545 : vector<16xf32>
            %swap3A_557 = arith.index_cast %add3A_543 : i32 to index
            %swap3A_558 = arith.constant 16 : index
            %swap3A_559 = tpu.vector_load %arg19[%swap3A_557, %swap3A_558] {strides = array<i32>} : memref<80x128xf32, #tpu.memory_space<vmem>>, vector<16xf32>,
            tpu.vector_store %arg19[%swap3A_557, %swap3A_558], %mul3A_556 {strides = array<i32>} : memref<80x128xf32, #tpu.memory_space<vmem>>, vector<16xf32>,
            %get3A_560 = arith.index_cast %add3A_543 : i32 to index
            %get3A_561 = arith.constant 32 : index
            %get3A_562 = tpu.vector_load %arg19[%get3A_560, %get3A_561] {strides = array<i32>} : memref<80x128xf32, #tpu.memory_space<vmem>>, vector<16xf32>,
            %mul3A_563 = arith.mulf %get3A_562, %gather3A_545 : vector<16xf32>
            %swap3A_564 = arith.index_cast %add3A_543 : i32 to index
            %swap3A_565 = arith.constant 32 : index
            %swap3A_566 = tpu.vector_load %arg19[%swap3A_564, %swap3A_565] {strides = array<i32>} : memref<80x128xf32, #tpu.memory_space<vmem>>, vector<16xf32>,
            tpu.vector_store %arg19[%swap3A_564, %swap3A_565], %mul3A_563 {strides = array<i32>} : memref<80x128xf32, #tpu.memory_space<vmem>>, vector<16xf32>,
            %get3A_567 = arith.index_cast %add3A_543 : i32 to index
            %get3A_568 = arith.constant 48 : index
            %get3A_569 = tpu.vector_load %arg19[%get3A_567, %get3A_568] {strides = array<i32>} : memref<80x128xf32, #tpu.memory_space<vmem>>, vector<16xf32>,
            %mul3A_570 = arith.mulf %get3A_569, %gather3A_545 : vector<16xf32>
            %swap3A_571 = arith.index_cast %add3A_543 : i32 to index
            %swap3A_572 = arith.constant 48 : index
            %swap3A_573 = tpu.vector_load %arg19[%swap3A_571, %swap3A_572] {strides = array<i32>} : memref<80x128xf32, #tpu.memory_space<vmem>>, vector<16xf32>,
            tpu.vector_store %arg19[%swap3A_571, %swap3A_572], %mul3A_570 {strides = array<i32>} : memref<80x128xf32, #tpu.memory_space<vmem>>, vector<16xf32>,
            %get3A_574 = arith.index_cast %add3A_543 : i32 to index
            %get3A_575 = arith.constant 64 : index
            %get3A_576 = tpu.vector_load %arg19[%get3A_574, %get3A_575] {strides = array<i32>} : memref<80x128xf32, #tpu.memory_space<vmem>>, vector<16xf32>,
            %mul3A_577 = arith.mulf %get3A_576, %gather3A_545 : vector<16xf32>
            %swap3A_578 = arith.index_cast %add3A_543 : i32 to index
            %swap3A_579 = arith.constant 64 : index
            %swap3A_580 = tpu.vector_load %arg19[%swap3A_578, %swap3A_579] {strides = array<i32>} : memref<80x128xf32, #tpu.memory_space<vmem>>, vector<16xf32>,
            tpu.vector_store %arg19[%swap3A_578, %swap3A_579], %mul3A_577 {strides = array<i32>} : memref<80x128xf32, #tpu.memory_space<vmem>>, vector<16xf32>,
            %get3A_581 = arith.index_cast %add3A_543 : i32 to index
            %get3A_582 = arith.constant 80 : index
            %get3A_583 = tpu.vector_load %arg19[%get3A_581, %get3A_582] {strides = array<i32>} : memref<80x128xf32, #tpu.memory_space<vmem>>, vector<16xf32>,
            %mul3A_584 = arith.mulf %get3A_583, %gather3A_545 : vector<16xf32>
            %swap3A_585 = arith.index_cast %add3A_543 : i32 to index
            %swap3A_586 = arith.constant 80 : index
            %swap3A_587 = tpu.vector_load %arg19[%swap3A_585, %swap3A_586] {strides = array<i32>} : memref<80x128xf32, #tpu.memory_space<vmem>>, vector<16xf32>,
            tpu.vector_store %arg19[%swap3A_585, %swap3A_586], %mul3A_584 {strides = array<i32>} : memref<80x128xf32, #tpu.memory_space<vmem>>, vector<16xf32>,
            %get3A_588 = arith.index_cast %add3A_543 : i32 to index
            %get3A_589 = arith.constant 96 : index
            %get3A_590 = tpu.vector_load %arg19[%get3A_588, %get3A_589] {strides = array<i32>} : memref<80x128xf32, #tpu.memory_space<vmem>>, vector<16xf32>,
            %mul3A_591 = arith.mulf %get3A_590, %gather3A_545 : vector<16xf32>
            %swap3A_592 = arith.index_cast %add3A_543 : i32 to index
            %swap3A_593 = arith.constant 96 : index
            %swap3A_594 = tpu.vector_load %arg19[%swap3A_592, %swap3A_593] {strides = array<i32>} : memref<80x128xf32, #tpu.memory_space<vmem>>, vector<16xf32>,
            tpu.vector_store %arg19[%swap3A_592, %swap3A_593], %mul3A_591 {strides = array<i32>} : memref<80x128xf32, #tpu.memory_space<vmem>>, vector<16xf32>,
            %get3A_595 = arith.index_cast %add3A_543 : i32 to index
            %get3A_596 = arith.constant 112 : index
            %get3A_597 = tpu.vector_load %arg19[%get3A_595, %get3A_596] {strides = array<i32>} : memref<80x128xf32, #tpu.memory_space<vmem>>, vector<16xf32>,
            %mul3A_598 = arith.mulf %get3A_597, %gather3A_545 : vector<16xf32>
            %swap3A_599 = arith.index_cast %add3A_543 : i32 to index
            %swap3A_600 = arith.constant 112 : index
            %swap3A_601 = tpu.vector_load %arg19[%swap3A_599, %swap3A_600] {strides = array<i32>} : memref<80x128xf32, #tpu.memory_space<vmem>>, vector<16xf32>,
            tpu.vector_store %arg19[%swap3A_599, %swap3A_600], %mul3A_598 {strides = array<i32>} : memref<80x128xf32, #tpu.memory_space<vmem>>, vector<16xf32>,
            %mul3A_602 = arith.constant 8 : i32
            %mul3A_603 = arith.muli %scan3A_230, %mul3A_602 : i32
            %add3A_604 = arith.constant 6 : i32
            %add3A_605 = arith.addi %mul3A_603, %add3A_604 : i32
            %broadcast_in_dim3A_606 = vector.broadcast %add3A_605 : i32 to vector<16xi32>
            %gather3A_607 = tpu.vector_load_idx %arg17[%broadcast_in_dim3A_606] : memref<80xf32, #tpu.memory_space<vmem>>[vector<16xi32>], vector<16xf32>,
            %get3A_608 = arith.index_cast %add3A_605 : i32 to index
            %get3A_609 = arith.constant 0 : index
            %get3A_610 = tpu.vector_load %arg19[%get3A_608, %get3A_609] {strides = array<i32>} : memref<80x128xf32, #tpu.memory_space<vmem>>, vector<16xf32>,
            %mul3A_611 = arith.mulf %get3A_610, %gather3A_607 : vector<16xf32>
            %swap3A_612 = arith.index_cast %add3A_605 : i32 to index
            %swap3A_613 = arith.constant 0 : index
            %swap3A_614 = tpu.vector_load %arg19[%swap3A_612, %swap3A_613] {strides = array<i32>} : memref<80x128xf32, #tpu.memory_space<vmem>>, vector<16xf32>,
            tpu.vector_store %arg19[%swap3A_612, %swap3A_613], %mul3A_611 {strides = array<i32>} : memref<80x128xf32, #tpu.memory_space<vmem>>, vector<16xf32>,
            %get3A_615 = arith.index_cast %add3A_605 : i32 to index
            %get3A_616 = arith.constant 16 : index
            %get3A_617 = tpu.vector_load %arg19[%get3A_615, %get3A_616] {strides = array<i32>} : memref<80x128xf32, #tpu.memory_space<vmem>>, vector<16xf32>,
            %mul3A_618 = arith.mulf %get3A_617, %gather3A_607 : vector<16xf32>
            %swap3A_619 = arith.index_cast %add3A_605 : i32 to index
            %swap3A_620 = arith.constant 16 : index
            %swap3A_621 = tpu.vector_load %arg19[%swap3A_619, %swap3A_620] {strides = array<i32>} : memref<80x128xf32, #tpu.memory_space<vmem>>, vector<16xf32>,
            tpu.vector_store %arg19[%swap3A_619, %swap3A_620], %mul3A_618 {strides = array<i32>} : memref<80x128xf32, #tpu.memory_space<vmem>>, vector<16xf32>,
            %get3A_622 = arith.index_cast %add3A_605 : i32 to index
            %get3A_623 = arith.constant 32 : index
            %get3A_624 = tpu.vector_load %arg19[%get3A_622, %get3A_623] {strides = array<i32>} : memref<80x128xf32, #tpu.memory_space<vmem>>, vector<16xf32>,
            %mul3A_625 = arith.mulf %get3A_624, %gather3A_607 : vector<16xf32>
            %swap3A_626 = arith.index_cast %add3A_605 : i32 to index
            %swap3A_627 = arith.constant 32 : index
            %swap3A_628 = tpu.vector_load %arg19[%swap3A_626, %swap3A_627] {strides = array<i32>} : memref<80x128xf32, #tpu.memory_space<vmem>>, vector<16xf32>,
            tpu.vector_store %arg19[%swap3A_626, %swap3A_627], %mul3A_625 {strides = array<i32>} : memref<80x128xf32, #tpu.memory_space<vmem>>, vector<16xf32>,
            %get3A_629 = arith.index_cast %add3A_605 : i32 to index
            %get3A_630 = arith.constant 48 : index
            %get3A_631 = tpu.vector_load %arg19[%get3A_629, %get3A_630] {strides = array<i32>} : memref<80x128xf32, #tpu.memory_space<vmem>>, vector<16xf32>,
            %mul3A_632 = arith.mulf %get3A_631, %gather3A_607 : vector<16xf32>
            %swap3A_633 = arith.index_cast %add3A_605 : i32 to index
            %swap3A_634 = arith.constant 48 : index
            %swap3A_635 = tpu.vector_load %arg19[%swap3A_633, %swap3A_634] {strides = array<i32>} : memref<80x128xf32, #tpu.memory_space<vmem>>, vector<16xf32>,
            tpu.vector_store %arg19[%swap3A_633, %swap3A_634], %mul3A_632 {strides = array<i32>} : memref<80x128xf32, #tpu.memory_space<vmem>>, vector<16xf32>,
            %get3A_636 = arith.index_cast %add3A_605 : i32 to index
            %get3A_637 = arith.constant 64 : index
            %get3A_638 = tpu.vector_load %arg19[%get3A_636, %get3A_637] {strides = array<i32>} : memref<80x128xf32, #tpu.memory_space<vmem>>, vector<16xf32>,
            %mul3A_639 = arith.mulf %get3A_638, %gather3A_607 : vector<16xf32>
            %swap3A_640 = arith.index_cast %add3A_605 : i32 to index
            %swap3A_641 = arith.constant 64 : index
            %swap3A_642 = tpu.vector_load %arg19[%swap3A_640, %swap3A_641] {strides = array<i32>} : memref<80x128xf32, #tpu.memory_space<vmem>>, vector<16xf32>,
            tpu.vector_store %arg19[%swap3A_640, %swap3A_641], %mul3A_639 {strides = array<i32>} : memref<80x128xf32, #tpu.memory_space<vmem>>, vector<16xf32>,
            %get3A_643 = arith.index_cast %add3A_605 : i32 to index
            %get3A_644 = arith.constant 80 : index
            %get3A_645 = tpu.vector_load %arg19[%get3A_643, %get3A_644] {strides = array<i32>} : memref<80x128xf32, #tpu.memory_space<vmem>>, vector<16xf32>,
            %mul3A_646 = arith.mulf %get3A_645, %gather3A_607 : vector<16xf32>
            %swap3A_647 = arith.index_cast %add3A_605 : i32 to index
            %swap3A_648 = arith.constant 80 : index
            %swap3A_649 = tpu.vector_load %arg19[%swap3A_647, %swap3A_648] {strides = array<i32>} : memref<80x128xf32, #tpu.memory_space<vmem>>, vector<16xf32>,
            tpu.vector_store %arg19[%swap3A_647, %swap3A_648], %mul3A_646 {strides = array<i32>} : memref<80x128xf32, #tpu.memory_space<vmem>>, vector<16xf32>,
            %get3A_650 = arith.index_cast %add3A_605 : i32 to index
            %get3A_651 = arith.constant 96 : index
            %get3A_652 = tpu.vector_load %arg19[%get3A_650, %get3A_651] {strides = array<i32>} : memref<80x128xf32, #tpu.memory_space<vmem>>, vector<16xf32>,
            %mul3A_653 = arith.mulf %get3A_652, %gather3A_607 : vector<16xf32>
            %swap3A_654 = arith.index_cast %add3A_605 : i32 to index
            %swap3A_655 = arith.constant 96 : index
            %swap3A_656 = tpu.vector_load %arg19[%swap3A_654, %swap3A_655] {strides = array<i32>} : memref<80x128xf32, #tpu.memory_space<vmem>>, vector<16xf32>,
            tpu.vector_store %arg19[%swap3A_654, %swap3A_655], %mul3A_653 {strides = array<i32>} : memref<80x128xf32, #tpu.memory_space<vmem>>, vector<16xf32>,
            %get3A_657 = arith.index_cast %add3A_605 : i32 to index
            %get3A_658 = arith.constant 112 : index
            %get3A_659 = tpu.vector_load %arg19[%get3A_657, %get3A_658] {strides = array<i32>} : memref<80x128xf32, #tpu.memory_space<vmem>>, vector<16xf32>,
            %mul3A_660 = arith.mulf %get3A_659, %gather3A_607 : vector<16xf32>
            %swap3A_661 = arith.index_cast %add3A_605 : i32 to index
            %swap3A_662 = arith.constant 112 : index
            %swap3A_663 = tpu.vector_load %arg19[%swap3A_661, %swap3A_662] {strides = array<i32>} : memref<80x128xf32, #tpu.memory_space<vmem>>, vector<16xf32>,
            tpu.vector_store %arg19[%swap3A_661, %swap3A_662], %mul3A_660 {strides = array<i32>} : memref<80x128xf32, #tpu.memory_space<vmem>>, vector<16xf32>,
            %mul3A_664 = arith.constant 8 : i32
            %mul3A_665 = arith.muli %scan3A_230, %mul3A_664 : i32
            %add3A_666 = arith.constant 7 : i32
            %add3A_667 = arith.addi %mul3A_665, %add3A_666 : i32
            %broadcast_in_dim3A_668 = vector.broadcast %add3A_667 : i32 to vector<16xi32>
            %gather3A_669 = tpu.vector_load_idx %arg17[%broadcast_in_dim3A_668] : memref<80xf32, #tpu.memory_space<vmem>>[vector<16xi32>], vector<16xf32>,
            %get3A_670 = arith.index_cast %add3A_667 : i32 to index
            %get3A_671 = arith.constant 0 : index
            %get3A_672 = tpu.vector_load %arg19[%get3A_670, %get3A_671] {strides = array<i32>} : memref<80x128xf32, #tpu.memory_space<vmem>>, vector<16xf32>,
            %mul3A_673 = arith.mulf %get3A_672, %gather3A_669 : vector<16xf32>
            %swap3A_674 = arith.index_cast %add3A_667 : i32 to index
            %swap3A_675 = arith.constant 0 : index
            %swap3A_676 = tpu.vector_load %arg19[%swap3A_674, %swap3A_675] {strides = array<i32>} : memref<80x128xf32, #tpu.memory_space<vmem>>, vector<16xf32>,
            tpu.vector_store %arg19[%swap3A_674, %swap3A_675], %mul3A_673 {strides = array<i32>} : memref<80x128xf32, #tpu.memory_space<vmem>>, vector<16xf32>,
            %get3A_677 = arith.index_cast %add3A_667 : i32 to index
            %get3A_678 = arith.constant 16 : index
            %get3A_679 = tpu.vector_load %arg19[%get3A_677, %get3A_678] {strides = array<i32>} : memref<80x128xf32, #tpu.memory_space<vmem>>, vector<16xf32>,
            %mul3A_680 = arith.mulf %get3A_679, %gather3A_669 : vector<16xf32>
            %swap3A_681 = arith.index_cast %add3A_667 : i32 to index
            %swap3A_682 = arith.constant 16 : index
            %swap3A_683 = tpu.vector_load %arg19[%swap3A_681, %swap3A_682] {strides = array<i32>} : memref<80x128xf32, #tpu.memory_space<vmem>>, vector<16xf32>,
            tpu.vector_store %arg19[%swap3A_681, %swap3A_682], %mul3A_680 {strides = array<i32>} : memref<80x128xf32, #tpu.memory_space<vmem>>, vector<16xf32>,
            %get3A_684 = arith.index_cast %add3A_667 : i32 to index
            %get3A_685 = arith.constant 32 : index
            %get3A_686 = tpu.vector_load %arg19[%get3A_684, %get3A_685] {strides = array<i32>} : memref<80x128xf32, #tpu.memory_space<vmem>>, vector<16xf32>,
            %mul3A_687 = arith.mulf %get3A_686, %gather3A_669 : vector<16xf32>
            %swap3A_688 = arith.index_cast %add3A_667 : i32 to index
            %swap3A_689 = arith.constant 32 : index
            %swap3A_690 = tpu.vector_load %arg19[%swap3A_688, %swap3A_689] {strides = array<i32>} : memref<80x128xf32, #tpu.memory_space<vmem>>, vector<16xf32>,
            tpu.vector_store %arg19[%swap3A_688, %swap3A_689], %mul3A_687 {strides = array<i32>} : memref<80x128xf32, #tpu.memory_space<vmem>>, vector<16xf32>,
            %get3A_691 = arith.index_cast %add3A_667 : i32 to index
            %get3A_692 = arith.constant 48 : index
            %get3A_693 = tpu.vector_load %arg19[%get3A_691, %get3A_692] {strides = array<i32>} : memref<80x128xf32, #tpu.memory_space<vmem>>, vector<16xf32>,
            %mul3A_694 = arith.mulf %get3A_693, %gather3A_669 : vector<16xf32>
            %swap3A_695 = arith.index_cast %add3A_667 : i32 to index
            %swap3A_696 = arith.constant 48 : index
            %swap3A_697 = tpu.vector_load %arg19[%swap3A_695, %swap3A_696] {strides = array<i32>} : memref<80x128xf32, #tpu.memory_space<vmem>>, vector<16xf32>,
            tpu.vector_store %arg19[%swap3A_695, %swap3A_696], %mul3A_694 {strides = array<i32>} : memref<80x128xf32, #tpu.memory_space<vmem>>, vector<16xf32>,
            %get3A_698 = arith.index_cast %add3A_667 : i32 to index
            %get3A_699 = arith.constant 64 : index
            %get3A_700 = tpu.vector_load %arg19[%get3A_698, %get3A_699] {strides = array<i32>} : memref<80x128xf32, #tpu.memory_space<vmem>>, vector<16xf32>,
            %mul3A_701 = arith.mulf %get3A_700, %gather3A_669 : vector<16xf32>
            %swap3A_702 = arith.index_cast %add3A_667 : i32 to index
            %swap3A_703 = arith.constant 64 : index
            %swap3A_704 = tpu.vector_load %arg19[%swap3A_702, %swap3A_703] {strides = array<i32>} : memref<80x128xf32, #tpu.memory_space<vmem>>, vector<16xf32>,
            tpu.vector_store %arg19[%swap3A_702, %swap3A_703], %mul3A_701 {strides = array<i32>} : memref<80x128xf32, #tpu.memory_space<vmem>>, vector<16xf32>,
            %get3A_705 = arith.index_cast %add3A_667 : i32 to index
            %get3A_706 = arith.constant 80 : index
            %get3A_707 = tpu.vector_load %arg19[%get3A_705, %get3A_706] {strides = array<i32>} : memref<80x128xf32, #tpu.memory_space<vmem>>, vector<16xf32>,
            %mul3A_708 = arith.mulf %get3A_707, %gather3A_669 : vector<16xf32>
            %swap3A_709 = arith.index_cast %add3A_667 : i32 to index
            %swap3A_710 = arith.constant 80 : index
            %swap3A_711 = tpu.vector_load %arg19[%swap3A_709, %swap3A_710] {strides = array<i32>} : memref<80x128xf32, #tpu.memory_space<vmem>>, vector<16xf32>,
            tpu.vector_store %arg19[%swap3A_709, %swap3A_710], %mul3A_708 {strides = array<i32>} : memref<80x128xf32, #tpu.memory_space<vmem>>, vector<16xf32>,
            %get3A_712 = arith.index_cast %add3A_667 : i32 to index
            %get3A_713 = arith.constant 96 : index
            %get3A_714 = tpu.vector_load %arg19[%get3A_712, %get3A_713] {strides = array<i32>} : memref<80x128xf32, #tpu.memory_space<vmem>>, vector<16xf32>,
            %mul3A_715 = arith.mulf %get3A_714, %gather3A_669 : vector<16xf32>
            %swap3A_716 = arith.index_cast %add3A_667 : i32 to index
            %swap3A_717 = arith.constant 96 : index
            %swap3A_718 = tpu.vector_load %arg19[%swap3A_716, %swap3A_717] {strides = array<i32>} : memref<80x128xf32, #tpu.memory_space<vmem>>, vector<16xf32>,
            tpu.vector_store %arg19[%swap3A_716, %swap3A_717], %mul3A_715 {strides = array<i32>} : memref<80x128xf32, #tpu.memory_space<vmem>>, vector<16xf32>,
            %get3A_719 = arith.index_cast %add3A_667 : i32 to index
            %get3A_720 = arith.constant 112 : index
            %get3A_721 = tpu.vector_load %arg19[%get3A_719, %get3A_720] {strides = array<i32>} : memref<80x128xf32, #tpu.memory_space<vmem>>, vector<16xf32>,
            %mul3A_722 = arith.mulf %get3A_721, %gather3A_669 : vector<16xf32>
            %swap3A_723 = arith.index_cast %add3A_667 : i32 to index
            %swap3A_724 = arith.constant 112 : index
            %swap3A_725 = tpu.vector_load %arg19[%swap3A_723, %swap3A_724] {strides = array<i32>} : memref<80x128xf32, #tpu.memory_space<vmem>>, vector<16xf32>,
            tpu.vector_store %arg19[%swap3A_723, %swap3A_724], %mul3A_722 {strides = array<i32>} : memref<80x128xf32, #tpu.memory_space<vmem>>, vector<16xf32>,
          }
          %scan3A_223 = arith.constant 10 : i32
          %dma_start3A_224 = arith.constant 0 : i32
          %dma_start3A_225 = tpu.memref_slice %arg12[%add3A_91, %dma_start3A_224] : memref<125x80xi32, #tpu.memory_space<vmem>> -> memref<1x80xi32, #tpu.memory_space<vmem>>
          %dma_start3A_226 = tpu.memref_squeeze %dma_start3A_225 : memref<1x80xi32, #tpu.memory_space<vmem>> -> memref<80xi32, #tpu.memory_space<vmem>>
          %dma_start3A_227 = arith.constant 0 : i32
          %dma_start3A_228 = arith.constant 0 : i32
          %dma_start3A_229 = tpu.memref_slice %arg25[%dma_start3A_227, %dma_start3A_228] : memref<10000x128xf32, #tpu.memory_space<vmem_shared>> -> memref<10000x128xf32, #tpu.memory_space<vmem_shared>>
          tpu.enqueue_indirect_dma source(%arg19 : memref<80x128xf32, #tpu.memory_space<vmem>>) target(%dma_start3A_229 : memref<10000x128xf32, #tpu.memory_space<vmem_shared>>) offsets(%dma_start3A_226 : memref<80xi32, #tpu.memory_space<vmem>>) semaphore(%arg28 : memref<!tpu.dma_semaphore, #tpu.memory_space<semaphore_mem>>) {add = true}
        } else {
        }
        %mul3A_96 = arith.constant 2 : i32
        %mul3A_97 = arith.muli %scan3A_88, %mul3A_96 : i32
        %add3A_98 = arith.constant 1 : i32
        %add3A_99 = arith.addi %mul3A_97, %add3A_98 : i32
        %lt3A_100 = arith.constant 125 : i32
        %lt3A_101 = arith.cmpi slt, %add3A_99, %lt3A_100 : i32
        %convert_element_type3A_102 = arith.extui %lt3A_101 : i1 to i32
        %cond3A_103 = arith.constant 0 : i32
        %cond3A_104 = arith.cmpi ne, %convert_element_type3A_102, %cond3A_103 : i32
        scf.if %cond3A_104 {
          %mul3A_105 = arith.constant 80 : i32
          %mul3A_106 = arith.muli %add3A_99, %mul3A_105 : i32
          %add3A_107 = arith.constant 1 : i32
          %add3A_108 = arith.addi %add3A_99, %add3A_107 : i32
          %lt3A_109 = arith.constant 125 : i32
          %lt3A_110 = arith.cmpi slt, %add3A_108, %lt3A_109 : i32
          %convert_element_type3A_111 = arith.extui %lt3A_110 : i1 to i32
          %cond3A_112 = arith.constant 0 : i32
          %cond3A_113 = arith.cmpi ne, %convert_element_type3A_111, %cond3A_112 : i32
          scf.if %cond3A_113 {
            %add3A_230 = arith.constant 1 : i32
            %add3A_231 = arith.addi %add3A_99, %add3A_230 : i32
            %mul3A_232 = arith.constant 80 : i32
            %mul3A_233 = arith.muli %add3A_231, %mul3A_232 : i32
            %dma_start3A_234 = tpu.memref_slice %arg11[%mul3A_233] : memref<10000xi32, #tpu.memory_space<vmem>> -> memref<80xi32, #tpu.memory_space<vmem>>
            %dma_start3A_235 = arith.constant 0 : i32
            %dma_start3A_236 = tpu.memref_slice %arg22[%dma_start3A_235] : memref<10240xf32, #tpu.memory_space<vmem_shared>> -> memref<10240xf32, #tpu.memory_space<vmem_shared>>
            tpu.enqueue_indirect_dma source(%dma_start3A_236 : memref<10240xf32, #tpu.memory_space<vmem_shared>>) target(%arg13 : memref<80xf32, #tpu.memory_space<vmem>>) offsets(%dma_start3A_234 : memref<80xi32, #tpu.memory_space<vmem>>) semaphore(%arg30 : memref<!tpu.dma_semaphore, #tpu.memory_space<semaphore_mem>>)
            %add3A_237 = arith.constant 1 : i32
            %add3A_238 = arith.addi %add3A_99, %add3A_237 : i32
            %dma_start3A_239 = arith.constant 0 : i32
            %dma_start3A_240 = tpu.memref_slice %arg12[%add3A_238, %dma_start3A_239] : memref<125x80xi32, #tpu.memory_space<vmem>> -> memref<1x80xi32, #tpu.memory_space<vmem>>
            %dma_start3A_241 = tpu.memref_squeeze %dma_start3A_240 : memref<1x80xi32, #tpu.memory_space<vmem>> -> memref<80xi32, #tpu.memory_space<vmem>>
            %dma_start3A_242 = arith.constant 0 : i32
            %dma_start3A_243 = tpu.memref_slice %arg23[%dma_start3A_242] : memref<10240xf32, #tpu.memory_space<vmem_shared>> -> memref<10240xf32, #tpu.memory_space<vmem_shared>>
            tpu.enqueue_indirect_dma source(%dma_start3A_243 : memref<10240xf32, #tpu.memory_space<vmem_shared>>) target(%arg15 : memref<80xf32, #tpu.memory_space<vmem>>) offsets(%dma_start3A_241 : memref<80xi32, #tpu.memory_space<vmem>>) semaphore(%arg30 : memref<!tpu.dma_semaphore, #tpu.memory_space<semaphore_mem>>)
          } else {
          }
          %ge3A = arith.constant 2 : i32
          %ge3A_114 = arith.cmpi sge, %add3A_99, %ge3A : i32
          %convert_element_type3A_115 = arith.extui %ge3A_114 : i1 to i32
          %cond3A_116 = arith.constant 0 : i32
          %cond3A_117 = arith.cmpi ne, %convert_element_type3A_115, %cond3A_116 : i32
          scf.if %cond3A_117 {
            %sub3A = arith.constant 2 : i32
            %sub3A_230 = arith.subi %add3A_99, %sub3A : i32
            %dma_wait3A_231 = arith.constant 0 : i32
            %dma_wait3A_232 = tpu.memref_slice %arg12[%sub3A_230, %dma_wait3A_231] : memref<125x80xi32, #tpu.memory_space<vmem>> -> memref<1x80xi32, #tpu.memory_space<vmem>>
            %dma_wait3A_233 = tpu.memref_squeeze %dma_wait3A_232 : memref<1x80xi32, #tpu.memory_space<vmem>> -> memref<80xi32, #tpu.memory_space<vmem>>
            %dma_wait3A_234 = arith.constant 0 : i32
            %dma_wait3A_235 = tpu.memref_slice %arg24[%dma_wait3A_234] : memref<10240xf32, #tpu.memory_space<vmem_shared>> -> memref<10240xf32, #tpu.memory_space<vmem_shared>>
            tpu.wait_indirect_dma semaphore(%arg33 : memref<!tpu.dma_semaphore, #tpu.memory_space<semaphore_mem>>) src(%arg18 : memref<80xf32, #tpu.memory_space<vmem>>) dst(%dma_wait3A_235 : memref<10240xf32, #tpu.memory_space<vmem_shared>>)
          } else {
          }
          %dma_wait3A_118 = tpu.memref_slice %arg11[%mul3A_106] : memref<10000xi32, #tpu.memory_space<vmem>> -> memref<80xi32, #tpu.memory_space<vmem>>
          %dma_wait3A_119 = arith.constant 0 : i32
          %dma_wait3A_120 = tpu.memref_slice %arg22[%dma_wait3A_119] : memref<10240xf32, #tpu.memory_space<vmem_shared>> -> memref<10240xf32, #tpu.memory_space<vmem_shared>>
          tpu.wait_indirect_dma semaphore(%arg31 : memref<!tpu.dma_semaphore, #tpu.memory_space<semaphore_mem>>) src(%dma_wait3A_120 : memref<10240xf32, #tpu.memory_space<vmem_shared>>) dst(%arg14 : memref<80xf32, #tpu.memory_space<vmem>>)
          %dma_wait3A_121 = arith.constant 0 : i32
          %dma_wait3A_122 = tpu.memref_slice %arg12[%add3A_99, %dma_wait3A_121] : memref<125x80xi32, #tpu.memory_space<vmem>> -> memref<1x80xi32, #tpu.memory_space<vmem>>
          %dma_wait3A_123 = tpu.memref_squeeze %dma_wait3A_122 : memref<1x80xi32, #tpu.memory_space<vmem>> -> memref<80xi32, #tpu.memory_space<vmem>>
          %dma_wait3A_124 = arith.constant 0 : i32
          %dma_wait3A_125 = tpu.memref_slice %arg23[%dma_wait3A_124] : memref<10240xf32, #tpu.memory_space<vmem_shared>> -> memref<10240xf32, #tpu.memory_space<vmem_shared>>
          tpu.wait_indirect_dma semaphore(%arg31 : memref<!tpu.dma_semaphore, #tpu.memory_space<semaphore_mem>>) src(%dma_wait3A_125 : memref<10240xf32, #tpu.memory_space<vmem_shared>>) dst(%arg16 : memref<80xf32, #tpu.memory_space<vmem>>)
          %get3A = arith.constant 0 : index
          %get3A_126 = tpu.vector_load %arg14[%get3A] {strides = array<i32>} : memref<80xf32, #tpu.memory_space<vmem>>, vector<16xf32>,
          %get3A_127 = arith.constant 0 : index
          %get3A_128 = tpu.vector_load %arg16[%get3A_127] {strides = array<i32>} : memref<80xf32, #tpu.memory_space<vmem>>, vector<16xf32>,
          %add3A_129 = arith.addf %get3A_126, %get3A_128 : vector<16xf32>
          %gt3A = arith.constant 0.000000e+00 : f32
          %gt3A_130 = vector.broadcast %gt3A : f32 to vector<16xf32>
          %gt3A_131 = arith.cmpf ogt, %add3A_129, %gt3A_130 : vector<16xf32>
          %mul3A_132 = arith.constant 2.000000e-01 : f32
          %mul3A_133 = vector.broadcast %mul3A_132 : f32 to vector<16xf32>
          %mul3A_134 = arith.mulf %add3A_129, %mul3A_133 : vector<16xf32>
          %select_n3A_135 = arith.select %gt3A_131, %add3A_129, %mul3A_134 : vector<16xi1>, vector<16xf32>
          %exp3A = math.exp %select_n3A_135 : vector<16xf32>
          %swap3A = arith.constant 0 : index
          %swap3A_136 = tpu.vector_load %arg18[%swap3A] {strides = array<i32>} : memref<80xf32, #tpu.memory_space<vmem>>, vector<16xf32>,
          tpu.vector_store %arg18[%swap3A], %exp3A {strides = array<i32>} : memref<80xf32, #tpu.memory_space<vmem>>, vector<16xf32>,
          %get3A_137 = arith.constant 16 : index
          %get3A_138 = tpu.vector_load %arg14[%get3A_137] {strides = array<i32>} : memref<80xf32, #tpu.memory_space<vmem>>, vector<16xf32>,
          %get3A_139 = arith.constant 16 : index
          %get3A_140 = tpu.vector_load %arg16[%get3A_139] {strides = array<i32>} : memref<80xf32, #tpu.memory_space<vmem>>, vector<16xf32>,
          %add3A_141 = arith.addf %get3A_138, %get3A_140 : vector<16xf32>
          %gt3A_142 = arith.constant 0.000000e+00 : f32
          %gt3A_143 = vector.broadcast %gt3A_142 : f32 to vector<16xf32>
          %gt3A_144 = arith.cmpf ogt, %add3A_141, %gt3A_143 : vector<16xf32>
          %mul3A_145 = arith.constant 2.000000e-01 : f32
          %mul3A_146 = vector.broadcast %mul3A_145 : f32 to vector<16xf32>
          %mul3A_147 = arith.mulf %add3A_141, %mul3A_146 : vector<16xf32>
          %select_n3A_148 = arith.select %gt3A_144, %add3A_141, %mul3A_147 : vector<16xi1>, vector<16xf32>
          %exp3A_149 = math.exp %select_n3A_148 : vector<16xf32>
          %swap3A_150 = arith.constant 16 : index
          %swap3A_151 = tpu.vector_load %arg18[%swap3A_150] {strides = array<i32>} : memref<80xf32, #tpu.memory_space<vmem>>, vector<16xf32>,
          tpu.vector_store %arg18[%swap3A_150], %exp3A_149 {strides = array<i32>} : memref<80xf32, #tpu.memory_space<vmem>>, vector<16xf32>,
          %get3A_152 = arith.constant 32 : index
          %get3A_153 = tpu.vector_load %arg14[%get3A_152] {strides = array<i32>} : memref<80xf32, #tpu.memory_space<vmem>>, vector<16xf32>,
          %get3A_154 = arith.constant 32 : index
          %get3A_155 = tpu.vector_load %arg16[%get3A_154] {strides = array<i32>} : memref<80xf32, #tpu.memory_space<vmem>>, vector<16xf32>,
          %add3A_156 = arith.addf %get3A_153, %get3A_155 : vector<16xf32>
          %gt3A_157 = arith.constant 0.000000e+00 : f32
          %gt3A_158 = vector.broadcast %gt3A_157 : f32 to vector<16xf32>
          %gt3A_159 = arith.cmpf ogt, %add3A_156, %gt3A_158 : vector<16xf32>
          %mul3A_160 = arith.constant 2.000000e-01 : f32
          %mul3A_161 = vector.broadcast %mul3A_160 : f32 to vector<16xf32>
          %mul3A_162 = arith.mulf %add3A_156, %mul3A_161 : vector<16xf32>
          %select_n3A_163 = arith.select %gt3A_159, %add3A_156, %mul3A_162 : vector<16xi1>, vector<16xf32>
          %exp3A_164 = math.exp %select_n3A_163 : vector<16xf32>
          %swap3A_165 = arith.constant 32 : index
          %swap3A_166 = tpu.vector_load %arg18[%swap3A_165] {strides = array<i32>} : memref<80xf32, #tpu.memory_space<vmem>>, vector<16xf32>,
          tpu.vector_store %arg18[%swap3A_165], %exp3A_164 {strides = array<i32>} : memref<80xf32, #tpu.memory_space<vmem>>, vector<16xf32>,
          %get3A_167 = arith.constant 48 : index
          %get3A_168 = tpu.vector_load %arg14[%get3A_167] {strides = array<i32>} : memref<80xf32, #tpu.memory_space<vmem>>, vector<16xf32>,
          %get3A_169 = arith.constant 48 : index
          %get3A_170 = tpu.vector_load %arg16[%get3A_169] {strides = array<i32>} : memref<80xf32, #tpu.memory_space<vmem>>, vector<16xf32>,
          %add3A_171 = arith.addf %get3A_168, %get3A_170 : vector<16xf32>
          %gt3A_172 = arith.constant 0.000000e+00 : f32
          %gt3A_173 = vector.broadcast %gt3A_172 : f32 to vector<16xf32>
          %gt3A_174 = arith.cmpf ogt, %add3A_171, %gt3A_173 : vector<16xf32>
          %mul3A_175 = arith.constant 2.000000e-01 : f32
          %mul3A_176 = vector.broadcast %mul3A_175 : f32 to vector<16xf32>
          %mul3A_177 = arith.mulf %add3A_171, %mul3A_176 : vector<16xf32>
          %select_n3A_178 = arith.select %gt3A_174, %add3A_171, %mul3A_177 : vector<16xi1>, vector<16xf32>
          %exp3A_179 = math.exp %select_n3A_178 : vector<16xf32>
          %swap3A_180 = arith.constant 48 : index
          %swap3A_181 = tpu.vector_load %arg18[%swap3A_180] {strides = array<i32>} : memref<80xf32, #tpu.memory_space<vmem>>, vector<16xf32>,
          tpu.vector_store %arg18[%swap3A_180], %exp3A_179 {strides = array<i32>} : memref<80xf32, #tpu.memory_space<vmem>>, vector<16xf32>,
          %get3A_182 = arith.constant 64 : index
          %get3A_183 = tpu.vector_load %arg14[%get3A_182] {strides = array<i32>} : memref<80xf32, #tpu.memory_space<vmem>>, vector<16xf32>,
          %get3A_184 = arith.constant 64 : index
          %get3A_185 = tpu.vector_load %arg16[%get3A_184] {strides = array<i32>} : memref<80xf32, #tpu.memory_space<vmem>>, vector<16xf32>,
          %add3A_186 = arith.addf %get3A_183, %get3A_185 : vector<16xf32>
          %gt3A_187 = arith.constant 0.000000e+00 : f32
          %gt3A_188 = vector.broadcast %gt3A_187 : f32 to vector<16xf32>
          %gt3A_189 = arith.cmpf ogt, %add3A_186, %gt3A_188 : vector<16xf32>
          %mul3A_190 = arith.constant 2.000000e-01 : f32
          %mul3A_191 = vector.broadcast %mul3A_190 : f32 to vector<16xf32>
          %mul3A_192 = arith.mulf %add3A_186, %mul3A_191 : vector<16xf32>
          %select_n3A_193 = arith.select %gt3A_189, %add3A_186, %mul3A_192 : vector<16xi1>, vector<16xf32>
          %exp3A_194 = math.exp %select_n3A_193 : vector<16xf32>
          %swap3A_195 = arith.constant 64 : index
          %swap3A_196 = tpu.vector_load %arg18[%swap3A_195] {strides = array<i32>} : memref<80xf32, #tpu.memory_space<vmem>>, vector<16xf32>,
          tpu.vector_store %arg18[%swap3A_195], %exp3A_194 {strides = array<i32>} : memref<80xf32, #tpu.memory_space<vmem>>, vector<16xf32>,
          %dma_start3A_197 = arith.constant 0 : i32
          %dma_start3A_198 = tpu.memref_slice %arg12[%add3A_99, %dma_start3A_197] : memref<125x80xi32, #tpu.memory_space<vmem>> -> memref<1x80xi32, #tpu.memory_space<vmem>>
          %dma_start3A_199 = tpu.memref_squeeze %dma_start3A_198 : memref<1x80xi32, #tpu.memory_space<vmem>> -> memref<80xi32, #tpu.memory_space<vmem>>
          %dma_start3A_200 = arith.constant 0 : i32
          %dma_start3A_201 = tpu.memref_slice %arg24[%dma_start3A_200] : memref<10240xf32, #tpu.memory_space<vmem_shared>> -> memref<10240xf32, #tpu.memory_space<vmem_shared>>
          tpu.enqueue_indirect_dma source(%arg18 : memref<80xf32, #tpu.memory_space<vmem>>) target(%dma_start3A_201 : memref<10240xf32, #tpu.memory_space<vmem_shared>>) offsets(%dma_start3A_199 : memref<80xi32, #tpu.memory_space<vmem>>) semaphore(%arg33 : memref<!tpu.dma_semaphore, #tpu.memory_space<semaphore_mem>>) {add = true}
          %ge3A_202 = arith.constant 1 : i32
          %ge3A_203 = arith.cmpi sge, %add3A_99, %ge3A_202 : i32
          %convert_element_type3A_204 = arith.extui %ge3A_203 : i1 to i32
          %cond3A_205 = arith.constant 0 : i32
          %cond3A_206 = arith.cmpi ne, %convert_element_type3A_204, %cond3A_205 : i32
          scf.if %cond3A_206 {
            %sub3A = arith.constant 1 : i32
            %sub3A_230 = arith.subi %add3A_99, %sub3A : i32
            %dma_wait3A_231 = arith.constant 0 : i32
            %dma_wait3A_232 = tpu.memref_slice %arg12[%sub3A_230, %dma_wait3A_231] : memref<125x80xi32, #tpu.memory_space<vmem>> -> memref<1x80xi32, #tpu.memory_space<vmem>>
            %dma_wait3A_233 = tpu.memref_squeeze %dma_wait3A_232 : memref<1x80xi32, #tpu.memory_space<vmem>> -> memref<80xi32, #tpu.memory_space<vmem>>
            %dma_wait3A_234 = arith.constant 0 : i32
            %dma_wait3A_235 = arith.constant 0 : i32
            %dma_wait3A_236 = tpu.memref_slice %arg25[%dma_wait3A_234, %dma_wait3A_235] : memref<10000x128xf32, #tpu.memory_space<vmem_shared>> -> memref<10000x128xf32, #tpu.memory_space<vmem_shared>>
            tpu.wait_indirect_dma semaphore(%arg28 : memref<!tpu.dma_semaphore, #tpu.memory_space<semaphore_mem>>) src(%arg19 : memref<80x128xf32, #tpu.memory_space<vmem>>) dst(%dma_wait3A_236 : memref<10000x128xf32, #tpu.memory_space<vmem_shared>>)
          } else {
          }
          %add3A_207 = arith.constant 1 : i32
          %add3A_208 = arith.addi %add3A_99, %add3A_207 : i32
          %lt3A_209 = arith.constant 125 : i32
          %lt3A_210 = arith.cmpi slt, %add3A_208, %lt3A_209 : i32
          %convert_element_type3A_211 = arith.extui %lt3A_210 : i1 to i32
          %cond3A_212 = arith.constant 0 : i32
          %cond3A_213 = arith.cmpi ne, %convert_element_type3A_211, %cond3A_212 : i32
          scf.if %cond3A_213 {
            %add3A_230 = arith.constant 1 : i32
            %add3A_231 = arith.addi %add3A_99, %add3A_230 : i32
            %mul3A_232 = arith.constant 80 : i32
            %mul3A_233 = arith.muli %add3A_231, %mul3A_232 : i32
            %dma_start3A_234 = tpu.memref_slice %arg11[%mul3A_233] : memref<10000xi32, #tpu.memory_space<vmem>> -> memref<80xi32, #tpu.memory_space<vmem>>
            %dma_start3A_235 = arith.constant 0 : i32
            %dma_start3A_236 = arith.constant 0 : i32
            %dma_start3A_237 = tpu.memref_slice %arg3[%dma_start3A_235, %dma_start3A_236] : memref<10000x128xf32, #tpu.memory_space<hbm>> -> memref<10000x128xf32, #tpu.memory_space<hbm>>
            tpu.enqueue_indirect_dma source(%dma_start3A_237 : memref<10000x128xf32, #tpu.memory_space<hbm>>) target(%arg19 : memref<80x128xf32, #tpu.memory_space<vmem>>) offsets(%dma_start3A_234 : memref<80xi32, #tpu.memory_space<vmem>>) semaphore(%arg26 : memref<!tpu.dma_semaphore, #tpu.memory_space<semaphore_mem>>)
          } else {
          }
          %dma_wait3A_214 = tpu.memref_slice %arg11[%mul3A_106] : memref<10000xi32, #tpu.memory_space<vmem>> -> memref<80xi32, #tpu.memory_space<vmem>>
          %dma_wait3A_215 = arith.constant 0 : i32
          %dma_wait3A_216 = arith.constant 0 : i32
          %dma_wait3A_217 = tpu.memref_slice %arg3[%dma_wait3A_215, %dma_wait3A_216] : memref<10000x128xf32, #tpu.memory_space<hbm>> -> memref<10000x128xf32, #tpu.memory_space<hbm>>
          tpu.wait_indirect_dma semaphore(%arg27 : memref<!tpu.dma_semaphore, #tpu.memory_space<semaphore_mem>>) src(%dma_wait3A_217 : memref<10000x128xf32, #tpu.memory_space<hbm>>) dst(%arg20 : memref<80x128xf32, #tpu.memory_space<vmem>>)
          %scan3A_218 = arith.constant 0 : i32
          %scan3A_219 = arith.constant 0 : i32
          %scan3A_220 = arith.constant 10 : i32
          %scan3A_221 = arith.addi %scan3A_219, %scan3A_220 : i32
          %scan3A_222 = arith.constant 1 : i32
          scf.for %scan3A_230 = %scan3A_219 to %scan3A_221 step %scan3A_222  : i32 {
            %mul3A_231 = arith.constant 8 : i32
            %mul3A_232 = arith.muli %scan3A_230, %mul3A_231 : i32
            %add3A_233 = arith.constant 0 : i32
            %add3A_234 = arith.addi %mul3A_232, %add3A_233 : i32
            %broadcast_in_dim3A_235 = vector.broadcast %add3A_234 : i32 to vector<16xi32>
            %gather3A = tpu.vector_load_idx %arg18[%broadcast_in_dim3A_235] : memref<80xf32, #tpu.memory_space<vmem>>[vector<16xi32>], vector<16xf32>,
            %get3A_236 = arith.index_cast %add3A_234 : i32 to index
            %get3A_237 = arith.constant 0 : index
            %get3A_238 = tpu.vector_load %arg20[%get3A_236, %get3A_237] {strides = array<i32>} : memref<80x128xf32, #tpu.memory_space<vmem>>, vector<16xf32>,
            %mul3A_239 = arith.mulf %get3A_238, %gather3A : vector<16xf32>
            %swap3A_240 = arith.index_cast %add3A_234 : i32 to index
            %swap3A_241 = arith.constant 0 : index
            %swap3A_242 = tpu.vector_load %arg20[%swap3A_240, %swap3A_241] {strides = array<i32>} : memref<80x128xf32, #tpu.memory_space<vmem>>, vector<16xf32>,
            tpu.vector_store %arg20[%swap3A_240, %swap3A_241], %mul3A_239 {strides = array<i32>} : memref<80x128xf32, #tpu.memory_space<vmem>>, vector<16xf32>,
            %get3A_243 = arith.index_cast %add3A_234 : i32 to index
            %get3A_244 = arith.constant 16 : index
            %get3A_245 = tpu.vector_load %arg20[%get3A_243, %get3A_244] {strides = array<i32>} : memref<80x128xf32, #tpu.memory_space<vmem>>, vector<16xf32>,
            %mul3A_246 = arith.mulf %get3A_245, %gather3A : vector<16xf32>
            %swap3A_247 = arith.index_cast %add3A_234 : i32 to index
            %swap3A_248 = arith.constant 16 : index
            %swap3A_249 = tpu.vector_load %arg20[%swap3A_247, %swap3A_248] {strides = array<i32>} : memref<80x128xf32, #tpu.memory_space<vmem>>, vector<16xf32>,
            tpu.vector_store %arg20[%swap3A_247, %swap3A_248], %mul3A_246 {strides = array<i32>} : memref<80x128xf32, #tpu.memory_space<vmem>>, vector<16xf32>,
            %get3A_250 = arith.index_cast %add3A_234 : i32 to index
            %get3A_251 = arith.constant 32 : index
            %get3A_252 = tpu.vector_load %arg20[%get3A_250, %get3A_251] {strides = array<i32>} : memref<80x128xf32, #tpu.memory_space<vmem>>, vector<16xf32>,
            %mul3A_253 = arith.mulf %get3A_252, %gather3A : vector<16xf32>
            %swap3A_254 = arith.index_cast %add3A_234 : i32 to index
            %swap3A_255 = arith.constant 32 : index
            %swap3A_256 = tpu.vector_load %arg20[%swap3A_254, %swap3A_255] {strides = array<i32>} : memref<80x128xf32, #tpu.memory_space<vmem>>, vector<16xf32>,
            tpu.vector_store %arg20[%swap3A_254, %swap3A_255], %mul3A_253 {strides = array<i32>} : memref<80x128xf32, #tpu.memory_space<vmem>>, vector<16xf32>,
            %get3A_257 = arith.index_cast %add3A_234 : i32 to index
            %get3A_258 = arith.constant 48 : index
            %get3A_259 = tpu.vector_load %arg20[%get3A_257, %get3A_258] {strides = array<i32>} : memref<80x128xf32, #tpu.memory_space<vmem>>, vector<16xf32>,
            %mul3A_260 = arith.mulf %get3A_259, %gather3A : vector<16xf32>
            %swap3A_261 = arith.index_cast %add3A_234 : i32 to index
            %swap3A_262 = arith.constant 48 : index
            %swap3A_263 = tpu.vector_load %arg20[%swap3A_261, %swap3A_262] {strides = array<i32>} : memref<80x128xf32, #tpu.memory_space<vmem>>, vector<16xf32>,
            tpu.vector_store %arg20[%swap3A_261, %swap3A_262], %mul3A_260 {strides = array<i32>} : memref<80x128xf32, #tpu.memory_space<vmem>>, vector<16xf32>,
            %get3A_264 = arith.index_cast %add3A_234 : i32 to index
            %get3A_265 = arith.constant 64 : index
            %get3A_266 = tpu.vector_load %arg20[%get3A_264, %get3A_265] {strides = array<i32>} : memref<80x128xf32, #tpu.memory_space<vmem>>, vector<16xf32>,
            %mul3A_267 = arith.mulf %get3A_266, %gather3A : vector<16xf32>
            %swap3A_268 = arith.index_cast %add3A_234 : i32 to index
            %swap3A_269 = arith.constant 64 : index
            %swap3A_270 = tpu.vector_load %arg20[%swap3A_268, %swap3A_269] {strides = array<i32>} : memref<80x128xf32, #tpu.memory_space<vmem>>, vector<16xf32>,
            tpu.vector_store %arg20[%swap3A_268, %swap3A_269], %mul3A_267 {strides = array<i32>} : memref<80x128xf32, #tpu.memory_space<vmem>>, vector<16xf32>,
            %get3A_271 = arith.index_cast %add3A_234 : i32 to index
            %get3A_272 = arith.constant 80 : index
            %get3A_273 = tpu.vector_load %arg20[%get3A_271, %get3A_272] {strides = array<i32>} : memref<80x128xf32, #tpu.memory_space<vmem>>, vector<16xf32>,
            %mul3A_274 = arith.mulf %get3A_273, %gather3A : vector<16xf32>
            %swap3A_275 = arith.index_cast %add3A_234 : i32 to index
            %swap3A_276 = arith.constant 80 : index
            %swap3A_277 = tpu.vector_load %arg20[%swap3A_275, %swap3A_276] {strides = array<i32>} : memref<80x128xf32, #tpu.memory_space<vmem>>, vector<16xf32>,
            tpu.vector_store %arg20[%swap3A_275, %swap3A_276], %mul3A_274 {strides = array<i32>} : memref<80x128xf32, #tpu.memory_space<vmem>>, vector<16xf32>,
            %get3A_278 = arith.index_cast %add3A_234 : i32 to index
            %get3A_279 = arith.constant 96 : index
            %get3A_280 = tpu.vector_load %arg20[%get3A_278, %get3A_279] {strides = array<i32>} : memref<80x128xf32, #tpu.memory_space<vmem>>, vector<16xf32>,
            %mul3A_281 = arith.mulf %get3A_280, %gather3A : vector<16xf32>
            %swap3A_282 = arith.index_cast %add3A_234 : i32 to index
            %swap3A_283 = arith.constant 96 : index
            %swap3A_284 = tpu.vector_load %arg20[%swap3A_282, %swap3A_283] {strides = array<i32>} : memref<80x128xf32, #tpu.memory_space<vmem>>, vector<16xf32>,
            tpu.vector_store %arg20[%swap3A_282, %swap3A_283], %mul3A_281 {strides = array<i32>} : memref<80x128xf32, #tpu.memory_space<vmem>>, vector<16xf32>,
            %get3A_285 = arith.index_cast %add3A_234 : i32 to index
            %get3A_286 = arith.constant 112 : index
            %get3A_287 = tpu.vector_load %arg20[%get3A_285, %get3A_286] {strides = array<i32>} : memref<80x128xf32, #tpu.memory_space<vmem>>, vector<16xf32>,
            %mul3A_288 = arith.mulf %get3A_287, %gather3A : vector<16xf32>
            %swap3A_289 = arith.index_cast %add3A_234 : i32 to index
            %swap3A_290 = arith.constant 112 : index
            %swap3A_291 = tpu.vector_load %arg20[%swap3A_289, %swap3A_290] {strides = array<i32>} : memref<80x128xf32, #tpu.memory_space<vmem>>, vector<16xf32>,
            tpu.vector_store %arg20[%swap3A_289, %swap3A_290], %mul3A_288 {strides = array<i32>} : memref<80x128xf32, #tpu.memory_space<vmem>>, vector<16xf32>,
            %mul3A_292 = arith.constant 8 : i32
            %mul3A_293 = arith.muli %scan3A_230, %mul3A_292 : i32
            %add3A_294 = arith.constant 1 : i32
            %add3A_295 = arith.addi %mul3A_293, %add3A_294 : i32
            %broadcast_in_dim3A_296 = vector.broadcast %add3A_295 : i32 to vector<16xi32>
            %gather3A_297 = tpu.vector_load_idx %arg18[%broadcast_in_dim3A_296] : memref<80xf32, #tpu.memory_space<vmem>>[vector<16xi32>], vector<16xf32>,
            %get3A_298 = arith.index_cast %add3A_295 : i32 to index
            %get3A_299 = arith.constant 0 : index
            %get3A_300 = tpu.vector_load %arg20[%get3A_298, %get3A_299] {strides = array<i32>} : memref<80x128xf32, #tpu.memory_space<vmem>>, vector<16xf32>,
            %mul3A_301 = arith.mulf %get3A_300, %gather3A_297 : vector<16xf32>
            %swap3A_302 = arith.index_cast %add3A_295 : i32 to index
            %swap3A_303 = arith.constant 0 : index
            %swap3A_304 = tpu.vector_load %arg20[%swap3A_302, %swap3A_303] {strides = array<i32>} : memref<80x128xf32, #tpu.memory_space<vmem>>, vector<16xf32>,
            tpu.vector_store %arg20[%swap3A_302, %swap3A_303], %mul3A_301 {strides = array<i32>} : memref<80x128xf32, #tpu.memory_space<vmem>>, vector<16xf32>,
            %get3A_305 = arith.index_cast %add3A_295 : i32 to index
            %get3A_306 = arith.constant 16 : index
            %get3A_307 = tpu.vector_load %arg20[%get3A_305, %get3A_306] {strides = array<i32>} : memref<80x128xf32, #tpu.memory_space<vmem>>, vector<16xf32>,
            %mul3A_308 = arith.mulf %get3A_307, %gather3A_297 : vector<16xf32>
            %swap3A_309 = arith.index_cast %add3A_295 : i32 to index
            %swap3A_310 = arith.constant 16 : index
            %swap3A_311 = tpu.vector_load %arg20[%swap3A_309, %swap3A_310] {strides = array<i32>} : memref<80x128xf32, #tpu.memory_space<vmem>>, vector<16xf32>,
            tpu.vector_store %arg20[%swap3A_309, %swap3A_310], %mul3A_308 {strides = array<i32>} : memref<80x128xf32, #tpu.memory_space<vmem>>, vector<16xf32>,
            %get3A_312 = arith.index_cast %add3A_295 : i32 to index
            %get3A_313 = arith.constant 32 : index
            %get3A_314 = tpu.vector_load %arg20[%get3A_312, %get3A_313] {strides = array<i32>} : memref<80x128xf32, #tpu.memory_space<vmem>>, vector<16xf32>,
            %mul3A_315 = arith.mulf %get3A_314, %gather3A_297 : vector<16xf32>
            %swap3A_316 = arith.index_cast %add3A_295 : i32 to index
            %swap3A_317 = arith.constant 32 : index
            %swap3A_318 = tpu.vector_load %arg20[%swap3A_316, %swap3A_317] {strides = array<i32>} : memref<80x128xf32, #tpu.memory_space<vmem>>, vector<16xf32>,
            tpu.vector_store %arg20[%swap3A_316, %swap3A_317], %mul3A_315 {strides = array<i32>} : memref<80x128xf32, #tpu.memory_space<vmem>>, vector<16xf32>,
            %get3A_319 = arith.index_cast %add3A_295 : i32 to index
            %get3A_320 = arith.constant 48 : index
            %get3A_321 = tpu.vector_load %arg20[%get3A_319, %get3A_320] {strides = array<i32>} : memref<80x128xf32, #tpu.memory_space<vmem>>, vector<16xf32>,
            %mul3A_322 = arith.mulf %get3A_321, %gather3A_297 : vector<16xf32>
            %swap3A_323 = arith.index_cast %add3A_295 : i32 to index
            %swap3A_324 = arith.constant 48 : index
            %swap3A_325 = tpu.vector_load %arg20[%swap3A_323, %swap3A_324] {strides = array<i32>} : memref<80x128xf32, #tpu.memory_space<vmem>>, vector<16xf32>,
            tpu.vector_store %arg20[%swap3A_323, %swap3A_324], %mul3A_322 {strides = array<i32>} : memref<80x128xf32, #tpu.memory_space<vmem>>, vector<16xf32>,
            %get3A_326 = arith.index_cast %add3A_295 : i32 to index
            %get3A_327 = arith.constant 64 : index
            %get3A_328 = tpu.vector_load %arg20[%get3A_326, %get3A_327] {strides = array<i32>} : memref<80x128xf32, #tpu.memory_space<vmem>>, vector<16xf32>,
            %mul3A_329 = arith.mulf %get3A_328, %gather3A_297 : vector<16xf32>
            %swap3A_330 = arith.index_cast %add3A_295 : i32 to index
            %swap3A_331 = arith.constant 64 : index
            %swap3A_332 = tpu.vector_load %arg20[%swap3A_330, %swap3A_331] {strides = array<i32>} : memref<80x128xf32, #tpu.memory_space<vmem>>, vector<16xf32>,
            tpu.vector_store %arg20[%swap3A_330, %swap3A_331], %mul3A_329 {strides = array<i32>} : memref<80x128xf32, #tpu.memory_space<vmem>>, vector<16xf32>,
            %get3A_333 = arith.index_cast %add3A_295 : i32 to index
            %get3A_334 = arith.constant 80 : index
            %get3A_335 = tpu.vector_load %arg20[%get3A_333, %get3A_334] {strides = array<i32>} : memref<80x128xf32, #tpu.memory_space<vmem>>, vector<16xf32>,
            %mul3A_336 = arith.mulf %get3A_335, %gather3A_297 : vector<16xf32>
            %swap3A_337 = arith.index_cast %add3A_295 : i32 to index
            %swap3A_338 = arith.constant 80 : index
            %swap3A_339 = tpu.vector_load %arg20[%swap3A_337, %swap3A_338] {strides = array<i32>} : memref<80x128xf32, #tpu.memory_space<vmem>>, vector<16xf32>,
            tpu.vector_store %arg20[%swap3A_337, %swap3A_338], %mul3A_336 {strides = array<i32>} : memref<80x128xf32, #tpu.memory_space<vmem>>, vector<16xf32>,
            %get3A_340 = arith.index_cast %add3A_295 : i32 to index
            %get3A_341 = arith.constant 96 : index
            %get3A_342 = tpu.vector_load %arg20[%get3A_340, %get3A_341] {strides = array<i32>} : memref<80x128xf32, #tpu.memory_space<vmem>>, vector<16xf32>,
            %mul3A_343 = arith.mulf %get3A_342, %gather3A_297 : vector<16xf32>
            %swap3A_344 = arith.index_cast %add3A_295 : i32 to index
            %swap3A_345 = arith.constant 96 : index
            %swap3A_346 = tpu.vector_load %arg20[%swap3A_344, %swap3A_345] {strides = array<i32>} : memref<80x128xf32, #tpu.memory_space<vmem>>, vector<16xf32>,
            tpu.vector_store %arg20[%swap3A_344, %swap3A_345], %mul3A_343 {strides = array<i32>} : memref<80x128xf32, #tpu.memory_space<vmem>>, vector<16xf32>,
            %get3A_347 = arith.index_cast %add3A_295 : i32 to index
            %get3A_348 = arith.constant 112 : index
            %get3A_349 = tpu.vector_load %arg20[%get3A_347, %get3A_348] {strides = array<i32>} : memref<80x128xf32, #tpu.memory_space<vmem>>, vector<16xf32>,
            %mul3A_350 = arith.mulf %get3A_349, %gather3A_297 : vector<16xf32>
            %swap3A_351 = arith.index_cast %add3A_295 : i32 to index
            %swap3A_352 = arith.constant 112 : index
            %swap3A_353 = tpu.vector_load %arg20[%swap3A_351, %swap3A_352] {strides = array<i32>} : memref<80x128xf32, #tpu.memory_space<vmem>>, vector<16xf32>,
            tpu.vector_store %arg20[%swap3A_351, %swap3A_352], %mul3A_350 {strides = array<i32>} : memref<80x128xf32, #tpu.memory_space<vmem>>, vector<16xf32>,
            %mul3A_354 = arith.constant 8 : i32
            %mul3A_355 = arith.muli %scan3A_230, %mul3A_354 : i32
            %add3A_356 = arith.constant 2 : i32
            %add3A_357 = arith.addi %mul3A_355, %add3A_356 : i32
            %broadcast_in_dim3A_358 = vector.broadcast %add3A_357 : i32 to vector<16xi32>
            %gather3A_359 = tpu.vector_load_idx %arg18[%broadcast_in_dim3A_358] : memref<80xf32, #tpu.memory_space<vmem>>[vector<16xi32>], vector<16xf32>,
            %get3A_360 = arith.index_cast %add3A_357 : i32 to index
            %get3A_361 = arith.constant 0 : index
            %get3A_362 = tpu.vector_load %arg20[%get3A_360, %get3A_361] {strides = array<i32>} : memref<80x128xf32, #tpu.memory_space<vmem>>, vector<16xf32>,
            %mul3A_363 = arith.mulf %get3A_362, %gather3A_359 : vector<16xf32>
            %swap3A_364 = arith.index_cast %add3A_357 : i32 to index
            %swap3A_365 = arith.constant 0 : index
            %swap3A_366 = tpu.vector_load %arg20[%swap3A_364, %swap3A_365] {strides = array<i32>} : memref<80x128xf32, #tpu.memory_space<vmem>>, vector<16xf32>,
            tpu.vector_store %arg20[%swap3A_364, %swap3A_365], %mul3A_363 {strides = array<i32>} : memref<80x128xf32, #tpu.memory_space<vmem>>, vector<16xf32>,
            %get3A_367 = arith.index_cast %add3A_357 : i32 to index
            %get3A_368 = arith.constant 16 : index
            %get3A_369 = tpu.vector_load %arg20[%get3A_367, %get3A_368] {strides = array<i32>} : memref<80x128xf32, #tpu.memory_space<vmem>>, vector<16xf32>,
            %mul3A_370 = arith.mulf %get3A_369, %gather3A_359 : vector<16xf32>
            %swap3A_371 = arith.index_cast %add3A_357 : i32 to index
            %swap3A_372 = arith.constant 16 : index
            %swap3A_373 = tpu.vector_load %arg20[%swap3A_371, %swap3A_372] {strides = array<i32>} : memref<80x128xf32, #tpu.memory_space<vmem>>, vector<16xf32>,
            tpu.vector_store %arg20[%swap3A_371, %swap3A_372], %mul3A_370 {strides = array<i32>} : memref<80x128xf32, #tpu.memory_space<vmem>>, vector<16xf32>,
            %get3A_374 = arith.index_cast %add3A_357 : i32 to index
            %get3A_375 = arith.constant 32 : index
            %get3A_376 = tpu.vector_load %arg20[%get3A_374, %get3A_375] {strides = array<i32>} : memref<80x128xf32, #tpu.memory_space<vmem>>, vector<16xf32>,
            %mul3A_377 = arith.mulf %get3A_376, %gather3A_359 : vector<16xf32>
            %swap3A_378 = arith.index_cast %add3A_357 : i32 to index
            %swap3A_379 = arith.constant 32 : index
            %swap3A_380 = tpu.vector_load %arg20[%swap3A_378, %swap3A_379] {strides = array<i32>} : memref<80x128xf32, #tpu.memory_space<vmem>>, vector<16xf32>,
            tpu.vector_store %arg20[%swap3A_378, %swap3A_379], %mul3A_377 {strides = array<i32>} : memref<80x128xf32, #tpu.memory_space<vmem>>, vector<16xf32>,
            %get3A_381 = arith.index_cast %add3A_357 : i32 to index
            %get3A_382 = arith.constant 48 : index
            %get3A_383 = tpu.vector_load %arg20[%get3A_381, %get3A_382] {strides = array<i32>} : memref<80x128xf32, #tpu.memory_space<vmem>>, vector<16xf32>,
            %mul3A_384 = arith.mulf %get3A_383, %gather3A_359 : vector<16xf32>
            %swap3A_385 = arith.index_cast %add3A_357 : i32 to index
            %swap3A_386 = arith.constant 48 : index
            %swap3A_387 = tpu.vector_load %arg20[%swap3A_385, %swap3A_386] {strides = array<i32>} : memref<80x128xf32, #tpu.memory_space<vmem>>, vector<16xf32>,
            tpu.vector_store %arg20[%swap3A_385, %swap3A_386], %mul3A_384 {strides = array<i32>} : memref<80x128xf32, #tpu.memory_space<vmem>>, vector<16xf32>,
            %get3A_388 = arith.index_cast %add3A_357 : i32 to index
            %get3A_389 = arith.constant 64 : index
            %get3A_390 = tpu.vector_load %arg20[%get3A_388, %get3A_389] {strides = array<i32>} : memref<80x128xf32, #tpu.memory_space<vmem>>, vector<16xf32>,
            %mul3A_391 = arith.mulf %get3A_390, %gather3A_359 : vector<16xf32>
            %swap3A_392 = arith.index_cast %add3A_357 : i32 to index
            %swap3A_393 = arith.constant 64 : index
            %swap3A_394 = tpu.vector_load %arg20[%swap3A_392, %swap3A_393] {strides = array<i32>} : memref<80x128xf32, #tpu.memory_space<vmem>>, vector<16xf32>,
            tpu.vector_store %arg20[%swap3A_392, %swap3A_393], %mul3A_391 {strides = array<i32>} : memref<80x128xf32, #tpu.memory_space<vmem>>, vector<16xf32>,
            %get3A_395 = arith.index_cast %add3A_357 : i32 to index
            %get3A_396 = arith.constant 80 : index
            %get3A_397 = tpu.vector_load %arg20[%get3A_395, %get3A_396] {strides = array<i32>} : memref<80x128xf32, #tpu.memory_space<vmem>>, vector<16xf32>,
            %mul3A_398 = arith.mulf %get3A_397, %gather3A_359 : vector<16xf32>
            %swap3A_399 = arith.index_cast %add3A_357 : i32 to index
            %swap3A_400 = arith.constant 80 : index
            %swap3A_401 = tpu.vector_load %arg20[%swap3A_399, %swap3A_400] {strides = array<i32>} : memref<80x128xf32, #tpu.memory_space<vmem>>, vector<16xf32>,
            tpu.vector_store %arg20[%swap3A_399, %swap3A_400], %mul3A_398 {strides = array<i32>} : memref<80x128xf32, #tpu.memory_space<vmem>>, vector<16xf32>,
            %get3A_402 = arith.index_cast %add3A_357 : i32 to index
            %get3A_403 = arith.constant 96 : index
            %get3A_404 = tpu.vector_load %arg20[%get3A_402, %get3A_403] {strides = array<i32>} : memref<80x128xf32, #tpu.memory_space<vmem>>, vector<16xf32>,
            %mul3A_405 = arith.mulf %get3A_404, %gather3A_359 : vector<16xf32>
            %swap3A_406 = arith.index_cast %add3A_357 : i32 to index
            %swap3A_407 = arith.constant 96 : index
            %swap3A_408 = tpu.vector_load %arg20[%swap3A_406, %swap3A_407] {strides = array<i32>} : memref<80x128xf32, #tpu.memory_space<vmem>>, vector<16xf32>,
            tpu.vector_store %arg20[%swap3A_406, %swap3A_407], %mul3A_405 {strides = array<i32>} : memref<80x128xf32, #tpu.memory_space<vmem>>, vector<16xf32>,
            %get3A_409 = arith.index_cast %add3A_357 : i32 to index
            %get3A_410 = arith.constant 112 : index
            %get3A_411 = tpu.vector_load %arg20[%get3A_409, %get3A_410] {strides = array<i32>} : memref<80x128xf32, #tpu.memory_space<vmem>>, vector<16xf32>,
            %mul3A_412 = arith.mulf %get3A_411, %gather3A_359 : vector<16xf32>
            %swap3A_413 = arith.index_cast %add3A_357 : i32 to index
            %swap3A_414 = arith.constant 112 : index
            %swap3A_415 = tpu.vector_load %arg20[%swap3A_413, %swap3A_414] {strides = array<i32>} : memref<80x128xf32, #tpu.memory_space<vmem>>, vector<16xf32>,
            tpu.vector_store %arg20[%swap3A_413, %swap3A_414], %mul3A_412 {strides = array<i32>} : memref<80x128xf32, #tpu.memory_space<vmem>>, vector<16xf32>,
            %mul3A_416 = arith.constant 8 : i32
            %mul3A_417 = arith.muli %scan3A_230, %mul3A_416 : i32
            %add3A_418 = arith.constant 3 : i32
            %add3A_419 = arith.addi %mul3A_417, %add3A_418 : i32
            %broadcast_in_dim3A_420 = vector.broadcast %add3A_419 : i32 to vector<16xi32>
            %gather3A_421 = tpu.vector_load_idx %arg18[%broadcast_in_dim3A_420] : memref<80xf32, #tpu.memory_space<vmem>>[vector<16xi32>], vector<16xf32>,
            %get3A_422 = arith.index_cast %add3A_419 : i32 to index
            %get3A_423 = arith.constant 0 : index
            %get3A_424 = tpu.vector_load %arg20[%get3A_422, %get3A_423] {strides = array<i32>} : memref<80x128xf32, #tpu.memory_space<vmem>>, vector<16xf32>,
            %mul3A_425 = arith.mulf %get3A_424, %gather3A_421 : vector<16xf32>
            %swap3A_426 = arith.index_cast %add3A_419 : i32 to index
            %swap3A_427 = arith.constant 0 : index
            %swap3A_428 = tpu.vector_load %arg20[%swap3A_426, %swap3A_427] {strides = array<i32>} : memref<80x128xf32, #tpu.memory_space<vmem>>, vector<16xf32>,
            tpu.vector_store %arg20[%swap3A_426, %swap3A_427], %mul3A_425 {strides = array<i32>} : memref<80x128xf32, #tpu.memory_space<vmem>>, vector<16xf32>,
            %get3A_429 = arith.index_cast %add3A_419 : i32 to index
            %get3A_430 = arith.constant 16 : index
            %get3A_431 = tpu.vector_load %arg20[%get3A_429, %get3A_430] {strides = array<i32>} : memref<80x128xf32, #tpu.memory_space<vmem>>, vector<16xf32>,
            %mul3A_432 = arith.mulf %get3A_431, %gather3A_421 : vector<16xf32>
            %swap3A_433 = arith.index_cast %add3A_419 : i32 to index
            %swap3A_434 = arith.constant 16 : index
            %swap3A_435 = tpu.vector_load %arg20[%swap3A_433, %swap3A_434] {strides = array<i32>} : memref<80x128xf32, #tpu.memory_space<vmem>>, vector<16xf32>,
            tpu.vector_store %arg20[%swap3A_433, %swap3A_434], %mul3A_432 {strides = array<i32>} : memref<80x128xf32, #tpu.memory_space<vmem>>, vector<16xf32>,
            %get3A_436 = arith.index_cast %add3A_419 : i32 to index
            %get3A_437 = arith.constant 32 : index
            %get3A_438 = tpu.vector_load %arg20[%get3A_436, %get3A_437] {strides = array<i32>} : memref<80x128xf32, #tpu.memory_space<vmem>>, vector<16xf32>,
            %mul3A_439 = arith.mulf %get3A_438, %gather3A_421 : vector<16xf32>
            %swap3A_440 = arith.index_cast %add3A_419 : i32 to index
            %swap3A_441 = arith.constant 32 : index
            %swap3A_442 = tpu.vector_load %arg20[%swap3A_440, %swap3A_441] {strides = array<i32>} : memref<80x128xf32, #tpu.memory_space<vmem>>, vector<16xf32>,
            tpu.vector_store %arg20[%swap3A_440, %swap3A_441], %mul3A_439 {strides = array<i32>} : memref<80x128xf32, #tpu.memory_space<vmem>>, vector<16xf32>,
            %get3A_443 = arith.index_cast %add3A_419 : i32 to index
            %get3A_444 = arith.constant 48 : index
            %get3A_445 = tpu.vector_load %arg20[%get3A_443, %get3A_444] {strides = array<i32>} : memref<80x128xf32, #tpu.memory_space<vmem>>, vector<16xf32>,
            %mul3A_446 = arith.mulf %get3A_445, %gather3A_421 : vector<16xf32>
            %swap3A_447 = arith.index_cast %add3A_419 : i32 to index
            %swap3A_448 = arith.constant 48 : index
            %swap3A_449 = tpu.vector_load %arg20[%swap3A_447, %swap3A_448] {strides = array<i32>} : memref<80x128xf32, #tpu.memory_space<vmem>>, vector<16xf32>,
            tpu.vector_store %arg20[%swap3A_447, %swap3A_448], %mul3A_446 {strides = array<i32>} : memref<80x128xf32, #tpu.memory_space<vmem>>, vector<16xf32>,
            %get3A_450 = arith.index_cast %add3A_419 : i32 to index
            %get3A_451 = arith.constant 64 : index
            %get3A_452 = tpu.vector_load %arg20[%get3A_450, %get3A_451] {strides = array<i32>} : memref<80x128xf32, #tpu.memory_space<vmem>>, vector<16xf32>,
            %mul3A_453 = arith.mulf %get3A_452, %gather3A_421 : vector<16xf32>
            %swap3A_454 = arith.index_cast %add3A_419 : i32 to index
            %swap3A_455 = arith.constant 64 : index
            %swap3A_456 = tpu.vector_load %arg20[%swap3A_454, %swap3A_455] {strides = array<i32>} : memref<80x128xf32, #tpu.memory_space<vmem>>, vector<16xf32>,
            tpu.vector_store %arg20[%swap3A_454, %swap3A_455], %mul3A_453 {strides = array<i32>} : memref<80x128xf32, #tpu.memory_space<vmem>>, vector<16xf32>,
            %get3A_457 = arith.index_cast %add3A_419 : i32 to index
            %get3A_458 = arith.constant 80 : index
            %get3A_459 = tpu.vector_load %arg20[%get3A_457, %get3A_458] {strides = array<i32>} : memref<80x128xf32, #tpu.memory_space<vmem>>, vector<16xf32>,
            %mul3A_460 = arith.mulf %get3A_459, %gather3A_421 : vector<16xf32>
            %swap3A_461 = arith.index_cast %add3A_419 : i32 to index
            %swap3A_462 = arith.constant 80 : index
            %swap3A_463 = tpu.vector_load %arg20[%swap3A_461, %swap3A_462] {strides = array<i32>} : memref<80x128xf32, #tpu.memory_space<vmem>>, vector<16xf32>,
            tpu.vector_store %arg20[%swap3A_461, %swap3A_462], %mul3A_460 {strides = array<i32>} : memref<80x128xf32, #tpu.memory_space<vmem>>, vector<16xf32>,
            %get3A_464 = arith.index_cast %add3A_419 : i32 to index
            %get3A_465 = arith.constant 96 : index
            %get3A_466 = tpu.vector_load %arg20[%get3A_464, %get3A_465] {strides = array<i32>} : memref<80x128xf32, #tpu.memory_space<vmem>>, vector<16xf32>,
            %mul3A_467 = arith.mulf %get3A_466, %gather3A_421 : vector<16xf32>
            %swap3A_468 = arith.index_cast %add3A_419 : i32 to index
            %swap3A_469 = arith.constant 96 : index
            %swap3A_470 = tpu.vector_load %arg20[%swap3A_468, %swap3A_469] {strides = array<i32>} : memref<80x128xf32, #tpu.memory_space<vmem>>, vector<16xf32>,
            tpu.vector_store %arg20[%swap3A_468, %swap3A_469], %mul3A_467 {strides = array<i32>} : memref<80x128xf32, #tpu.memory_space<vmem>>, vector<16xf32>,
            %get3A_471 = arith.index_cast %add3A_419 : i32 to index
            %get3A_472 = arith.constant 112 : index
            %get3A_473 = tpu.vector_load %arg20[%get3A_471, %get3A_472] {strides = array<i32>} : memref<80x128xf32, #tpu.memory_space<vmem>>, vector<16xf32>,
            %mul3A_474 = arith.mulf %get3A_473, %gather3A_421 : vector<16xf32>
            %swap3A_475 = arith.index_cast %add3A_419 : i32 to index
            %swap3A_476 = arith.constant 112 : index
            %swap3A_477 = tpu.vector_load %arg20[%swap3A_475, %swap3A_476] {strides = array<i32>} : memref<80x128xf32, #tpu.memory_space<vmem>>, vector<16xf32>,
            tpu.vector_store %arg20[%swap3A_475, %swap3A_476], %mul3A_474 {strides = array<i32>} : memref<80x128xf32, #tpu.memory_space<vmem>>, vector<16xf32>,
            %mul3A_478 = arith.constant 8 : i32
            %mul3A_479 = arith.muli %scan3A_230, %mul3A_478 : i32
            %add3A_480 = arith.constant 4 : i32
            %add3A_481 = arith.addi %mul3A_479, %add3A_480 : i32
            %broadcast_in_dim3A_482 = vector.broadcast %add3A_481 : i32 to vector<16xi32>
            %gather3A_483 = tpu.vector_load_idx %arg18[%broadcast_in_dim3A_482] : memref<80xf32, #tpu.memory_space<vmem>>[vector<16xi32>], vector<16xf32>,
            %get3A_484 = arith.index_cast %add3A_481 : i32 to index
            %get3A_485 = arith.constant 0 : index
            %get3A_486 = tpu.vector_load %arg20[%get3A_484, %get3A_485] {strides = array<i32>} : memref<80x128xf32, #tpu.memory_space<vmem>>, vector<16xf32>,
            %mul3A_487 = arith.mulf %get3A_486, %gather3A_483 : vector<16xf32>
            %swap3A_488 = arith.index_cast %add3A_481 : i32 to index
            %swap3A_489 = arith.constant 0 : index
            %swap3A_490 = tpu.vector_load %arg20[%swap3A_488, %swap3A_489] {strides = array<i32>} : memref<80x128xf32, #tpu.memory_space<vmem>>, vector<16xf32>,
            tpu.vector_store %arg20[%swap3A_488, %swap3A_489], %mul3A_487 {strides = array<i32>} : memref<80x128xf32, #tpu.memory_space<vmem>>, vector<16xf32>,
            %get3A_491 = arith.index_cast %add3A_481 : i32 to index
            %get3A_492 = arith.constant 16 : index
            %get3A_493 = tpu.vector_load %arg20[%get3A_491, %get3A_492] {strides = array<i32>} : memref<80x128xf32, #tpu.memory_space<vmem>>, vector<16xf32>,
            %mul3A_494 = arith.mulf %get3A_493, %gather3A_483 : vector<16xf32>
            %swap3A_495 = arith.index_cast %add3A_481 : i32 to index
            %swap3A_496 = arith.constant 16 : index
            %swap3A_497 = tpu.vector_load %arg20[%swap3A_495, %swap3A_496] {strides = array<i32>} : memref<80x128xf32, #tpu.memory_space<vmem>>, vector<16xf32>,
            tpu.vector_store %arg20[%swap3A_495, %swap3A_496], %mul3A_494 {strides = array<i32>} : memref<80x128xf32, #tpu.memory_space<vmem>>, vector<16xf32>,
            %get3A_498 = arith.index_cast %add3A_481 : i32 to index
            %get3A_499 = arith.constant 32 : index
            %get3A_500 = tpu.vector_load %arg20[%get3A_498, %get3A_499] {strides = array<i32>} : memref<80x128xf32, #tpu.memory_space<vmem>>, vector<16xf32>,
            %mul3A_501 = arith.mulf %get3A_500, %gather3A_483 : vector<16xf32>
            %swap3A_502 = arith.index_cast %add3A_481 : i32 to index
            %swap3A_503 = arith.constant 32 : index
            %swap3A_504 = tpu.vector_load %arg20[%swap3A_502, %swap3A_503] {strides = array<i32>} : memref<80x128xf32, #tpu.memory_space<vmem>>, vector<16xf32>,
            tpu.vector_store %arg20[%swap3A_502, %swap3A_503], %mul3A_501 {strides = array<i32>} : memref<80x128xf32, #tpu.memory_space<vmem>>, vector<16xf32>,
            %get3A_505 = arith.index_cast %add3A_481 : i32 to index
            %get3A_506 = arith.constant 48 : index
            %get3A_507 = tpu.vector_load %arg20[%get3A_505, %get3A_506] {strides = array<i32>} : memref<80x128xf32, #tpu.memory_space<vmem>>, vector<16xf32>,
            %mul3A_508 = arith.mulf %get3A_507, %gather3A_483 : vector<16xf32>
            %swap3A_509 = arith.index_cast %add3A_481 : i32 to index
            %swap3A_510 = arith.constant 48 : index
            %swap3A_511 = tpu.vector_load %arg20[%swap3A_509, %swap3A_510] {strides = array<i32>} : memref<80x128xf32, #tpu.memory_space<vmem>>, vector<16xf32>,
            tpu.vector_store %arg20[%swap3A_509, %swap3A_510], %mul3A_508 {strides = array<i32>} : memref<80x128xf32, #tpu.memory_space<vmem>>, vector<16xf32>,
            %get3A_512 = arith.index_cast %add3A_481 : i32 to index
            %get3A_513 = arith.constant 64 : index
            %get3A_514 = tpu.vector_load %arg20[%get3A_512, %get3A_513] {strides = array<i32>} : memref<80x128xf32, #tpu.memory_space<vmem>>, vector<16xf32>,
            %mul3A_515 = arith.mulf %get3A_514, %gather3A_483 : vector<16xf32>
            %swap3A_516 = arith.index_cast %add3A_481 : i32 to index
            %swap3A_517 = arith.constant 64 : index
            %swap3A_518 = tpu.vector_load %arg20[%swap3A_516, %swap3A_517] {strides = array<i32>} : memref<80x128xf32, #tpu.memory_space<vmem>>, vector<16xf32>,
            tpu.vector_store %arg20[%swap3A_516, %swap3A_517], %mul3A_515 {strides = array<i32>} : memref<80x128xf32, #tpu.memory_space<vmem>>, vector<16xf32>,
            %get3A_519 = arith.index_cast %add3A_481 : i32 to index
            %get3A_520 = arith.constant 80 : index
            %get3A_521 = tpu.vector_load %arg20[%get3A_519, %get3A_520] {strides = array<i32>} : memref<80x128xf32, #tpu.memory_space<vmem>>, vector<16xf32>,
            %mul3A_522 = arith.mulf %get3A_521, %gather3A_483 : vector<16xf32>
            %swap3A_523 = arith.index_cast %add3A_481 : i32 to index
            %swap3A_524 = arith.constant 80 : index
            %swap3A_525 = tpu.vector_load %arg20[%swap3A_523, %swap3A_524] {strides = array<i32>} : memref<80x128xf32, #tpu.memory_space<vmem>>, vector<16xf32>,
            tpu.vector_store %arg20[%swap3A_523, %swap3A_524], %mul3A_522 {strides = array<i32>} : memref<80x128xf32, #tpu.memory_space<vmem>>, vector<16xf32>,
            %get3A_526 = arith.index_cast %add3A_481 : i32 to index
            %get3A_527 = arith.constant 96 : index
            %get3A_528 = tpu.vector_load %arg20[%get3A_526, %get3A_527] {strides = array<i32>} : memref<80x128xf32, #tpu.memory_space<vmem>>, vector<16xf32>,
            %mul3A_529 = arith.mulf %get3A_528, %gather3A_483 : vector<16xf32>
            %swap3A_530 = arith.index_cast %add3A_481 : i32 to index
            %swap3A_531 = arith.constant 96 : index
            %swap3A_532 = tpu.vector_load %arg20[%swap3A_530, %swap3A_531] {strides = array<i32>} : memref<80x128xf32, #tpu.memory_space<vmem>>, vector<16xf32>,
            tpu.vector_store %arg20[%swap3A_530, %swap3A_531], %mul3A_529 {strides = array<i32>} : memref<80x128xf32, #tpu.memory_space<vmem>>, vector<16xf32>,
            %get3A_533 = arith.index_cast %add3A_481 : i32 to index
            %get3A_534 = arith.constant 112 : index
            %get3A_535 = tpu.vector_load %arg20[%get3A_533, %get3A_534] {strides = array<i32>} : memref<80x128xf32, #tpu.memory_space<vmem>>, vector<16xf32>,
            %mul3A_536 = arith.mulf %get3A_535, %gather3A_483 : vector<16xf32>
            %swap3A_537 = arith.index_cast %add3A_481 : i32 to index
            %swap3A_538 = arith.constant 112 : index
            %swap3A_539 = tpu.vector_load %arg20[%swap3A_537, %swap3A_538] {strides = array<i32>} : memref<80x128xf32, #tpu.memory_space<vmem>>, vector<16xf32>,
            tpu.vector_store %arg20[%swap3A_537, %swap3A_538], %mul3A_536 {strides = array<i32>} : memref<80x128xf32, #tpu.memory_space<vmem>>, vector<16xf32>,
            %mul3A_540 = arith.constant 8 : i32
            %mul3A_541 = arith.muli %scan3A_230, %mul3A_540 : i32
            %add3A_542 = arith.constant 5 : i32
            %add3A_543 = arith.addi %mul3A_541, %add3A_542 : i32
            %broadcast_in_dim3A_544 = vector.broadcast %add3A_543 : i32 to vector<16xi32>
            %gather3A_545 = tpu.vector_load_idx %arg18[%broadcast_in_dim3A_544] : memref<80xf32, #tpu.memory_space<vmem>>[vector<16xi32>], vector<16xf32>,
            %get3A_546 = arith.index_cast %add3A_543 : i32 to index
            %get3A_547 = arith.constant 0 : index
            %get3A_548 = tpu.vector_load %arg20[%get3A_546, %get3A_547] {strides = array<i32>} : memref<80x128xf32, #tpu.memory_space<vmem>>, vector<16xf32>,
            %mul3A_549 = arith.mulf %get3A_548, %gather3A_545 : vector<16xf32>
            %swap3A_550 = arith.index_cast %add3A_543 : i32 to index
            %swap3A_551 = arith.constant 0 : index
            %swap3A_552 = tpu.vector_load %arg20[%swap3A_550, %swap3A_551] {strides = array<i32>} : memref<80x128xf32, #tpu.memory_space<vmem>>, vector<16xf32>,
            tpu.vector_store %arg20[%swap3A_550, %swap3A_551], %mul3A_549 {strides = array<i32>} : memref<80x128xf32, #tpu.memory_space<vmem>>, vector<16xf32>,
            %get3A_553 = arith.index_cast %add3A_543 : i32 to index
            %get3A_554 = arith.constant 16 : index
            %get3A_555 = tpu.vector_load %arg20[%get3A_553, %get3A_554] {strides = array<i32>} : memref<80x128xf32, #tpu.memory_space<vmem>>, vector<16xf32>,
            %mul3A_556 = arith.mulf %get3A_555, %gather3A_545 : vector<16xf32>
            %swap3A_557 = arith.index_cast %add3A_543 : i32 to index
            %swap3A_558 = arith.constant 16 : index
            %swap3A_559 = tpu.vector_load %arg20[%swap3A_557, %swap3A_558] {strides = array<i32>} : memref<80x128xf32, #tpu.memory_space<vmem>>, vector<16xf32>,
            tpu.vector_store %arg20[%swap3A_557, %swap3A_558], %mul3A_556 {strides = array<i32>} : memref<80x128xf32, #tpu.memory_space<vmem>>, vector<16xf32>,
            %get3A_560 = arith.index_cast %add3A_543 : i32 to index
            %get3A_561 = arith.constant 32 : index
            %get3A_562 = tpu.vector_load %arg20[%get3A_560, %get3A_561] {strides = array<i32>} : memref<80x128xf32, #tpu.memory_space<vmem>>, vector<16xf32>,
            %mul3A_563 = arith.mulf %get3A_562, %gather3A_545 : vector<16xf32>
            %swap3A_564 = arith.index_cast %add3A_543 : i32 to index
            %swap3A_565 = arith.constant 32 : index
            %swap3A_566 = tpu.vector_load %arg20[%swap3A_564, %swap3A_565] {strides = array<i32>} : memref<80x128xf32, #tpu.memory_space<vmem>>, vector<16xf32>,
            tpu.vector_store %arg20[%swap3A_564, %swap3A_565], %mul3A_563 {strides = array<i32>} : memref<80x128xf32, #tpu.memory_space<vmem>>, vector<16xf32>,
            %get3A_567 = arith.index_cast %add3A_543 : i32 to index
            %get3A_568 = arith.constant 48 : index
            %get3A_569 = tpu.vector_load %arg20[%get3A_567, %get3A_568] {strides = array<i32>} : memref<80x128xf32, #tpu.memory_space<vmem>>, vector<16xf32>,
            %mul3A_570 = arith.mulf %get3A_569, %gather3A_545 : vector<16xf32>
            %swap3A_571 = arith.index_cast %add3A_543 : i32 to index
            %swap3A_572 = arith.constant 48 : index
            %swap3A_573 = tpu.vector_load %arg20[%swap3A_571, %swap3A_572] {strides = array<i32>} : memref<80x128xf32, #tpu.memory_space<vmem>>, vector<16xf32>,
            tpu.vector_store %arg20[%swap3A_571, %swap3A_572], %mul3A_570 {strides = array<i32>} : memref<80x128xf32, #tpu.memory_space<vmem>>, vector<16xf32>,
            %get3A_574 = arith.index_cast %add3A_543 : i32 to index
            %get3A_575 = arith.constant 64 : index
            %get3A_576 = tpu.vector_load %arg20[%get3A_574, %get3A_575] {strides = array<i32>} : memref<80x128xf32, #tpu.memory_space<vmem>>, vector<16xf32>,
            %mul3A_577 = arith.mulf %get3A_576, %gather3A_545 : vector<16xf32>
            %swap3A_578 = arith.index_cast %add3A_543 : i32 to index
            %swap3A_579 = arith.constant 64 : index
            %swap3A_580 = tpu.vector_load %arg20[%swap3A_578, %swap3A_579] {strides = array<i32>} : memref<80x128xf32, #tpu.memory_space<vmem>>, vector<16xf32>,
            tpu.vector_store %arg20[%swap3A_578, %swap3A_579], %mul3A_577 {strides = array<i32>} : memref<80x128xf32, #tpu.memory_space<vmem>>, vector<16xf32>,
            %get3A_581 = arith.index_cast %add3A_543 : i32 to index
            %get3A_582 = arith.constant 80 : index
            %get3A_583 = tpu.vector_load %arg20[%get3A_581, %get3A_582] {strides = array<i32>} : memref<80x128xf32, #tpu.memory_space<vmem>>, vector<16xf32>,
            %mul3A_584 = arith.mulf %get3A_583, %gather3A_545 : vector<16xf32>
            %swap3A_585 = arith.index_cast %add3A_543 : i32 to index
            %swap3A_586 = arith.constant 80 : index
            %swap3A_587 = tpu.vector_load %arg20[%swap3A_585, %swap3A_586] {strides = array<i32>} : memref<80x128xf32, #tpu.memory_space<vmem>>, vector<16xf32>,
            tpu.vector_store %arg20[%swap3A_585, %swap3A_586], %mul3A_584 {strides = array<i32>} : memref<80x128xf32, #tpu.memory_space<vmem>>, vector<16xf32>,
            %get3A_588 = arith.index_cast %add3A_543 : i32 to index
            %get3A_589 = arith.constant 96 : index
            %get3A_590 = tpu.vector_load %arg20[%get3A_588, %get3A_589] {strides = array<i32>} : memref<80x128xf32, #tpu.memory_space<vmem>>, vector<16xf32>,
            %mul3A_591 = arith.mulf %get3A_590, %gather3A_545 : vector<16xf32>
            %swap3A_592 = arith.index_cast %add3A_543 : i32 to index
            %swap3A_593 = arith.constant 96 : index
            %swap3A_594 = tpu.vector_load %arg20[%swap3A_592, %swap3A_593] {strides = array<i32>} : memref<80x128xf32, #tpu.memory_space<vmem>>, vector<16xf32>,
            tpu.vector_store %arg20[%swap3A_592, %swap3A_593], %mul3A_591 {strides = array<i32>} : memref<80x128xf32, #tpu.memory_space<vmem>>, vector<16xf32>,
            %get3A_595 = arith.index_cast %add3A_543 : i32 to index
            %get3A_596 = arith.constant 112 : index
            %get3A_597 = tpu.vector_load %arg20[%get3A_595, %get3A_596] {strides = array<i32>} : memref<80x128xf32, #tpu.memory_space<vmem>>, vector<16xf32>,
            %mul3A_598 = arith.mulf %get3A_597, %gather3A_545 : vector<16xf32>
            %swap3A_599 = arith.index_cast %add3A_543 : i32 to index
            %swap3A_600 = arith.constant 112 : index
            %swap3A_601 = tpu.vector_load %arg20[%swap3A_599, %swap3A_600] {strides = array<i32>} : memref<80x128xf32, #tpu.memory_space<vmem>>, vector<16xf32>,
            tpu.vector_store %arg20[%swap3A_599, %swap3A_600], %mul3A_598 {strides = array<i32>} : memref<80x128xf32, #tpu.memory_space<vmem>>, vector<16xf32>,
            %mul3A_602 = arith.constant 8 : i32
            %mul3A_603 = arith.muli %scan3A_230, %mul3A_602 : i32
            %add3A_604 = arith.constant 6 : i32
            %add3A_605 = arith.addi %mul3A_603, %add3A_604 : i32
            %broadcast_in_dim3A_606 = vector.broadcast %add3A_605 : i32 to vector<16xi32>
            %gather3A_607 = tpu.vector_load_idx %arg18[%broadcast_in_dim3A_606] : memref<80xf32, #tpu.memory_space<vmem>>[vector<16xi32>], vector<16xf32>,
            %get3A_608 = arith.index_cast %add3A_605 : i32 to index
            %get3A_609 = arith.constant 0 : index
            %get3A_610 = tpu.vector_load %arg20[%get3A_608, %get3A_609] {strides = array<i32>} : memref<80x128xf32, #tpu.memory_space<vmem>>, vector<16xf32>,
            %mul3A_611 = arith.mulf %get3A_610, %gather3A_607 : vector<16xf32>
            %swap3A_612 = arith.index_cast %add3A_605 : i32 to index
            %swap3A_613 = arith.constant 0 : index
            %swap3A_614 = tpu.vector_load %arg20[%swap3A_612, %swap3A_613] {strides = array<i32>} : memref<80x128xf32, #tpu.memory_space<vmem>>, vector<16xf32>,
            tpu.vector_store %arg20[%swap3A_612, %swap3A_613], %mul3A_611 {strides = array<i32>} : memref<80x128xf32, #tpu.memory_space<vmem>>, vector<16xf32>,
            %get3A_615 = arith.index_cast %add3A_605 : i32 to index
            %get3A_616 = arith.constant 16 : index
            %get3A_617 = tpu.vector_load %arg20[%get3A_615, %get3A_616] {strides = array<i32>} : memref<80x128xf32, #tpu.memory_space<vmem>>, vector<16xf32>,
            %mul3A_618 = arith.mulf %get3A_617, %gather3A_607 : vector<16xf32>
            %swap3A_619 = arith.index_cast %add3A_605 : i32 to index
            %swap3A_620 = arith.constant 16 : index
            %swap3A_621 = tpu.vector_load %arg20[%swap3A_619, %swap3A_620] {strides = array<i32>} : memref<80x128xf32, #tpu.memory_space<vmem>>, vector<16xf32>,
            tpu.vector_store %arg20[%swap3A_619, %swap3A_620], %mul3A_618 {strides = array<i32>} : memref<80x128xf32, #tpu.memory_space<vmem>>, vector<16xf32>,
            %get3A_622 = arith.index_cast %add3A_605 : i32 to index
            %get3A_623 = arith.constant 32 : index
            %get3A_624 = tpu.vector_load %arg20[%get3A_622, %get3A_623] {strides = array<i32>} : memref<80x128xf32, #tpu.memory_space<vmem>>, vector<16xf32>,
            %mul3A_625 = arith.mulf %get3A_624, %gather3A_607 : vector<16xf32>
            %swap3A_626 = arith.index_cast %add3A_605 : i32 to index
            %swap3A_627 = arith.constant 32 : index
            %swap3A_628 = tpu.vector_load %arg20[%swap3A_626, %swap3A_627] {strides = array<i32>} : memref<80x128xf32, #tpu.memory_space<vmem>>, vector<16xf32>,
            tpu.vector_store %arg20[%swap3A_626, %swap3A_627], %mul3A_625 {strides = array<i32>} : memref<80x128xf32, #tpu.memory_space<vmem>>, vector<16xf32>,
            %get3A_629 = arith.index_cast %add3A_605 : i32 to index
            %get3A_630 = arith.constant 48 : index
            %get3A_631 = tpu.vector_load %arg20[%get3A_629, %get3A_630] {strides = array<i32>} : memref<80x128xf32, #tpu.memory_space<vmem>>, vector<16xf32>,
            %mul3A_632 = arith.mulf %get3A_631, %gather3A_607 : vector<16xf32>
            %swap3A_633 = arith.index_cast %add3A_605 : i32 to index
            %swap3A_634 = arith.constant 48 : index
            %swap3A_635 = tpu.vector_load %arg20[%swap3A_633, %swap3A_634] {strides = array<i32>} : memref<80x128xf32, #tpu.memory_space<vmem>>, vector<16xf32>,
            tpu.vector_store %arg20[%swap3A_633, %swap3A_634], %mul3A_632 {strides = array<i32>} : memref<80x128xf32, #tpu.memory_space<vmem>>, vector<16xf32>,
            %get3A_636 = arith.index_cast %add3A_605 : i32 to index
            %get3A_637 = arith.constant 64 : index
            %get3A_638 = tpu.vector_load %arg20[%get3A_636, %get3A_637] {strides = array<i32>} : memref<80x128xf32, #tpu.memory_space<vmem>>, vector<16xf32>,
            %mul3A_639 = arith.mulf %get3A_638, %gather3A_607 : vector<16xf32>
            %swap3A_640 = arith.index_cast %add3A_605 : i32 to index
            %swap3A_641 = arith.constant 64 : index
            %swap3A_642 = tpu.vector_load %arg20[%swap3A_640, %swap3A_641] {strides = array<i32>} : memref<80x128xf32, #tpu.memory_space<vmem>>, vector<16xf32>,
            tpu.vector_store %arg20[%swap3A_640, %swap3A_641], %mul3A_639 {strides = array<i32>} : memref<80x128xf32, #tpu.memory_space<vmem>>, vector<16xf32>,
            %get3A_643 = arith.index_cast %add3A_605 : i32 to index
            %get3A_644 = arith.constant 80 : index
            %get3A_645 = tpu.vector_load %arg20[%get3A_643, %get3A_644] {strides = array<i32>} : memref<80x128xf32, #tpu.memory_space<vmem>>, vector<16xf32>,
            %mul3A_646 = arith.mulf %get3A_645, %gather3A_607 : vector<16xf32>
            %swap3A_647 = arith.index_cast %add3A_605 : i32 to index
            %swap3A_648 = arith.constant 80 : index
            %swap3A_649 = tpu.vector_load %arg20[%swap3A_647, %swap3A_648] {strides = array<i32>} : memref<80x128xf32, #tpu.memory_space<vmem>>, vector<16xf32>,
            tpu.vector_store %arg20[%swap3A_647, %swap3A_648], %mul3A_646 {strides = array<i32>} : memref<80x128xf32, #tpu.memory_space<vmem>>, vector<16xf32>,
            %get3A_650 = arith.index_cast %add3A_605 : i32 to index
            %get3A_651 = arith.constant 96 : index
            %get3A_652 = tpu.vector_load %arg20[%get3A_650, %get3A_651] {strides = array<i32>} : memref<80x128xf32, #tpu.memory_space<vmem>>, vector<16xf32>,
            %mul3A_653 = arith.mulf %get3A_652, %gather3A_607 : vector<16xf32>
            %swap3A_654 = arith.index_cast %add3A_605 : i32 to index
            %swap3A_655 = arith.constant 96 : index
            %swap3A_656 = tpu.vector_load %arg20[%swap3A_654, %swap3A_655] {strides = array<i32>} : memref<80x128xf32, #tpu.memory_space<vmem>>, vector<16xf32>,
            tpu.vector_store %arg20[%swap3A_654, %swap3A_655], %mul3A_653 {strides = array<i32>} : memref<80x128xf32, #tpu.memory_space<vmem>>, vector<16xf32>,
            %get3A_657 = arith.index_cast %add3A_605 : i32 to index
            %get3A_658 = arith.constant 112 : index
            %get3A_659 = tpu.vector_load %arg20[%get3A_657, %get3A_658] {strides = array<i32>} : memref<80x128xf32, #tpu.memory_space<vmem>>, vector<16xf32>,
            %mul3A_660 = arith.mulf %get3A_659, %gather3A_607 : vector<16xf32>
            %swap3A_661 = arith.index_cast %add3A_605 : i32 to index
            %swap3A_662 = arith.constant 112 : index
            %swap3A_663 = tpu.vector_load %arg20[%swap3A_661, %swap3A_662] {strides = array<i32>} : memref<80x128xf32, #tpu.memory_space<vmem>>, vector<16xf32>,
            tpu.vector_store %arg20[%swap3A_661, %swap3A_662], %mul3A_660 {strides = array<i32>} : memref<80x128xf32, #tpu.memory_space<vmem>>, vector<16xf32>,
            %mul3A_664 = arith.constant 8 : i32
            %mul3A_665 = arith.muli %scan3A_230, %mul3A_664 : i32
            %add3A_666 = arith.constant 7 : i32
            %add3A_667 = arith.addi %mul3A_665, %add3A_666 : i32
            %broadcast_in_dim3A_668 = vector.broadcast %add3A_667 : i32 to vector<16xi32>
            %gather3A_669 = tpu.vector_load_idx %arg18[%broadcast_in_dim3A_668] : memref<80xf32, #tpu.memory_space<vmem>>[vector<16xi32>], vector<16xf32>,
            %get3A_670 = arith.index_cast %add3A_667 : i32 to index
            %get3A_671 = arith.constant 0 : index
            %get3A_672 = tpu.vector_load %arg20[%get3A_670, %get3A_671] {strides = array<i32>} : memref<80x128xf32, #tpu.memory_space<vmem>>, vector<16xf32>,
            %mul3A_673 = arith.mulf %get3A_672, %gather3A_669 : vector<16xf32>
            %swap3A_674 = arith.index_cast %add3A_667 : i32 to index
            %swap3A_675 = arith.constant 0 : index
            %swap3A_676 = tpu.vector_load %arg20[%swap3A_674, %swap3A_675] {strides = array<i32>} : memref<80x128xf32, #tpu.memory_space<vmem>>, vector<16xf32>,
            tpu.vector_store %arg20[%swap3A_674, %swap3A_675], %mul3A_673 {strides = array<i32>} : memref<80x128xf32, #tpu.memory_space<vmem>>, vector<16xf32>,
            %get3A_677 = arith.index_cast %add3A_667 : i32 to index
            %get3A_678 = arith.constant 16 : index
            %get3A_679 = tpu.vector_load %arg20[%get3A_677, %get3A_678] {strides = array<i32>} : memref<80x128xf32, #tpu.memory_space<vmem>>, vector<16xf32>,
            %mul3A_680 = arith.mulf %get3A_679, %gather3A_669 : vector<16xf32>
            %swap3A_681 = arith.index_cast %add3A_667 : i32 to index
            %swap3A_682 = arith.constant 16 : index
            %swap3A_683 = tpu.vector_load %arg20[%swap3A_681, %swap3A_682] {strides = array<i32>} : memref<80x128xf32, #tpu.memory_space<vmem>>, vector<16xf32>,
            tpu.vector_store %arg20[%swap3A_681, %swap3A_682], %mul3A_680 {strides = array<i32>} : memref<80x128xf32, #tpu.memory_space<vmem>>, vector<16xf32>,
            %get3A_684 = arith.index_cast %add3A_667 : i32 to index
            %get3A_685 = arith.constant 32 : index
            %get3A_686 = tpu.vector_load %arg20[%get3A_684, %get3A_685] {strides = array<i32>} : memref<80x128xf32, #tpu.memory_space<vmem>>, vector<16xf32>,
            %mul3A_687 = arith.mulf %get3A_686, %gather3A_669 : vector<16xf32>
            %swap3A_688 = arith.index_cast %add3A_667 : i32 to index
            %swap3A_689 = arith.constant 32 : index
            %swap3A_690 = tpu.vector_load %arg20[%swap3A_688, %swap3A_689] {strides = array<i32>} : memref<80x128xf32, #tpu.memory_space<vmem>>, vector<16xf32>,
            tpu.vector_store %arg20[%swap3A_688, %swap3A_689], %mul3A_687 {strides = array<i32>} : memref<80x128xf32, #tpu.memory_space<vmem>>, vector<16xf32>,
            %get3A_691 = arith.index_cast %add3A_667 : i32 to index
            %get3A_692 = arith.constant 48 : index
            %get3A_693 = tpu.vector_load %arg20[%get3A_691, %get3A_692] {strides = array<i32>} : memref<80x128xf32, #tpu.memory_space<vmem>>, vector<16xf32>,
            %mul3A_694 = arith.mulf %get3A_693, %gather3A_669 : vector<16xf32>
            %swap3A_695 = arith.index_cast %add3A_667 : i32 to index
            %swap3A_696 = arith.constant 48 : index
            %swap3A_697 = tpu.vector_load %arg20[%swap3A_695, %swap3A_696] {strides = array<i32>} : memref<80x128xf32, #tpu.memory_space<vmem>>, vector<16xf32>,
            tpu.vector_store %arg20[%swap3A_695, %swap3A_696], %mul3A_694 {strides = array<i32>} : memref<80x128xf32, #tpu.memory_space<vmem>>, vector<16xf32>,
            %get3A_698 = arith.index_cast %add3A_667 : i32 to index
            %get3A_699 = arith.constant 64 : index
            %get3A_700 = tpu.vector_load %arg20[%get3A_698, %get3A_699] {strides = array<i32>} : memref<80x128xf32, #tpu.memory_space<vmem>>, vector<16xf32>,
            %mul3A_701 = arith.mulf %get3A_700, %gather3A_669 : vector<16xf32>
            %swap3A_702 = arith.index_cast %add3A_667 : i32 to index
            %swap3A_703 = arith.constant 64 : index
            %swap3A_704 = tpu.vector_load %arg20[%swap3A_702, %swap3A_703] {strides = array<i32>} : memref<80x128xf32, #tpu.memory_space<vmem>>, vector<16xf32>,
            tpu.vector_store %arg20[%swap3A_702, %swap3A_703], %mul3A_701 {strides = array<i32>} : memref<80x128xf32, #tpu.memory_space<vmem>>, vector<16xf32>,
            %get3A_705 = arith.index_cast %add3A_667 : i32 to index
            %get3A_706 = arith.constant 80 : index
            %get3A_707 = tpu.vector_load %arg20[%get3A_705, %get3A_706] {strides = array<i32>} : memref<80x128xf32, #tpu.memory_space<vmem>>, vector<16xf32>,
            %mul3A_708 = arith.mulf %get3A_707, %gather3A_669 : vector<16xf32>
            %swap3A_709 = arith.index_cast %add3A_667 : i32 to index
            %swap3A_710 = arith.constant 80 : index
            %swap3A_711 = tpu.vector_load %arg20[%swap3A_709, %swap3A_710] {strides = array<i32>} : memref<80x128xf32, #tpu.memory_space<vmem>>, vector<16xf32>,
            tpu.vector_store %arg20[%swap3A_709, %swap3A_710], %mul3A_708 {strides = array<i32>} : memref<80x128xf32, #tpu.memory_space<vmem>>, vector<16xf32>,
            %get3A_712 = arith.index_cast %add3A_667 : i32 to index
            %get3A_713 = arith.constant 96 : index
            %get3A_714 = tpu.vector_load %arg20[%get3A_712, %get3A_713] {strides = array<i32>} : memref<80x128xf32, #tpu.memory_space<vmem>>, vector<16xf32>,
            %mul3A_715 = arith.mulf %get3A_714, %gather3A_669 : vector<16xf32>
            %swap3A_716 = arith.index_cast %add3A_667 : i32 to index
            %swap3A_717 = arith.constant 96 : index
            %swap3A_718 = tpu.vector_load %arg20[%swap3A_716, %swap3A_717] {strides = array<i32>} : memref<80x128xf32, #tpu.memory_space<vmem>>, vector<16xf32>,
            tpu.vector_store %arg20[%swap3A_716, %swap3A_717], %mul3A_715 {strides = array<i32>} : memref<80x128xf32, #tpu.memory_space<vmem>>, vector<16xf32>,
            %get3A_719 = arith.index_cast %add3A_667 : i32 to index
            %get3A_720 = arith.constant 112 : index
            %get3A_721 = tpu.vector_load %arg20[%get3A_719, %get3A_720] {strides = array<i32>} : memref<80x128xf32, #tpu.memory_space<vmem>>, vector<16xf32>,
            %mul3A_722 = arith.mulf %get3A_721, %gather3A_669 : vector<16xf32>
            %swap3A_723 = arith.index_cast %add3A_667 : i32 to index
            %swap3A_724 = arith.constant 112 : index
            %swap3A_725 = tpu.vector_load %arg20[%swap3A_723, %swap3A_724] {strides = array<i32>} : memref<80x128xf32, #tpu.memory_space<vmem>>, vector<16xf32>,
            tpu.vector_store %arg20[%swap3A_723, %swap3A_724], %mul3A_722 {strides = array<i32>} : memref<80x128xf32, #tpu.memory_space<vmem>>, vector<16xf32>,
          }
          %scan3A_223 = arith.constant 10 : i32
          %dma_start3A_224 = arith.constant 0 : i32
          %dma_start3A_225 = tpu.memref_slice %arg12[%add3A_99, %dma_start3A_224] : memref<125x80xi32, #tpu.memory_space<vmem>> -> memref<1x80xi32, #tpu.memory_space<vmem>>
          %dma_start3A_226 = tpu.memref_squeeze %dma_start3A_225 : memref<1x80xi32, #tpu.memory_space<vmem>> -> memref<80xi32, #tpu.memory_space<vmem>>
          %dma_start3A_227 = arith.constant 0 : i32
          %dma_start3A_228 = arith.constant 0 : i32
          %dma_start3A_229 = tpu.memref_slice %arg25[%dma_start3A_227, %dma_start3A_228] : memref<10000x128xf32, #tpu.memory_space<vmem_shared>> -> memref<10000x128xf32, #tpu.memory_space<vmem_shared>>
          tpu.enqueue_indirect_dma source(%arg20 : memref<80x128xf32, #tpu.memory_space<vmem>>) target(%dma_start3A_229 : memref<10000x128xf32, #tpu.memory_space<vmem_shared>>) offsets(%dma_start3A_226 : memref<80xi32, #tpu.memory_space<vmem>>) semaphore(%arg29 : memref<!tpu.dma_semaphore, #tpu.memory_space<semaphore_mem>>) {add = true}
        } else {
        }
      }
      %scan3A_69 = arith.constant 63 : i32
      %dma_wait3A = arith.constant 124 : i32
      %dma_wait3A_70 = arith.constant 0 : i32
      %dma_wait3A_71 = tpu.memref_slice %arg12[%dma_wait3A, %dma_wait3A_70] : memref<125x80xi32, #tpu.memory_space<vmem>> -> memref<1x80xi32, #tpu.memory_space<vmem>>
      %dma_wait3A_72 = tpu.memref_squeeze %dma_wait3A_71 : memref<1x80xi32, #tpu.memory_space<vmem>> -> memref<80xi32, #tpu.memory_space<vmem>>
      %dma_wait3A_73 = arith.constant 0 : i32
      %dma_wait3A_74 = arith.constant 0 : i32
      %dma_wait3A_75 = tpu.memref_slice %arg25[%dma_wait3A_73, %dma_wait3A_74] : memref<10000x128xf32, #tpu.memory_space<vmem_shared>> -> memref<10000x128xf32, #tpu.memory_space<vmem_shared>>
      tpu.wait_indirect_dma semaphore(%arg28 : memref<!tpu.dma_semaphore, #tpu.memory_space<semaphore_mem>>) src(%arg19 : memref<80x128xf32, #tpu.memory_space<vmem>>) dst(%dma_wait3A_75 : memref<10000x128xf32, #tpu.memory_space<vmem_shared>>)
      %dma_wait3A_76 = arith.constant 123 : i32
      %dma_wait3A_77 = arith.constant 0 : i32
      %dma_wait3A_78 = tpu.memref_slice %arg12[%dma_wait3A_76, %dma_wait3A_77] : memref<125x80xi32, #tpu.memory_space<vmem>> -> memref<1x80xi32, #tpu.memory_space<vmem>>
      %dma_wait3A_79 = tpu.memref_squeeze %dma_wait3A_78 : memref<1x80xi32, #tpu.memory_space<vmem>> -> memref<80xi32, #tpu.memory_space<vmem>>
      %dma_wait3A_80 = arith.constant 0 : i32
      %dma_wait3A_81 = tpu.memref_slice %arg24[%dma_wait3A_80] : memref<10240xf32, #tpu.memory_space<vmem_shared>> -> memref<10240xf32, #tpu.memory_space<vmem_shared>>
      tpu.wait_indirect_dma semaphore(%arg33 : memref<!tpu.dma_semaphore, #tpu.memory_space<semaphore_mem>>) src(%arg18 : memref<80xf32, #tpu.memory_space<vmem>>) dst(%dma_wait3A_81 : memref<10240xf32, #tpu.memory_space<vmem_shared>>)
      %dma_wait3A_82 = arith.constant 124 : i32
      %dma_wait3A_83 = arith.constant 0 : i32
      %dma_wait3A_84 = tpu.memref_slice %arg12[%dma_wait3A_82, %dma_wait3A_83] : memref<125x80xi32, #tpu.memory_space<vmem>> -> memref<1x80xi32, #tpu.memory_space<vmem>>
      %dma_wait3A_85 = tpu.memref_squeeze %dma_wait3A_84 : memref<1x80xi32, #tpu.memory_space<vmem>> -> memref<80xi32, #tpu.memory_space<vmem>>
      %dma_wait3A_86 = arith.constant 0 : i32
      %dma_wait3A_87 = tpu.memref_slice %arg24[%dma_wait3A_86] : memref<10240xf32, #tpu.memory_space<vmem_shared>> -> memref<10240xf32, #tpu.memory_space<vmem_shared>>
      tpu.wait_indirect_dma semaphore(%arg32 : memref<!tpu.dma_semaphore, #tpu.memory_space<semaphore_mem>>) src(%arg17 : memref<80xf32, #tpu.memory_space<vmem>>) dst(%dma_wait3A_87 : memref<10240xf32, #tpu.memory_space<vmem_shared>>)
    } else {
    }
    %barrier3A_34 = arith.constant 0 : index
    tpu.barrier barrier_id(%barrier3A_34)
    %eq3A_35 = arith.constant 0 : i32
    %eq3A_36 = arith.cmpi eq, %arg0, %eq3A_35 : i32
    %convert_element_type3A_37 = arith.extui %eq3A_36 : i1 to i32
    %cond3A_38 = arith.constant 0 : i32
    %cond3A_39 = arith.cmpi ne, %convert_element_type3A_37, %cond3A_38 : i32
    scf.if %cond3A_39 {
      "tpu.region"() ({
        %run_scoped3A = tpu.sem_alloc : memref<!tpu.dma_semaphore, #tpu.memory_space<semaphore_mem>>
        %dma_start3A = tpu.memref_slice %arg10[%mul3A_2] : memref<10240xf32, #tpu.memory_space<hbm>> -> memref<640xf32, #tpu.memory_space<hbm>>
        %dma_start3A_50 = tpu.memref_slice %arg24[%mul3A_2] : memref<10240xf32, #tpu.memory_space<vmem_shared>> -> memref<640xf32, #tpu.memory_space<vmem_shared>>
        tpu.enqueue_dma source(%dma_start3A_50 : memref<640xf32, #tpu.memory_space<vmem_shared>>) target(%dma_start3A : memref<640xf32, #tpu.memory_space<hbm>>) target_semaphore(%run_scoped3A : memref<!tpu.dma_semaphore, #tpu.memory_space<semaphore_mem>>)
        %dma_wait3A = tpu.memref_slice %arg10[%mul3A_2] : memref<10240xf32, #tpu.memory_space<hbm>> -> memref<640xf32, #tpu.memory_space<hbm>>
        %dma_wait3A_51 = tpu.memref_slice %arg24[%mul3A_2] : memref<10240xf32, #tpu.memory_space<vmem_shared>> -> memref<640xf32, #tpu.memory_space<vmem_shared>>
        tpu.wait_dma2 semaphore(%run_scoped3A : memref<!tpu.dma_semaphore, #tpu.memory_space<semaphore_mem>>) src(%dma_wait3A_51 : memref<640xf32, #tpu.memory_space<vmem_shared>>) dst(%dma_wait3A : memref<640xf32, #tpu.memory_space<hbm>>)
        tpu.yield
      }) : () -> ()
    } else {
    }
    %eq3A_40 = arith.constant 0 : i32
    %eq3A_41 = arith.cmpi eq, %arg0, %eq3A_40 : i32
    %convert_element_type3A_42 = arith.extui %eq3A_41 : i1 to i32
    %cond3A_43 = arith.constant 0 : i32
    %cond3A_44 = arith.cmpi ne, %convert_element_type3A_42, %cond3A_43 : i32
    scf.if %cond3A_44 {
      %lt3A = arith.constant 15 : i32
      %lt3A_50 = arith.cmpi slt, %arg1, %lt3A : i32
      %convert_element_type3A_51 = arith.extui %lt3A_50 : i1 to i32
      %cond3A_52 = arith.constant 0 : i32
      %cond3A_53 = arith.cmpi ne, %convert_element_type3A_51, %cond3A_52 : i32
      scf.if %cond3A_53 {
        "tpu.region"() ({
          %run_scoped3A = tpu.sem_alloc : memref<!tpu.dma_semaphore, #tpu.memory_space<semaphore_mem>>
          %dma_start3A = arith.constant 0 : i32
          %dma_start3A_59 = tpu.memref_slice %arg8[%mul3A_2, %dma_start3A] : memref<10000x128xf32, #tpu.memory_space<hbm>> -> memref<640x128xf32, #tpu.memory_space<hbm>>
          %dma_start3A_60 = arith.constant 0 : i32
          %dma_start3A_61 = tpu.memref_slice %arg25[%mul3A_2, %dma_start3A_60] : memref<10000x128xf32, #tpu.memory_space<vmem_shared>> -> memref<640x128xf32, #tpu.memory_space<vmem_shared>>
          tpu.enqueue_dma source(%dma_start3A_61 : memref<640x128xf32, #tpu.memory_space<vmem_shared>>) target(%dma_start3A_59 : memref<640x128xf32, #tpu.memory_space<hbm>>) target_semaphore(%run_scoped3A : memref<!tpu.dma_semaphore, #tpu.memory_space<semaphore_mem>>)
          %dma_wait3A = arith.constant 0 : i32
          %dma_wait3A_62 = tpu.memref_slice %arg8[%mul3A_2, %dma_wait3A] : memref<10000x128xf32, #tpu.memory_space<hbm>> -> memref<640x128xf32, #tpu.memory_space<hbm>>
          %dma_wait3A_63 = arith.constant 0 : i32
          %dma_wait3A_64 = tpu.memref_slice %arg25[%mul3A_2, %dma_wait3A_63] : memref<10000x128xf32, #tpu.memory_space<vmem_shared>> -> memref<640x128xf32, #tpu.memory_space<vmem_shared>>
          tpu.wait_dma2 semaphore(%run_scoped3A : memref<!tpu.dma_semaphore, #tpu.memory_space<semaphore_mem>>) src(%dma_wait3A_64 : memref<640x128xf32, #tpu.memory_space<vmem_shared>>) dst(%dma_wait3A_62 : memref<640x128xf32, #tpu.memory_space<hbm>>)
          tpu.yield
        }) : () -> ()
      } else {
      }
      %eq3A_54 = arith.constant 15 : i32
      %eq3A_55 = arith.cmpi eq, %arg1, %eq3A_54 : i32
      %convert_element_type3A_56 = arith.extui %eq3A_55 : i1 to i32
      %cond3A_57 = arith.constant 0 : i32
      %cond3A_58 = arith.cmpi ne, %convert_element_type3A_56, %cond3A_57 : i32
      scf.if %cond3A_58 {
        "tpu.region"() ({
          %run_scoped3A = tpu.sem_alloc : memref<!tpu.dma_semaphore, #tpu.memory_space<semaphore_mem>>
          %dma_start3A = arith.constant 9600 : i32
          %dma_start3A_59 = arith.constant 0 : i32
          %dma_start3A_60 = tpu.memref_slice %arg8[%dma_start3A, %dma_start3A_59] : memref<10000x128xf32, #tpu.memory_space<hbm>> -> memref<400x128xf32, #tpu.memory_space<hbm>>
          %dma_start3A_61 = arith.constant 9600 : i32
          %dma_start3A_62 = arith.constant 0 : i32
          %dma_start3A_63 = tpu.memref_slice %arg25[%dma_start3A_61, %dma_start3A_62] : memref<10000x128xf32, #tpu.memory_space<vmem_shared>> -> memref<400x128xf32, #tpu.memory_space<vmem_shared>>
          tpu.enqueue_dma source(%dma_start3A_63 : memref<400x128xf32, #tpu.memory_space<vmem_shared>>) target(%dma_start3A_60 : memref<400x128xf32, #tpu.memory_space<hbm>>) target_semaphore(%run_scoped3A : memref<!tpu.dma_semaphore, #tpu.memory_space<semaphore_mem>>)
          %dma_wait3A = arith.constant 9600 : i32
          %dma_wait3A_64 = arith.constant 0 : i32
          %dma_wait3A_65 = tpu.memref_slice %arg8[%dma_wait3A, %dma_wait3A_64] : memref<10000x128xf32, #tpu.memory_space<hbm>> -> memref<400x128xf32, #tpu.memory_space<hbm>>
          %dma_wait3A_66 = arith.constant 9600 : i32
          %dma_wait3A_67 = arith.constant 0 : i32
          %dma_wait3A_68 = tpu.memref_slice %arg25[%dma_wait3A_66, %dma_wait3A_67] : memref<10000x128xf32, #tpu.memory_space<vmem_shared>> -> memref<400x128xf32, #tpu.memory_space<vmem_shared>>
          tpu.wait_dma2 semaphore(%run_scoped3A : memref<!tpu.dma_semaphore, #tpu.memory_space<semaphore_mem>>) src(%dma_wait3A_68 : memref<400x128xf32, #tpu.memory_space<vmem_shared>>) dst(%dma_wait3A_65 : memref<400x128xf32, #tpu.memory_space<hbm>>)
          tpu.yield
        }) : () -> ()
      } else {
      }
    } else {
    }
    %eq3A_45 = arith.constant 1 : i32
    %eq3A_46 = arith.cmpi eq, %arg0, %eq3A_45 : i32
    %convert_element_type3A_47 = arith.extui %eq3A_46 : i1 to i32
    %cond3A_48 = arith.constant 0 : i32
    %cond3A_49 = arith.cmpi ne, %convert_element_type3A_47, %cond3A_48 : i32
    scf.if %cond3A_49 {
      %lt3A = arith.constant 15 : i32
      %lt3A_50 = arith.cmpi slt, %arg1, %lt3A : i32
      %convert_element_type3A_51 = arith.extui %lt3A_50 : i1 to i32
      %cond3A_52 = arith.constant 0 : i32
      %cond3A_53 = arith.cmpi ne, %convert_element_type3A_51, %cond3A_52 : i32
      scf.if %cond3A_53 {
        "tpu.region"() ({
          %run_scoped3A = tpu.sem_alloc : memref<!tpu.dma_semaphore, #tpu.memory_space<semaphore_mem>>
          %dma_start3A = arith.constant 0 : i32
          %dma_start3A_59 = tpu.memref_slice %arg9[%mul3A_2, %dma_start3A] : memref<10000x128xf32, #tpu.memory_space<hbm>> -> memref<640x128xf32, #tpu.memory_space<hbm>>
          %dma_start3A_60 = arith.constant 0 : i32
          %dma_start3A_61 = tpu.memref_slice %arg25[%mul3A_2, %dma_start3A_60] : memref<10000x128xf32, #tpu.memory_space<vmem_shared>> -> memref<640x128xf32, #tpu.memory_space<vmem_shared>>
          tpu.enqueue_dma source(%dma_start3A_61 : memref<640x128xf32, #tpu.memory_space<vmem_shared>>) target(%dma_start3A_59 : memref<640x128xf32, #tpu.memory_space<hbm>>) target_semaphore(%run_scoped3A : memref<!tpu.dma_semaphore, #tpu.memory_space<semaphore_mem>>)
          %dma_wait3A = arith.constant 0 : i32
          %dma_wait3A_62 = tpu.memref_slice %arg9[%mul3A_2, %dma_wait3A] : memref<10000x128xf32, #tpu.memory_space<hbm>> -> memref<640x128xf32, #tpu.memory_space<hbm>>
          %dma_wait3A_63 = arith.constant 0 : i32
          %dma_wait3A_64 = tpu.memref_slice %arg25[%mul3A_2, %dma_wait3A_63] : memref<10000x128xf32, #tpu.memory_space<vmem_shared>> -> memref<640x128xf32, #tpu.memory_space<vmem_shared>>
          tpu.wait_dma2 semaphore(%run_scoped3A : memref<!tpu.dma_semaphore, #tpu.memory_space<semaphore_mem>>) src(%dma_wait3A_64 : memref<640x128xf32, #tpu.memory_space<vmem_shared>>) dst(%dma_wait3A_62 : memref<640x128xf32, #tpu.memory_space<hbm>>)
          tpu.yield
        }) : () -> ()
      } else {
      }
      %eq3A_54 = arith.constant 15 : i32
      %eq3A_55 = arith.cmpi eq, %arg1, %eq3A_54 : i32
      %convert_element_type3A_56 = arith.extui %eq3A_55 : i1 to i32
      %cond3A_57 = arith.constant 0 : i32
      %cond3A_58 = arith.cmpi ne, %convert_element_type3A_56, %cond3A_57 : i32
      scf.if %cond3A_58 {
        "tpu.region"() ({
          %run_scoped3A = tpu.sem_alloc : memref<!tpu.dma_semaphore, #tpu.memory_space<semaphore_mem>>
          %dma_start3A = arith.constant 9600 : i32
          %dma_start3A_59 = arith.constant 0 : i32
          %dma_start3A_60 = tpu.memref_slice %arg9[%dma_start3A, %dma_start3A_59] : memref<10000x128xf32, #tpu.memory_space<hbm>> -> memref<400x128xf32, #tpu.memory_space<hbm>>
          %dma_start3A_61 = arith.constant 9600 : i32
          %dma_start3A_62 = arith.constant 0 : i32
          %dma_start3A_63 = tpu.memref_slice %arg25[%dma_start3A_61, %dma_start3A_62] : memref<10000x128xf32, #tpu.memory_space<vmem_shared>> -> memref<400x128xf32, #tpu.memory_space<vmem_shared>>
          tpu.enqueue_dma source(%dma_start3A_63 : memref<400x128xf32, #tpu.memory_space<vmem_shared>>) target(%dma_start3A_60 : memref<400x128xf32, #tpu.memory_space<hbm>>) target_semaphore(%run_scoped3A : memref<!tpu.dma_semaphore, #tpu.memory_space<semaphore_mem>>)
          %dma_wait3A = arith.constant 9600 : i32
          %dma_wait3A_64 = arith.constant 0 : i32
          %dma_wait3A_65 = tpu.memref_slice %arg9[%dma_wait3A, %dma_wait3A_64] : memref<10000x128xf32, #tpu.memory_space<hbm>> -> memref<400x128xf32, #tpu.memory_space<hbm>>
          %dma_wait3A_66 = arith.constant 9600 : i32
          %dma_wait3A_67 = arith.constant 0 : i32
          %dma_wait3A_68 = tpu.memref_slice %arg25[%dma_wait3A_66, %dma_wait3A_67] : memref<10000x128xf32, #tpu.memory_space<vmem_shared>> -> memref<400x128xf32, #tpu.memory_space<vmem_shared>>
          tpu.wait_dma2 semaphore(%run_scoped3A : memref<!tpu.dma_semaphore, #tpu.memory_space<semaphore_mem>>) src(%dma_wait3A_68 : memref<400x128xf32, #tpu.memory_space<vmem_shared>>) dst(%dma_wait3A_65 : memref<400x128xf32, #tpu.memory_space<hbm>>)
          tpu.yield
        }) : () -> ()
      } else {
      }
    } else {
    }
    return
  }
}

module attributes {stable_mosaic.version = 14 : i64} {
  func.func @_tc1_body(%arg0: i32, %arg1: memref<1000x256xf32, #tpu.memory_space<vmem>>, %arg2: memref<256x384xf32, #tpu.memory_space<vmem>>, %arg3: memref<1000x128xf32, #tpu.memory_space<vmem>>, %arg4: memref<1000x128xf32, #tpu.memory_space<vmem>>, %arg5: memref<1000x128xf32, #tpu.memory_space<vmem>>) attributes {dimension_semantics = [#tpu.dimension_semantics<arbitrary>], iteration_bounds = array<i64: 10>, scalar_prefetch = 0 : i64, scratch_operands = 0 : i64, tpu.core_type = #tpu.core_type<tc>, window_params = [{transform_indices = @transform_0, window_bounds = array<i64: 1000, 256>}, {pipeline_mode = #tpu.pipeline_mode<synchronous>, transform_indices = @transform_1, window_bounds = array<i64: 256, 384>}, {transform_indices = @transform_2, window_bounds = array<i64: 1000, 128>}, {transform_indices = @transform_3, window_bounds = array<i64: 1000, 128>}, {transform_indices = @transform_4, window_bounds = array<i64: 1000, 128>}]} {
    %get3A = arith.constant 0 : index
    %get3A_0 = arith.constant 0 : index
    %get3A_1 = vector.load %arg1[%get3A, %get3A_0] : memref<1000x256xf32, #tpu.memory_space<vmem>>, vector<1000x256xf32>
    %get3A_2 = arith.constant 0 : index
    %get3A_3 = arith.constant 0 : index
    %get3A_4 = vector.load %arg2[%get3A_2, %get3A_3] : memref<256x384xf32, #tpu.memory_space<vmem>>, vector<256x384xf32>
    %dot_general3A = arith.constant dense<0.000000e+00> : vector<1000x384xf32>
    %dot_general3A_5 = tpu.matmul %get3A_1, %get3A_4, %dot_general3A {dimension_numbers = #tpu.dot_dimension_numbers<[1], [0], [0], [1], [0, 0, 1, 1], [], []>, transpose_lhs_hint = false} : vector<1000x256xf32>, vector<256x384xf32>, vector<1000x384xf32> -> vector<1000x384xf32>
    %slice3A = vector.extract_strided_slice %dot_general3A_5 {offsets = [0, 0], sizes = [1000, 128], strides = [1, 1]} : vector<1000x384xf32> to vector<1000x128xf32>
    %swap3A = arith.constant 0 : index
    %swap3A_6 = arith.constant 0 : index
    %swap3A_7 = vector.load %arg3[%swap3A, %swap3A_6] : memref<1000x128xf32, #tpu.memory_space<vmem>>, vector<1000x128xf32>
    tpu.vector_store %arg3[%swap3A, %swap3A_6], %slice3A {strides = array<i32>} : memref<1000x128xf32, #tpu.memory_space<vmem>>, vector<1000x128xf32>,
    %slice3A_8 = vector.extract_strided_slice %dot_general3A_5 {offsets = [0, 128], sizes = [1000, 128], strides = [1, 1]} : vector<1000x384xf32> to vector<1000x128xf32>
    %swap3A_9 = arith.constant 0 : index
    %swap3A_10 = arith.constant 0 : index
    %swap3A_11 = vector.load %arg4[%swap3A_9, %swap3A_10] : memref<1000x128xf32, #tpu.memory_space<vmem>>, vector<1000x128xf32>
    tpu.vector_store %arg4[%swap3A_9, %swap3A_10], %slice3A_8 {strides = array<i32>} : memref<1000x128xf32, #tpu.memory_space<vmem>>, vector<1000x128xf32>,
    %slice3A_12 = vector.extract_strided_slice %dot_general3A_5 {offsets = [0, 256], sizes = [1000, 128], strides = [1, 1]} : vector<1000x384xf32> to vector<1000x128xf32>
    %swap3A_13 = arith.constant 0 : index
    %swap3A_14 = arith.constant 0 : index
    %swap3A_15 = vector.load %arg5[%swap3A_13, %swap3A_14] : memref<1000x128xf32, #tpu.memory_space<vmem>>, vector<1000x128xf32>
    tpu.vector_store %arg5[%swap3A_13, %swap3A_14], %slice3A_12 {strides = array<i32>} : memref<1000x128xf32, #tpu.memory_space<vmem>>, vector<1000x128xf32>,
    return
  }
  func.func @transform_0(%arg0: i32) -> (i32, i32) {
    %c0_i32 = arith.constant 0 : i32
    %c0_i32_0 = arith.constant 0 : i32
    return %arg0, %c0_i32 : i32, i32
  }
  func.func @transform_1(%arg0: i32) -> (i32, i32) {
    %c0_i32 = arith.constant 0 : i32
    %c0_i32_0 = arith.constant 0 : i32
    %c0_i32_1 = arith.constant 0 : i32
    return %c0_i32, %c0_i32_0 : i32, i32
  }
  func.func @transform_2(%arg0: i32) -> (i32, i32) {
    %c0_i32 = arith.constant 0 : i32
    %c0_i32_0 = arith.constant 0 : i32
    return %arg0, %c0_i32 : i32, i32
  }
  func.func @transform_3(%arg0: i32) -> (i32, i32) {
    %c0_i32 = arith.constant 0 : i32
    %c0_i32_0 = arith.constant 0 : i32
    return %arg0, %c0_i32 : i32, i32
  }
  func.func @transform_4(%arg0: i32) -> (i32, i32) {
    %c0_i32 = arith.constant 0 : i32
    %c0_i32_0 = arith.constant 0 : i32
    return %arg0, %c0_i32 : i32, i32
  }
}

module attributes {stable_mosaic.version = 14 : i64} {
  func.func @_tc2_body(%arg0: i32, %arg1: memref<1000x128xf32, #tpu.memory_space<vmem>>, %arg2: memref<1000x128xf32, #tpu.memory_space<vmem>>, %arg3: memref<1000x1xf32, #tpu.memory_space<vmem>>, %arg4: memref<1x256xf32, #tpu.memory_space<vmem>>, %arg5: memref<256x128xf32, #tpu.memory_space<vmem>>, %arg6: memref<1x128xf32, #tpu.memory_space<vmem>>, %arg7: memref<128x128xf32, #tpu.memory_space<vmem>>, %arg8: memref<1x8xf32, #tpu.memory_space<vmem>>, %arg9: memref<1000x8xf32, #tpu.memory_space<vmem>>) attributes {dimension_semantics = [#tpu.dimension_semantics<arbitrary>], iteration_bounds = array<i64: 10>, scalar_prefetch = 0 : i64, scratch_operands = 0 : i64, tpu.core_type = #tpu.core_type<tc>, window_params = [{transform_indices = @transform_0, window_bounds = array<i64: 1000, 128>}, {transform_indices = @transform_1, window_bounds = array<i64: 1000, 128>}, {transform_indices = @transform_2, window_bounds = array<i64: 1000, 1>}, {pipeline_mode = #tpu.pipeline_mode<synchronous>, transform_indices = @transform_3, window_bounds = array<i64: 1, 256>}, {pipeline_mode = #tpu.pipeline_mode<synchronous>, transform_indices = @transform_4, window_bounds = array<i64: 256, 128>}, {pipeline_mode = #tpu.pipeline_mode<synchronous>, transform_indices = @transform_5, window_bounds = array<i64: 1, 128>}, {pipeline_mode = #tpu.pipeline_mode<synchronous>, transform_indices = @transform_6, window_bounds = array<i64: 128, 128>}, {pipeline_mode = #tpu.pipeline_mode<synchronous>, transform_indices = @transform_7, window_bounds = array<i64: 1, 8>}, {transform_indices = @transform_8, window_bounds = array<i64: 1000, 8>}]} {
    %get3A = arith.constant 0 : index
    %get3A_0 = arith.constant 0 : index
    %get3A_1 = vector.load %arg3[%get3A, %get3A_0] : memref<1000x1xf32, #tpu.memory_space<vmem>>, vector<1000x1xf32>
    %max3A = arith.constant 1.000000e-30 : f32
    %max3A_2 = vector.broadcast %max3A : f32 to vector<1000x1xf32>
    %max3A_3 = arith.maximumf %get3A_1, %max3A_2 : vector<1000x1xf32>
    %div3A = arith.constant 1.000000e+00 : f32
    %div3A_4 = vector.broadcast %div3A : f32 to vector<1000x1xf32>
    %div3A_5 = arith.divf %div3A_4, %max3A_3 : vector<1000x1xf32>
    %get3A_6 = arith.constant 0 : index
    %get3A_7 = arith.constant 0 : index
    %get3A_8 = vector.load %arg1[%get3A_6, %get3A_7] : memref<1000x128xf32, #tpu.memory_space<vmem>>, vector<1000x128xf32>
    %get3A_9 = arith.constant 0 : index
    %get3A_10 = arith.constant 0 : index
    %get3A_11 = vector.load %arg2[%get3A_9, %get3A_10] : memref<1000x128xf32, #tpu.memory_space<vmem>>, vector<1000x128xf32>
    %concatenate3A = tpu.concatenate %get3A_8, %get3A_11 in 1 : vector<1000x128xf32>, vector<1000x128xf32> -> vector<1000x256xf32>
    %mul3A = vector.broadcast %div3A_5 : vector<1000x1xf32> to vector<1000x256xf32>
    %mul3A_12 = arith.mulf %concatenate3A, %mul3A : vector<1000x256xf32>
    %get3A_13 = arith.constant 0 : index
    %get3A_14 = arith.constant 0 : index
    %get3A_15 = vector.load %arg4[%get3A_13, %get3A_14] : memref<1x256xf32, #tpu.memory_space<vmem>>, vector<1x256xf32>
    %add3A = vector.broadcast %get3A_15 : vector<1x256xf32> to vector<1000x256xf32>
    %add3A_16 = arith.addf %mul3A_12, %add3A : vector<1000x256xf32>
    %gt3A = arith.constant 0.000000e+00 : f32
    %gt3A_17 = vector.broadcast %gt3A : f32 to vector<1000x256xf32>
    %gt3A_18 = arith.cmpf ogt, %add3A_16, %gt3A_17 : vector<1000x256xf32>
    %exp3A = math.exp %add3A_16 : vector<1000x256xf32>
    %sub3A = arith.constant 1.000000e+00 : f32
    %sub3A_19 = vector.broadcast %sub3A : f32 to vector<1000x256xf32>
    %sub3A_20 = arith.subf %exp3A, %sub3A_19 : vector<1000x256xf32>
    %select_n3A = arith.select %gt3A_18, %add3A_16, %sub3A_20 : vector<1000x256xi1>, vector<1000x256xf32>
    %get3A_21 = arith.constant 0 : index
    %get3A_22 = arith.constant 0 : index
    %get3A_23 = vector.load %arg5[%get3A_21, %get3A_22] : memref<256x128xf32, #tpu.memory_space<vmem>>, vector<256x128xf32>
    %dot_general3A = arith.constant dense<0.000000e+00> : vector<1000x128xf32>
    %dot_general3A_24 = tpu.matmul %select_n3A, %get3A_23, %dot_general3A {dimension_numbers = #tpu.dot_dimension_numbers<[1], [0], [0], [1], [0, 0, 1, 1], [], []>, transpose_lhs_hint = false} : vector<1000x256xf32>, vector<256x128xf32>, vector<1000x128xf32> -> vector<1000x128xf32>
    %get3A_25 = arith.constant 0 : index
    %get3A_26 = arith.constant 0 : index
    %get3A_27 = vector.load %arg6[%get3A_25, %get3A_26] : memref<1x128xf32, #tpu.memory_space<vmem>>, vector<1x128xf32>
    %add3A_28 = vector.broadcast %get3A_27 : vector<1x128xf32> to vector<1000x128xf32>
    %add3A_29 = arith.addf %dot_general3A_24, %add3A_28 : vector<1000x128xf32>
    %max3A_30 = arith.constant 0.000000e+00 : f32
    %max3A_31 = vector.broadcast %max3A_30 : f32 to vector<1000x128xf32>
    %max3A_32 = arith.maximumf %add3A_29, %max3A_31 : vector<1000x128xf32>
    %get3A_33 = arith.constant 0 : index
    %get3A_34 = arith.constant 0 : index
    %get3A_35 = vector.load %arg7[%get3A_33, %get3A_34] : memref<128x128xf32, #tpu.memory_space<vmem>>, vector<128x128xf32>
    %dot_general3A_36 = arith.constant dense<0.000000e+00> : vector<1000x128xf32>
    %dot_general3A_37 = tpu.matmul %max3A_32, %get3A_35, %dot_general3A_36 {dimension_numbers = #tpu.dot_dimension_numbers<[1], [0], [0], [1], [0, 0, 1, 1], [], []>, transpose_lhs_hint = false} : vector<1000x128xf32>, vector<128x128xf32>, vector<1000x128xf32> -> vector<1000x128xf32>
    %slice3A = vector.extract_strided_slice %dot_general3A_37 {offsets = [0, 0], sizes = [1000, 8], strides = [1, 1]} : vector<1000x128xf32> to vector<1000x8xf32>
    %get3A_38 = arith.constant 0 : index
    %get3A_39 = arith.constant 0 : index
    %get3A_40 = vector.load %arg8[%get3A_38, %get3A_39] : memref<1x8xf32, #tpu.memory_space<vmem>>, vector<1x8xf32>
    %add3A_41 = vector.broadcast %get3A_40 : vector<1x8xf32> to vector<1000x8xf32>
    %add3A_42 = arith.addf %slice3A, %add3A_41 : vector<1000x8xf32>
    %swap3A = arith.constant 0 : index
    %swap3A_43 = arith.constant 0 : index
    %swap3A_44 = vector.load %arg9[%swap3A, %swap3A_43] : memref<1000x8xf32, #tpu.memory_space<vmem>>, vector<1000x8xf32>
    tpu.vector_store %arg9[%swap3A, %swap3A_43], %add3A_42 {strides = array<i32>} : memref<1000x8xf32, #tpu.memory_space<vmem>>, vector<1000x8xf32>,
    return
  }
  func.func @transform_0(%arg0: i32) -> (i32, i32) {
    %c0_i32 = arith.constant 0 : i32
    %c0_i32_0 = arith.constant 0 : i32
    return %arg0, %c0_i32 : i32, i32
  }
  func.func @transform_1(%arg0: i32) -> (i32, i32) {
    %c0_i32 = arith.constant 0 : i32
    %c0_i32_0 = arith.constant 0 : i32
    return %arg0, %c0_i32 : i32, i32
  }
  func.func @transform_2(%arg0: i32) -> (i32, i32) {
    %c0_i32 = arith.constant 0 : i32
    %c0_i32_0 = arith.constant 0 : i32
    return %arg0, %c0_i32 : i32, i32
  }
  func.func @transform_3(%arg0: i32) -> (i32, i32) {
    %c0_i32 = arith.constant 0 : i32
    %c0_i32_0 = arith.constant 0 : i32
    %c0_i32_1 = arith.constant 0 : i32
    return %c0_i32, %c0_i32_0 : i32, i32
  }
  func.func @transform_4(%arg0: i32) -> (i32, i32) {
    %c0_i32 = arith.constant 0 : i32
    %c0_i32_0 = arith.constant 0 : i32
    %c0_i32_1 = arith.constant 0 : i32
    return %c0_i32, %c0_i32_0 : i32, i32
  }
  func.func @transform_5(%arg0: i32) -> (i32, i32) {
    %c0_i32 = arith.constant 0 : i32
    %c0_i32_0 = arith.constant 0 : i32
    %c0_i32_1 = arith.constant 0 : i32
    return %c0_i32, %c0_i32_0 : i32, i32
  }
  func.func @transform_6(%arg0: i32) -> (i32, i32) {
    %c0_i32 = arith.constant 0 : i32
    %c0_i32_0 = arith.constant 0 : i32
    %c0_i32_1 = arith.constant 0 : i32
    return %c0_i32, %c0_i32_0 : i32, i32
  }
  func.func @transform_7(%arg0: i32) -> (i32, i32) {
    %c0_i32 = arith.constant 0 : i32
    %c0_i32_0 = arith.constant 0 : i32
    %c0_i32_1 = arith.constant 0 : i32
    return %c0_i32, %c0_i32_0 : i32, i32
  }
  func.func @transform_8(%arg0: i32) -> (i32, i32) {
    %c0_i32 = arith.constant 0 : i32
    %c0_i32_0 = arith.constant 0 : i32
    return %arg0, %c0_i32 : i32, i32
  }
}

</mosaic_0001>

<sc_bundles>
// kernel: kernel.5.cloned.1.call-start
scs
__scs_entry_jumppad:
0x0: {  	(pc) =	sbr.rel $0x88, $3  }
0x1: {  	(tag) =	ssettag $0x0;
	lr =	simm.s32 $0x1  }
0x2: {  	[smem:$0x3F97] =	sst lr;
	_ =	strace $0xD0000000  }
0x3: {  	_ = 	snop  }
0x4: {  	_ = 	snop  }
0x5: {  	_ = 	snop  }
0x6: {  	_ = 	snop  }
0x7: {  	_ = 	snop  }
__scs_overlays_trampoline_lowered:
0x8: {  	[smem:$0x3FA6] =	sst s0  }
0x9: {  	[smem:$0x3FA7] =	sst s1  }
0xa: {  	[smem:$0x3FA8] =	sst s2  }
0xb: {  	[smem:$0x3FA9] =	sst s3  }
0xc: {  	[smem:$0x3FAA] =	sst s4  }
0xd: {  	[smem:$0x3FAB] =	sst s5  }
0xe: {  	[smem:$0x3FAC] =	sst s6  }
0xf: {  	[smem:$0x3FAD] =	sst s7  }
0x10: {  	[smem:$0x3FAE] =	sst s8  }
0x11: {  	[smem:$0x3FAF] =	sst s9;
	s0 =	simm.s32 @!p0 $0x0  }
0x12: {  	s1 =	sld [smem:$0x3F95];
	s0 =	simm.s32 @p0 $0x1  }
0x13: {  	[smem:$0x3FB0] =	sst s0;
	s0 =	simm.s32 @!p1 $0x0  }
0x14: {  	s2 =	sld [smem:$0x3F94];
	s0 =	simm.s32 @p1 $0x1  }
0x15: {  	[smem:$0x3FB1] =	sst s0;
	s0 =	simm.s32 @!p2 $0x0  }
0x16: {  	s3 =	sld [smem:$0x3FDB];
	s0 =	simm.s32 @p2 $0x1  }
0x17: {  	s4 =	simm.s32 $0x1BF5;
	[smem:$0x3FB3] =	sst s0  }
0x18: {  	s0 =	sld [smem:$0x3F96];
	_ =	swait.ge [sflag:s4], $0x0  }
0x19: {  	s7 =	sld [smem:$0x3F97]  }
0x1a: {  	s8 =	sadd.s32 $0xFFFFE003, lr  }
0x1b: {  	s9 =	sadd.s32 $0xFFFFFEF7, lr;
	s5 =	simm.s32 $0xFFFFFFFF;
	p2 =	slt.u32 s8, $0xFFFFF086  }
0x1c: {  	p1 =	slt.u32 s9, $0xF7A;
	s5 =	simm.s32 @!p2 $0x0  }
0x1d: {  	s5 =	simm.s32 @p1 $0x1;
	p0 =	seq.s32 s7, s2  }
0x1e: {  	s7 =	smul.u32 @!p0 $0xF7A, s2;
	p2 =	seq.s32 @!p0 s5, $0x0  }
0x1f: {  	s9 =	smul.u32 $0xF7A, s1;
	s8 =	simm.s32 @!p0 $0x1BF5;
	p2 =	por !p2, p0  }
0x20: {  	[sflag:s8] =	ssyncset.s32 @!p0 $0xFFFFF086;
	s6 =	sadd.s32 @!p0 s3, s7;
	s7 =	simm.s32 @!p0 $0x108  }
0x21: {  	s3 =	sadd.s32 s3, s9;
	s6 =	sadd.s32 @!p0 $0x88, s6;
	s7 =	simm.s32 @p2 $0x1082  }
0x22: {  	[simem:s7], [sflag:s8] =	dma.local @!p0 [hbm:s6], $0xF7A  }
0x23: {  	s9 =	sor.u32 $0xD0000000, s2;
	s6 =	simm.s32 $0x108;
	_ =	swait.ge @!p0 [sflag:s8], $0x0  }
0x24: {  	s3 =	sadd.s32 $0x88, s3;
	s6 =	simm.s32 @!p1 $0x1082;
	[sflag:s4] =	ssyncset.s32 $0xFFFFF086  }
0x25: {  	[simem:s6], [sflag:s4] =	dma.local [hbm:s3], $0xF7A  }
0x26: {  	[smem:$0x3F97] =	sst s1;
	(tag) =	ssettag s2;
	_ =	strace s9  }
0x27: {  	s1 =	sld [smem:$0x3FA7]  }
0x28: {  	s2 =	sld [smem:$0x3FA8]  }
0x29: {  	s4 =	sld [smem:$0x3FAA]  }
0x2a: {  	p0 =	seq.s32 s5, $0x0;
	s5 =	sld [smem:$0x3FAB]  }
0x2b: {  	s6 =	sld [smem:$0x3FAC]  }
0x2c: {  	s7 =	sld [smem:$0x3FAD]  }
0x2d: {  	s3 =	simm.s32 $0x108;
	s8 =	sld [smem:$0x3FAE]  }
0x2e: {  	s3 =	simm.s32 @!p0 $0x1082;
	s9 =	sld [smem:$0x3FAF]  }
0x2f: {  	lr =	sadd.s32 s0, s3;
	s0 =	sld [smem:$0x3FA6]  }
0x30: {  	s3 =	sld [smem:$0x3FA9]  }
0x31: {  	[smem:$0x3FB2] =	sst s10  }
0x32: {  	s10 =	sld [smem:$0x3FB0];
	_ =	sdelay $0x3  }
0x33: {  	p0 =	seq.s32 s10, $0x1;
	s10 =	sld [smem:$0x3FB2];
	_ =	sdelay $0x3  }
0x34: {  	[smem:$0x3FB2] =	sst s10  }
0x35: {  	s10 =	sld [smem:$0x3FB1];
	_ =	sdelay $0x3  }
0x36: {  	p1 =	seq.s32 s10, $0x1;
	s10 =	sld [smem:$0x3FB2];
	_ =	sdelay $0x3  }
0x37: {  	[smem:$0x3FB2] =	sst s10  }
0x38: {  	s10 =	sld [smem:$0x3FB3]  }
0x39: {  	_ = 	snop;
	(pc) =	sbr.ind lr, $3  }
0x3a: {  	_ = 	snop  }
0x3b: {  	_ = 	snop  }
0x3c: {  	p2 =	seq.s32 s10, $0x1;
	s10 =	sld [smem:$0x3FB2]  }
0x3d: {  	_ =	shalt  }
0x3e: {  	_ =	shalt  }
0x3f: {  	_ =	shalt  }
0x40: {  	_ =	shalt  }
0x41: {  	_ =	shalt  }
0x42: {  	_ =	shalt  }
0x43: {  	_ =	shalt  }
0x44: {  	_ =	shalt  }
0x45: {  	_ =	shalt  }
0x46: {  	_ =	shalt  }
0x47: {  	_ =	shalt  }
0x48: {  	_ =	shalt  }
0x49: {  	_ =	shalt  }
0x4a: {  	_ =	shalt  }
0x4b: {  	_ =	shalt  }
0x4c: {  	_ =	shalt  }
0x4d: {  	_ =	shalt  }
0x4e: {  	_ =	shalt  }
0x4f: {  	_ =	shalt  }
0x50: {  	_ =	shalt  }
0x51: {  	_ =	shalt  }
0x52: {  	_ =	shalt  }
0x53: {  	_ =	shalt  }
0x54: {  	_ =	shalt  }
0x55: {  	_ =	shalt  }
0x56: {  	_ =	shalt  }
0x57: {  	_ =	shalt  }
0x58: {  	_ =	shalt  }
0x59: {  	_ =	shalt  }
0x5a: {  	_ =	shalt  }
0x5b: {  	_ =	shalt  }
0x5c: {  	_ =	shalt  }
0x5d: {  	_ =	shalt  }
0x5e: {  	_ =	shalt  }
0x5f: {  	_ =	shalt  }
0x60: {  	_ =	shalt  }
0x61: {  	_ =	shalt  }
0x62: {  	_ =	shalt  }
0x63: {  	_ =	shalt  }
0x64: {  	_ =	shalt  }
0x65: {  	_ =	shalt  }
0x66: {  	_ =	shalt  }
0x67: {  	_ =	shalt  }
0x68: {  	_ =	shalt  }
0x69: {  	_ =	shalt  }
0x6a: {  	_ =	shalt  }
0x6b: {  	_ =	shalt  }
0x6c: {  	_ =	shalt  }
0x6d: {  	_ =	shalt  }
0x6e: {  	_ =	shalt  }
0x6f: {  	_ =	shalt  }
0x70: {  	_ =	shalt  }
0x71: {  	_ =	shalt  }
0x72: {  	_ =	shalt  }
0x73: {  	_ =	shalt  }
0x74: {  	_ =	shalt  }
0x75: {  	_ =	shalt  }
0x76: {  	_ =	shalt  }
0x77: {  	_ =	shalt  }
0x78: {  	_ =	shalt  }
0x79: {  	_ =	shalt  }
0x7a: {  	_ =	shalt  }
0x7b: {  	_ =	shalt  }
0x7c: {  	_ =	shalt  }
0x7d: {  	_ =	shalt  }
0x7e: {  	_ =	shalt  }
0x7f: {  	_ =	shalt  }
0x80: {  	_ =	shalt  }
0x81: {  	_ =	shalt  }
0x82: {  	_ =	shalt  }
0x83: {  	_ =	shalt  }
0x84: {  	_ =	shalt  }
0x85: {  	_ =	shalt  }
0x86: {  	_ =	shalt  }
0x87: {  	_ =	shalt  }
.Lfunc_end0:
.L_simem_size_0:
called_computation_lowered:
.L_overlay_start_0:
0x88: {  	s2 =	sld [smem:$0x3FD9]  }
0x89: {  	s3 =	sld [smem:$0x3FFE];
	_ =	sdelay $0x1  }
0x8a: {  	s1 =	srdreg.scid  }
0x8b: {  	s0 =	sand.u32 $0x1, s1  }
0x8c: {  	s17 =	sshll.u32 s0, $0xA;
	s2 =	sadd.s32 s3, s2  }
0x8d: {  	s2 =	sadd.s32 s2, s17  }
0x8e: {  	[smem:$0x3FBE] =	sst s2  }
0x8f: {  	_ = 	snop  }
0x90: {  	s2 =	sld [smem:$0x3FD0];
	(tm) =	ssettm $0x1  }
0x91: {  	s18 =	sld [smem:$0x3FFB];
	_ =	sdelay $0x3  }
0x92: {  	_ =	strace s18  }
0x93: {  	s3 =	sld [smem:$0x3FFC];
	_ =	sdelay $0x3  }
0x94: {  	_ =	strace s3  }
0x95: {  	s3 =	sld [smem:$0x3FFD];
	_ =	sdelay $0x3  }
0x96: {  	_ =	strace s3  }
0x97: {  	_ =	strace $0x8FFFFFFF  }
0x98: {  	s19 =	sld [smem:$0x3FDB];
	_ =	sdelay $0x1  }
0x99: {  	s4 =	simm.s32 $_scs_section_size  }
0x9a: {  	s5 =	simm.s32 $_size__tile_overlayer_lowered;
	s6 =	simm.s32 $_tile_overlayer_lowered  }
0x9b: {  	s22 =	simm.s32 $0x1BFF;
	s21 =	sshll.u32 s6, $0x1;
	s3 =	sadd.s32 s4, s19  }
0x9c: {  	s7 =	simm.s32 $0x0;
	s20 =	sshll.u32 s5, $0x1;
	s5 =	sadd.s32 s21, s3  }
0x9d: {  	[timem:s7], [sflag:s22] =	dma.local [hbm:s5], s20  }
0x9e: {  	_ =	swait.ge [sflag:s22], s20  }
0x9f: {  	s4 =	ssub.s32 $0x0, s20;
	[sflag:s22] =	ssyncset.done $0x0  }
0xa0: {  	[sflag:s22] =	ssyncadd.s32 s4;
	_ =	sdelay $0x1  }
0xa1: {  	s23 =	simm.s32 $0x1B8B  }
0xa2: {  	_ =	swait.ge [sflag:s23], $0x1  }
0xa3: {  	[sflag:s23] =	ssyncset.done $0x0  }
0xa4: {  	s25 =	simm.s32 $0x1B8E;
	s24 =	sld [smem:$0x3FFE];
	[sflag:s23] =	ssyncadd.s32 $0xFFFFFFFF  }
0xa5: {  	s26 =	simm.s32 $execute0_lowered;
	[smem:$0x3FD2] =	sst s25  }
0xa6: {  	s5 =	sshll.u32 s26, $0x1;
	_ =	strace $0x80000046;
	[dreg:$0x1] =	wrdreg $0xFFFFFFFF  }
0xa7: {  	s28 =	simm.s32 $_size_execute0_lowered;
	s3 =	sadd.s32 s3, s5;
	[dreg:$0x0] =	wrdreg $0x0  }
0xa8: {  	s5 =	sshll.u32 s28, $0x1;
	[dreg:$0x2] =	wrdreg s3  }
0xa9: {  	[dreg:$0x3] =	wrdreg s5  }
0xaa: {  	[dreg:$0x4] =	wrdreg $0xC0  }
0xab: {  	_ =	task [dreg:s7], $0x5FFFF  }
0xac: {  	[dreg:$0x1] =	wrdreg $0xFFFFFFFF  }
0xad: {  	[dreg:$0x0] =	wrdreg $0x60  }
0xae: {  	[dreg:$0x2] =	wrdreg s24  }
0xaf: {  	[dreg:$0x3] =	wrdreg s2  }
0xb0: {  	[dreg:$0x4] =	wrdreg $0xC4800  }
0xb1: {  	[dreg:$0x5] =	wrdreg $0xBD000  }
0xb2: {  	[dreg:$0x6] =	wrdreg $0xBF800  }
0xb3: {  	[dreg:$0x7] =	wrdreg $0xC2000  }
0xb4: {  	[dreg:$0x8] =	wrdreg $0x9  }
0xb5: {  	_ =	task.clear_ibuf [dreg:s7], $0x9FFFF;
	_ =	strace $0x90000046  }
0xb6: {  	s29 =	simm.s32 $0x9;
	_ =	strace $0x80000048  }
0xb7: {  	_ =	swait.ge [sflag:s29], $0x1  }
0xb8: {  	[sflag:s29] =	ssyncadd.s32 $0xFFFFFFFF  }
0xb9: {  	_ =	strace $0x90000048  }
0xba: {  	_ =	sfence  }
0xbb: {  	s30 =	sld [smem:$0x0];
	_ =	sdelay $0x2  }
0xbc: {  	s31 =	sshll.u32 s1, $0xD;
	s1 =	sshrl.u32 s1, $0x2  }
0xbd: {  	s3 =	sand.u32 $0x4000, s31;
	s1 =	sadd.s32 s1, s30  }
0xbe: {  	s0 =	sor.u32 s3, s0;
	s1 =	sshll.u32 s1, $0x11  }
0xbf: {  	s0 =	sor.u32 s1, s0  }
0xc0: {  	s0 =	sadd.s32 $0x8F2B, s0  }
0xc1: {  	[sflag:s0] =	ssyncadd.remote.s32 $0x1  }
0xc2: {  	_ =	sfence.sel $0xFFFF  }
0xc3: {  	[dreg:$0x0] =	wrdreg $0xFFFFFFFF;
	(pc) =	sbr.abs _section_cstart, $3  }
0xc4: {  	[dreg:$0x1] =	wrdreg $0xFFFFFFFF  }
0xc5: {  	_ =	task.clear_ibuf [dreg:s7], $0x2FFFF;
	_ =	strace $0x9FFFFFFF  }
0xc6: {  	(tm) =	ssettm $0x7FFFFFFF  }
0xc7: {  	_ =	shalt  }
tec
execute0_lowered:
.L_overlay_start_1:
0x0: {  	(tag) =	ssettag $0x1  }
0x1: {  	s0 =	rddreg [dreg:$0x0]  }
0x2: {  	s3 =	rddreg [dreg:$0x1]  }
0x3: {  	s1 =	rddreg [dreg:$0x2]  }
0x4: {  	s2 =	rddreg [dreg:$0x3]  }
0x5: {  	s4 =	rddreg [dreg:$0x4]  }
0x6: {  	s5 =	rddreg [dreg:$0x5]  }
0x7: {  	s6 =	simm.s32 $0x0;
	s16 =	stileid.u32;
	s10 =	srdreg.scid  }
0x8: {  	s30 =	simm.s32 $0x6A80;
	s31 =	simm.s32 $0x50;
	s29 =	simm.s32 $0x6880  }
0x9: {  	s28 =	simm.s32 $0x9280;
	[smem:$0x7FF] =	sst s6;
	s21 =	smul.u32 $0x4E2, s16  }
0xa: {  	s7 =	sadd.s32 $0xE00, s0;
	s8 =	sadd.s32 $0x28000, s0;
	s9 =	smul.u32 $0x280, s16  }
0xb: {  	s11 =	sshll.u32 s16, $0xB;
	s12 =	smul.u32 $0x2800, s16;
	s10 =	sand.u32 $0x1, s10  }
0xc: {  	p0 =	seq.s32 s16, $0xF;
	s24 =	smul.u32 $0x50000, s16;
	s20 =	sadd.s32 $0x12C000, s1  }
0xd: {  	_ =	strace $0x80000047;
	s11 =	sadd.s32 s11, s0;
	s14 =	ssub.s32 $0x2, s10  }
0xe: {  	[dreg:$0xf] =	wrdreg s20;
	p1 =	sne.s32 s10, $0x0;
	s20 =	simm.s32 $0x6  }
0xf: {  	s10 =	simm.s32 $0x0;
	s6 =	sadd.s32 s21, s0;
	s13 =	sshrl.u32 s9, $0x3  }
0x10: {  	s15 =	sadd.s32 s12, s0;
	s23 =	sadd.s32 $0x54800, s11;
	s25 =	sadd.s32 s9, s2  }
0x11: {  	s26 =	sadd.s32 s9, s4;
	s9 =	sadd.s32 s9, s5;
	[dreg:$0x8] =	wrdreg s23  }
0x12: {  	s22 =	sshrl.u32 s14, $0x1;
	s21 =	sadd.s32 $0xA9800, s0;
	[dreg:$0xc] =	wrdreg s9  }
0x13: {  	s11 =	simm.s32 $0x5;
	s6 =	sadd.s32 $0x4F800, s6;
	[dreg:$0x10] =	wrdreg s21  }
0x14: {  	s12 =	simm.s32 $0x5;
	s11 =	simm.s32 @!p0 $0x8;
	[dreg:$0x7] =	wrdreg s6  }
0x15: {  	s17 =	sadd.s32 s13, s0;
	s3 =	sadd.s32 s3, s13;
	[dreg:$0x9] =	wrdreg s11  }
0x16: {  	s14 =	ssub.s32 s14, s22;
	s19 =	sadd.s32 $0x84000, s15;
	[dreg:$0xa] =	wrdreg s3  }
0x17: {  	s23 =	sadd.s32 $0x5CE00, s15;
	s0 =	sadd.s32 $0x82600, s0;
	[dreg:$0xe] =	wrdreg s19  }
0x18: {  	s25 =	sshrl.u32 s25, $0x3;
	s26 =	sshrl.u32 s26, $0x3;
	[dreg:$0x12] =	wrdreg s23  }
0x19: {  	s21 =	simm.s32 $0x6A00;
	s6 =	sshrl.u32 s24, $0x2;
	[dreg:$0x13] =	wrdreg s0  }
0x1a: {  	s18 =	sadd.s32 $0x4F200, s17;
	s22 =	sadd.s32 $0x5C800, s17;
	[dreg:$0x15] =	wrdreg s25  }
.Ltmp0:
0x1b: {  	s24 =	smax.u32 s14, $0x1;
	[dreg:$0x16] =	wrdreg s26;
	(pc) =	sbr.rel .LBB2_1-.Ltmp0, $4  }
0x1c: {  	s26 =	simm.s32 $0x9;
	s11 =	simm.s32 $0x2780;
	[dreg:$0xb] =	wrdreg s18  }
0x1d: {  	s0 =	simm.s32 $0x6780;
	s17 =	simm.s32 $0x6980;
	[dreg:$0x11] =	wrdreg s22  }
0x1e: {  	s19 =	simm.s32 $0x1;
	s16 =	sadd.s32 s6, s1;
	[dreg:$0x14] =	wrdreg s24  }
0x1f: {  	v0 =	vimm.f32 $0.0e+00;
	s3 =	simm.s32 $0x2;
	s22 =	simm.s32 $0x3;
	[dreg:$0xd] =	wrdreg s16  }
.LBB2_23:
0x20: {  	_ =	swait.ge [sflag:s22], $0x2800  }
0x21: {  	[sflag:s22] =	ssyncset.done $0x0  }
0x22: {  	s6 =	simm.s32 $0x8;
	[sflag:s22] =	ssyncadd.s32 $0xFFFFD800  }
0x23: {  	_ =	swait.ge [sflag:s6], $0x50  }
0x24: {  	[sflag:s6] =	ssyncset.done $0x0  }
0x25: {  	s25 =	simm.s32 $0x7;
	[sflag:s6] =	ssyncadd.s32 $0xFFFFFFB0  }
0x26: {  	_ =	swait.ge [sflag:s25], $0x50  }
0x27: {  	[sflag:s25] =	ssyncset.done $0x0  }
0x28: {  	[sflag:s25] =	ssyncadd.s32 $0xFFFFFFB0  }
0x29: {  	[bflag:$0x0] =	sbarrier.arrive $0xFFFF  }
0x2a: {  	s6 =	rddreg [dreg:$0x10]  }
0x2b: {  	s9 =	rddreg [dreg:$0x18]  }
0x2c: {  	[hbm:s6], [sflag:s13] =	dma.local @p0 [spmem:s9], $0x1900  }
0x2d: {  	s6 =	simm.s32 @p0 $0x9  }
0x2e: {  	_ =	swait.ge @p0 [sflag:s6], $0x1900  }
0x2f: {  	[sflag:s6] =	ssyncset.done @p0 $0x0;
	s9 =	rddreg [dreg:$0x17]  }
0x30: {  	[sflag:s6] =	ssyncadd.s32 @p0 $0xFFFFE700;
	s6 =	rddreg [dreg:$0xe]  }
0x31: {  	[hbm:s6], [sflag:s13] =	dma.local @!p0 [spmem:s9], $0x2800  }
0x32: {  	s6 =	simm.s32 @!p0 $0x9  }
0x33: {  	_ =	swait.ge @!p0 [sflag:s6], $0x2800  }
0x34: {  	[sflag:s6] =	ssyncset.done @!p0 $0x0  }
0x35: {  	[sflag:s6] =	ssyncadd.s32 @!p0 $0xFFFFD800  }
.LBB2_24:
0x36: {  	s10 =	sadd.s32 $0x1, s10;
	s6 =	rddreg [dreg:$0x14]  }
0x37: {  	p2 =	sne.s32 s10, s6  }
.Ltmp1:
0x38: {  	_ = 	snop;
	(pc) =	sbr.rel @!p2 .LBB2_25-.Ltmp1, $2  }
0x39: {  	_ =	sdelay $0x2  }
0x3a: {  	s16 =	rddreg [dreg:$0xd];
	s11 =	simm.s32 $0x2780  }
.LBB2_1:
0x3b: {  	s6 =	simm.s32 $0x0;
	s9 =	rddreg [dreg:$0x7]  }
0x3c: {  	[tilespmem:s6], [sflag:$0x9] =	stream.linear.gather [hbm4b:s9+s6], $0x2710, $0x38;
	[tilespmem:$0x1FD00] =	vst v63  }
0x3d: {  	_ =	swait.ge [sflag:s26], $0x2710  }
0x3e: {  	[sflag:s26] =	ssyncset.done $0x0  }
0x3f: {  	s14 =	rddreg [dreg:$0x8];
	[sflag:s26] =	ssyncadd.s32 $0xFFFFD8F0  }
0x40: {  	[tilespmem:s11], [sflag:$0x9] =	stream.linear.gather [hbm4b:s14+s6], $0x3E80, $0x38;
	[tilespmem:$0x1FD00] =	vst v63  }
0x41: {  	s15 =	stileid.u32;
	_ =	swait.ge [sflag:s26], $0x3E80  }
0x42: {  	s6 =	sshll.u32 s15, $0x6;
	[sflag:s26] =	ssyncset.done $0x0;
	s18 =	rddreg [dreg:$0xa]  }
0x43: {  	s13 =	sor.u32 $0x1C09, s6;
	s23 =	rddreg [dreg:$0x15];
	[sflag:s26] =	ssyncadd.s32 $0xFFFFC180  }
0x44: {  	[spmem:s23], [sflag:s13] =	dma.local [hbm:s18], $0x50  }
0x45: {  	_ =	swait.ge [sflag:s26], $0x50  }
0x46: {  	[sflag:s26] =	ssyncset.done $0x0;
	s24 =	rddreg [dreg:$0xb]  }
0x47: {  	s25 =	rddreg [dreg:$0x16];
	[sflag:s26] =	ssyncadd.s32 $0xFFFFFFB0  }
0x48: {  	[spmem:s25], [sflag:s13] =	dma.local [hbm:s24], $0x50  }
0x49: {  	_ =	swait.ge [sflag:s26], $0x50  }
0x4a: {  	[sflag:s26] =	ssyncset.done $0x0  }
0x4b: {  	[sflag:s26] =	ssyncadd.s32 $0xFFFFFFB0  }
0x4c: {  	[tilespmem:$0xBA80] =	vst v0  }
0x4d: {  	[tilespmem:$0xBA90] =	vst v0  }
0x4e: {  	[tilespmem:$0xBAA0] =	vst v0  }
0x4f: {  	[tilespmem:$0xBAB0] =	vst v0  }
0x50: {  	[tilespmem:$0xBAC0] =	vst v0  }
0x51: {  	[tilespmem:$0xBAD0] =	vst v0  }
0x52: {  	[tilespmem:$0xBAE0] =	vst v0  }
0x53: {  	[tilespmem:$0xBAF0] =	vst v0  }
0x54: {  	[tilespmem:$0xBB00] =	vst v0  }
0x55: {  	[tilespmem:$0xBB10] =	vst v0  }
0x56: {  	[tilespmem:$0xBB20] =	vst v0  }
0x57: {  	[tilespmem:$0xBB30] =	vst v0  }
0x58: {  	[tilespmem:$0xBB40] =	vst v0  }
0x59: {  	[tilespmem:$0xBB50] =	vst v0  }
0x5a: {  	[tilespmem:$0xBB60] =	vst v0  }
0x5b: {  	[tilespmem:$0xBB70] =	vst v0  }
0x5c: {  	[tilespmem:$0xBB80] =	vst v0  }
0x5d: {  	[tilespmem:$0xBB90] =	vst v0  }
0x5e: {  	[tilespmem:$0xBBA0] =	vst v0  }
0x5f: {  	[tilespmem:$0xBBB0] =	vst v0  }
0x60: {  	[tilespmem:$0xBBC0] =	vst v0  }
0x61: {  	[tilespmem:$0xBBD0] =	vst v0  }
0x62: {  	[tilespmem:$0xBBE0] =	vst v0  }
0x63: {  	[tilespmem:$0xBBF0] =	vst v0  }
0x64: {  	[tilespmem:$0xBC00] =	vst v0  }
0x65: {  	[tilespmem:$0xBC10] =	vst v0  }
0x66: {  	[tilespmem:$0xBC20] =	vst v0  }
0x67: {  	[tilespmem:$0xBC30] =	vst v0  }
0x68: {  	[tilespmem:$0xBC40] =	vst v0  }
0x69: {  	[tilespmem:$0xBC50] =	vst v0  }
0x6a: {  	[tilespmem:$0xBC60] =	vst v0  }
0x6b: {  	[tilespmem:$0xBC70] =	vst v0  }
0x6c: {  	[tilespmem:$0xBC80] =	vst v0  }
0x6d: {  	[tilespmem:$0xBC90] =	vst v0  }
0x6e: {  	[tilespmem:$0xBCA0] =	vst v0  }
0x6f: {  	[tilespmem:$0xBCB0] =	vst v0  }
0x70: {  	[tilespmem:$0xBCC0] =	vst v0  }
0x71: {  	[tilespmem:$0xBCD0] =	vst v0  }
0x72: {  	[tilespmem:$0xBCE0] =	vst v0  }
0x73: {  	s9 =	simm.s32 $0x200;
	s6 =	simm.s32 $0x0;
	[tilespmem:$0xBCF0] =	vst v0  }
.LBB2_2:
0x74: {  	p2 =	sne.s32 s9, $0x9E00;
	[tilespmem:s6+$0x6AF0] =	vst v0  }
0x75: {  	[tilespmem:s6+$0x6A80] =	vst v0  }
0x76: {  	[tilespmem:s6+$0x6A90] =	vst v0  }
.Ltmp2:
0x77: {  	[tilespmem:s6+$0x6AA0] =	vst v0;
	(pc) =	sbr.rel @p2 .LBB2_2-.Ltmp2, $4  }
0x78: {  	[tilespmem:s6+$0x6AB0] =	vst v0  }
0x79: {  	[tilespmem:s6+$0x6AC0] =	vst v0  }
0x7a: {  	[tilespmem:s6+$0x6AD0] =	vst v0  }
0x7b: {  	[tilespmem:s6+$0x6AE0] =	vst v0;
	s6 =	sshra.s32 s9, $0x2;
	s9 =	sadd.s32 $0x200, s9  }
0x7c: {  	[tilespmem:s6+$0x6AF0] =	vst v0  }
0x7d: {  	[tilespmem:s6+$0x6A80] =	vst v0  }
0x7e: {  	[tilespmem:s6+$0x6A90] =	vst v0  }
0x7f: {  	[tilespmem:s6+$0x6AA0] =	vst v0  }
0x80: {  	[tilespmem:s6+$0x6AB0] =	vst v0  }
0x81: {  	[tilespmem:s6+$0x6AC0] =	vst v0  }
0x82: {  	[tilespmem:s6+$0x6AD0] =	vst v0  }
0x83: {  	[tilespmem:s6+$0x6AE0] =	vst v0;
	s24 =	rddreg [dreg:$0xc];
	s9 =	simm.s32 $0xBA80  }
0x84: {  	[spmem:s24] =	stream.linear.scatter [tilespmem:s9], [sflag:$0x9], $0x280, $0x38;
	[tilespmem:$0x1FD00] =	vst v63  }
0x85: {  	_ =	swait.ge [sflag:s26], $0x280  }
0x86: {  	s25 =	rddreg [dreg:$0x9]  }
0x87: {  	p2 =	sne.s32 s25, $0x1  }
.Ltmp3:
0x88: {  	[sflag:s26] =	ssyncset.done $0x0;
	(pc) =	sbr.rel @!p2 .LBB2_5-.Ltmp3, $4  }
0x89: {  	[sflag:s26] =	ssyncadd.s32 $0xFFFFFD80  }
0x8a: {  	[spmem:s16] =	stream.linear.scatter [tilespmem:s30], [sflag:$0x9], $0x2800, $0x38;
	[tilespmem:$0x1FD00] =	vst v63  }
0x8b: {  	_ =	swait.ge [sflag:s26], $0x2800  }
0x8c: {  	s9 =	smov.u32 s16;
	s6 =	sadd.s32 $0xFFFFFFFF, s25;
	[sflag:s26] =	ssyncset.done $0x0  }
.LBB2_4:
0x8d: {  	p2 =	sne.s32 s6, $0x1;
	[sflag:s26] =	ssyncadd.s32 $0xFFFFD800;
	s9 =	sadd.s32 $0x2800, s9  }
.Ltmp4:
0x8e: {  	s6 =	sadd.s32 $0xFFFFFFFF, s6;
	(pc) =	sbr.rel @p2 .LBB2_4-.Ltmp4, $4  }
0x8f: {  	_ = 	snop  }
0x90: {  	[spmem:s9] =	stream.linear.scatter [tilespmem:s30], [sflag:$0x9], $0x2800, $0x38;
	[tilespmem:$0x1FD00] =	vst v63  }
0x91: {  	_ =	swait.ge [sflag:s26], $0x2800  }
0x92: {  	[sflag:s26] =	ssyncset.done $0x0  }
.LBB2_5:
0x93: {  	[sflag:s26] =	ssyncadd.s32 $0xFFFFD800  }
.Ltmp5:
0x94: {  	[bflag:$0x0] =	sbarrier.arrive $0xFFFF;
	(pc) =	sbr.rel @p1 .LBB2_15-.Ltmp5, $4  }
0x95: {  	s6 =	rddreg [dreg:$0xf]  }
0x96: {  	s6 =	sshrl.u32 @p0 s6, $0x3  }
0x97: {  	[dreg:$0x18] =	wrdreg s6;
	s6 =	sshrl.u32 @!p0 s16, $0x3  }
0x98: {  	s23 =	simm.s32 $0x0;
	[dreg:$0x17] =	wrdreg s6  }
0x99: {  	[tilespmem:s30], [sflag:$0x1] =	stream.indirect.gather [hbm4b:s7+s31], $0x80, s23, s31, $0xb8;
	[tilespmem:$0x1FD00] =	vst v63  }
.Ltmp6:
0x9a: {  	_ = 	snop;
	(pc) =	sbr.rel .LBB2_7-.Ltmp6, $4  }
0x9b: {  	_ = 	snop  }
0x9c: {  	[tilespmem:s0], [sflag:$0x5] =	stream.indirect.gather [spmem:s2], $0x1, s23, s31, $0xb8;
	[tilespmem:$0x1FD00] =	vst v63  }
0x9d: {  	_ = 	snop  }
0x9e: {  	[tilespmem:s29], [sflag:$0x5] =	stream.indirect.gather [spmem:s4], $0x1, s11, s31, $0xb8;
	[tilespmem:$0x1FD00] =	vst v63  }
.LBB2_13:
0x9f: {  	s23 =	sadd.s32 $0x1, s23  }
0xa0: {  	p2 =	sne.s32 s23, $0x3F  }
.Ltmp7:
0xa1: {  	_ = 	snop;
	(pc) =	sbr.rel @!p2 .LBB2_14-.Ltmp7, $1  }
0xa2: {  	_ =	sdelay $0x3  }
.LBB2_7:
0xa3: {  	s24 =	sshllo.u32 s23, $0x1  }
0xa4: {  	p3 =	sgt.u32 s24, $0x7C  }
0xa5: {  	s6 =	smul.u32 @!p3 $0x140, s24;
	_ =	sdelay $0x1  }
0xa6: {  	s9 =	simm.s32 @!p3 $0x50;
	s11 =	simm.s32 @!p3 $0x6800;
	s6 =	sshra.s32 @!p3 s6, $0x2  }
0xa7: {  	[tilespmem:s11], [sflag:$0x6] =	stream.indirect.gather @!p3 [spmem:s2], $0x1, s6, s9, $0xb8;
	[tilespmem:$0x1FD00] =	vst v63  }
0xa8: {  	s11 =	sshll.u32 @!p3 s24, $0x7  }
0xa9: {  	s11 =	sand.u32 @!p3 $0x3FFFFF80, s11  }
0xaa: {  	p2 =	seq.s32 s23, $0x0;
	s14 =	simm.s32 @!p3 $0x6900;
	s11 =	sadd.s32 @!p3 $0x2780, s11  }
0xab: {  	[tilespmem:s14], [sflag:$0x6] =	stream.indirect.gather @!p3 [spmem:s4], $0x1, s11, s9, $0xb8;
	[tilespmem:$0x1FD00] =	vst v63  }
0xac: {  	s11 =	simm.s32 @!p2 $0x7  }
0xad: {  	_ =	swait.ge @!p2 [sflag:s11], $0x50  }
0xae: {  	[sflag:s11] =	ssyncset.done @!p2 $0x0  }
0xaf: {  	[sflag:s11] =	ssyncadd.s32 @!p2 $0xFFFFFFB0  }
0xb0: {  	_ =	swait.ge [sflag:s12], $0x50  }
0xb1: {  	[sflag:s12] =	ssyncset.done $0x0  }
0xb2: {  	[sflag:s12] =	ssyncadd.s32 $0xFFFFFFB0  }
0xb3: {  	_ =	swait.ge [sflag:s12], $0x50  }
0xb4: {  	[sflag:s12] =	ssyncset.done $0x0  }
0xb5: {  	[sflag:s12] =	ssyncadd.s32 $0xFFFFFFB0  }
0xb6: {  	v1 =	vld [tilespmem:$0x6780]  }
0xb7: {  	v2 =	vld [tilespmem:$0x6880]  }
0xb8: {  	v3 =	vld [tilespmem:$0x6790]  }
0xb9: {  	v4 =	vld [tilespmem:$0x6890]  }
0xba: {  	v5 =	vld [tilespmem:$0x67A0]  }
0xbb: {  	v6 =	vld [tilespmem:$0x68A0]  }
0xbc: {  	v7 =	vld [tilespmem:$0x68B0];
	v1 =	vadd.f32 v2, v1  }
0xbd: {  	v9 =	vld [tilespmem:$0x67C0]  }
0xbe: {  	v2 =	vld [tilespmem:$0x67B0];
	v8 =	vmul.f32 $2.000000030e-01, v1  }
0xbf: {  	v10 =	vld [tilespmem:$0x68C0];
	vm0 =	vgt.f32 v1, $0.0e+00  }
0xc0: {  	v3 =	vadd.f32 v4, v3;
	v1 =	vsel vm0, v1, v8  }
0xc1: {  	v1 =	vmul.f32 $1.442695020e+00, v1  }
0xc2: {  	v5 =	vadd.f32 v6, v5;
	v4 =	vmul.f32 $2.000000030e-01, v3  }
0xc3: {  	vm12 =	vgt.f32 v3, $0.0e+00;
	(erf) = vpow2.f32 v1;
	v1 =	vadd.f32 v7, v2  }
0xc4: {  	v2 =	vsel vm12, v3, v4;
	v3 =	vmul.f32 $2.000000030e-01, v5;
	v4 =	vadd.f32 v10, v9  }
0xc5: {  	vm13 =	vgt.f32 v5, $0.0e+00;
	v2 =	vmul.f32 $1.442695020e+00, v2;
	v6 =	vmul.f32 $2.000000030e-01, v1  }
0xc6: {  	v3 =	vsel vm13, v5, v3;
	vm14 =	vgt.f32 v1, $0.0e+00;
	v5 =	vmul.f32 $2.000000030e-01, v4  }
0xc7: {  	vm15 =	vgt.f32 v4, $0.0e+00;
	v3 =	vmul.f32 $1.442695020e+00, v3;
	v1 =	vsel vm14, v1, v6  }
0xc8: {  	(erf) = vpow2.f32 v2;
	v2 =	vsel vm15, v4, v5;
	v1 =	vmul.f32 $1.442695020e+00, v1  }
0xc9: {  	(erf) = vpow2.f32 v3;
	v2 =	vmul.f32 $1.442695020e+00, v2  }
0xca: {  	(erf) = vpow2.f32 v1  }
0xcb: {  	(erf) = vpow2.f32 v2;
	_ =	sdelay $0x4  }
0xcc: {  	v1 =	vpop (erf)  }
0xcd: {  	[tilespmem:$0x6980] =	vst v1;
	v2 =	vpop (erf)  }
0xce: {  	[tilespmem:$0x6990] =	vst v2;
	v1 =	vpop (erf)  }
0xcf: {  	s16 =	sshll.u32 s23, $0x8;
	[tilespmem:$0x69A0] =	vst v1;
	v2 =	vpop (erf)  }
0xd0: {  	s11 =	sand.u32 $0x3FFFFF00, s16;
	[tilespmem:$0x69B0] =	vst v2;
	v1 =	vpop (erf)  }
0xd1: {  	s18 =	simm.s32 $0x0;
	s25 =	sadd.s32 $0x2780, s11;
	s11 =	simm.s32 @!p2 $0x4;
	[tilespmem:$0x69C0] =	vst v1  }
0xd2: {  	[spmem:s5] =	stream.indirect.scatter.add.f32 [tilespmem:s17], [sflag:$0x7], $0x1, s25, s31, $0xb8;
	[tilespmem:$0x1FD00] =	vst v63  }
0xd3: {  	v1 =	vmov s18;
	_ =	swait.ge @!p2 [sflag:s11], $0x2800  }
0xd4: {  	v1 =	vand.u32 $0xFFFFFFF8, v1;
	[sflag:s11] =	ssyncset.done @!p2 $0x0  }
0xd5: {  	v1 =	vbroadcast v1, $0x0;
	[sflag:s11] =	ssyncadd.s32 @!p2 $0xFFFFD800;
	s11 =	simm.s32 @!p3 $0x9280  }
0xd6: {  	[tilespmem:s11], [sflag:$0x2] =	stream.indirect.gather @!p3 [hbm4b:s7+s9], $0x80, s6, s9, $0xb8;
	[tilespmem:$0x1FD00] =	vst v63  }
0xd7: {  	_ =	swait.ge [sflag:s19], $0x2800  }
0xd8: {  	[sflag:s19] =	ssyncset.done $0x0  }
0xd9: {  	s6 =	simm.s32 $0x6C80;
	[sflag:s19] =	ssyncadd.s32 $0xFFFFD800  }
0xda: {  	v3 =	vld [tilespmem:s6+$0xFFFFFE70]  }
0xdb: {  	v1 =	vld.idx.msk [tilespmem:v1+s17+$0x0], $0xffff  }
0xdc: {  	v4 =	vld [tilespmem:s6+$0xFFFFFE00]  }
0xdd: {  	v5 =	vld [tilespmem:s6+$0xFFFFFE20]  }
0xde: {  	v6 =	vld [tilespmem:s6+$0xFFFFFE30]  }
0xdf: {  	v2 =	vld [tilespmem:s6+$0xFFFFFE50]  }
0xe0: {  	v8 =	vld [tilespmem:s6+$0xFFFFFE10];
	v3 =	vmul.f32 v3, v1  }
0xe1: {  	s14 =	simm.s32 $0x1;
	v7 =	vld [tilespmem:s6+$0xFFFFFE60];
	v4 =	vmul.f32 v4, v1  }
0xe2: {  	v9 =	vld [tilespmem:s6+$0xFFFFFE40];
	v5 =	vmul.f32 v5, v1;
	[tilespmem:s6+$0xFFFFFE70] =	vst v3;
	v3 =	vmov s14  }
0xe3: {  	v6 =	vmul.f32 v6, v1;
	[tilespmem:s6+$0xFFFFFE00] =	vst v4;
	v3 =	vand.u32 $0xFFFFFFF9, v3  }
0xe4: {  	v2 =	vmul.f32 v2, v1;
	[tilespmem:s6+$0xFFFFFE20] =	vst v5;
	v3 =	vbroadcast v3, $0x0  }
0xe5: {  	v4 =	vmul.f32 v8, v1;
	[tilespmem:s6+$0xFFFFFE30] =	vst v6  }
0xe6: {  	v5 =	vmul.f32 v7, v1;
	[tilespmem:s6+$0xFFFFFE50] =	vst v2  }
0xe7: {  	v1 =	vmul.f32 v9, v1;
	[tilespmem:s6+$0xFFFFFE10] =	vst v4  }
0xe8: {  	[tilespmem:s6+$0xFFFFFE60] =	vst v5  }
0xe9: {  	[tilespmem:s6+$0xFFFFFE40] =	vst v1  }
0xea: {  	v1 =	vld.idx.msk [tilespmem:v3+s17+$0x0], $0xffff  }
0xeb: {  	v3 =	vld [tilespmem:s6+$0xFFFFFE90]  }
0xec: {  	v4 =	vld [tilespmem:s6+$0xFFFFFEC0]  }
0xed: {  	v5 =	vld [tilespmem:s6+$0xFFFFFE80]  }
0xee: {  	v6 =	vld [tilespmem:s6+$0xFFFFFED0]  }
0xef: {  	v2 =	vld [tilespmem:s6+$0xFFFFFEF0]  }
0xf0: {  	v7 =	vld [tilespmem:s6+$0xFFFFFEE0];
	v3 =	vmul.f32 v3, v1  }
0xf1: {  	s15 =	simm.s32 $0x2;
	v8 =	vld [tilespmem:s6+$0xFFFFFEB0];
	v4 =	vmul.f32 v4, v1  }
0xf2: {  	v9 =	vld [tilespmem:s6+$0xFFFFFEA0];
	v5 =	vmul.f32 v5, v1;
	[tilespmem:s6+$0xFFFFFE90] =	vst v3;
	v3 =	vmov s15  }
0xf3: {  	v6 =	vmul.f32 v6, v1;
	[tilespmem:s6+$0xFFFFFEC0] =	vst v4;
	v3 =	vand.u32 $0xFFFFFFFA, v3  }
0xf4: {  	v2 =	vmul.f32 v2, v1;
	[tilespmem:s6+$0xFFFFFE80] =	vst v5;
	v3 =	vbroadcast v3, $0x0  }
0xf5: {  	v4 =	vmul.f32 v7, v1;
	[tilespmem:s6+$0xFFFFFED0] =	vst v6  }
0xf6: {  	v5 =	vmul.f32 v8, v1;
	[tilespmem:s6+$0xFFFFFEF0] =	vst v2  }
0xf7: {  	v1 =	vmul.f32 v9, v1;
	[tilespmem:s6+$0xFFFFFEE0] =	vst v4  }
0xf8: {  	[tilespmem:s6+$0xFFFFFEB0] =	vst v5  }
0xf9: {  	v2 =	vld [tilespmem:s6+$0xFFFFFF00];
	[tilespmem:s6+$0xFFFFFEA0] =	vst v1  }
0xfa: {  	v1 =	vld.idx.msk [tilespmem:v3+s17+$0x0], $0xffff  }
0xfb: {  	v3 =	vld [tilespmem:s6+$0xFFFFFF60]  }
0xfc: {  	v4 =	vld [tilespmem:s6+$0xFFFFFF10]  }
0xfd: {  	v5 =	vld [tilespmem:s6+$0xFFFFFF50]  }
0xfe: {  	v6 =	vld [tilespmem:s6+$0xFFFFFF70]  }
0xff: {  	v7 =	vld [tilespmem:s6+$0xFFFFFF20];
	v2 =	vmul.f32 v2, v1  }
0x100: {  	s16 =	simm.s32 $0x3;
	v8 =	vld [tilespmem:s6+$0xFFFFFF30];
	v3 =	vmul.f32 v3, v1  }
0x101: {  	v9 =	vld [tilespmem:s6+$0xFFFFFF40];
	v4 =	vmul.f32 v4, v1;
	[tilespmem:s6+$0xFFFFFF00] =	vst v2;
	v2 =	vmov s16  }
0x102: {  	v5 =	vmul.f32 v5, v1;
	[tilespmem:s6+$0xFFFFFF60] =	vst v3;
	v2 =	vand.u32 $0xFFFFFFFB, v2  }
0x103: {  	v3 =	vmul.f32 v6, v1;
	[tilespmem:s6+$0xFFFFFF10] =	vst v4;
	v2 =	vbroadcast v2, $0x0  }
0x104: {  	v4 =	vmul.f32 v7, v1;
	[tilespmem:s6+$0xFFFFFF50] =	vst v5  }
0x105: {  	v5 =	vmul.f32 v8, v1;
	[tilespmem:s6+$0xFFFFFF70] =	vst v3  }
0x106: {  	v1 =	vmul.f32 v9, v1;
	[tilespmem:s6+$0xFFFFFF20] =	vst v4  }
0x107: {  	[tilespmem:s6+$0xFFFFFF30] =	vst v5  }
0x108: {  	[tilespmem:s6+$0xFFFFFF40] =	vst v1  }
0x109: {  	v1 =	vld.idx.msk [tilespmem:v2+s17+$0x0], $0xffff  }
0x10a: {  	v2 =	vld [tilespmem:s6+$0xFFFFFFB0]  }
0x10b: {  	v4 =	vld [tilespmem:s6+$0xFFFFFFE0]  }
0x10c: {  	v5 =	vld [tilespmem:s6+$0xFFFFFF80]  }
0x10d: {  	v6 =	vld [tilespmem:s6+$0xFFFFFFD0]  }
0x10e: {  	v3 =	vld [tilespmem:s6+$0xFFFFFFF0]  }
0x10f: {  	v8 =	vld [tilespmem:s6+$0xFFFFFFA0];
	v2 =	vmul.f32 v2, v1  }
0x110: {  	s18 =	simm.s32 $0x4;
	v7 =	vld [tilespmem:s6+$0xFFFFFF90];
	v4 =	vmul.f32 v4, v1  }
0x111: {  	v9 =	vld [tilespmem:s6+$0xFFFFFFC0];
	v5 =	vmul.f32 v5, v1;
	[tilespmem:s6+$0xFFFFFFB0] =	vst v2;
	v2 =	vmov s18  }
0x112: {  	v6 =	vmul.f32 v6, v1;
	[tilespmem:s6+$0xFFFFFFE0] =	vst v4;
	v2 =	vand.u32 $0xFFFFFFFC, v2  }
0x113: {  	v3 =	vmul.f32 v3, v1;
	[tilespmem:s6+$0xFFFFFF80] =	vst v5;
	v2 =	vbroadcast v2, $0x0  }
0x114: {  	v10 =	vld [tilespmem:s6+$0x40];
	v4 =	vmul.f32 v8, v1;
	[tilespmem:s6+$0xFFFFFFD0] =	vst v6  }
0x115: {  	v5 =	vmul.f32 v7, v1;
	[tilespmem:s6+$0xFFFFFFF0] =	vst v3;
	v8 =	vld [tilespmem:s6+$0x0]  }
0x116: {  	v3 =	vmul.f32 v9, v1;
	v1 =	vld [tilespmem:s6+$0x70];
	[tilespmem:s6+$0xFFFFFFA0] =	vst v4  }
0x117: {  	v7 =	vld [tilespmem:s6+$0x20];
	[tilespmem:s6+$0xFFFFFF90] =	vst v5  }
0x118: {  	v6 =	vld [tilespmem:s6+$0x30];
	[tilespmem:s6+$0xFFFFFFC0] =	vst v3  }
0x119: {  	v2 =	vld.idx.msk [tilespmem:v2+s17+$0x0], $0xffff  }
0x11a: {  	v3 =	vld [tilespmem:s6+$0x50]  }
0x11b: {  	v4 =	vld [tilespmem:s6+$0x10]  }
0x11c: {  	v5 =	vld [tilespmem:s6+$0x60]  }
0x11d: {  	s9 =	sshll.u32 s23, $0x1  }
0x11e: {  	s11 =	simm.s32 $0x7;
	s14 =	simm.s32 $0xF;
	s15 =	simm.s32 $0x6C80;
	v9 =	vmul.f32 v8, v2;
	v8 =	vmul.f32 v10, v2  }
.LBB2_8:
0x11f: {  	p4 =	sne.s32 s14, $0x4F;
	v7 =	vmul.f32 v7, v2;
	v6 =	vmul.f32 v6, v2;
	s18 =	sadd.s32 $0xFFFFFFFE, s11;
	s6 =	sadd.s32 $0x400, s6  }
0x120: {  	v3 =	vmul.f32 v3, v2;
	[tilespmem:s15+$0x0] =	vst v9;
	v4 =	vmul.f32 v4, v2;
	v9 =	vmov s18;
	s18 =	smov.u32 s14;
	s14 =	sadd.s32 $0x8, s14  }
0x121: {  	v1 =	vmul.f32 v1, v2;
	[tilespmem:s15+$0x40] =	vst v8;
	v5 =	vmul.f32 v5, v2;
	v2 =	vand.u32 $0xFFFFFFFD, v9  }
0x122: {  	[tilespmem:s15+$0x20] =	vst v7;
	v2 =	vbroadcast v2, $0x0  }
0x123: {  	[tilespmem:s15+$0x50] =	vst v3  }
0x124: {  	[tilespmem:s15+$0x70] =	vst v1;
	v1 =	vld [tilespmem:s15+$0xA0]  }
0x125: {  	[tilespmem:s15+$0x30] =	vst v6;
	v3 =	vld [tilespmem:s15+$0x80]  }
0x126: {  	[tilespmem:s15+$0x60] =	vst v5;
	v5 =	vld [tilespmem:s15+$0xD0]  }
0x127: {  	[tilespmem:s15+$0x10] =	vst v4;
	v4 =	vld [tilespmem:s15+$0xF0]  }
0x128: {  	v2 =	vld.idx.msk [tilespmem:v2+s17+$0x0], $0xffff  }
0x129: {  	v6 =	vld [tilespmem:s15+$0xC0]  }
0x12a: {  	v7 =	vld [tilespmem:s15+$0xB0]  }
0x12b: {  	v8 =	vld [tilespmem:s15+$0x90]  }
0x12c: {  	v9 =	vld [tilespmem:s15+$0xE0];
	_ =	sdelay $0x1  }
0x12d: {  	v3 =	vmul.f32 v3, v2;
	v6 =	vmul.f32 v6, v2  }
0x12e: {  	s16 =	sadd.s32 $0xFFFFFFFF, s11;
	v1 =	vmul.f32 v1, v2;
	v7 =	vmul.f32 v7, v2  }
0x12f: {  	v5 =	vmul.f32 v5, v2;
	[tilespmem:s15+$0x80] =	vst v3;
	v3 =	vmul.f32 v8, v2;
	v8 =	vmov s16  }
0x130: {  	[tilespmem:s15+$0xA0] =	vst v1;
	v1 =	vmul.f32 v9, v2;
	v2 =	vmul.f32 v4, v2;
	v4 =	vand.u32 $0xFFFFFFFE, v8  }
0x131: {  	[tilespmem:s15+$0xD0] =	vst v5;
	v4 =	vbroadcast v4, $0x0  }
0x132: {  	[tilespmem:s15+$0xC0] =	vst v6  }
0x133: {  	[tilespmem:s15+$0xF0] =	vst v2;
	v2 =	vld [tilespmem:s15+$0x120]  }
0x134: {  	[tilespmem:s15+$0xB0] =	vst v7;
	v5 =	vld [tilespmem:s15+$0x100]  }
0x135: {  	[tilespmem:s15+$0x90] =	vst v3;
	v3 =	vld [tilespmem:s15+$0x140]  }
0x136: {  	[tilespmem:s15+$0xE0] =	vst v1;
	v1 =	vld [tilespmem:s15+$0x130]  }
0x137: {  	v4 =	vld.idx.msk [tilespmem:v4+s17+$0x0], $0xffff  }
0x138: {  	v6 =	vld [tilespmem:s15+$0x110]  }
0x139: {  	v7 =	vld [tilespmem:s15+$0x160]  }
0x13a: {  	v8 =	vld [tilespmem:s15+$0x150]  }
0x13b: {  	v9 =	vld [tilespmem:s15+$0x170];
	_ =	sdelay $0x1  }
0x13c: {  	v5 =	vmul.f32 v5, v4;
	v6 =	vmul.f32 v6, v4  }
0x13d: {  	v2 =	vmul.f32 v2, v4;
	v1 =	vmul.f32 v1, v4  }
0x13e: {  	v3 =	vmul.f32 v3, v4;
	[tilespmem:s15+$0x100] =	vst v5;
	v5 =	vmul.f32 v8, v4  }
0x13f: {  	[tilespmem:s15+$0x120] =	vst v2;
	v2 =	vmul.f32 v7, v4;
	v4 =	vmul.f32 v9, v4  }
0x140: {  	[tilespmem:s15+$0x130] =	vst v1  }
0x141: {  	v1 =	vmov s11;
	s11 =	smov.u32 s18;
	[tilespmem:s15+$0x140] =	vst v3  }
0x142: {  	[tilespmem:s15+$0x160] =	vst v2;
	v2 =	vld [tilespmem:s15+$0x180]  }
0x143: {  	[tilespmem:s15+$0x110] =	vst v6;
	v3 =	vld [tilespmem:s15+$0x1A0]  }
0x144: {  	[tilespmem:s15+$0x150] =	vst v5;
	v5 =	vld [tilespmem:s15+$0x1F0]  }
0x145: {  	[tilespmem:s15+$0x170] =	vst v4;
	v4 =	vld [tilespmem:s15+$0x1D0]  }
0x146: {  	v1 =	vld.idx.msk [tilespmem:v1+s17+$0x0], $0xffff  }
0x147: {  	v6 =	vld [tilespmem:s15+$0x190]  }
0x148: {  	v7 =	vld [tilespmem:s15+$0x1B0]  }
0x149: {  	v8 =	vld [tilespmem:s15+$0x1C0]  }
0x14a: {  	v9 =	vld [tilespmem:s15+$0x1E0];
	_ =	sdelay $0x1  }
0x14b: {  	v2 =	vmul.f32 v2, v1;
	v6 =	vmul.f32 v6, v1  }
0x14c: {  	s16 =	sadd.s32 $0xFFFFFFF9, s11;
	v3 =	vmul.f32 v3, v1;
	v7 =	vmul.f32 v7, v1  }
0x14d: {  	v10 =	vmov s16;
	v4 =	vmul.f32 v4, v1;
	[tilespmem:s15+$0x180] =	vst v2;
	v2 =	vmul.f32 v8, v1  }
0x14e: {  	v8 =	vand.u32 $0xFFFFFFF8, v10;
	[tilespmem:s15+$0x190] =	vst v6;
	v6 =	vmul.f32 v9, v1;
	v1 =	vmul.f32 v5, v1  }
0x14f: {  	v5 =	vbroadcast v8, $0x0;
	[tilespmem:s15+$0x1A0] =	vst v3  }
0x150: {  	[tilespmem:s15+$0x1F0] =	vst v1  }
0x151: {  	v1 =	vld [tilespmem:s6+$0xFFFFFE50];
	[tilespmem:s15+$0x1D0] =	vst v4  }
0x152: {  	v3 =	vld [tilespmem:s6+$0xFFFFFE30];
	[tilespmem:s15+$0x1B0] =	vst v7  }
0x153: {  	v4 =	vld [tilespmem:s6+$0xFFFFFE60];
	[tilespmem:s15+$0x1E0] =	vst v6  }
0x154: {  	v6 =	vld [tilespmem:s6+$0xFFFFFE70];
	[tilespmem:s15+$0x1C0] =	vst v2;
	s15 =	smov.u32 s6  }
0x155: {  	v2 =	vld.idx.msk [tilespmem:v5+s17+$0x0], $0xffff  }
0x156: {  	v5 =	vld [tilespmem:s6+$0xFFFFFE00]  }
0x157: {  	v7 =	vld [tilespmem:s6+$0xFFFFFE20]  }
0x158: {  	v8 =	vld [tilespmem:s6+$0xFFFFFE10]  }
0x159: {  	v9 =	vld [tilespmem:s6+$0xFFFFFE40];
	_ =	sdelay $0x1  }
0x15a: {  	v6 =	vmul.f32 v6, v2;
	v5 =	vmul.f32 v5, v2  }
0x15b: {  	s16 =	sadd.s32 $0xFFFFFFFA, s11;
	v4 =	vmul.f32 v4, v2;
	v7 =	vmul.f32 v7, v2  }
0x15c: {  	v3 =	vmul.f32 v3, v2;
	v8 =	vmul.f32 v8, v2;
	[tilespmem:s6+$0xFFFFFE70] =	vst v6;
	v6 =	vmov s16  }
0x15d: {  	v1 =	vmul.f32 v1, v2;
	[tilespmem:s6+$0xFFFFFE00] =	vst v5;
	v5 =	vmul.f32 v9, v2;
	v2 =	vand.u32 $0xFFFFFFF9, v6  }
0x15e: {  	[tilespmem:s6+$0xFFFFFE20] =	vst v7;
	v2 =	vbroadcast v2, $0x0  }
0x15f: {  	[tilespmem:s6+$0xFFFFFE30] =	vst v3  }
0x160: {  	[tilespmem:s6+$0xFFFFFE50] =	vst v1;
	v1 =	vld [tilespmem:s6+$0xFFFFFEF0]  }
0x161: {  	[tilespmem:s6+$0xFFFFFE10] =	vst v8;
	v3 =	vld [tilespmem:s6+$0xFFFFFED0]  }
0x162: {  	[tilespmem:s6+$0xFFFFFE60] =	vst v4;
	v4 =	vld [tilespmem:s6+$0xFFFFFEB0]  }
0x163: {  	[tilespmem:s6+$0xFFFFFE40] =	vst v5;
	v5 =	vld [tilespmem:s6+$0xFFFFFEC0]  }
0x164: {  	v2 =	vld.idx.msk [tilespmem:v2+s17+$0x0], $0xffff  }
0x165: {  	v6 =	vld [tilespmem:s6+$0xFFFFFE90]  }
0x166: {  	v7 =	vld [tilespmem:s6+$0xFFFFFE80]  }
0x167: {  	v8 =	vld [tilespmem:s6+$0xFFFFFEA0]  }
0x168: {  	v9 =	vld [tilespmem:s6+$0xFFFFFEE0];
	_ =	sdelay $0x1  }
0x169: {  	v5 =	vmul.f32 v5, v2;
	v6 =	vmul.f32 v6, v2  }
0x16a: {  	s16 =	sadd.s32 $0xFFFFFFFB, s11;
	v4 =	vmul.f32 v4, v2;
	v7 =	vmul.f32 v7, v2  }
0x16b: {  	v3 =	vmul.f32 v3, v2;
	[tilespmem:s6+$0xFFFFFE90] =	vst v6;
	v6 =	vmul.f32 v8, v2;
	v8 =	vmov s16  }
0x16c: {  	v1 =	vmul.f32 v1, v2;
	[tilespmem:s6+$0xFFFFFEC0] =	vst v5;
	v5 =	vmul.f32 v9, v2;
	v2 =	vand.u32 $0xFFFFFFFA, v8  }
0x16d: {  	[tilespmem:s6+$0xFFFFFE80] =	vst v7;
	v2 =	vbroadcast v2, $0x0  }
0x16e: {  	[tilespmem:s6+$0xFFFFFED0] =	vst v3  }
0x16f: {  	[tilespmem:s6+$0xFFFFFEE0] =	vst v5;
	v3 =	vld [tilespmem:s6+$0xFFFFFF70]  }
0x170: {  	[tilespmem:s6+$0xFFFFFEB0] =	vst v4;
	v4 =	vld [tilespmem:s6+$0xFFFFFF50]  }
0x171: {  	[tilespmem:s6+$0xFFFFFEF0] =	vst v1;
	v1 =	vld [tilespmem:s6+$0xFFFFFF20]  }
0x172: {  	[tilespmem:s6+$0xFFFFFEA0] =	vst v6;
	v5 =	vld [tilespmem:s6+$0xFFFFFF60]  }
0x173: {  	v2 =	vld.idx.msk [tilespmem:v2+s17+$0x0], $0xffff  }
0x174: {  	v6 =	vld [tilespmem:s6+$0xFFFFFF00]  }
0x175: {  	v7 =	vld [tilespmem:s6+$0xFFFFFF10]  }
0x176: {  	v8 =	vld [tilespmem:s6+$0xFFFFFF40]  }
0x177: {  	v9 =	vld [tilespmem:s6+$0xFFFFFF30];
	_ =	sdelay $0x1  }
0x178: {  	v5 =	vmul.f32 v5, v2;
	v6 =	vmul.f32 v6, v2  }
0x179: {  	s16 =	sadd.s32 $0xFFFFFFFC, s11;
	v1 =	vmul.f32 v1, v2;
	v7 =	vmul.f32 v7, v2  }
0x17a: {  	v4 =	vmul.f32 v4, v2;
	[tilespmem:s6+$0xFFFFFF00] =	vst v6;
	v6 =	vmul.f32 v8, v2;
	v8 =	vmov s16  }
0x17b: {  	v9 =	vmul.f32 v9, v2;
	[tilespmem:s6+$0xFFFFFF60] =	vst v5;
	v2 =	vmul.f32 v3, v2;
	v3 =	vand.u32 $0xFFFFFFFB, v8  }
0x17c: {  	[tilespmem:s6+$0xFFFFFF10] =	vst v7;
	v3 =	vbroadcast v3, $0x0  }
0x17d: {  	[tilespmem:s6+$0xFFFFFF50] =	vst v4  }
0x17e: {  	[tilespmem:s6+$0xFFFFFF70] =	vst v2;
	v2 =	vld [tilespmem:s6+$0xFFFFFFF0]  }
0x17f: {  	[tilespmem:s6+$0xFFFFFF20] =	vst v1;
	v1 =	vld [tilespmem:s6+$0xFFFFFFD0]  }
0x180: {  	[tilespmem:s6+$0xFFFFFF30] =	vst v9;
	v4 =	vld [tilespmem:s6+$0xFFFFFF90]  }
0x181: {  	[tilespmem:s6+$0xFFFFFF40] =	vst v6;
	v5 =	vld [tilespmem:s6+$0xFFFFFFE0]  }
0x182: {  	v3 =	vld.idx.msk [tilespmem:v3+s17+$0x0], $0xffff  }
0x183: {  	v6 =	vld [tilespmem:s6+$0xFFFFFFB0]  }
0x184: {  	v7 =	vld [tilespmem:s6+$0xFFFFFF80]  }
0x185: {  	v8 =	vld [tilespmem:s6+$0xFFFFFFC0]  }
0x186: {  	v9 =	vld [tilespmem:s6+$0xFFFFFFA0];
	_ =	sdelay $0x1  }
0x187: {  	v5 =	vmul.f32 v5, v3;
	v6 =	vmul.f32 v6, v3  }
0x188: {  	s16 =	sadd.s32 $0xFFFFFFFD, s11;
	v4 =	vmul.f32 v4, v3;
	v7 =	vmul.f32 v7, v3  }
0x189: {  	v1 =	vmul.f32 v1, v3;
	[tilespmem:s6+$0xFFFFFFB0] =	vst v6;
	v6 =	vmul.f32 v8, v3;
	v8 =	vmov s16  }
0x18a: {  	v2 =	vmul.f32 v2, v3;
	v9 =	vmul.f32 v9, v3;
	[tilespmem:s6+$0xFFFFFFE0] =	vst v5;
	v3 =	vand.u32 $0xFFFFFFFC, v8  }
0x18b: {  	[tilespmem:s6+$0xFFFFFF80] =	vst v7;
	v5 =	vbroadcast v3, $0x0  }
0x18c: {  	[tilespmem:s6+$0xFFFFFFD0] =	vst v1  }
0x18d: {  	[tilespmem:s6+$0xFFFFFFF0] =	vst v2;
	v8 =	vld [tilespmem:s6+$0x0]  }
0x18e: {  	[tilespmem:s6+$0xFFFFFFA0] =	vst v9;
	v1 =	vld [tilespmem:s6+$0x70]  }
0x18f: {  	[tilespmem:s6+$0xFFFFFF90] =	vst v4;
	v3 =	vld [tilespmem:s6+$0x50]  }
0x190: {  	[tilespmem:s6+$0xFFFFFFC0] =	vst v6;
	v7 =	vld [tilespmem:s6+$0x20]  }
0x191: {  	v2 =	vld.idx.msk [tilespmem:v5+s17+$0x0], $0xffff  }
0x192: {  	v10 =	vld [tilespmem:s6+$0x40]  }
.Ltmp8:
0x193: {  	v6 =	vld [tilespmem:s6+$0x30];
	(pc) =	sbr.rel @p4 .LBB2_8-.Ltmp8, $3  }
0x194: {  	v4 =	vld [tilespmem:s6+$0x10]  }
0x195: {  	v5 =	vld [tilespmem:s6+$0x60];
	_ =	sdelay $0x1  }
0x196: {  	v9 =	vmul.f32 v8, v2;
	v8 =	vmul.f32 v10, v2  }
0x197: {  	s6 =	sadd.s32 $0xFFFFFFFE, s11  }
0x198: {  	v7 =	vmul.f32 v7, v2;
	[tilespmem:s15+$0x0] =	vst v9;
	v37 =	vmov s6  }
0x199: {  	v3 =	vmul.f32 v3, v2;
	[tilespmem:s15+$0x40] =	vst v8;
	v38 =	vand.u32 $0xFFFFFFFD, v37  }
0x19a: {  	v1 =	vmul.f32 v1, v2;
	[tilespmem:s15+$0x20] =	vst v7;
	v39 =	vbroadcast v38, $0x0  }
0x19b: {  	v6 =	vmul.f32 v6, v2;
	[tilespmem:s15+$0x50] =	vst v3  }
0x19c: {  	v3 =	vmul.f32 v5, v2;
	[tilespmem:s15+$0x70] =	vst v1  }
0x19d: {  	v1 =	vmul.f32 v4, v2;
	[tilespmem:s15+$0x30] =	vst v6  }
0x19e: {  	[tilespmem:s15+$0x60] =	vst v3  }
0x19f: {  	v2 =	vld [tilespmem:s15+$0x80];
	[tilespmem:s15+$0x10] =	vst v1  }
0x1a0: {  	v1 =	vld.idx.msk [tilespmem:v39+s17+$0x0], $0xffff  }
0x1a1: {  	v3 =	vld [tilespmem:s15+$0xA0]  }
0x1a2: {  	v40 =	vld [tilespmem:s15+$0xD0]  }
0x1a3: {  	v41 =	vld [tilespmem:s15+$0xC0]  }
0x1a4: {  	v42 =	vld [tilespmem:s15+$0xF0]  }
0x1a5: {  	v44 =	vld [tilespmem:s15+$0x90];
	v2 =	vmul.f32 v2, v1  }
0x1a6: {  	v43 =	vld [tilespmem:s15+$0xB0];
	s18 =	sadd.s32 $0xFFFFFFFF, s11;
	v3 =	vmul.f32 v3, v1  }
0x1a7: {  	v45 =	vld [tilespmem:s15+$0xE0];
	v46 =	vmov s18;
	[tilespmem:s15+$0x80] =	vst v2;
	v2 =	vmul.f32 v40, v1  }
0x1a8: {  	v5 =	vmul.f32 v41, v1;
	[tilespmem:s15+$0xA0] =	vst v3;
	v3 =	vand.u32 $0xFFFFFFFE, v46  }
0x1a9: {  	v47 =	vmul.f32 v42, v1;
	[tilespmem:s15+$0xD0] =	vst v2;
	v2 =	vbroadcast v3, $0x0  }
0x1aa: {  	v48 =	vmul.f32 v44, v1;
	[tilespmem:s15+$0xC0] =	vst v5  }
0x1ab: {  	[tilespmem:s15+$0xF0] =	vst v47;
	v3 =	vmul.f32 v43, v1  }
0x1ac: {  	[tilespmem:s15+$0x90] =	vst v48;
	v1 =	vmul.f32 v45, v1  }
0x1ad: {  	[tilespmem:s15+$0xB0] =	vst v3  }
0x1ae: {  	v3 =	vld [tilespmem:s15+$0x100];
	[tilespmem:s15+$0xE0] =	vst v1  }
0x1af: {  	v1 =	vld.idx.msk [tilespmem:v2+s17+$0x0], $0xffff  }
0x1b0: {  	v2 =	vld [tilespmem:s15+$0x120]  }
0x1b1: {  	v49 =	vld [tilespmem:s15+$0x130]  }
0x1b2: {  	v50 =	vld [tilespmem:s15+$0x140]  }
0x1b3: {  	v52 =	vld [tilespmem:s15+$0x110]  }
0x1b4: {  	v53 =	vld [tilespmem:s15+$0x150];
	v3 =	vmul.f32 v3, v1  }
0x1b5: {  	v51 =	vld [tilespmem:s15+$0x160];
	v2 =	vmul.f32 v2, v1  }
0x1b6: {  	v54 =	vld [tilespmem:s15+$0x170];
	v4 =	vmul.f32 v49, v1;
	[tilespmem:s15+$0x100] =	vst v3  }
0x1b7: {  	v3 =	vmul.f32 v50, v1;
	[tilespmem:s15+$0x120] =	vst v2  }
0x1b8: {  	v55 =	vmul.f32 v52, v1;
	[tilespmem:s15+$0x130] =	vst v4  }
0x1b9: {  	v56 =	vmul.f32 v53, v1;
	[tilespmem:s15+$0x140] =	vst v3;
	v3 =	vmov s11  }
0x1ba: {  	v2 =	vmul.f32 v51, v1;
	[tilespmem:s15+$0x110] =	vst v55  }
0x1bb: {  	v1 =	vmul.f32 v54, v1;
	[tilespmem:s15+$0x150] =	vst v56  }
0x1bc: {  	[tilespmem:s15+$0x160] =	vst v2  }
0x1bd: {  	v2 =	vld [tilespmem:s15+$0x180];
	[tilespmem:s15+$0x170] =	vst v1  }
0x1be: {  	v1 =	vld.idx.msk [tilespmem:v3+s17+$0x0], $0xffff  }
0x1bf: {  	v3 =	vld [tilespmem:s15+$0x190]  }
0x1c0: {  	v57 =	vld [tilespmem:s15+$0x1A0]  }
0x1c1: {  	v60 =	vld [tilespmem:s15+$0x1B0]  }
0x1c2: {  	v58 =	vld [tilespmem:s15+$0x1F0]  }
0x1c3: {  	v59 =	vld [tilespmem:s15+$0x1D0];
	v2 =	vmul.f32 v2, v1  }
0x1c4: {  	v61 =	vld [tilespmem:s15+$0x1E0];
	v3 =	vmul.f32 v3, v1  }
0x1c5: {  	v62 =	vld [tilespmem:s15+$0x1C0];
	v4 =	vmul.f32 v57, v1;
	[tilespmem:s15+$0x180] =	vst v2  }
0x1c6: {  	v63 =	vmul.f32 v60, v1;
	[tilespmem:s15+$0x190] =	vst v3  }
0x1c7: {  	v2 =	vmul.f32 v58, v1;
	[tilespmem:s15+$0x1A0] =	vst v4  }
0x1c8: {  	v3 =	vmul.f32 v59, v1;
	[tilespmem:s15+$0x1B0] =	vst v63  }
.Ltmp9:
0x1c9: {  	[tilespmem:s15+$0x1F0] =	vst v2;
	v2 =	vmul.f32 v61, v1;
	(pc) =	sbr.rel @p3 .LBB2_13-.Ltmp9, $4  }
0x1ca: {  	[tilespmem:s15+$0x1D0] =	vst v3;
	v1 =	vmul.f32 v62, v1  }
0x1cb: {  	[tilespmem:s15+$0x1E0] =	vst v2  }
0x1cc: {  	[tilespmem:s15+$0x1C0] =	vst v1  }
0x1cd: {  	[spmem:s1] =	stream.indirect.scatter.add.f32 [tilespmem:s30], [sflag:$0x3], $0x80, s25, s31, $0xb8;
	[tilespmem:$0x1FD00] =	vst v63  }
0x1ce: {  	s9 =	sadd.s32 $0x2, s9  }
0x1cf: {  	s6 =	smul.u32 $0x140, s9  }
0x1d0: {  	s9 =	sshll.u32 s9, $0x7  }
0x1d1: {  	s9 =	sand.u32 $0x3FFFFF80, s9;
	s6 =	sshra.s32 s6, $0x2  }
0x1d2: {  	[tilespmem:s0], [sflag:$0x5] =	stream.indirect.gather [spmem:s2], $0x1, s6, s31, $0xb8;
	[tilespmem:$0x1FD00] =	vst v63  }
0x1d3: {  	s9 =	sadd.s32 $0x2780, s9  }
0x1d4: {  	[tilespmem:s29], [sflag:$0x5] =	stream.indirect.gather [spmem:s4], $0x1, s9, s31, $0xb8;
	[tilespmem:$0x1FD00] =	vst v63  }
0x1d5: {  	s9 =	simm.s32 @!p2 $0x8  }
0x1d6: {  	_ =	swait.ge @!p2 [sflag:s9], $0x50  }
0x1d7: {  	[sflag:s9] =	ssyncset.done @!p2 $0x0  }
0x1d8: {  	[sflag:s9] =	ssyncadd.s32 @!p2 $0xFFFFFFB0  }
0x1d9: {  	_ =	swait.ge [sflag:s20], $0x50  }
0x1da: {  	[sflag:s20] =	ssyncset.done $0x0  }
0x1db: {  	[sflag:s20] =	ssyncadd.s32 $0xFFFFFFB0  }
0x1dc: {  	_ =	swait.ge [sflag:s20], $0x50  }
0x1dd: {  	[sflag:s20] =	ssyncset.done $0x0  }
0x1de: {  	[sflag:s20] =	ssyncadd.s32 $0xFFFFFFB0  }
0x1df: {  	v1 =	vld [tilespmem:$0x6800]  }
0x1e0: {  	v2 =	vld [tilespmem:$0x6900]  }
0x1e1: {  	v3 =	vld [tilespmem:$0x6810]  }
0x1e2: {  	v4 =	vld [tilespmem:$0x6910]  }
0x1e3: {  	v5 =	vld [tilespmem:$0x6820]  }
0x1e4: {  	v6 =	vld [tilespmem:$0x6920]  }
0x1e5: {  	v7 =	vld [tilespmem:$0x6930];
	v1 =	vadd.f32 v2, v1  }
0x1e6: {  	v9 =	vld [tilespmem:$0x6840]  }
0x1e7: {  	v2 =	vld [tilespmem:$0x6830];
	v8 =	vmul.f32 $2.000000030e-01, v1  }
0x1e8: {  	v10 =	vld [tilespmem:$0x6940];
	vm0 =	vgt.f32 v1, $0.0e+00  }
0x1e9: {  	v3 =	vadd.f32 v4, v3;
	v1 =	vsel vm0, v1, v8  }
0x1ea: {  	v1 =	vmul.f32 $1.442695020e+00, v1  }
0x1eb: {  	v5 =	vadd.f32 v6, v5;
	v4 =	vmul.f32 $2.000000030e-01, v3  }
0x1ec: {  	vm12 =	vgt.f32 v3, $0.0e+00;
	(erf) = vpow2.f32 v1;
	v1 =	vadd.f32 v7, v2  }
0x1ed: {  	v2 =	vsel vm12, v3, v4;
	v3 =	vmul.f32 $2.000000030e-01, v5;
	v4 =	vadd.f32 v10, v9  }
0x1ee: {  	vm13 =	vgt.f32 v5, $0.0e+00;
	v2 =	vmul.f32 $1.442695020e+00, v2;
	v6 =	vmul.f32 $2.000000030e-01, v1  }
0x1ef: {  	v3 =	vsel vm13, v5, v3;
	vm14 =	vgt.f32 v1, $0.0e+00;
	v5 =	vmul.f32 $2.000000030e-01, v4  }
0x1f0: {  	vm15 =	vgt.f32 v4, $0.0e+00;
	v3 =	vmul.f32 $1.442695020e+00, v3;
	v1 =	vsel vm14, v1, v6  }
0x1f1: {  	(erf) = vpow2.f32 v2;
	v2 =	vsel vm15, v4, v5;
	v1 =	vmul.f32 $1.442695020e+00, v1  }
0x1f2: {  	(erf) = vpow2.f32 v3;
	v2 =	vmul.f32 $1.442695020e+00, v2  }
0x1f3: {  	(erf) = vpow2.f32 v1  }
0x1f4: {  	(erf) = vpow2.f32 v2;
	_ =	sdelay $0x4  }
0x1f5: {  	v1 =	vpop (erf)  }
0x1f6: {  	[tilespmem:$0x6A00] =	vst v1;
	v2 =	vpop (erf)  }
0x1f7: {  	[tilespmem:$0x6A10] =	vst v2;
	v1 =	vpop (erf)  }
0x1f8: {  	s11 =	sshll.u32 s24, $0x7;
	[tilespmem:$0x6A20] =	vst v1;
	v2 =	vpop (erf)  }
0x1f9: {  	s9 =	sand.u32 $0x3FFFFF80, s11;
	[tilespmem:$0x6A30] =	vst v2;
	v1 =	vpop (erf)  }
0x1fa: {  	s14 =	simm.s32 $0x0;
	s24 =	sadd.s32 $0x2780, s9;
	[tilespmem:$0x6A40] =	vst v1  }
0x1fb: {  	[spmem:s5] =	stream.indirect.scatter.add.f32 [tilespmem:s21], [sflag:$0x8], $0x1, s24, s31, $0xb8;
	[tilespmem:$0x1FD00] =	vst v63  }
0x1fc: {  	v1 =	vmov s14;
	_ =	swait.ge [sflag:s22], $0x2800  }
0x1fd: {  	v1 =	vand.u32 $0xFFFFFFF8, v1;
	[sflag:s22] =	ssyncset.done $0x0  }
0x1fe: {  	v1 =	vbroadcast v1, $0x0;
	[sflag:s22] =	ssyncadd.s32 $0xFFFFD800  }
0x1ff: {  	[tilespmem:s30], [sflag:$0x1] =	stream.indirect.gather [hbm4b:s7+s31], $0x80, s6, s31, $0xb8;
	[tilespmem:$0x1FD00] =	vst v63  }
0x200: {  	_ =	swait.ge [sflag:s3], $0x2800  }
0x201: {  	[sflag:s3] =	ssyncset.done $0x0  }
0x202: {  	s6 =	simm.s32 $0x9480;
	[sflag:s3] =	ssyncadd.s32 $0xFFFFD800  }
0x203: {  	v3 =	vld [tilespmem:s6+$0xFFFFFE70]  }
0x204: {  	v1 =	vld.idx.msk [tilespmem:v1+s21+$0x0], $0xffff  }
0x205: {  	v4 =	vld [tilespmem:s6+$0xFFFFFE00]  }
0x206: {  	v5 =	vld [tilespmem:s6+$0xFFFFFE20]  }
0x207: {  	v6 =	vld [tilespmem:s6+$0xFFFFFE30]  }
0x208: {  	v2 =	vld [tilespmem:s6+$0xFFFFFE50]  }
0x209: {  	v8 =	vld [tilespmem:s6+$0xFFFFFE10];
	v3 =	vmul.f32 v3, v1  }
0x20a: {  	s15 =	simm.s32 $0x1;
	v7 =	vld [tilespmem:s6+$0xFFFFFE60];
	v4 =	vmul.f32 v4, v1  }
0x20b: {  	v9 =	vld [tilespmem:s6+$0xFFFFFE40];
	v5 =	vmul.f32 v5, v1;
	[tilespmem:s6+$0xFFFFFE70] =	vst v3;
	v3 =	vmov s15  }
0x20c: {  	v6 =	vmul.f32 v6, v1;
	[tilespmem:s6+$0xFFFFFE00] =	vst v4;
	v3 =	vand.u32 $0xFFFFFFF9, v3  }
0x20d: {  	v2 =	vmul.f32 v2, v1;
	[tilespmem:s6+$0xFFFFFE20] =	vst v5;
	v3 =	vbroadcast v3, $0x0  }
0x20e: {  	v4 =	vmul.f32 v8, v1;
	[tilespmem:s6+$0xFFFFFE30] =	vst v6  }
0x20f: {  	v5 =	vmul.f32 v7, v1;
	[tilespmem:s6+$0xFFFFFE50] =	vst v2  }
0x210: {  	v1 =	vmul.f32 v9, v1;
	[tilespmem:s6+$0xFFFFFE10] =	vst v4  }
0x211: {  	[tilespmem:s6+$0xFFFFFE60] =	vst v5  }
0x212: {  	[tilespmem:s6+$0xFFFFFE40] =	vst v1  }
0x213: {  	v1 =	vld.idx.msk [tilespmem:v3+s21+$0x0], $0xffff  }
0x214: {  	v3 =	vld [tilespmem:s6+$0xFFFFFE90]  }
0x215: {  	v4 =	vld [tilespmem:s6+$0xFFFFFEC0]  }
0x216: {  	v5 =	vld [tilespmem:s6+$0xFFFFFE80]  }
0x217: {  	v6 =	vld [tilespmem:s6+$0xFFFFFED0]  }
0x218: {  	v2 =	vld [tilespmem:s6+$0xFFFFFEF0]  }
0x219: {  	v7 =	vld [tilespmem:s6+$0xFFFFFEE0];
	v3 =	vmul.f32 v3, v1  }
0x21a: {  	s16 =	simm.s32 $0x2;
	v8 =	vld [tilespmem:s6+$0xFFFFFEB0];
	v4 =	vmul.f32 v4, v1  }
0x21b: {  	v9 =	vld [tilespmem:s6+$0xFFFFFEA0];
	v5 =	vmul.f32 v5, v1;
	[tilespmem:s6+$0xFFFFFE90] =	vst v3;
	v3 =	vmov s16  }
0x21c: {  	v6 =	vmul.f32 v6, v1;
	[tilespmem:s6+$0xFFFFFEC0] =	vst v4;
	v3 =	vand.u32 $0xFFFFFFFA, v3  }
0x21d: {  	v2 =	vmul.f32 v2, v1;
	[tilespmem:s6+$0xFFFFFE80] =	vst v5;
	v3 =	vbroadcast v3, $0x0  }
0x21e: {  	v4 =	vmul.f32 v7, v1;
	[tilespmem:s6+$0xFFFFFED0] =	vst v6  }
0x21f: {  	v5 =	vmul.f32 v8, v1;
	[tilespmem:s6+$0xFFFFFEF0] =	vst v2  }
0x220: {  	v1 =	vmul.f32 v9, v1;
	[tilespmem:s6+$0xFFFFFEE0] =	vst v4  }
0x221: {  	[tilespmem:s6+$0xFFFFFEB0] =	vst v5  }
0x222: {  	v2 =	vld [tilespmem:s6+$0xFFFFFF00];
	[tilespmem:s6+$0xFFFFFEA0] =	vst v1  }
0x223: {  	v1 =	vld.idx.msk [tilespmem:v3+s21+$0x0], $0xffff  }
0x224: {  	v3 =	vld [tilespmem:s6+$0xFFFFFF60]  }
0x225: {  	v4 =	vld [tilespmem:s6+$0xFFFFFF10]  }
0x226: {  	v5 =	vld [tilespmem:s6+$0xFFFFFF50]  }
0x227: {  	v6 =	vld [tilespmem:s6+$0xFFFFFF70]  }
0x228: {  	v7 =	vld [tilespmem:s6+$0xFFFFFF20];
	v2 =	vmul.f32 v2, v1  }
0x229: {  	s18 =	simm.s32 $0x3;
	v8 =	vld [tilespmem:s6+$0xFFFFFF30];
	v3 =	vmul.f32 v3, v1  }
0x22a: {  	v9 =	vld [tilespmem:s6+$0xFFFFFF40];
	v4 =	vmul.f32 v4, v1;
	[tilespmem:s6+$0xFFFFFF00] =	vst v2;
	v2 =	vmov s18  }
0x22b: {  	v5 =	vmul.f32 v5, v1;
	[tilespmem:s6+$0xFFFFFF60] =	vst v3;
	v2 =	vand.u32 $0xFFFFFFFB, v2  }
0x22c: {  	v3 =	vmul.f32 v6, v1;
	[tilespmem:s6+$0xFFFFFF10] =	vst v4;
	v2 =	vbroadcast v2, $0x0  }
0x22d: {  	v4 =	vmul.f32 v7, v1;
	[tilespmem:s6+$0xFFFFFF50] =	vst v5  }
0x22e: {  	v5 =	vmul.f32 v8, v1;
	[tilespmem:s6+$0xFFFFFF70] =	vst v3  }
0x22f: {  	v1 =	vmul.f32 v9, v1;
	[tilespmem:s6+$0xFFFFFF20] =	vst v4  }
0x230: {  	[tilespmem:s6+$0xFFFFFF30] =	vst v5  }
0x231: {  	[tilespmem:s6+$0xFFFFFF40] =	vst v1  }
0x232: {  	v1 =	vld.idx.msk [tilespmem:v2+s21+$0x0], $0xffff  }
0x233: {  	v2 =	vld [tilespmem:s6+$0xFFFFFFB0]  }
0x234: {  	v4 =	vld [tilespmem:s6+$0xFFFFFFE0]  }
0x235: {  	v5 =	vld [tilespmem:s6+$0xFFFFFF80]  }
0x236: {  	v6 =	vld [tilespmem:s6+$0xFFFFFFD0]  }
0x237: {  	v3 =	vld [tilespmem:s6+$0xFFFFFFF0]  }
0x238: {  	v8 =	vld [tilespmem:s6+$0xFFFFFFA0];
	v2 =	vmul.f32 v2, v1  }
0x239: {  	s25 =	simm.s32 $0x4;
	v7 =	vld [tilespmem:s6+$0xFFFFFF90];
	v4 =	vmul.f32 v4, v1  }
0x23a: {  	v9 =	vld [tilespmem:s6+$0xFFFFFFC0];
	v5 =	vmul.f32 v5, v1;
	[tilespmem:s6+$0xFFFFFFB0] =	vst v2;
	v2 =	vmov s25  }
0x23b: {  	v6 =	vmul.f32 v6, v1;
	[tilespmem:s6+$0xFFFFFFE0] =	vst v4;
	v2 =	vand.u32 $0xFFFFFFFC, v2  }
0x23c: {  	v3 =	vmul.f32 v3, v1;
	[tilespmem:s6+$0xFFFFFF80] =	vst v5;
	v2 =	vbroadcast v2, $0x0  }
0x23d: {  	v10 =	vld [tilespmem:s6+$0x40];
	v4 =	vmul.f32 v8, v1;
	[tilespmem:s6+$0xFFFFFFD0] =	vst v6  }
0x23e: {  	v5 =	vmul.f32 v7, v1;
	[tilespmem:s6+$0xFFFFFFF0] =	vst v3;
	v8 =	vld [tilespmem:s6+$0x0]  }
0x23f: {  	v3 =	vmul.f32 v9, v1;
	v1 =	vld [tilespmem:s6+$0x70];
	[tilespmem:s6+$0xFFFFFFA0] =	vst v4  }
0x240: {  	v7 =	vld [tilespmem:s6+$0x20];
	[tilespmem:s6+$0xFFFFFF90] =	vst v5  }
0x241: {  	v6 =	vld [tilespmem:s6+$0x30];
	[tilespmem:s6+$0xFFFFFFC0] =	vst v3  }
0x242: {  	v2 =	vld.idx.msk [tilespmem:v2+s21+$0x0], $0xffff  }
0x243: {  	v3 =	vld [tilespmem:s6+$0x50]  }
0x244: {  	v4 =	vld [tilespmem:s6+$0x10]  }
0x245: {  	v5 =	vld [tilespmem:s6+$0x60];
	_ =	sdelay $0x1  }
0x246: {  	s11 =	simm.s32 $0x7;
	s9 =	simm.s32 $0x9480;
	s14 =	simm.s32 $0xF;
	v9 =	vmul.f32 v8, v2;
	v8 =	vmul.f32 v10, v2  }
.LBB2_11:
0x247: {  	p2 =	sne.s32 s14, $0x4F;
	v7 =	vmul.f32 v7, v2;
	v6 =	vmul.f32 v6, v2;
	s15 =	sadd.s32 $0xFFFFFFFE, s11;
	s6 =	sadd.s32 $0x400, s6  }
0x248: {  	v3 =	vmul.f32 v3, v2;
	[tilespmem:s9+$0x0] =	vst v9;
	v4 =	vmul.f32 v4, v2;
	v9 =	vmov s15;
	s15 =	smov.u32 s14;
	s14 =	sadd.s32 $0x8, s14  }
0x249: {  	v1 =	vmul.f32 v1, v2;
	[tilespmem:s9+$0x40] =	vst v8;
	v5 =	vmul.f32 v5, v2;
	v2 =	vand.u32 $0xFFFFFFFD, v9  }
0x24a: {  	[tilespmem:s9+$0x20] =	vst v7;
	v2 =	vbroadcast v2, $0x0  }
0x24b: {  	[tilespmem:s9+$0x50] =	vst v3  }
0x24c: {  	[tilespmem:s9+$0x70] =	vst v1;
	v1 =	vld [tilespmem:s9+$0xA0]  }
0x24d: {  	[tilespmem:s9+$0x30] =	vst v6;
	v3 =	vld [tilespmem:s9+$0x80]  }
0x24e: {  	[tilespmem:s9+$0x60] =	vst v5;
	v5 =	vld [tilespmem:s9+$0xD0]  }
0x24f: {  	[tilespmem:s9+$0x10] =	vst v4;
	v4 =	vld [tilespmem:s9+$0xF0]  }
0x250: {  	v2 =	vld.idx.msk [tilespmem:v2+s21+$0x0], $0xffff  }
0x251: {  	v6 =	vld [tilespmem:s9+$0xC0]  }
0x252: {  	v7 =	vld [tilespmem:s9+$0xB0]  }
0x253: {  	v8 =	vld [tilespmem:s9+$0x90]  }
0x254: {  	v9 =	vld [tilespmem:s9+$0xE0];
	_ =	sdelay $0x1  }
0x255: {  	v3 =	vmul.f32 v3, v2;
	v6 =	vmul.f32 v6, v2  }
0x256: {  	s16 =	sadd.s32 $0xFFFFFFFF, s11;
	v1 =	vmul.f32 v1, v2;
	v7 =	vmul.f32 v7, v2  }
0x257: {  	v5 =	vmul.f32 v5, v2;
	[tilespmem:s9+$0x80] =	vst v3;
	v3 =	vmul.f32 v8, v2;
	v8 =	vmov s16  }
0x258: {  	[tilespmem:s9+$0xA0] =	vst v1;
	v1 =	vmul.f32 v9, v2;
	v2 =	vmul.f32 v4, v2;
	v4 =	vand.u32 $0xFFFFFFFE, v8  }
0x259: {  	[tilespmem:s9+$0xD0] =	vst v5;
	v4 =	vbroadcast v4, $0x0  }
0x25a: {  	[tilespmem:s9+$0xC0] =	vst v6  }
0x25b: {  	[tilespmem:s9+$0xF0] =	vst v2;
	v2 =	vld [tilespmem:s9+$0x120]  }
0x25c: {  	[tilespmem:s9+$0xB0] =	vst v7;
	v5 =	vld [tilespmem:s9+$0x100]  }
0x25d: {  	[tilespmem:s9+$0x90] =	vst v3;
	v3 =	vld [tilespmem:s9+$0x140]  }
0x25e: {  	[tilespmem:s9+$0xE0] =	vst v1;
	v1 =	vld [tilespmem:s9+$0x130]  }
0x25f: {  	v4 =	vld.idx.msk [tilespmem:v4+s21+$0x0], $0xffff  }
0x260: {  	v6 =	vld [tilespmem:s9+$0x110]  }
0x261: {  	v7 =	vld [tilespmem:s9+$0x160]  }
0x262: {  	v8 =	vld [tilespmem:s9+$0x150]  }
0x263: {  	v9 =	vld [tilespmem:s9+$0x170];
	_ =	sdelay $0x1  }
0x264: {  	v5 =	vmul.f32 v5, v4;
	v6 =	vmul.f32 v6, v4  }
0x265: {  	v2 =	vmul.f32 v2, v4;
	v1 =	vmul.f32 v1, v4  }
0x266: {  	v3 =	vmul.f32 v3, v4;
	[tilespmem:s9+$0x100] =	vst v5;
	v5 =	vmul.f32 v8, v4  }
0x267: {  	[tilespmem:s9+$0x120] =	vst v2;
	v2 =	vmul.f32 v7, v4;
	v4 =	vmul.f32 v9, v4  }
0x268: {  	[tilespmem:s9+$0x130] =	vst v1  }
0x269: {  	v1 =	vmov s11;
	s11 =	smov.u32 s15;
	[tilespmem:s9+$0x140] =	vst v3  }
0x26a: {  	[tilespmem:s9+$0x160] =	vst v2;
	v2 =	vld [tilespmem:s9+$0x180]  }
0x26b: {  	[tilespmem:s9+$0x110] =	vst v6;
	v3 =	vld [tilespmem:s9+$0x1A0]  }
0x26c: {  	[tilespmem:s9+$0x150] =	vst v5;
	v5 =	vld [tilespmem:s9+$0x1F0]  }
0x26d: {  	[tilespmem:s9+$0x170] =	vst v4;
	v4 =	vld [tilespmem:s9+$0x1D0]  }
0x26e: {  	v1 =	vld.idx.msk [tilespmem:v1+s21+$0x0], $0xffff  }
0x26f: {  	v6 =	vld [tilespmem:s9+$0x190]  }
0x270: {  	v7 =	vld [tilespmem:s9+$0x1B0]  }
0x271: {  	v8 =	vld [tilespmem:s9+$0x1C0]  }
0x272: {  	v9 =	vld [tilespmem:s9+$0x1E0];
	_ =	sdelay $0x1  }
0x273: {  	v2 =	vmul.f32 v2, v1;
	v6 =	vmul.f32 v6, v1  }
0x274: {  	s15 =	sadd.s32 $0xFFFFFFF9, s11;
	v3 =	vmul.f32 v3, v1;
	v7 =	vmul.f32 v7, v1  }
0x275: {  	v10 =	vmov s15;
	v4 =	vmul.f32 v4, v1;
	[tilespmem:s9+$0x180] =	vst v2;
	v2 =	vmul.f32 v8, v1  }
0x276: {  	v8 =	vand.u32 $0xFFFFFFF8, v10;
	[tilespmem:s9+$0x190] =	vst v6;
	v6 =	vmul.f32 v9, v1;
	v1 =	vmul.f32 v5, v1  }
0x277: {  	v5 =	vbroadcast v8, $0x0;
	[tilespmem:s9+$0x1A0] =	vst v3  }
0x278: {  	[tilespmem:s9+$0x1F0] =	vst v1  }
0x279: {  	v1 =	vld [tilespmem:s6+$0xFFFFFE50];
	[tilespmem:s9+$0x1D0] =	vst v4  }
0x27a: {  	v3 =	vld [tilespmem:s6+$0xFFFFFE30];
	[tilespmem:s9+$0x1B0] =	vst v7  }
0x27b: {  	v4 =	vld [tilespmem:s6+$0xFFFFFE60];
	[tilespmem:s9+$0x1E0] =	vst v6  }
0x27c: {  	v6 =	vld [tilespmem:s6+$0xFFFFFE70];
	[tilespmem:s9+$0x1C0] =	vst v2;
	s9 =	smov.u32 s6  }
0x27d: {  	v2 =	vld.idx.msk [tilespmem:v5+s21+$0x0], $0xffff  }
0x27e: {  	v5 =	vld [tilespmem:s6+$0xFFFFFE00]  }
0x27f: {  	v7 =	vld [tilespmem:s6+$0xFFFFFE20]  }
0x280: {  	v8 =	vld [tilespmem:s6+$0xFFFFFE10]  }
0x281: {  	v9 =	vld [tilespmem:s6+$0xFFFFFE40];
	_ =	sdelay $0x1  }
0x282: {  	v6 =	vmul.f32 v6, v2;
	v5 =	vmul.f32 v5, v2  }
0x283: {  	s15 =	sadd.s32 $0xFFFFFFFA, s11;
	v4 =	vmul.f32 v4, v2;
	v7 =	vmul.f32 v7, v2  }
0x284: {  	v3 =	vmul.f32 v3, v2;
	v8 =	vmul.f32 v8, v2;
	[tilespmem:s6+$0xFFFFFE70] =	vst v6;
	v6 =	vmov s15  }
0x285: {  	v1 =	vmul.f32 v1, v2;
	[tilespmem:s6+$0xFFFFFE00] =	vst v5;
	v5 =	vmul.f32 v9, v2;
	v2 =	vand.u32 $0xFFFFFFF9, v6  }
0x286: {  	[tilespmem:s6+$0xFFFFFE20] =	vst v7;
	v2 =	vbroadcast v2, $0x0  }
0x287: {  	[tilespmem:s6+$0xFFFFFE30] =	vst v3  }
0x288: {  	[tilespmem:s6+$0xFFFFFE50] =	vst v1;
	v1 =	vld [tilespmem:s6+$0xFFFFFEF0]  }
0x289: {  	[tilespmem:s6+$0xFFFFFE10] =	vst v8;
	v3 =	vld [tilespmem:s6+$0xFFFFFED0]  }
0x28a: {  	[tilespmem:s6+$0xFFFFFE60] =	vst v4;
	v4 =	vld [tilespmem:s6+$0xFFFFFEB0]  }
0x28b: {  	[tilespmem:s6+$0xFFFFFE40] =	vst v5;
	v5 =	vld [tilespmem:s6+$0xFFFFFEC0]  }
0x28c: {  	v2 =	vld.idx.msk [tilespmem:v2+s21+$0x0], $0xffff  }
0x28d: {  	v6 =	vld [tilespmem:s6+$0xFFFFFE90]  }
0x28e: {  	v7 =	vld [tilespmem:s6+$0xFFFFFE80]  }
0x28f: {  	v8 =	vld [tilespmem:s6+$0xFFFFFEA0]  }
0x290: {  	v9 =	vld [tilespmem:s6+$0xFFFFFEE0];
	_ =	sdelay $0x1  }
0x291: {  	v5 =	vmul.f32 v5, v2;
	v6 =	vmul.f32 v6, v2  }
0x292: {  	s15 =	sadd.s32 $0xFFFFFFFB, s11;
	v4 =	vmul.f32 v4, v2;
	v7 =	vmul.f32 v7, v2  }
0x293: {  	v3 =	vmul.f32 v3, v2;
	[tilespmem:s6+$0xFFFFFE90] =	vst v6;
	v6 =	vmul.f32 v8, v2;
	v8 =	vmov s15  }
0x294: {  	v1 =	vmul.f32 v1, v2;
	[tilespmem:s6+$0xFFFFFEC0] =	vst v5;
	v5 =	vmul.f32 v9, v2;
	v2 =	vand.u32 $0xFFFFFFFA, v8  }
0x295: {  	[tilespmem:s6+$0xFFFFFE80] =	vst v7;
	v2 =	vbroadcast v2, $0x0  }
0x296: {  	[tilespmem:s6+$0xFFFFFED0] =	vst v3  }
0x297: {  	[tilespmem:s6+$0xFFFFFEE0] =	vst v5;
	v3 =	vld [tilespmem:s6+$0xFFFFFF70]  }
0x298: {  	[tilespmem:s6+$0xFFFFFEB0] =	vst v4;
	v4 =	vld [tilespmem:s6+$0xFFFFFF50]  }
0x299: {  	[tilespmem:s6+$0xFFFFFEF0] =	vst v1;
	v1 =	vld [tilespmem:s6+$0xFFFFFF20]  }
0x29a: {  	[tilespmem:s6+$0xFFFFFEA0] =	vst v6;
	v5 =	vld [tilespmem:s6+$0xFFFFFF60]  }
0x29b: {  	v2 =	vld.idx.msk [tilespmem:v2+s21+$0x0], $0xffff  }
0x29c: {  	v6 =	vld [tilespmem:s6+$0xFFFFFF00]  }
0x29d: {  	v7 =	vld [tilespmem:s6+$0xFFFFFF10]  }
0x29e: {  	v8 =	vld [tilespmem:s6+$0xFFFFFF40]  }
0x29f: {  	v9 =	vld [tilespmem:s6+$0xFFFFFF30];
	_ =	sdelay $0x1  }
0x2a0: {  	v5 =	vmul.f32 v5, v2;
	v6 =	vmul.f32 v6, v2  }
0x2a1: {  	s15 =	sadd.s32 $0xFFFFFFFC, s11;
	v1 =	vmul.f32 v1, v2;
	v7 =	vmul.f32 v7, v2  }
0x2a2: {  	v4 =	vmul.f32 v4, v2;
	[tilespmem:s6+$0xFFFFFF00] =	vst v6;
	v6 =	vmul.f32 v8, v2;
	v8 =	vmov s15  }
0x2a3: {  	v9 =	vmul.f32 v9, v2;
	[tilespmem:s6+$0xFFFFFF60] =	vst v5;
	v2 =	vmul.f32 v3, v2;
	v3 =	vand.u32 $0xFFFFFFFB, v8  }
0x2a4: {  	[tilespmem:s6+$0xFFFFFF10] =	vst v7;
	v3 =	vbroadcast v3, $0x0  }
0x2a5: {  	[tilespmem:s6+$0xFFFFFF50] =	vst v4  }
0x2a6: {  	[tilespmem:s6+$0xFFFFFF70] =	vst v2;
	v2 =	vld [tilespmem:s6+$0xFFFFFFF0]  }
0x2a7: {  	[tilespmem:s6+$0xFFFFFF20] =	vst v1;
	v1 =	vld [tilespmem:s6+$0xFFFFFFD0]  }
0x2a8: {  	[tilespmem:s6+$0xFFFFFF30] =	vst v9;
	v4 =	vld [tilespmem:s6+$0xFFFFFF90]  }
0x2a9: {  	[tilespmem:s6+$0xFFFFFF40] =	vst v6;
	v5 =	vld [tilespmem:s6+$0xFFFFFFE0]  }
0x2aa: {  	v3 =	vld.idx.msk [tilespmem:v3+s21+$0x0], $0xffff  }
0x2ab: {  	v6 =	vld [tilespmem:s6+$0xFFFFFFB0]  }
0x2ac: {  	v7 =	vld [tilespmem:s6+$0xFFFFFF80]  }
0x2ad: {  	v8 =	vld [tilespmem:s6+$0xFFFFFFC0]  }
0x2ae: {  	v9 =	vld [tilespmem:s6+$0xFFFFFFA0];
	_ =	sdelay $0x1  }
0x2af: {  	v5 =	vmul.f32 v5, v3;
	v6 =	vmul.f32 v6, v3  }
0x2b0: {  	s15 =	sadd.s32 $0xFFFFFFFD, s11;
	v4 =	vmul.f32 v4, v3;
	v7 =	vmul.f32 v7, v3  }
0x2b1: {  	v1 =	vmul.f32 v1, v3;
	[tilespmem:s6+$0xFFFFFFB0] =	vst v6;
	v6 =	vmul.f32 v8, v3;
	v8 =	vmov s15  }
0x2b2: {  	v2 =	vmul.f32 v2, v3;
	v9 =	vmul.f32 v9, v3;
	[tilespmem:s6+$0xFFFFFFE0] =	vst v5;
	v3 =	vand.u32 $0xFFFFFFFC, v8  }
0x2b3: {  	[tilespmem:s6+$0xFFFFFF80] =	vst v7;
	v5 =	vbroadcast v3, $0x0  }
0x2b4: {  	[tilespmem:s6+$0xFFFFFFD0] =	vst v1  }
0x2b5: {  	[tilespmem:s6+$0xFFFFFFF0] =	vst v2;
	v8 =	vld [tilespmem:s6+$0x0]  }
0x2b6: {  	[tilespmem:s6+$0xFFFFFFA0] =	vst v9;
	v1 =	vld [tilespmem:s6+$0x70]  }
0x2b7: {  	[tilespmem:s6+$0xFFFFFF90] =	vst v4;
	v3 =	vld [tilespmem:s6+$0x50]  }
0x2b8: {  	[tilespmem:s6+$0xFFFFFFC0] =	vst v6;
	v7 =	vld [tilespmem:s6+$0x20]  }
0x2b9: {  	v2 =	vld.idx.msk [tilespmem:v5+s21+$0x0], $0xffff  }
0x2ba: {  	v10 =	vld [tilespmem:s6+$0x40]  }
.Ltmp10:
0x2bb: {  	v6 =	vld [tilespmem:s6+$0x30];
	(pc) =	sbr.rel @p2 .LBB2_11-.Ltmp10, $3  }
0x2bc: {  	v4 =	vld [tilespmem:s6+$0x10]  }
0x2bd: {  	v5 =	vld [tilespmem:s6+$0x60];
	_ =	sdelay $0x1  }
0x2be: {  	v9 =	vmul.f32 v8, v2;
	v8 =	vmul.f32 v10, v2  }
0x2bf: {  	s6 =	sadd.s32 $0xFFFFFFFE, s11  }
0x2c0: {  	v7 =	vmul.f32 v7, v2;
	[tilespmem:s9+$0x0] =	vst v9;
	v37 =	vmov s6  }
0x2c1: {  	v3 =	vmul.f32 v3, v2;
	[tilespmem:s9+$0x40] =	vst v8;
	v38 =	vand.u32 $0xFFFFFFFD, v37  }
0x2c2: {  	v1 =	vmul.f32 v1, v2;
	[tilespmem:s9+$0x20] =	vst v7;
	v39 =	vbroadcast v38, $0x0  }
0x2c3: {  	v6 =	vmul.f32 v6, v2;
	[tilespmem:s9+$0x50] =	vst v3  }
0x2c4: {  	v3 =	vmul.f32 v5, v2;
	[tilespmem:s9+$0x70] =	vst v1  }
0x2c5: {  	v1 =	vmul.f32 v4, v2;
	[tilespmem:s9+$0x30] =	vst v6  }
0x2c6: {  	[tilespmem:s9+$0x60] =	vst v3  }
0x2c7: {  	v2 =	vld [tilespmem:s9+$0x80];
	[tilespmem:s9+$0x10] =	vst v1  }
0x2c8: {  	v1 =	vld.idx.msk [tilespmem:v39+s21+$0x0], $0xffff  }
0x2c9: {  	v3 =	vld [tilespmem:s9+$0xA0]  }
0x2ca: {  	v40 =	vld [tilespmem:s9+$0xD0]  }
0x2cb: {  	v41 =	vld [tilespmem:s9+$0xC0]  }
0x2cc: {  	v42 =	vld [tilespmem:s9+$0xF0]  }
0x2cd: {  	v44 =	vld [tilespmem:s9+$0x90];
	v2 =	vmul.f32 v2, v1  }
0x2ce: {  	v43 =	vld [tilespmem:s9+$0xB0];
	s25 =	sadd.s32 $0xFFFFFFFF, s11;
	v3 =	vmul.f32 v3, v1  }
0x2cf: {  	v45 =	vld [tilespmem:s9+$0xE0];
	v46 =	vmov s25;
	[tilespmem:s9+$0x80] =	vst v2;
	v2 =	vmul.f32 v40, v1  }
0x2d0: {  	v5 =	vmul.f32 v41, v1;
	[tilespmem:s9+$0xA0] =	vst v3;
	v3 =	vand.u32 $0xFFFFFFFE, v46  }
0x2d1: {  	v47 =	vmul.f32 v42, v1;
	[tilespmem:s9+$0xD0] =	vst v2;
	v2 =	vbroadcast v3, $0x0  }
0x2d2: {  	v48 =	vmul.f32 v44, v1;
	[tilespmem:s9+$0xC0] =	vst v5  }
0x2d3: {  	[tilespmem:s9+$0xF0] =	vst v47;
	v3 =	vmul.f32 v43, v1  }
0x2d4: {  	[tilespmem:s9+$0x90] =	vst v48;
	v1 =	vmul.f32 v45, v1  }
0x2d5: {  	[tilespmem:s9+$0xB0] =	vst v3  }
0x2d6: {  	v3 =	vld [tilespmem:s9+$0x100];
	[tilespmem:s9+$0xE0] =	vst v1  }
0x2d7: {  	v1 =	vld.idx.msk [tilespmem:v2+s21+$0x0], $0xffff  }
0x2d8: {  	v2 =	vld [tilespmem:s9+$0x120]  }
0x2d9: {  	v49 =	vld [tilespmem:s9+$0x130]  }
0x2da: {  	v50 =	vld [tilespmem:s9+$0x140]  }
0x2db: {  	v52 =	vld [tilespmem:s9+$0x110]  }
0x2dc: {  	v53 =	vld [tilespmem:s9+$0x150];
	v3 =	vmul.f32 v3, v1  }
0x2dd: {  	v51 =	vld [tilespmem:s9+$0x160];
	v2 =	vmul.f32 v2, v1  }
0x2de: {  	v54 =	vld [tilespmem:s9+$0x170];
	v4 =	vmul.f32 v49, v1;
	[tilespmem:s9+$0x100] =	vst v3  }
0x2df: {  	v3 =	vmul.f32 v50, v1;
	[tilespmem:s9+$0x120] =	vst v2  }
0x2e0: {  	v55 =	vmul.f32 v52, v1;
	[tilespmem:s9+$0x130] =	vst v4  }
0x2e1: {  	v56 =	vmul.f32 v53, v1;
	[tilespmem:s9+$0x140] =	vst v3;
	v3 =	vmov s11  }
0x2e2: {  	v2 =	vmul.f32 v51, v1;
	[tilespmem:s9+$0x110] =	vst v55  }
0x2e3: {  	v1 =	vmul.f32 v54, v1;
	[tilespmem:s9+$0x150] =	vst v56  }
0x2e4: {  	[tilespmem:s9+$0x160] =	vst v2  }
0x2e5: {  	v2 =	vld [tilespmem:s9+$0x180];
	[tilespmem:s9+$0x170] =	vst v1  }
0x2e6: {  	v1 =	vld.idx.msk [tilespmem:v3+s21+$0x0], $0xffff  }
0x2e7: {  	v3 =	vld [tilespmem:s9+$0x190]  }
0x2e8: {  	v57 =	vld [tilespmem:s9+$0x1A0]  }
0x2e9: {  	v60 =	vld [tilespmem:s9+$0x1B0]  }
0x2ea: {  	v58 =	vld [tilespmem:s9+$0x1F0]  }
0x2eb: {  	v59 =	vld [tilespmem:s9+$0x1D0];
	v2 =	vmul.f32 v2, v1  }
0x2ec: {  	v61 =	vld [tilespmem:s9+$0x1E0];
	v3 =	vmul.f32 v3, v1  }
0x2ed: {  	v62 =	vld [tilespmem:s9+$0x1C0];
	v4 =	vmul.f32 v57, v1;
	[tilespmem:s9+$0x180] =	vst v2  }
0x2ee: {  	v63 =	vmul.f32 v60, v1;
	[tilespmem:s9+$0x190] =	vst v3  }
0x2ef: {  	v2 =	vmul.f32 v58, v1;
	[tilespmem:s9+$0x1A0] =	vst v4  }
0x2f0: {  	v3 =	vmul.f32 v59, v1;
	[tilespmem:s9+$0x1B0] =	vst v63  }
.Ltmp11:
0x2f1: {  	[tilespmem:s9+$0x1F0] =	vst v2;
	v2 =	vmul.f32 v61, v1;
	(pc) =	sbr.rel .LBB2_13-.Ltmp11, $4  }
0x2f2: {  	[tilespmem:s9+$0x1D0] =	vst v3;
	v1 =	vmul.f32 v62, v1  }
0x2f3: {  	[tilespmem:s9+$0x1E0] =	vst v2  }
0x2f4: {  	[tilespmem:s9+$0x1C0] =	vst v1  }
0x2f5: {  	[spmem:s1] =	stream.indirect.scatter.add.f32 [tilespmem:s28], [sflag:$0x4], $0x80, s24, s31, $0xb8;
	[tilespmem:$0x1FD00] =	vst v63  }
.LBB2_15:
0x2f6: {  	[tilespmem:s30], [sflag:$0x1] =	stream.indirect.gather [hbm4b:s8+s31], $0x80, s23, s31, $0xb8;
	[tilespmem:$0x1FD00] =	vst v63  }
.Ltmp12:
0x2f7: {  	_ = 	snop;
	(pc) =	sbr.rel .LBB2_16-.Ltmp12, $4  }
0x2f8: {  	_ = 	snop  }
0x2f9: {  	[tilespmem:s0], [sflag:$0x5] =	stream.indirect.gather [spmem:s2], $0x1, s23, s31, $0xb8;
	[tilespmem:$0x1FD00] =	vst v63  }
0x2fa: {  	_ = 	snop  }
0x2fb: {  	[tilespmem:s29], [sflag:$0x5] =	stream.indirect.gather [spmem:s4], $0x1, s11, s31, $0xb8;
	[tilespmem:$0x1FD00] =	vst v63  }
.LBB2_21:
0x2fc: {  	s6 =	sadd.s32 $0xFFFFFFFE, s11  }
0x2fd: {  	v7 =	vmul.f32 v7, v2;
	[tilespmem:s9+$0x0] =	vst v9;
	v37 =	vmov s6  }
0x2fe: {  	v3 =	vmul.f32 v3, v2;
	[tilespmem:s9+$0x40] =	vst v8;
	v38 =	vand.u32 $0xFFFFFFFD, v37  }
0x2ff: {  	v1 =	vmul.f32 v1, v2;
	[tilespmem:s9+$0x20] =	vst v7;
	v39 =	vbroadcast v38, $0x0  }
0x300: {  	v6 =	vmul.f32 v6, v2;
	[tilespmem:s9+$0x50] =	vst v3  }
0x301: {  	v3 =	vmul.f32 v5, v2;
	[tilespmem:s9+$0x70] =	vst v1  }
0x302: {  	v1 =	vmul.f32 v4, v2;
	[tilespmem:s9+$0x30] =	vst v6  }
0x303: {  	[tilespmem:s9+$0x60] =	vst v3  }
0x304: {  	v2 =	vld [tilespmem:s9+$0x80];
	[tilespmem:s9+$0x10] =	vst v1  }
0x305: {  	v1 =	vld.idx.msk [tilespmem:v39+s21+$0x0], $0xffff  }
0x306: {  	v3 =	vld [tilespmem:s9+$0xA0]  }
0x307: {  	v40 =	vld [tilespmem:s9+$0xD0]  }
0x308: {  	v41 =	vld [tilespmem:s9+$0xC0]  }
0x309: {  	v42 =	vld [tilespmem:s9+$0xF0]  }
0x30a: {  	v44 =	vld [tilespmem:s9+$0x90];
	v2 =	vmul.f32 v2, v1  }
0x30b: {  	v43 =	vld [tilespmem:s9+$0xB0];
	s25 =	sadd.s32 $0xFFFFFFFF, s11;
	v3 =	vmul.f32 v3, v1  }
0x30c: {  	v45 =	vld [tilespmem:s9+$0xE0];
	v46 =	vmov s25;
	[tilespmem:s9+$0x80] =	vst v2;
	v2 =	vmul.f32 v40, v1  }
0x30d: {  	v5 =	vmul.f32 v41, v1;
	[tilespmem:s9+$0xA0] =	vst v3;
	v3 =	vand.u32 $0xFFFFFFFE, v46  }
0x30e: {  	v47 =	vmul.f32 v42, v1;
	[tilespmem:s9+$0xD0] =	vst v2;
	v2 =	vbroadcast v3, $0x0  }
0x30f: {  	v48 =	vmul.f32 v44, v1;
	[tilespmem:s9+$0xC0] =	vst v5  }
0x310: {  	[tilespmem:s9+$0xF0] =	vst v47;
	v3 =	vmul.f32 v43, v1  }
0x311: {  	[tilespmem:s9+$0x90] =	vst v48;
	v1 =	vmul.f32 v45, v1  }
0x312: {  	[tilespmem:s9+$0xB0] =	vst v3  }
0x313: {  	v3 =	vld [tilespmem:s9+$0x100];
	[tilespmem:s9+$0xE0] =	vst v1  }
0x314: {  	v1 =	vld.idx.msk [tilespmem:v2+s21+$0x0], $0xffff  }
0x315: {  	v2 =	vld [tilespmem:s9+$0x120]  }
0x316: {  	v49 =	vld [tilespmem:s9+$0x130]  }
0x317: {  	v50 =	vld [tilespmem:s9+$0x140]  }
0x318: {  	v52 =	vld [tilespmem:s9+$0x110]  }
0x319: {  	v53 =	vld [tilespmem:s9+$0x150];
	v3 =	vmul.f32 v3, v1  }
0x31a: {  	v51 =	vld [tilespmem:s9+$0x160];
	v2 =	vmul.f32 v2, v1  }
0x31b: {  	v54 =	vld [tilespmem:s9+$0x170];
	v4 =	vmul.f32 v49, v1;
	[tilespmem:s9+$0x100] =	vst v3  }
0x31c: {  	v3 =	vmul.f32 v50, v1;
	[tilespmem:s9+$0x120] =	vst v2  }
0x31d: {  	v55 =	vmul.f32 v52, v1;
	[tilespmem:s9+$0x130] =	vst v4  }
0x31e: {  	v56 =	vmul.f32 v53, v1;
	[tilespmem:s9+$0x140] =	vst v3;
	v3 =	vmov s11  }
0x31f: {  	v2 =	vmul.f32 v51, v1;
	[tilespmem:s9+$0x110] =	vst v55  }
0x320: {  	v1 =	vmul.f32 v54, v1;
	[tilespmem:s9+$0x150] =	vst v56  }
0x321: {  	[tilespmem:s9+$0x160] =	vst v2  }
0x322: {  	v2 =	vld [tilespmem:s9+$0x180];
	[tilespmem:s9+$0x170] =	vst v1  }
0x323: {  	v1 =	vld.idx.msk [tilespmem:v3+s21+$0x0], $0xffff  }
0x324: {  	v3 =	vld [tilespmem:s9+$0x190]  }
0x325: {  	v57 =	vld [tilespmem:s9+$0x1A0]  }
0x326: {  	v60 =	vld [tilespmem:s9+$0x1B0]  }
0x327: {  	v58 =	vld [tilespmem:s9+$0x1F0]  }
0x328: {  	v59 =	vld [tilespmem:s9+$0x1D0];
	v2 =	vmul.f32 v2, v1  }
0x329: {  	v61 =	vld [tilespmem:s9+$0x1E0];
	v3 =	vmul.f32 v3, v1  }
0x32a: {  	v62 =	vld [tilespmem:s9+$0x1C0];
	v4 =	vmul.f32 v57, v1;
	[tilespmem:s9+$0x180] =	vst v2  }
0x32b: {  	v63 =	vmul.f32 v60, v1;
	[tilespmem:s9+$0x190] =	vst v3  }
0x32c: {  	v2 =	vmul.f32 v58, v1;
	[tilespmem:s9+$0x1A0] =	vst v4  }
0x32d: {  	v3 =	vmul.f32 v59, v1;
	[tilespmem:s9+$0x1B0] =	vst v63  }
0x32e: {  	[tilespmem:s9+$0x1F0] =	vst v2;
	v2 =	vmul.f32 v61, v1  }
0x32f: {  	[tilespmem:s9+$0x1D0] =	vst v3;
	v1 =	vmul.f32 v62, v1  }
0x330: {  	[tilespmem:s9+$0x1E0] =	vst v2  }
0x331: {  	[tilespmem:s9+$0x1C0] =	vst v1  }
0x332: {  	[spmem:s1] =	stream.indirect.scatter.add.f32 [tilespmem:s28], [sflag:$0x4], $0x80, s24, s31, $0xb8;
	[tilespmem:$0x1FD00] =	vst v63  }
.LBB2_22:
0x333: {  	s23 =	sadd.s32 $0x1, s23  }
0x334: {  	p2 =	sne.s32 s23, $0x3F  }
.Ltmp13:
0x335: {  	_ = 	snop;
	(pc) =	sbr.rel @!p2 .LBB2_23-.Ltmp13, $1  }
0x336: {  	_ =	sdelay $0x3  }
.LBB2_16:
0x337: {  	s24 =	sshllo.u32 s23, $0x1  }
0x338: {  	p3 =	sgt.u32 s24, $0x7C  }
0x339: {  	s6 =	smul.u32 @!p3 $0x140, s24;
	_ =	sdelay $0x1  }
0x33a: {  	s9 =	simm.s32 @!p3 $0x50;
	s11 =	simm.s32 @!p3 $0x6800;
	s6 =	sshra.s32 @!p3 s6, $0x2  }
0x33b: {  	[tilespmem:s11], [sflag:$0x6] =	stream.indirect.gather @!p3 [spmem:s2], $0x1, s6, s9, $0xb8;
	[tilespmem:$0x1FD00] =	vst v63  }
0x33c: {  	s11 =	sshll.u32 @!p3 s24, $0x7  }
0x33d: {  	s11 =	sand.u32 @!p3 $0x3FFFFF80, s11  }
0x33e: {  	p2 =	seq.s32 s23, $0x0;
	s14 =	simm.s32 @!p3 $0x6900;
	s11 =	sadd.s32 @!p3 $0x2780, s11  }
0x33f: {  	[tilespmem:s14], [sflag:$0x6] =	stream.indirect.gather @!p3 [spmem:s4], $0x1, s11, s9, $0xb8;
	[tilespmem:$0x1FD00] =	vst v63  }
0x340: {  	s11 =	simm.s32 @!p2 $0x7  }
0x341: {  	_ =	swait.ge @!p2 [sflag:s11], $0x50  }
0x342: {  	[sflag:s11] =	ssyncset.done @!p2 $0x0  }
0x343: {  	[sflag:s11] =	ssyncadd.s32 @!p2 $0xFFFFFFB0  }
0x344: {  	_ =	swait.ge [sflag:s12], $0x50  }
0x345: {  	[sflag:s12] =	ssyncset.done $0x0  }
0x346: {  	[sflag:s12] =	ssyncadd.s32 $0xFFFFFFB0  }
0x347: {  	_ =	swait.ge [sflag:s12], $0x50  }
0x348: {  	[sflag:s12] =	ssyncset.done $0x0  }
0x349: {  	[sflag:s12] =	ssyncadd.s32 $0xFFFFFFB0  }
0x34a: {  	v1 =	vld [tilespmem:$0x6780]  }
0x34b: {  	v2 =	vld [tilespmem:$0x6880]  }
0x34c: {  	v3 =	vld [tilespmem:$0x6790]  }
0x34d: {  	v4 =	vld [tilespmem:$0x6890]  }
0x34e: {  	v5 =	vld [tilespmem:$0x67A0]  }
0x34f: {  	v6 =	vld [tilespmem:$0x68A0]  }
0x350: {  	v7 =	vld [tilespmem:$0x68B0];
	v1 =	vadd.f32 v2, v1  }
0x351: {  	v9 =	vld [tilespmem:$0x67C0]  }
0x352: {  	v2 =	vld [tilespmem:$0x67B0];
	v8 =	vmul.f32 $2.000000030e-01, v1  }
0x353: {  	v10 =	vld [tilespmem:$0x68C0];
	vm0 =	vgt.f32 v1, $0.0e+00  }
0x354: {  	v3 =	vadd.f32 v4, v3;
	v1 =	vsel vm0, v1, v8  }
0x355: {  	v1 =	vmul.f32 $1.442695020e+00, v1  }
0x356: {  	v5 =	vadd.f32 v6, v5;
	v4 =	vmul.f32 $2.000000030e-01, v3  }
0x357: {  	vm12 =	vgt.f32 v3, $0.0e+00;
	(erf) = vpow2.f32 v1;
	v1 =	vadd.f32 v7, v2  }
0x358: {  	v2 =	vsel vm12, v3, v4;
	v3 =	vmul.f32 $2.000000030e-01, v5;
	v4 =	vadd.f32 v10, v9  }
0x359: {  	vm13 =	vgt.f32 v5, $0.0e+00;
	v2 =	vmul.f32 $1.442695020e+00, v2;
	v6 =	vmul.f32 $2.000000030e-01, v1  }
0x35a: {  	v3 =	vsel vm13, v5, v3;
	vm14 =	vgt.f32 v1, $0.0e+00;
	v5 =	vmul.f32 $2.000000030e-01, v4  }
0x35b: {  	vm15 =	vgt.f32 v4, $0.0e+00;
	v3 =	vmul.f32 $1.442695020e+00, v3;
	v1 =	vsel vm14, v1, v6  }
0x35c: {  	(erf) = vpow2.f32 v2;
	v2 =	vsel vm15, v4, v5;
	v1 =	vmul.f32 $1.442695020e+00, v1  }
0x35d: {  	(erf) = vpow2.f32 v3;
	v2 =	vmul.f32 $1.442695020e+00, v2  }
0x35e: {  	(erf) = vpow2.f32 v1  }
0x35f: {  	(erf) = vpow2.f32 v2;
	_ =	sdelay $0x4  }
0x360: {  	v1 =	vpop (erf)  }
0x361: {  	[tilespmem:$0x6980] =	vst v1;
	v2 =	vpop (erf)  }
0x362: {  	[tilespmem:$0x6990] =	vst v2;
	v1 =	vpop (erf)  }
0x363: {  	s16 =	sshll.u32 s23, $0x8;
	[tilespmem:$0x69A0] =	vst v1;
	v2 =	vpop (erf)  }
0x364: {  	s11 =	sand.u32 $0x3FFFFF00, s16;
	[tilespmem:$0x69B0] =	vst v2;
	v1 =	vpop (erf)  }
0x365: {  	s18 =	simm.s32 $0x0;
	s25 =	sadd.s32 $0x2780, s11;
	s11 =	simm.s32 @!p2 $0x4;
	[tilespmem:$0x69C0] =	vst v1  }
0x366: {  	[spmem:s5] =	stream.indirect.scatter.add.f32 [tilespmem:s17], [sflag:$0x7], $0x1, s25, s31, $0xb8;
	[tilespmem:$0x1FD00] =	vst v63  }
0x367: {  	v1 =	vmov s18;
	_ =	swait.ge @!p2 [sflag:s11], $0x2800  }
0x368: {  	v1 =	vand.u32 $0xFFFFFFF8, v1;
	[sflag:s11] =	ssyncset.done @!p2 $0x0  }
0x369: {  	v1 =	vbroadcast v1, $0x0;
	[sflag:s11] =	ssyncadd.s32 @!p2 $0xFFFFD800;
	s11 =	simm.s32 @!p3 $0x9280  }
0x36a: {  	[tilespmem:s11], [sflag:$0x2] =	stream.indirect.gather @!p3 [hbm4b:s8+s9], $0x80, s6, s9, $0xb8;
	[tilespmem:$0x1FD00] =	vst v63  }
0x36b: {  	_ =	swait.ge [sflag:s19], $0x2800  }
0x36c: {  	[sflag:s19] =	ssyncset.done $0x0  }
0x36d: {  	s6 =	simm.s32 $0x6C80;
	[sflag:s19] =	ssyncadd.s32 $0xFFFFD800  }
0x36e: {  	v3 =	vld [tilespmem:s6+$0xFFFFFE70]  }
0x36f: {  	v1 =	vld.idx.msk [tilespmem:v1+s17+$0x0], $0xffff  }
0x370: {  	v4 =	vld [tilespmem:s6+$0xFFFFFE00]  }
0x371: {  	v5 =	vld [tilespmem:s6+$0xFFFFFE20]  }
0x372: {  	v6 =	vld [tilespmem:s6+$0xFFFFFE30]  }
0x373: {  	v2 =	vld [tilespmem:s6+$0xFFFFFE50]  }
0x374: {  	v8 =	vld [tilespmem:s6+$0xFFFFFE10];
	v3 =	vmul.f32 v3, v1  }
0x375: {  	s14 =	simm.s32 $0x1;
	v7 =	vld [tilespmem:s6+$0xFFFFFE60];
	v4 =	vmul.f32 v4, v1  }
0x376: {  	v9 =	vld [tilespmem:s6+$0xFFFFFE40];
	v5 =	vmul.f32 v5, v1;
	[tilespmem:s6+$0xFFFFFE70] =	vst v3;
	v3 =	vmov s14  }
0x377: {  	v6 =	vmul.f32 v6, v1;
	[tilespmem:s6+$0xFFFFFE00] =	vst v4;
	v3 =	vand.u32 $0xFFFFFFF9, v3  }
0x378: {  	v2 =	vmul.f32 v2, v1;
	[tilespmem:s6+$0xFFFFFE20] =	vst v5;
	v3 =	vbroadcast v3, $0x0  }
0x379: {  	v4 =	vmul.f32 v8, v1;
	[tilespmem:s6+$0xFFFFFE30] =	vst v6  }
0x37a: {  	v5 =	vmul.f32 v7, v1;
	[tilespmem:s6+$0xFFFFFE50] =	vst v2  }
0x37b: {  	v1 =	vmul.f32 v9, v1;
	[tilespmem:s6+$0xFFFFFE10] =	vst v4  }
0x37c: {  	[tilespmem:s6+$0xFFFFFE60] =	vst v5  }
0x37d: {  	[tilespmem:s6+$0xFFFFFE40] =	vst v1  }
0x37e: {  	v1 =	vld.idx.msk [tilespmem:v3+s17+$0x0], $0xffff  }
0x37f: {  	v3 =	vld [tilespmem:s6+$0xFFFFFE90]  }
0x380: {  	v4 =	vld [tilespmem:s6+$0xFFFFFEC0]  }
0x381: {  	v5 =	vld [tilespmem:s6+$0xFFFFFE80]  }
0x382: {  	v6 =	vld [tilespmem:s6+$0xFFFFFED0]  }
0x383: {  	v2 =	vld [tilespmem:s6+$0xFFFFFEF0]  }
0x384: {  	v7 =	vld [tilespmem:s6+$0xFFFFFEE0];
	v3 =	vmul.f32 v3, v1  }
0x385: {  	s15 =	simm.s32 $0x2;
	v8 =	vld [tilespmem:s6+$0xFFFFFEB0];
	v4 =	vmul.f32 v4, v1  }
0x386: {  	v9 =	vld [tilespmem:s6+$0xFFFFFEA0];
	v5 =	vmul.f32 v5, v1;
	[tilespmem:s6+$0xFFFFFE90] =	vst v3;
	v3 =	vmov s15  }
0x387: {  	v6 =	vmul.f32 v6, v1;
	[tilespmem:s6+$0xFFFFFEC0] =	vst v4;
	v3 =	vand.u32 $0xFFFFFFFA, v3  }
0x388: {  	v2 =	vmul.f32 v2, v1;
	[tilespmem:s6+$0xFFFFFE80] =	vst v5;
	v3 =	vbroadcast v3, $0x0  }
0x389: {  	v4 =	vmul.f32 v7, v1;
	[tilespmem:s6+$0xFFFFFED0] =	vst v6  }
0x38a: {  	v5 =	vmul.f32 v8, v1;
	[tilespmem:s6+$0xFFFFFEF0] =	vst v2  }
0x38b: {  	v1 =	vmul.f32 v9, v1;
	[tilespmem:s6+$0xFFFFFEE0] =	vst v4  }
0x38c: {  	[tilespmem:s6+$0xFFFFFEB0] =	vst v5  }
0x38d: {  	v2 =	vld [tilespmem:s6+$0xFFFFFF00];
	[tilespmem:s6+$0xFFFFFEA0] =	vst v1  }
0x38e: {  	v1 =	vld.idx.msk [tilespmem:v3+s17+$0x0], $0xffff  }
0x38f: {  	v3 =	vld [tilespmem:s6+$0xFFFFFF60]  }
0x390: {  	v4 =	vld [tilespmem:s6+$0xFFFFFF10]  }
0x391: {  	v5 =	vld [tilespmem:s6+$0xFFFFFF50]  }
0x392: {  	v6 =	vld [tilespmem:s6+$0xFFFFFF70]  }
0x393: {  	v7 =	vld [tilespmem:s6+$0xFFFFFF20];
	v2 =	vmul.f32 v2, v1  }
0x394: {  	s16 =	simm.s32 $0x3;
	v8 =	vld [tilespmem:s6+$0xFFFFFF30];
	v3 =	vmul.f32 v3, v1  }
0x395: {  	v9 =	vld [tilespmem:s6+$0xFFFFFF40];
	v4 =	vmul.f32 v4, v1;
	[tilespmem:s6+$0xFFFFFF00] =	vst v2;
	v2 =	vmov s16  }
0x396: {  	v5 =	vmul.f32 v5, v1;
	[tilespmem:s6+$0xFFFFFF60] =	vst v3;
	v2 =	vand.u32 $0xFFFFFFFB, v2  }
0x397: {  	v3 =	vmul.f32 v6, v1;
	[tilespmem:s6+$0xFFFFFF10] =	vst v4;
	v2 =	vbroadcast v2, $0x0  }
0x398: {  	v4 =	vmul.f32 v7, v1;
	[tilespmem:s6+$0xFFFFFF50] =	vst v5  }
0x399: {  	v5 =	vmul.f32 v8, v1;
	[tilespmem:s6+$0xFFFFFF70] =	vst v3  }
0x39a: {  	v1 =	vmul.f32 v9, v1;
	[tilespmem:s6+$0xFFFFFF20] =	vst v4  }
0x39b: {  	[tilespmem:s6+$0xFFFFFF30] =	vst v5  }
0x39c: {  	[tilespmem:s6+$0xFFFFFF40] =	vst v1  }
0x39d: {  	v1 =	vld.idx.msk [tilespmem:v2+s17+$0x0], $0xffff  }
0x39e: {  	v2 =	vld [tilespmem:s6+$0xFFFFFFB0]  }
0x39f: {  	v4 =	vld [tilespmem:s6+$0xFFFFFFE0]  }
0x3a0: {  	v5 =	vld [tilespmem:s6+$0xFFFFFF80]  }
0x3a1: {  	v6 =	vld [tilespmem:s6+$0xFFFFFFD0]  }
0x3a2: {  	v3 =	vld [tilespmem:s6+$0xFFFFFFF0]  }
0x3a3: {  	v8 =	vld [tilespmem:s6+$0xFFFFFFA0];
	v2 =	vmul.f32 v2, v1  }
0x3a4: {  	s18 =	simm.s32 $0x4;
	v7 =	vld [tilespmem:s6+$0xFFFFFF90];
	v4 =	vmul.f32 v4, v1  }
0x3a5: {  	v9 =	vld [tilespmem:s6+$0xFFFFFFC0];
	v5 =	vmul.f32 v5, v1;
	[tilespmem:s6+$0xFFFFFFB0] =	vst v2;
	v2 =	vmov s18  }
0x3a6: {  	v6 =	vmul.f32 v6, v1;
	[tilespmem:s6+$0xFFFFFFE0] =	vst v4;
	v2 =	vand.u32 $0xFFFFFFFC, v2  }
0x3a7: {  	v3 =	vmul.f32 v3, v1;
	[tilespmem:s6+$0xFFFFFF80] =	vst v5;
	v2 =	vbroadcast v2, $0x0  }
0x3a8: {  	v10 =	vld [tilespmem:s6+$0x40];
	v4 =	vmul.f32 v8, v1;
	[tilespmem:s6+$0xFFFFFFD0] =	vst v6  }
0x3a9: {  	v5 =	vmul.f32 v7, v1;
	[tilespmem:s6+$0xFFFFFFF0] =	vst v3;
	v8 =	vld [tilespmem:s6+$0x0]  }
0x3aa: {  	v3 =	vmul.f32 v9, v1;
	v1 =	vld [tilespmem:s6+$0x70];
	[tilespmem:s6+$0xFFFFFFA0] =	vst v4  }
0x3ab: {  	v7 =	vld [tilespmem:s6+$0x20];
	[tilespmem:s6+$0xFFFFFF90] =	vst v5  }
0x3ac: {  	v6 =	vld [tilespmem:s6+$0x30];
	[tilespmem:s6+$0xFFFFFFC0] =	vst v3  }
0x3ad: {  	v2 =	vld.idx.msk [tilespmem:v2+s17+$0x0], $0xffff  }
0x3ae: {  	v3 =	vld [tilespmem:s6+$0x50]  }
0x3af: {  	v4 =	vld [tilespmem:s6+$0x10]  }
0x3b0: {  	v5 =	vld [tilespmem:s6+$0x60]  }
0x3b1: {  	s9 =	sshll.u32 s23, $0x1  }
0x3b2: {  	s11 =	simm.s32 $0x7;
	s14 =	simm.s32 $0xF;
	s15 =	simm.s32 $0x6C80;
	v9 =	vmul.f32 v8, v2;
	v8 =	vmul.f32 v10, v2  }
.LBB2_17:
0x3b3: {  	p4 =	sne.s32 s14, $0x4F;
	v7 =	vmul.f32 v7, v2;
	v6 =	vmul.f32 v6, v2;
	s16 =	sadd.s32 $0xFFFFFFFE, s11;
	s6 =	sadd.s32 $0x400, s6  }
0x3b4: {  	v3 =	vmul.f32 v3, v2;
	s18 =	smov.u32 s14;
	s14 =	sadd.s32 $0x8, s14;
	[tilespmem:s15+$0x0] =	vst v9;
	v4 =	vmul.f32 v4, v2;
	v9 =	vmov s16  }
0x3b5: {  	v1 =	vmul.f32 v1, v2;
	[tilespmem:s15+$0x40] =	vst v8;
	v5 =	vmul.f32 v5, v2;
	v2 =	vand.u32 $0xFFFFFFFD, v9  }
0x3b6: {  	[tilespmem:s15+$0x20] =	vst v7;
	v2 =	vbroadcast v2, $0x0  }
0x3b7: {  	[tilespmem:s15+$0x50] =	vst v3  }
0x3b8: {  	[tilespmem:s15+$0x70] =	vst v1;
	v1 =	vld [tilespmem:s15+$0xA0]  }
0x3b9: {  	[tilespmem:s15+$0x30] =	vst v6;
	v3 =	vld [tilespmem:s15+$0x80]  }
0x3ba: {  	[tilespmem:s15+$0x60] =	vst v5;
	v5 =	vld [tilespmem:s15+$0xD0]  }
0x3bb: {  	[tilespmem:s15+$0x10] =	vst v4;
	v4 =	vld [tilespmem:s15+$0xF0]  }
0x3bc: {  	v2 =	vld.idx.msk [tilespmem:v2+s17+$0x0], $0xffff  }
0x3bd: {  	v6 =	vld [tilespmem:s15+$0xC0]  }
0x3be: {  	v7 =	vld [tilespmem:s15+$0xB0]  }
0x3bf: {  	v8 =	vld [tilespmem:s15+$0x90]  }
0x3c0: {  	v9 =	vld [tilespmem:s15+$0xE0];
	_ =	sdelay $0x1  }
0x3c1: {  	v3 =	vmul.f32 v3, v2;
	v6 =	vmul.f32 v6, v2  }
0x3c2: {  	s16 =	sadd.s32 $0xFFFFFFFF, s11;
	v1 =	vmul.f32 v1, v2;
	v7 =	vmul.f32 v7, v2  }
0x3c3: {  	v5 =	vmul.f32 v5, v2;
	[tilespmem:s15+$0x80] =	vst v3;
	v3 =	vmul.f32 v8, v2;
	v8 =	vmov s16  }
0x3c4: {  	[tilespmem:s15+$0xA0] =	vst v1;
	v1 =	vmul.f32 v9, v2;
	v2 =	vmul.f32 v4, v2;
	v4 =	vand.u32 $0xFFFFFFFE, v8  }
0x3c5: {  	[tilespmem:s15+$0xD0] =	vst v5;
	v4 =	vbroadcast v4, $0x0  }
0x3c6: {  	[tilespmem:s15+$0xC0] =	vst v6  }
0x3c7: {  	[tilespmem:s15+$0xF0] =	vst v2;
	v2 =	vld [tilespmem:s15+$0x120]  }
0x3c8: {  	[tilespmem:s15+$0xB0] =	vst v7;
	v5 =	vld [tilespmem:s15+$0x100]  }
0x3c9: {  	[tilespmem:s15+$0x90] =	vst v3;
	v3 =	vld [tilespmem:s15+$0x140]  }
0x3ca: {  	[tilespmem:s15+$0xE0] =	vst v1;
	v1 =	vld [tilespmem:s15+$0x130]  }
0x3cb: {  	v4 =	vld.idx.msk [tilespmem:v4+s17+$0x0], $0xffff  }
0x3cc: {  	v6 =	vld [tilespmem:s15+$0x110]  }
0x3cd: {  	v7 =	vld [tilespmem:s15+$0x160]  }
0x3ce: {  	v8 =	vld [tilespmem:s15+$0x150]  }
0x3cf: {  	v9 =	vld [tilespmem:s15+$0x170];
	_ =	sdelay $0x1  }
0x3d0: {  	v5 =	vmul.f32 v5, v4;
	v6 =	vmul.f32 v6, v4  }
0x3d1: {  	v2 =	vmul.f32 v2, v4;
	v1 =	vmul.f32 v1, v4  }
0x3d2: {  	v3 =	vmul.f32 v3, v4;
	[tilespmem:s15+$0x100] =	vst v5;
	v5 =	vmul.f32 v8, v4  }
0x3d3: {  	[tilespmem:s15+$0x120] =	vst v2;
	v2 =	vmul.f32 v7, v4;
	v4 =	vmul.f32 v9, v4  }
0x3d4: {  	[tilespmem:s15+$0x130] =	vst v1  }
0x3d5: {  	v1 =	vmov s11;
	s11 =	smov.u32 s18;
	[tilespmem:s15+$0x140] =	vst v3  }
0x3d6: {  	[tilespmem:s15+$0x160] =	vst v2;
	v2 =	vld [tilespmem:s15+$0x180]  }
0x3d7: {  	[tilespmem:s15+$0x110] =	vst v6;
	v3 =	vld [tilespmem:s15+$0x1A0]  }
0x3d8: {  	[tilespmem:s15+$0x150] =	vst v5;
	v5 =	vld [tilespmem:s15+$0x1F0]  }
0x3d9: {  	[tilespmem:s15+$0x170] =	vst v4;
	v4 =	vld [tilespmem:s15+$0x1D0]  }
0x3da: {  	v1 =	vld.idx.msk [tilespmem:v1+s17+$0x0], $0xffff  }
0x3db: {  	v6 =	vld [tilespmem:s15+$0x190]  }
0x3dc: {  	v7 =	vld [tilespmem:s15+$0x1B0]  }
0x3dd: {  	v8 =	vld [tilespmem:s15+$0x1C0]  }
0x3de: {  	v9 =	vld [tilespmem:s15+$0x1E0];
	_ =	sdelay $0x1  }
0x3df: {  	v2 =	vmul.f32 v2, v1;
	v6 =	vmul.f32 v6, v1  }
0x3e0: {  	s16 =	sadd.s32 $0xFFFFFFF9, s11;
	v3 =	vmul.f32 v3, v1;
	v7 =	vmul.f32 v7, v1  }
0x3e1: {  	v10 =	vmov s16;
	v4 =	vmul.f32 v4, v1;
	[tilespmem:s15+$0x180] =	vst v2;
	v2 =	vmul.f32 v8, v1  }
0x3e2: {  	v8 =	vand.u32 $0xFFFFFFF8, v10;
	[tilespmem:s15+$0x190] =	vst v6;
	v6 =	vmul.f32 v9, v1;
	v1 =	vmul.f32 v5, v1  }
0x3e3: {  	v5 =	vbroadcast v8, $0x0;
	[tilespmem:s15+$0x1A0] =	vst v3  }
0x3e4: {  	[tilespmem:s15+$0x1F0] =	vst v1  }
0x3e5: {  	v1 =	vld [tilespmem:s6+$0xFFFFFE50];
	[tilespmem:s15+$0x1D0] =	vst v4  }
0x3e6: {  	v3 =	vld [tilespmem:s6+$0xFFFFFE30];
	[tilespmem:s15+$0x1B0] =	vst v7  }
0x3e7: {  	v4 =	vld [tilespmem:s6+$0xFFFFFE60];
	[tilespmem:s15+$0x1E0] =	vst v6  }
0x3e8: {  	v6 =	vld [tilespmem:s6+$0xFFFFFE70];
	[tilespmem:s15+$0x1C0] =	vst v2;
	s15 =	smov.u32 s6  }
0x3e9: {  	v2 =	vld.idx.msk [tilespmem:v5+s17+$0x0], $0xffff  }
0x3ea: {  	v5 =	vld [tilespmem:s6+$0xFFFFFE00]  }
0x3eb: {  	v7 =	vld [tilespmem:s6+$0xFFFFFE20]  }
0x3ec: {  	v8 =	vld [tilespmem:s6+$0xFFFFFE10]  }
0x3ed: {  	v9 =	vld [tilespmem:s6+$0xFFFFFE40];
	_ =	sdelay $0x1  }
0x3ee: {  	v6 =	vmul.f32 v6, v2;
	v5 =	vmul.f32 v5, v2  }
0x3ef: {  	s16 =	sadd.s32 $0xFFFFFFFA, s11;
	v4 =	vmul.f32 v4, v2;
	v7 =	vmul.f32 v7, v2  }
0x3f0: {  	v3 =	vmul.f32 v3, v2;
	v8 =	vmul.f32 v8, v2;
	[tilespmem:s6+$0xFFFFFE70] =	vst v6;
	v6 =	vmov s16  }
0x3f1: {  	v1 =	vmul.f32 v1, v2;
	[tilespmem:s6+$0xFFFFFE00] =	vst v5;
	v5 =	vmul.f32 v9, v2;
	v2 =	vand.u32 $0xFFFFFFF9, v6  }
0x3f2: {  	[tilespmem:s6+$0xFFFFFE20] =	vst v7;
	v2 =	vbroadcast v2, $0x0  }
0x3f3: {  	[tilespmem:s6+$0xFFFFFE30] =	vst v3  }
0x3f4: {  	[tilespmem:s6+$0xFFFFFE50] =	vst v1;
	v1 =	vld [tilespmem:s6+$0xFFFFFEF0]  }
0x3f5: {  	[tilespmem:s6+$0xFFFFFE10] =	vst v8;
	v3 =	vld [tilespmem:s6+$0xFFFFFED0]  }
0x3f6: {  	[tilespmem:s6+$0xFFFFFE60] =	vst v4;
	v4 =	vld [tilespmem:s6+$0xFFFFFEB0]  }
0x3f7: {  	[tilespmem:s6+$0xFFFFFE40] =	vst v5;
	v5 =	vld [tilespmem:s6+$0xFFFFFEC0]  }
0x3f8: {  	v2 =	vld.idx.msk [tilespmem:v2+s17+$0x0], $0xffff  }
0x3f9: {  	v6 =	vld [tilespmem:s6+$0xFFFFFE90]  }
0x3fa: {  	v7 =	vld [tilespmem:s6+$0xFFFFFE80]  }
0x3fb: {  	v8 =	vld [tilespmem:s6+$0xFFFFFEA0]  }
0x3fc: {  	v9 =	vld [tilespmem:s6+$0xFFFFFEE0];
	_ =	sdelay $0x1  }
0x3fd: {  	v5 =	vmul.f32 v5, v2;
	v6 =	vmul.f32 v6, v2  }
0x3fe: {  	s16 =	sadd.s32 $0xFFFFFFFB, s11;
	v4 =	vmul.f32 v4, v2;
	v7 =	vmul.f32 v7, v2  }
0x3ff: {  	v3 =	vmul.f32 v3, v2;
	[tilespmem:s6+$0xFFFFFE90] =	vst v6;
	v6 =	vmul.f32 v8, v2;
	v8 =	vmov s16  }
0x400: {  	v1 =	vmul.f32 v1, v2;
	[tilespmem:s6+$0xFFFFFEC0] =	vst v5;
	v5 =	vmul.f32 v9, v2;
	v2 =	vand.u32 $0xFFFFFFFA, v8  }
0x401: {  	[tilespmem:s6+$0xFFFFFE80] =	vst v7;
	v2 =	vbroadcast v2, $0x0  }
0x402: {  	[tilespmem:s6+$0xFFFFFED0] =	vst v3  }
0x403: {  	[tilespmem:s6+$0xFFFFFEE0] =	vst v5;
	v3 =	vld [tilespmem:s6+$0xFFFFFF70]  }
0x404: {  	[tilespmem:s6+$0xFFFFFEB0] =	vst v4;
	v4 =	vld [tilespmem:s6+$0xFFFFFF50]  }
0x405: {  	[tilespmem:s6+$0xFFFFFEF0] =	vst v1;
	v1 =	vld [tilespmem:s6+$0xFFFFFF20]  }
0x406: {  	[tilespmem:s6+$0xFFFFFEA0] =	vst v6;
	v5 =	vld [tilespmem:s6+$0xFFFFFF60]  }
0x407: {  	v2 =	vld.idx.msk [tilespmem:v2+s17+$0x0], $0xffff  }
0x408: {  	v6 =	vld [tilespmem:s6+$0xFFFFFF00]  }
0x409: {  	v7 =	vld [tilespmem:s6+$0xFFFFFF10]  }
0x40a: {  	v8 =	vld [tilespmem:s6+$0xFFFFFF40]  }
0x40b: {  	v9 =	vld [tilespmem:s6+$0xFFFFFF30];
	_ =	sdelay $0x1  }
0x40c: {  	v5 =	vmul.f32 v5, v2;
	v6 =	vmul.f32 v6, v2  }
0x40d: {  	s16 =	sadd.s32 $0xFFFFFFFC, s11;
	v1 =	vmul.f32 v1, v2;
	v7 =	vmul.f32 v7, v2  }
0x40e: {  	v4 =	vmul.f32 v4, v2;
	[tilespmem:s6+$0xFFFFFF00] =	vst v6;
	v6 =	vmul.f32 v8, v2;
	v8 =	vmov s16  }
0x40f: {  	v9 =	vmul.f32 v9, v2;
	[tilespmem:s6+$0xFFFFFF60] =	vst v5;
	v2 =	vmul.f32 v3, v2;
	v3 =	vand.u32 $0xFFFFFFFB, v8  }
0x410: {  	[tilespmem:s6+$0xFFFFFF10] =	vst v7;
	v3 =	vbroadcast v3, $0x0  }
0x411: {  	[tilespmem:s6+$0xFFFFFF50] =	vst v4  }
0x412: {  	[tilespmem:s6+$0xFFFFFF70] =	vst v2;
	v2 =	vld [tilespmem:s6+$0xFFFFFFF0]  }
0x413: {  	[tilespmem:s6+$0xFFFFFF20] =	vst v1;
	v1 =	vld [tilespmem:s6+$0xFFFFFFD0]  }
0x414: {  	[tilespmem:s6+$0xFFFFFF30] =	vst v9;
	v4 =	vld [tilespmem:s6+$0xFFFFFF90]  }
0x415: {  	[tilespmem:s6+$0xFFFFFF40] =	vst v6;
	v5 =	vld [tilespmem:s6+$0xFFFFFFE0]  }
0x416: {  	v3 =	vld.idx.msk [tilespmem:v3+s17+$0x0], $0xffff  }
0x417: {  	v6 =	vld [tilespmem:s6+$0xFFFFFFB0]  }
0x418: {  	v7 =	vld [tilespmem:s6+$0xFFFFFF80]  }
0x419: {  	v8 =	vld [tilespmem:s6+$0xFFFFFFC0]  }
0x41a: {  	v9 =	vld [tilespmem:s6+$0xFFFFFFA0];
	_ =	sdelay $0x1  }
0x41b: {  	v5 =	vmul.f32 v5, v3;
	v6 =	vmul.f32 v6, v3  }
0x41c: {  	s16 =	sadd.s32 $0xFFFFFFFD, s11;
	v4 =	vmul.f32 v4, v3;
	v7 =	vmul.f32 v7, v3  }
0x41d: {  	v1 =	vmul.f32 v1, v3;
	[tilespmem:s6+$0xFFFFFFB0] =	vst v6;
	v6 =	vmul.f32 v8, v3;
	v8 =	vmov s16  }
0x41e: {  	v2 =	vmul.f32 v2, v3;
	v9 =	vmul.f32 v9, v3;
	[tilespmem:s6+$0xFFFFFFE0] =	vst v5;
	v3 =	vand.u32 $0xFFFFFFFC, v8  }
0x41f: {  	[tilespmem:s6+$0xFFFFFF80] =	vst v7;
	v5 =	vbroadcast v3, $0x0  }
0x420: {  	[tilespmem:s6+$0xFFFFFFD0] =	vst v1  }
0x421: {  	[tilespmem:s6+$0xFFFFFFF0] =	vst v2;
	v8 =	vld [tilespmem:s6+$0x0]  }
0x422: {  	[tilespmem:s6+$0xFFFFFFA0] =	vst v9;
	v1 =	vld [tilespmem:s6+$0x70]  }
0x423: {  	[tilespmem:s6+$0xFFFFFF90] =	vst v4;
	v3 =	vld [tilespmem:s6+$0x50]  }
0x424: {  	[tilespmem:s6+$0xFFFFFFC0] =	vst v6;
	v7 =	vld [tilespmem:s6+$0x20]  }
0x425: {  	v2 =	vld.idx.msk [tilespmem:v5+s17+$0x0], $0xffff  }
0x426: {  	v10 =	vld [tilespmem:s6+$0x40]  }
.Ltmp14:
0x427: {  	v6 =	vld [tilespmem:s6+$0x30];
	(pc) =	sbr.rel @p4 .LBB2_17-.Ltmp14, $3  }
0x428: {  	v4 =	vld [tilespmem:s6+$0x10]  }
0x429: {  	v5 =	vld [tilespmem:s6+$0x60];
	_ =	sdelay $0x1  }
0x42a: {  	v9 =	vmul.f32 v8, v2;
	v8 =	vmul.f32 v10, v2  }
0x42b: {  	s6 =	sadd.s32 $0xFFFFFFFE, s11  }
0x42c: {  	v7 =	vmul.f32 v7, v2;
	[tilespmem:s15+$0x0] =	vst v9;
	v37 =	vmov s6  }
0x42d: {  	v3 =	vmul.f32 v3, v2;
	[tilespmem:s15+$0x40] =	vst v8;
	v38 =	vand.u32 $0xFFFFFFFD, v37  }
0x42e: {  	v1 =	vmul.f32 v1, v2;
	[tilespmem:s15+$0x20] =	vst v7;
	v39 =	vbroadcast v38, $0x0  }
0x42f: {  	v6 =	vmul.f32 v6, v2;
	[tilespmem:s15+$0x50] =	vst v3  }
0x430: {  	v3 =	vmul.f32 v5, v2;
	[tilespmem:s15+$0x70] =	vst v1  }
0x431: {  	v1 =	vmul.f32 v4, v2;
	[tilespmem:s15+$0x30] =	vst v6  }
0x432: {  	[tilespmem:s15+$0x60] =	vst v3  }
0x433: {  	v2 =	vld [tilespmem:s15+$0x80];
	[tilespmem:s15+$0x10] =	vst v1  }
0x434: {  	v1 =	vld.idx.msk [tilespmem:v39+s17+$0x0], $0xffff  }
0x435: {  	v3 =	vld [tilespmem:s15+$0xA0]  }
0x436: {  	v40 =	vld [tilespmem:s15+$0xD0]  }
0x437: {  	v41 =	vld [tilespmem:s15+$0xC0]  }
0x438: {  	v42 =	vld [tilespmem:s15+$0xF0]  }
0x439: {  	v44 =	vld [tilespmem:s15+$0x90];
	v2 =	vmul.f32 v2, v1  }
0x43a: {  	v43 =	vld [tilespmem:s15+$0xB0];
	s18 =	sadd.s32 $0xFFFFFFFF, s11;
	v3 =	vmul.f32 v3, v1  }
0x43b: {  	v45 =	vld [tilespmem:s15+$0xE0];
	v46 =	vmov s18;
	[tilespmem:s15+$0x80] =	vst v2;
	v2 =	vmul.f32 v40, v1  }
0x43c: {  	v5 =	vmul.f32 v41, v1;
	[tilespmem:s15+$0xA0] =	vst v3;
	v3 =	vand.u32 $0xFFFFFFFE, v46  }
0x43d: {  	v47 =	vmul.f32 v42, v1;
	[tilespmem:s15+$0xD0] =	vst v2;
	v2 =	vbroadcast v3, $0x0  }
0x43e: {  	v48 =	vmul.f32 v44, v1;
	[tilespmem:s15+$0xC0] =	vst v5  }
0x43f: {  	[tilespmem:s15+$0xF0] =	vst v47;
	v3 =	vmul.f32 v43, v1  }
0x440: {  	[tilespmem:s15+$0x90] =	vst v48;
	v1 =	vmul.f32 v45, v1  }
0x441: {  	[tilespmem:s15+$0xB0] =	vst v3  }
0x442: {  	v3 =	vld [tilespmem:s15+$0x100];
	[tilespmem:s15+$0xE0] =	vst v1  }
0x443: {  	v1 =	vld.idx.msk [tilespmem:v2+s17+$0x0], $0xffff  }
0x444: {  	v2 =	vld [tilespmem:s15+$0x120]  }
0x445: {  	v49 =	vld [tilespmem:s15+$0x130]  }
0x446: {  	v50 =	vld [tilespmem:s15+$0x140]  }
0x447: {  	v52 =	vld [tilespmem:s15+$0x110]  }
0x448: {  	v53 =	vld [tilespmem:s15+$0x150];
	v3 =	vmul.f32 v3, v1  }
0x449: {  	v51 =	vld [tilespmem:s15+$0x160];
	v2 =	vmul.f32 v2, v1  }
0x44a: {  	v54 =	vld [tilespmem:s15+$0x170];
	v4 =	vmul.f32 v49, v1;
	[tilespmem:s15+$0x100] =	vst v3  }
0x44b: {  	v3 =	vmul.f32 v50, v1;
	[tilespmem:s15+$0x120] =	vst v2  }
0x44c: {  	v55 =	vmul.f32 v52, v1;
	[tilespmem:s15+$0x130] =	vst v4  }
0x44d: {  	v56 =	vmul.f32 v53, v1;
	[tilespmem:s15+$0x140] =	vst v3;
	v3 =	vmov s11  }
0x44e: {  	v2 =	vmul.f32 v51, v1;
	[tilespmem:s15+$0x110] =	vst v55  }
0x44f: {  	v1 =	vmul.f32 v54, v1;
	[tilespmem:s15+$0x150] =	vst v56  }
0x450: {  	[tilespmem:s15+$0x160] =	vst v2  }
0x451: {  	v2 =	vld [tilespmem:s15+$0x180];
	[tilespmem:s15+$0x170] =	vst v1  }
0x452: {  	v1 =	vld.idx.msk [tilespmem:v3+s17+$0x0], $0xffff  }
0x453: {  	v3 =	vld [tilespmem:s15+$0x190]  }
0x454: {  	v57 =	vld [tilespmem:s15+$0x1A0]  }
0x455: {  	v60 =	vld [tilespmem:s15+$0x1B0]  }
0x456: {  	v58 =	vld [tilespmem:s15+$0x1F0]  }
0x457: {  	v59 =	vld [tilespmem:s15+$0x1D0];
	v2 =	vmul.f32 v2, v1  }
0x458: {  	v61 =	vld [tilespmem:s15+$0x1E0];
	v3 =	vmul.f32 v3, v1  }
0x459: {  	v62 =	vld [tilespmem:s15+$0x1C0];
	v4 =	vmul.f32 v57, v1;
	[tilespmem:s15+$0x180] =	vst v2  }
0x45a: {  	v63 =	vmul.f32 v60, v1;
	[tilespmem:s15+$0x190] =	vst v3  }
0x45b: {  	v2 =	vmul.f32 v58, v1;
	[tilespmem:s15+$0x1A0] =	vst v4  }
0x45c: {  	v3 =	vmul.f32 v59, v1;
	[tilespmem:s15+$0x1B0] =	vst v63  }
.Ltmp15:
0x45d: {  	[tilespmem:s15+$0x1F0] =	vst v2;
	v2 =	vmul.f32 v61, v1;
	(pc) =	sbr.rel @p3 .LBB2_22-.Ltmp15, $4  }
0x45e: {  	[tilespmem:s15+$0x1D0] =	vst v3;
	v1 =	vmul.f32 v62, v1  }
0x45f: {  	[tilespmem:s15+$0x1E0] =	vst v2  }
0x460: {  	[tilespmem:s15+$0x1C0] =	vst v1  }
0x461: {  	[spmem:s1] =	stream.indirect.scatter.add.f32 [tilespmem:s30], [sflag:$0x3], $0x80, s25, s31, $0xb8;
	[tilespmem:$0x1FD00] =	vst v63  }
0x462: {  	s9 =	sadd.s32 $0x2, s9  }
0x463: {  	s6 =	smul.u32 $0x140, s9  }
0x464: {  	s9 =	sshll.u32 s9, $0x7  }
0x465: {  	s9 =	sand.u32 $0x3FFFFF80, s9;
	s6 =	sshra.s32 s6, $0x2  }
0x466: {  	[tilespmem:s0], [sflag:$0x5] =	stream.indirect.gather [spmem:s2], $0x1, s6, s31, $0xb8;
	[tilespmem:$0x1FD00] =	vst v63  }
0x467: {  	s9 =	sadd.s32 $0x2780, s9  }
0x468: {  	[tilespmem:s29], [sflag:$0x5] =	stream.indirect.gather [spmem:s4], $0x1, s9, s31, $0xb8;
	[tilespmem:$0x1FD00] =	vst v63  }
0x469: {  	s9 =	simm.s32 @!p2 $0x8  }
0x46a: {  	_ =	swait.ge @!p2 [sflag:s9], $0x50  }
0x46b: {  	[sflag:s9] =	ssyncset.done @!p2 $0x0  }
0x46c: {  	[sflag:s9] =	ssyncadd.s32 @!p2 $0xFFFFFFB0  }
0x46d: {  	_ =	swait.ge [sflag:s20], $0x50  }
0x46e: {  	[sflag:s20] =	ssyncset.done $0x0  }
0x46f: {  	[sflag:s20] =	ssyncadd.s32 $0xFFFFFFB0  }
0x470: {  	_ =	swait.ge [sflag:s20], $0x50  }
0x471: {  	[sflag:s20] =	ssyncset.done $0x0  }
0x472: {  	[sflag:s20] =	ssyncadd.s32 $0xFFFFFFB0  }
0x473: {  	v1 =	vld [tilespmem:$0x6800]  }
0x474: {  	v2 =	vld [tilespmem:$0x6900]  }
0x475: {  	v3 =	vld [tilespmem:$0x6810]  }
0x476: {  	v4 =	vld [tilespmem:$0x6910]  }
0x477: {  	v5 =	vld [tilespmem:$0x6820]  }
0x478: {  	v6 =	vld [tilespmem:$0x6920]  }
0x479: {  	v7 =	vld [tilespmem:$0x6930];
	v1 =	vadd.f32 v2, v1  }
0x47a: {  	v9 =	vld [tilespmem:$0x6840]  }
0x47b: {  	v2 =	vld [tilespmem:$0x6830];
	v8 =	vmul.f32 $2.000000030e-01, v1  }
0x47c: {  	v10 =	vld [tilespmem:$0x6940];
	vm0 =	vgt.f32 v1, $0.0e+00  }
0x47d: {  	v3 =	vadd.f32 v4, v3;
	v1 =	vsel vm0, v1, v8  }
0x47e: {  	v1 =	vmul.f32 $1.442695020e+00, v1  }
0x47f: {  	v5 =	vadd.f32 v6, v5;
	v4 =	vmul.f32 $2.000000030e-01, v3  }
0x480: {  	vm12 =	vgt.f32 v3, $0.0e+00;
	(erf) = vpow2.f32 v1;
	v1 =	vadd.f32 v7, v2  }
0x481: {  	v2 =	vsel vm12, v3, v4;
	v3 =	vmul.f32 $2.000000030e-01, v5;
	v4 =	vadd.f32 v10, v9  }
0x482: {  	vm13 =	vgt.f32 v5, $0.0e+00;
	v2 =	vmul.f32 $1.442695020e+00, v2;
	v6 =	vmul.f32 $2.000000030e-01, v1  }
0x483: {  	v3 =	vsel vm13, v5, v3;
	vm14 =	vgt.f32 v1, $0.0e+00;
	v5 =	vmul.f32 $2.000000030e-01, v4  }
0x484: {  	vm15 =	vgt.f32 v4, $0.0e+00;
	v3 =	vmul.f32 $1.442695020e+00, v3;
	v1 =	vsel vm14, v1, v6  }
0x485: {  	(erf) = vpow2.f32 v2;
	v2 =	vsel vm15, v4, v5;
	v1 =	vmul.f32 $1.442695020e+00, v1  }
0x486: {  	(erf) = vpow2.f32 v3;
	v2 =	vmul.f32 $1.442695020e+00, v2  }
0x487: {  	(erf) = vpow2.f32 v1  }
0x488: {  	(erf) = vpow2.f32 v2;
	_ =	sdelay $0x4  }
0x489: {  	v1 =	vpop (erf)  }
0x48a: {  	[tilespmem:$0x6A00] =	vst v1;
	v2 =	vpop (erf)  }
0x48b: {  	[tilespmem:$0x6A10] =	vst v2;
	v1 =	vpop (erf)  }
0x48c: {  	s11 =	sshll.u32 s24, $0x7;
	[tilespmem:$0x6A20] =	vst v1;
	v2 =	vpop (erf)  }
0x48d: {  	s9 =	sand.u32 $0x3FFFFF80, s11;
	[tilespmem:$0x6A30] =	vst v2;
	v1 =	vpop (erf)  }
0x48e: {  	s14 =	simm.s32 $0x0;
	s24 =	sadd.s32 $0x2780, s9;
	[tilespmem:$0x6A40] =	vst v1  }
0x48f: {  	[spmem:s5] =	stream.indirect.scatter.add.f32 [tilespmem:s21], [sflag:$0x8], $0x1, s24, s31, $0xb8;
	[tilespmem:$0x1FD00] =	vst v63  }
0x490: {  	v1 =	vmov s14;
	_ =	swait.ge [sflag:s22], $0x2800  }
0x491: {  	v1 =	vand.u32 $0xFFFFFFF8, v1;
	[sflag:s22] =	ssyncset.done $0x0  }
0x492: {  	v1 =	vbroadcast v1, $0x0;
	[sflag:s22] =	ssyncadd.s32 $0xFFFFD800  }
0x493: {  	[tilespmem:s30], [sflag:$0x1] =	stream.indirect.gather [hbm4b:s8+s31], $0x80, s6, s31, $0xb8;
	[tilespmem:$0x1FD00] =	vst v63  }
0x494: {  	_ =	swait.ge [sflag:s3], $0x2800  }
0x495: {  	[sflag:s3] =	ssyncset.done $0x0  }
0x496: {  	s6 =	simm.s32 $0x9480;
	[sflag:s3] =	ssyncadd.s32 $0xFFFFD800  }
0x497: {  	v3 =	vld [tilespmem:s6+$0xFFFFFE70]  }
0x498: {  	v1 =	vld.idx.msk [tilespmem:v1+s21+$0x0], $0xffff  }
0x499: {  	v4 =	vld [tilespmem:s6+$0xFFFFFE00]  }
0x49a: {  	v5 =	vld [tilespmem:s6+$0xFFFFFE20]  }
0x49b: {  	v6 =	vld [tilespmem:s6+$0xFFFFFE30]  }
0x49c: {  	v2 =	vld [tilespmem:s6+$0xFFFFFE50]  }
0x49d: {  	v8 =	vld [tilespmem:s6+$0xFFFFFE10];
	v3 =	vmul.f32 v3, v1  }
0x49e: {  	s15 =	simm.s32 $0x1;
	v7 =	vld [tilespmem:s6+$0xFFFFFE60];
	v4 =	vmul.f32 v4, v1  }
0x49f: {  	v9 =	vld [tilespmem:s6+$0xFFFFFE40];
	v5 =	vmul.f32 v5, v1;
	[tilespmem:s6+$0xFFFFFE70] =	vst v3;
	v3 =	vmov s15  }
0x4a0: {  	v6 =	vmul.f32 v6, v1;
	[tilespmem:s6+$0xFFFFFE00] =	vst v4;
	v3 =	vand.u32 $0xFFFFFFF9, v3  }
0x4a1: {  	v2 =	vmul.f32 v2, v1;
	[tilespmem:s6+$0xFFFFFE20] =	vst v5;
	v3 =	vbroadcast v3, $0x0  }
0x4a2: {  	v4 =	vmul.f32 v8, v1;
	[tilespmem:s6+$0xFFFFFE30] =	vst v6  }
0x4a3: {  	v5 =	vmul.f32 v7, v1;
	[tilespmem:s6+$0xFFFFFE50] =	vst v2  }
0x4a4: {  	v1 =	vmul.f32 v9, v1;
	[tilespmem:s6+$0xFFFFFE10] =	vst v4  }
0x4a5: {  	[tilespmem:s6+$0xFFFFFE60] =	vst v5  }
0x4a6: {  	[tilespmem:s6+$0xFFFFFE40] =	vst v1  }
0x4a7: {  	v1 =	vld.idx.msk [tilespmem:v3+s21+$0x0], $0xffff  }
0x4a8: {  	v3 =	vld [tilespmem:s6+$0xFFFFFE90]  }
0x4a9: {  	v4 =	vld [tilespmem:s6+$0xFFFFFEC0]  }
0x4aa: {  	v5 =	vld [tilespmem:s6+$0xFFFFFE80]  }
0x4ab: {  	v6 =	vld [tilespmem:s6+$0xFFFFFED0]  }
0x4ac: {  	v2 =	vld [tilespmem:s6+$0xFFFFFEF0]  }
0x4ad: {  	v7 =	vld [tilespmem:s6+$0xFFFFFEE0];
	v3 =	vmul.f32 v3, v1  }
0x4ae: {  	s16 =	simm.s32 $0x2;
	v8 =	vld [tilespmem:s6+$0xFFFFFEB0];
	v4 =	vmul.f32 v4, v1  }
0x4af: {  	v9 =	vld [tilespmem:s6+$0xFFFFFEA0];
	v5 =	vmul.f32 v5, v1;
	[tilespmem:s6+$0xFFFFFE90] =	vst v3;
	v3 =	vmov s16  }
0x4b0: {  	v6 =	vmul.f32 v6, v1;
	[tilespmem:s6+$0xFFFFFEC0] =	vst v4;
	v3 =	vand.u32 $0xFFFFFFFA, v3  }
0x4b1: {  	v2 =	vmul.f32 v2, v1;
	[tilespmem:s6+$0xFFFFFE80] =	vst v5;
	v3 =	vbroadcast v3, $0x0  }
0x4b2: {  	v4 =	vmul.f32 v7, v1;
	[tilespmem:s6+$0xFFFFFED0] =	vst v6  }
0x4b3: {  	v5 =	vmul.f32 v8, v1;
	[tilespmem:s6+$0xFFFFFEF0] =	vst v2  }
0x4b4: {  	v1 =	vmul.f32 v9, v1;
	[tilespmem:s6+$0xFFFFFEE0] =	vst v4  }
0x4b5: {  	[tilespmem:s6+$0xFFFFFEB0] =	vst v5  }
0x4b6: {  	v2 =	vld [tilespmem:s6+$0xFFFFFF00];
	[tilespmem:s6+$0xFFFFFEA0] =	vst v1  }
0x4b7: {  	v1 =	vld.idx.msk [tilespmem:v3+s21+$0x0], $0xffff  }
0x4b8: {  	v3 =	vld [tilespmem:s6+$0xFFFFFF60]  }
0x4b9: {  	v4 =	vld [tilespmem:s6+$0xFFFFFF10]  }
0x4ba: {  	v5 =	vld [tilespmem:s6+$0xFFFFFF50]  }
0x4bb: {  	v6 =	vld [tilespmem:s6+$0xFFFFFF70]  }
0x4bc: {  	v7 =	vld [tilespmem:s6+$0xFFFFFF20];
	v2 =	vmul.f32 v2, v1  }
0x4bd: {  	s18 =	simm.s32 $0x3;
	v8 =	vld [tilespmem:s6+$0xFFFFFF30];
	v3 =	vmul.f32 v3, v1  }
0x4be: {  	v9 =	vld [tilespmem:s6+$0xFFFFFF40];
	v4 =	vmul.f32 v4, v1;
	[tilespmem:s6+$0xFFFFFF00] =	vst v2;
	v2 =	vmov s18  }
0x4bf: {  	v5 =	vmul.f32 v5, v1;
	[tilespmem:s6+$0xFFFFFF60] =	vst v3;
	v2 =	vand.u32 $0xFFFFFFFB, v2  }
0x4c0: {  	v3 =	vmul.f32 v6, v1;
	[tilespmem:s6+$0xFFFFFF10] =	vst v4;
	v2 =	vbroadcast v2, $0x0  }
0x4c1: {  	v4 =	vmul.f32 v7, v1;
	[tilespmem:s6+$0xFFFFFF50] =	vst v5  }
0x4c2: {  	v5 =	vmul.f32 v8, v1;
	[tilespmem:s6+$0xFFFFFF70] =	vst v3  }
0x4c3: {  	v1 =	vmul.f32 v9, v1;
	[tilespmem:s6+$0xFFFFFF20] =	vst v4  }
0x4c4: {  	[tilespmem:s6+$0xFFFFFF30] =	vst v5  }
0x4c5: {  	[tilespmem:s6+$0xFFFFFF40] =	vst v1  }
0x4c6: {  	v1 =	vld.idx.msk [tilespmem:v2+s21+$0x0], $0xffff  }
0x4c7: {  	v2 =	vld [tilespmem:s6+$0xFFFFFFB0]  }
0x4c8: {  	v4 =	vld [tilespmem:s6+$0xFFFFFFE0]  }
0x4c9: {  	v5 =	vld [tilespmem:s6+$0xFFFFFF80]  }
0x4ca: {  	v6 =	vld [tilespmem:s6+$0xFFFFFFD0]  }
0x4cb: {  	v3 =	vld [tilespmem:s6+$0xFFFFFFF0]  }
0x4cc: {  	v8 =	vld [tilespmem:s6+$0xFFFFFFA0];
	v2 =	vmul.f32 v2, v1  }
0x4cd: {  	s25 =	simm.s32 $0x4;
	v7 =	vld [tilespmem:s6+$0xFFFFFF90];
	v4 =	vmul.f32 v4, v1  }
0x4ce: {  	v9 =	vld [tilespmem:s6+$0xFFFFFFC0];
	v5 =	vmul.f32 v5, v1;
	[tilespmem:s6+$0xFFFFFFB0] =	vst v2;
	v2 =	vmov s25  }
0x4cf: {  	v6 =	vmul.f32 v6, v1;
	[tilespmem:s6+$0xFFFFFFE0] =	vst v4;
	v2 =	vand.u32 $0xFFFFFFFC, v2  }
0x4d0: {  	v3 =	vmul.f32 v3, v1;
	[tilespmem:s6+$0xFFFFFF80] =	vst v5;
	v2 =	vbroadcast v2, $0x0  }
0x4d1: {  	v10 =	vld [tilespmem:s6+$0x40];
	v4 =	vmul.f32 v8, v1;
	[tilespmem:s6+$0xFFFFFFD0] =	vst v6  }
0x4d2: {  	v5 =	vmul.f32 v7, v1;
	[tilespmem:s6+$0xFFFFFFF0] =	vst v3;
	v8 =	vld [tilespmem:s6+$0x0]  }
0x4d3: {  	v3 =	vmul.f32 v9, v1;
	v1 =	vld [tilespmem:s6+$0x70];
	[tilespmem:s6+$0xFFFFFFA0] =	vst v4  }
0x4d4: {  	v7 =	vld [tilespmem:s6+$0x20];
	[tilespmem:s6+$0xFFFFFF90] =	vst v5  }
0x4d5: {  	v6 =	vld [tilespmem:s6+$0x30];
	[tilespmem:s6+$0xFFFFFFC0] =	vst v3  }
0x4d6: {  	v2 =	vld.idx.msk [tilespmem:v2+s21+$0x0], $0xffff  }
0x4d7: {  	v3 =	vld [tilespmem:s6+$0x50]  }
0x4d8: {  	v4 =	vld [tilespmem:s6+$0x10]  }
0x4d9: {  	v5 =	vld [tilespmem:s6+$0x60];
	_ =	sdelay $0x1  }
0x4da: {  	s11 =	simm.s32 $0x7;
	s9 =	simm.s32 $0x9480;
	s14 =	simm.s32 $0xF;
	v9 =	vmul.f32 v8, v2;
	v8 =	vmul.f32 v10, v2  }
.LBB2_20:
0x4db: {  	p2 =	sne.s32 s14, $0x4F;
	v7 =	vmul.f32 v7, v2;
	v6 =	vmul.f32 v6, v2;
	s15 =	sadd.s32 $0xFFFFFFFE, s11;
	s6 =	sadd.s32 $0x400, s6  }
0x4dc: {  	v4 =	vmul.f32 v4, v2;
	v3 =	vmul.f32 v3, v2;
	[tilespmem:s9+$0x0] =	vst v9;
	v9 =	vmov s15;
	s15 =	smov.u32 s14;
	s14 =	sadd.s32 $0x8, s14  }
0x4dd: {  	v5 =	vmul.f32 v5, v2;
	v1 =	vmul.f32 v1, v2;
	[tilespmem:s9+$0x40] =	vst v8;
	v2 =	vand.u32 $0xFFFFFFFD, v9  }
0x4de: {  	[tilespmem:s9+$0x20] =	vst v7;
	v2 =	vbroadcast v2, $0x0  }
0x4df: {  	[tilespmem:s9+$0x50] =	vst v3  }
0x4e0: {  	[tilespmem:s9+$0x70] =	vst v1;
	v1 =	vld [tilespmem:s9+$0xA0]  }
0x4e1: {  	[tilespmem:s9+$0x30] =	vst v6;
	v3 =	vld [tilespmem:s9+$0x80]  }
0x4e2: {  	[tilespmem:s9+$0x60] =	vst v5;
	v5 =	vld [tilespmem:s9+$0xD0]  }
0x4e3: {  	[tilespmem:s9+$0x10] =	vst v4;
	v4 =	vld [tilespmem:s9+$0xF0]  }
0x4e4: {  	v2 =	vld.idx.msk [tilespmem:v2+s21+$0x0], $0xffff  }
0x4e5: {  	v6 =	vld [tilespmem:s9+$0xC0]  }
0x4e6: {  	v7 =	vld [tilespmem:s9+$0xB0]  }
0x4e7: {  	v8 =	vld [tilespmem:s9+$0x90]  }
0x4e8: {  	v9 =	vld [tilespmem:s9+$0xE0];
	_ =	sdelay $0x1  }
0x4e9: {  	v3 =	vmul.f32 v3, v2;
	v6 =	vmul.f32 v6, v2  }
0x4ea: {  	s16 =	sadd.s32 $0xFFFFFFFF, s11;
	v1 =	vmul.f32 v1, v2;
	v7 =	vmul.f32 v7, v2  }
0x4eb: {  	v5 =	vmul.f32 v5, v2;
	[tilespmem:s9+$0x80] =	vst v3;
	v3 =	vmul.f32 v8, v2;
	v8 =	vmov s16  }
0x4ec: {  	[tilespmem:s9+$0xA0] =	vst v1;
	v1 =	vmul.f32 v9, v2;
	v2 =	vmul.f32 v4, v2;
	v4 =	vand.u32 $0xFFFFFFFE, v8  }
0x4ed: {  	[tilespmem:s9+$0xD0] =	vst v5;
	v4 =	vbroadcast v4, $0x0  }
0x4ee: {  	[tilespmem:s9+$0xC0] =	vst v6  }
0x4ef: {  	[tilespmem:s9+$0xF0] =	vst v2;
	v2 =	vld [tilespmem:s9+$0x120]  }
0x4f0: {  	[tilespmem:s9+$0xB0] =	vst v7;
	v5 =	vld [tilespmem:s9+$0x100]  }
0x4f1: {  	[tilespmem:s9+$0x90] =	vst v3;
	v3 =	vld [tilespmem:s9+$0x140]  }
0x4f2: {  	[tilespmem:s9+$0xE0] =	vst v1;
	v1 =	vld [tilespmem:s9+$0x130]  }
0x4f3: {  	v4 =	vld.idx.msk [tilespmem:v4+s21+$0x0], $0xffff  }
0x4f4: {  	v6 =	vld [tilespmem:s9+$0x110]  }
0x4f5: {  	v7 =	vld [tilespmem:s9+$0x160]  }
0x4f6: {  	v8 =	vld [tilespmem:s9+$0x150]  }
0x4f7: {  	v9 =	vld [tilespmem:s9+$0x170];
	_ =	sdelay $0x1  }
0x4f8: {  	v5 =	vmul.f32 v5, v4;
	v6 =	vmul.f32 v6, v4  }
0x4f9: {  	v2 =	vmul.f32 v2, v4;
	v1 =	vmul.f32 v1, v4  }
0x4fa: {  	v3 =	vmul.f32 v3, v4;
	[tilespmem:s9+$0x100] =	vst v5;
	v5 =	vmul.f32 v8, v4  }
0x4fb: {  	[tilespmem:s9+$0x120] =	vst v2;
	v2 =	vmul.f32 v7, v4;
	v4 =	vmul.f32 v9, v4  }
0x4fc: {  	[tilespmem:s9+$0x130] =	vst v1  }
0x4fd: {  	v1 =	vmov s11;
	s11 =	smov.u32 s15;
	[tilespmem:s9+$0x140] =	vst v3  }
0x4fe: {  	[tilespmem:s9+$0x160] =	vst v2;
	v2 =	vld [tilespmem:s9+$0x180]  }
0x4ff: {  	[tilespmem:s9+$0x110] =	vst v6;
	v3 =	vld [tilespmem:s9+$0x1A0]  }
0x500: {  	[tilespmem:s9+$0x150] =	vst v5;
	v5 =	vld [tilespmem:s9+$0x1F0]  }
0x501: {  	[tilespmem:s9+$0x170] =	vst v4;
	v4 =	vld [tilespmem:s9+$0x1D0]  }
0x502: {  	v1 =	vld.idx.msk [tilespmem:v1+s21+$0x0], $0xffff  }
0x503: {  	v6 =	vld [tilespmem:s9+$0x190]  }
0x504: {  	v7 =	vld [tilespmem:s9+$0x1B0]  }
0x505: {  	v8 =	vld [tilespmem:s9+$0x1C0]  }
0x506: {  	v9 =	vld [tilespmem:s9+$0x1E0];
	_ =	sdelay $0x1  }
0x507: {  	v2 =	vmul.f32 v2, v1;
	v6 =	vmul.f32 v6, v1  }
0x508: {  	s15 =	sadd.s32 $0xFFFFFFF9, s11;
	v3 =	vmul.f32 v3, v1;
	v7 =	vmul.f32 v7, v1  }
0x509: {  	v10 =	vmov s15;
	v4 =	vmul.f32 v4, v1;
	[tilespmem:s9+$0x180] =	vst v2;
	v2 =	vmul.f32 v8, v1  }
0x50a: {  	v8 =	vand.u32 $0xFFFFFFF8, v10;
	[tilespmem:s9+$0x190] =	vst v6;
	v6 =	vmul.f32 v9, v1;
	v1 =	vmul.f32 v5, v1  }
0x50b: {  	v5 =	vbroadcast v8, $0x0;
	[tilespmem:s9+$0x1A0] =	vst v3  }
0x50c: {  	[tilespmem:s9+$0x1F0] =	vst v1  }
0x50d: {  	v1 =	vld [tilespmem:s6+$0xFFFFFE50];
	[tilespmem:s9+$0x1D0] =	vst v4  }
0x50e: {  	v3 =	vld [tilespmem:s6+$0xFFFFFE30];
	[tilespmem:s9+$0x1B0] =	vst v7  }
0x50f: {  	v4 =	vld [tilespmem:s6+$0xFFFFFE60];
	[tilespmem:s9+$0x1E0] =	vst v6  }
0x510: {  	v6 =	vld [tilespmem:s6+$0xFFFFFE70];
	[tilespmem:s9+$0x1C0] =	vst v2;
	s9 =	smov.u32 s6  }
0x511: {  	v2 =	vld.idx.msk [tilespmem:v5+s21+$0x0], $0xffff  }
0x512: {  	v5 =	vld [tilespmem:s6+$0xFFFFFE00]  }
0x513: {  	v7 =	vld [tilespmem:s6+$0xFFFFFE20]  }
0x514: {  	v8 =	vld [tilespmem:s6+$0xFFFFFE10]  }
0x515: {  	v9 =	vld [tilespmem:s6+$0xFFFFFE40];
	_ =	sdelay $0x1  }
0x516: {  	v6 =	vmul.f32 v6, v2;
	v5 =	vmul.f32 v5, v2  }
0x517: {  	s15 =	sadd.s32 $0xFFFFFFFA, s11;
	v4 =	vmul.f32 v4, v2;
	v7 =	vmul.f32 v7, v2  }
0x518: {  	v3 =	vmul.f32 v3, v2;
	v8 =	vmul.f32 v8, v2;
	[tilespmem:s6+$0xFFFFFE70] =	vst v6;
	v6 =	vmov s15  }
0x519: {  	v1 =	vmul.f32 v1, v2;
	[tilespmem:s6+$0xFFFFFE00] =	vst v5;
	v5 =	vmul.f32 v9, v2;
	v2 =	vand.u32 $0xFFFFFFF9, v6  }
0x51a: {  	[tilespmem:s6+$0xFFFFFE20] =	vst v7;
	v2 =	vbroadcast v2, $0x0  }
0x51b: {  	[tilespmem:s6+$0xFFFFFE30] =	vst v3  }
0x51c: {  	[tilespmem:s6+$0xFFFFFE50] =	vst v1;
	v1 =	vld [tilespmem:s6+$0xFFFFFEF0]  }
0x51d: {  	[tilespmem:s6+$0xFFFFFE10] =	vst v8;
	v3 =	vld [tilespmem:s6+$0xFFFFFED0]  }
0x51e: {  	[tilespmem:s6+$0xFFFFFE60] =	vst v4;
	v4 =	vld [tilespmem:s6+$0xFFFFFEB0]  }
0x51f: {  	[tilespmem:s6+$0xFFFFFE40] =	vst v5;
	v5 =	vld [tilespmem:s6+$0xFFFFFEC0]  }
0x520: {  	v2 =	vld.idx.msk [tilespmem:v2+s21+$0x0], $0xffff  }
0x521: {  	v6 =	vld [tilespmem:s6+$0xFFFFFE90]  }
0x522: {  	v7 =	vld [tilespmem:s6+$0xFFFFFE80]  }
0x523: {  	v8 =	vld [tilespmem:s6+$0xFFFFFEA0]  }
0x524: {  	v9 =	vld [tilespmem:s6+$0xFFFFFEE0];
	_ =	sdelay $0x1  }
0x525: {  	v5 =	vmul.f32 v5, v2;
	v6 =	vmul.f32 v6, v2  }
0x526: {  	s15 =	sadd.s32 $0xFFFFFFFB, s11;
	v4 =	vmul.f32 v4, v2;
	v7 =	vmul.f32 v7, v2  }
0x527: {  	v3 =	vmul.f32 v3, v2;
	[tilespmem:s6+$0xFFFFFE90] =	vst v6;
	v6 =	vmul.f32 v8, v2;
	v8 =	vmov s15  }
0x528: {  	v1 =	vmul.f32 v1, v2;
	[tilespmem:s6+$0xFFFFFEC0] =	vst v5;
	v5 =	vmul.f32 v9, v2;
	v2 =	vand.u32 $0xFFFFFFFA, v8  }
0x529: {  	[tilespmem:s6+$0xFFFFFE80] =	vst v7;
	v2 =	vbroadcast v2, $0x0  }
0x52a: {  	[tilespmem:s6+$0xFFFFFED0] =	vst v3  }
0x52b: {  	[tilespmem:s6+$0xFFFFFEE0] =	vst v5;
	v3 =	vld [tilespmem:s6+$0xFFFFFF70]  }
0x52c: {  	[tilespmem:s6+$0xFFFFFEB0] =	vst v4;
	v4 =	vld [tilespmem:s6+$0xFFFFFF50]  }
0x52d: {  	[tilespmem:s6+$0xFFFFFEF0] =	vst v1;
	v1 =	vld [tilespmem:s6+$0xFFFFFF20]  }
0x52e: {  	[tilespmem:s6+$0xFFFFFEA0] =	vst v6;
	v5 =	vld [tilespmem:s6+$0xFFFFFF60]  }
0x52f: {  	v2 =	vld.idx.msk [tilespmem:v2+s21+$0x0], $0xffff  }
0x530: {  	v6 =	vld [tilespmem:s6+$0xFFFFFF00]  }
0x531: {  	v7 =	vld [tilespmem:s6+$0xFFFFFF10]  }
0x532: {  	v8 =	vld [tilespmem:s6+$0xFFFFFF40]  }
0x533: {  	v9 =	vld [tilespmem:s6+$0xFFFFFF30];
	_ =	sdelay $0x1  }
0x534: {  	v5 =	vmul.f32 v5, v2;
	v6 =	vmul.f32 v6, v2  }
0x535: {  	s15 =	sadd.s32 $0xFFFFFFFC, s11;
	v1 =	vmul.f32 v1, v2;
	v7 =	vmul.f32 v7, v2  }
0x536: {  	v4 =	vmul.f32 v4, v2;
	[tilespmem:s6+$0xFFFFFF00] =	vst v6;
	v6 =	vmul.f32 v8, v2;
	v8 =	vmov s15  }
0x537: {  	v9 =	vmul.f32 v9, v2;
	[tilespmem:s6+$0xFFFFFF60] =	vst v5;
	v2 =	vmul.f32 v3, v2;
	v3 =	vand.u32 $0xFFFFFFFB, v8  }
0x538: {  	[tilespmem:s6+$0xFFFFFF10] =	vst v7;
	v3 =	vbroadcast v3, $0x0  }
0x539: {  	[tilespmem:s6+$0xFFFFFF50] =	vst v4  }
0x53a: {  	[tilespmem:s6+$0xFFFFFF70] =	vst v2;
	v2 =	vld [tilespmem:s6+$0xFFFFFFF0]  }
0x53b: {  	[tilespmem:s6+$0xFFFFFF20] =	vst v1;
	v1 =	vld [tilespmem:s6+$0xFFFFFFD0]  }
0x53c: {  	[tilespmem:s6+$0xFFFFFF30] =	vst v9;
	v4 =	vld [tilespmem:s6+$0xFFFFFF90]  }
0x53d: {  	[tilespmem:s6+$0xFFFFFF40] =	vst v6;
	v5 =	vld [tilespmem:s6+$0xFFFFFFE0]  }
0x53e: {  	v3 =	vld.idx.msk [tilespmem:v3+s21+$0x0], $0xffff  }
0x53f: {  	v6 =	vld [tilespmem:s6+$0xFFFFFFB0]  }
0x540: {  	v7 =	vld [tilespmem:s6+$0xFFFFFF80]  }
0x541: {  	v8 =	vld [tilespmem:s6+$0xFFFFFFC0]  }
0x542: {  	v9 =	vld [tilespmem:s6+$0xFFFFFFA0];
	_ =	sdelay $0x1  }
0x543: {  	v5 =	vmul.f32 v5, v3;
	v6 =	vmul.f32 v6, v3  }
0x544: {  	s15 =	sadd.s32 $0xFFFFFFFD, s11;
	v4 =	vmul.f32 v4, v3;
	v7 =	vmul.f32 v7, v3  }
0x545: {  	v1 =	vmul.f32 v1, v3;
	[tilespmem:s6+$0xFFFFFFB0] =	vst v6;
	v6 =	vmul.f32 v8, v3;
	v8 =	vmov s15  }
0x546: {  	v2 =	vmul.f32 v2, v3;
	v9 =	vmul.f32 v9, v3;
	[tilespmem:s6+$0xFFFFFFE0] =	vst v5;
	v3 =	vand.u32 $0xFFFFFFFC, v8  }
0x547: {  	[tilespmem:s6+$0xFFFFFF80] =	vst v7;
	v5 =	vbroadcast v3, $0x0  }
0x548: {  	[tilespmem:s6+$0xFFFFFFD0] =	vst v1  }
0x549: {  	[tilespmem:s6+$0xFFFFFFF0] =	vst v2;
	v8 =	vld [tilespmem:s6+$0x0]  }
0x54a: {  	[tilespmem:s6+$0xFFFFFFA0] =	vst v9;
	v1 =	vld [tilespmem:s6+$0x70]  }
0x54b: {  	[tilespmem:s6+$0xFFFFFF90] =	vst v4;
	v3 =	vld [tilespmem:s6+$0x50]  }
0x54c: {  	[tilespmem:s6+$0xFFFFFFC0] =	vst v6;
	v7 =	vld [tilespmem:s6+$0x20]  }
0x54d: {  	v2 =	vld.idx.msk [tilespmem:v5+s21+$0x0], $0xffff  }
0x54e: {  	v10 =	vld [tilespmem:s6+$0x40]  }
.Ltmp16:
0x54f: {  	v6 =	vld [tilespmem:s6+$0x30];
	(pc) =	sbr.rel @p2 .LBB2_20-.Ltmp16, $3  }
0x550: {  	v4 =	vld [tilespmem:s6+$0x10]  }
0x551: {  	v5 =	vld [tilespmem:s6+$0x60];
	_ =	sdelay $0x1  }
0x552: {  	v9 =	vmul.f32 v8, v2;
	v8 =	vmul.f32 v10, v2  }
.Ltmp17:
0x553: {  	_ = 	snop;
	(pc) =	sbr.rel .LBB2_21-.Ltmp17, $1  }
0x554: {  	_ =	sdelay $0x3  }
.LBB2_14:
0x555: {  	_ =	swait.ge [sflag:s22], $0x2800  }
0x556: {  	[sflag:s22] =	ssyncset.done $0x0  }
0x557: {  	s6 =	simm.s32 $0x8;
	[sflag:s22] =	ssyncadd.s32 $0xFFFFD800  }
0x558: {  	_ =	swait.ge [sflag:s6], $0x50  }
0x559: {  	[sflag:s6] =	ssyncset.done $0x0  }
0x55a: {  	s24 =	simm.s32 $0x7;
	[sflag:s6] =	ssyncadd.s32 $0xFFFFFFB0  }
0x55b: {  	_ =	swait.ge [sflag:s24], $0x50  }
0x55c: {  	[sflag:s24] =	ssyncset.done $0x0  }
0x55d: {  	[sflag:s24] =	ssyncadd.s32 $0xFFFFFFB0  }
0x55e: {  	[bflag:$0x0] =	sbarrier.arrive $0xFFFF  }
0x55f: {  	s25 =	rddreg [dreg:$0xc]  }
0x560: {  	s9 =	rddreg [dreg:$0x11];
	s6 =	sshrl.u32 s25, $0x3  }
0x561: {  	[hbm:s9], [sflag:s13] =	dma.local [spmem:s6], $0x50  }
0x562: {  	_ =	swait.ge [sflag:s26], $0x50  }
0x563: {  	[sflag:s26] =	ssyncset.done $0x0;
	s6 =	rddreg [dreg:$0x13]  }
0x564: {  	s9 =	rddreg [dreg:$0x18];
	[sflag:s26] =	ssyncadd.s32 $0xFFFFFFB0  }
0x565: {  	[hbm:s6], [sflag:s13] =	dma.local @p0 [spmem:s9], $0x1900  }
0x566: {  	s6 =	simm.s32 @p0 $0x9  }
0x567: {  	_ =	swait.ge @p0 [sflag:s6], $0x1900  }
0x568: {  	[sflag:s6] =	ssyncset.done @p0 $0x0;
	s9 =	rddreg [dreg:$0x17]  }
0x569: {  	[sflag:s6] =	ssyncadd.s32 @p0 $0xFFFFE700;
	s6 =	rddreg [dreg:$0x12]  }
0x56a: {  	[hbm:s6], [sflag:s13] =	dma.local @!p0 [spmem:s9], $0x2800  }
.Ltmp18:
0x56b: {  	_ = 	snop;
	(pc) =	sbr.rel .LBB2_24-.Ltmp18, $4  }
0x56c: {  	s6 =	simm.s32 @!p0 $0x9  }
0x56d: {  	_ =	swait.ge @!p0 [sflag:s6], $0x2800  }
0x56e: {  	[sflag:s6] =	ssyncset.done @!p0 $0x0  }
0x56f: {  	[sflag:s6] =	ssyncadd.s32 @!p0 $0xFFFFD800  }
.LBB2_25:
0x570: {  	_ =	sfence.sel $0x180000  }
0x571: {  	[bflag:$0x0] =	sbarrier.arrive $0xFFFF  }
0x572: {  	_ =	strace $0x90000047  }
0x573: {  	s0 =	stileid.u32;
	[bflag:$0x2] =	sbarrier.arrive $0xFFFF  }
0x574: {  	p0 =	sne.s32 s0, $0x0;
	s0 =	rddreg [dreg:$0x6]  }
0x575: {  	s0 =	sadd.s32 @!p0 $0x100000, s0  }
0x576: {  	[sflag:s0] =	ssyncadd.tile.s32 @!p0 $0x1;
	_ =	shalt  }
.Lfunc_end2:
_tile_overlayer_lowered:
.L_overlay_start_2:
0x577: {  	(tag) =	ssettag $0x2  }
0x578: {  	s0 =	rddreg [dreg:$0x0];
	s2 =	stileid.u32  }
0x579: {  	s1 =	rddreg [dreg:$0x1];
	p0 =	sne.s32 s2, $0x0  }
0x57a: {  	s3 =	rddreg [dreg:$0x2];
	[bflag:$0x3] =	sbarrier.arrive $0xFFFF;
	s2 =	simm.s32 @!p0 $0x1C09  }
0x57b: {  	[timem:s3], [sflag:s2] =	dma.local @!p0 [hbm:s0], s1  }
0x57c: {  	s0 =	simm.s32 @!p0 $0x9  }
0x57d: {  	_ =	swait.ge @!p0 [sflag:s0], s1  }
0x57e: {  	s1 =	ssub.s32 @!p0 $0x0, s1;
	[sflag:s0] =	ssyncset.done @!p0 $0x0  }
0x57f: {  	[sflag:s0] =	ssyncadd.s32 @!p0 s1  }
0x580: {  	[bflag:$0x3] =	sbarrier.arrive $0xFFFF  }
0x581: {  	_ =	shalt  }

</sc_bundles>
